<compile_context>
chip_gen: v7x
topology: tpu7x:2x2x1
jax: 0.10.2.dev20260603
libtpu: 0.0.44.dev20260713+nightly
codegen_flags: <defaults>
</compile_context>

<pallas_src>
import functools

import jax
import jax.numpy as jnp
from jax import lax
from jax.experimental import pallas as pl
from jax.experimental.pallas import tpu as pltpu
from jax.experimental.pallas import tpu_sc as plsc

N = 10000
NP = 10112
E = 320000
D = 128

NC = 2
NS = 16
NW = NC * NS
K = 64
CH = 160
EPAD = NW * CH * K
FB = 8
RPS = NP // NS
ZR = 8

_f32 = jnp.float32


def _sc_mesh():
    return plsc.VectorSubcoreMesh(core_axis_name="c", subcore_axis_name="s")


def _edges_interleaved(src, dst):
    pad = EPAD - E
    ar = jnp.arange(pad, dtype=jnp.int32)
    src_f = jnp.concatenate([src, (ar * 131) % N])
    dst_f = jnp.concatenate([dst, N + (ar % (NP - N))])
    return jnp.stack(
        [src_f.reshape(NW, CH, K), dst_f.reshape(NW, CH, K)], axis=2
    )


def _deg_partials(er):

    @functools.partial(
        pl.kernel,
        out_type=jax.ShapeDtypeStruct((NC, NP, D), _f32),
        mesh=_sc_mesh(),
        scratch_types=[
            pltpu.VMEM((CH, 2, K), jnp.int32),
            pltpu.VMEM((K, D), _f32),
            pltpu.VMEM((ZR, D), _f32),
            pltpu.VMEM_SHARED((NP, D), _f32),
            pltpu.SemaphoreType.DMA,
            pltpu.SemaphoreType.DMA,
            pltpu.SemaphoreType.DMA,
        ],
    )
    def k(er_hbm, out_hbm, idx_all, ones_v, zero_v, acc_sh, sem, zsem, lsem):
        c = lax.axis_index("c")
        s = lax.axis_index("s")
        wid = c * NS + s
        pltpu.async_copy(er_hbm.at[wid], idx_all, lsem)
        zvec = jnp.zeros((16,), _f32)
        ovec = jnp.full((16,), 1.0, _f32)

        @pl.loop(0, ZR)
        def _(r):
            @pl.loop(0, D // 16)
            def _(j):
                zero_v[r, pl.ds(j * 16, 16)] = zvec

        @pl.loop(0, RPS // ZR)
        def _(t):
            pltpu.async_copy(
                zero_v, acc_sh.at[pl.ds(s * RPS + t * ZR, ZR)], zsem
            )

        @pl.loop(0, K)
        def _(r):
            @pl.loop(0, D // 16)
            def _(j):
                ones_v[r, pl.ds(j * 16, 16)] = ovec

        @pl.loop(0, RPS // ZR)
        def _(t):
            pltpu.make_async_copy(
                zero_v, acc_sh.at[pl.ds(s * RPS + t * ZR, ZR)], zsem
            ).wait()

        pltpu.make_async_copy(er_hbm.at[wid], idx_all, lsem).wait()
        plsc.subcore_barrier()

        @pl.loop(0, CH)
        def _(i):
            pltpu.async_copy(
                ones_v, acc_sh.at[idx_all.at[i, 1]], sem, add=True
            )

            @pl.when(i >= FB)
            def _():
                pltpu.make_async_copy(
                    ones_v, acc_sh.at[idx_all.at[i - FB, 1]], sem
                ).wait()

        @pl.loop(CH - FB, CH)
        def _(i):
            pltpu.make_async_copy(
                ones_v, acc_sh.at[idx_all.at[i, 1]], sem
            ).wait()

        plsc.subcore_barrier()
        pltpu.sync_copy(
            acc_sh.at[pl.ds(s * RPS, RPS)], out_hbm.at[c, pl.ds(s * RPS, RPS)]
        )

    return k(er)


def _msg_partials(g, er):

    @functools.partial(
        pl.kernel,
        out_type=jax.ShapeDtypeStruct((NC, NP, D), _f32),
        mesh=_sc_mesh(),
        scratch_types=[
            pltpu.VMEM((8, 2, K), jnp.int32),
            pltpu.VMEM((4, K, D), _f32),
            pltpu.VMEM((ZR, D), _f32),
            pltpu.VMEM_SHARED((NP, D), _f32),
        ] + [pltpu.SemaphoreType.DMA] * 17,
    )
    def k(g_hbm, er_hbm, out_hbm, idx, rows, zero_v, acc_sh, *sems):
        gsem = sems[:4]
        ssem = sems[4:8]
        isem = sems[8:16]
        zsem = sems[16]
        c = lax.axis_index("c")
        s = lax.axis_index("s")
        wid = c * NS + s
        zvec = jnp.zeros((16,), _f32)

        @pl.loop(0, ZR)
        def _(r):
            @pl.loop(0, D // 16)
            def _(j):
                zero_v[r, pl.ds(j * 16, 16)] = zvec

        @pl.loop(0, RPS // ZR)
        def _(t):
            pltpu.async_copy(
                zero_v, acc_sh.at[pl.ds(s * RPS + t * ZR, ZR)], zsem
            )

        for j in range(7):
            pltpu.async_copy(er_hbm.at[wid, j], idx.at[j], isem[j])
        for j in range(3):
            pltpu.make_async_copy(er_hbm.at[wid, j], idx.at[j], isem[j]).wait()
            pltpu.async_copy(g_hbm.at[idx.at[j, 0]], rows.at[j], gsem[j])

        @pl.loop(0, RPS // ZR)
        def _(t):
            pltpu.make_async_copy(
                zero_v, acc_sh.at[pl.ds(s * RPS + t * ZR, ZR)], zsem
            ).wait()

        plsc.subcore_barrier()

        @pl.loop(0, CH, step=8)
        def _(i0):
            for u in range(8):
                i = i0 + u
                r = u % 4
                nr = (u + 3) % 4
                @pl.when(i >= 1)
                def _():
                    pltpu.make_async_copy(
                        rows.at[nr], acc_sh.at[idx.at[(u + 7) % 8, 1]],
                        ssem[nr],
                    ).wait()

                @pl.when(i + 7 < CH)
                def _():
                    pltpu.async_copy(
                        er_hbm.at[wid, i + 7], idx.at[(u + 7) % 8],
                        isem[(u + 7) % 8],
                    )

                @pl.when(i + 3 < CH)
                def _():
                    pltpu.make_async_copy(
                        er_hbm.at[wid, i + 3], idx.at[(u + 3) % 8],
                        isem[(u + 3) % 8],
                    ).wait()
                    pltpu.async_copy(
                        g_hbm.at[idx.at[(u + 3) % 8, 0]], rows.at[nr],
                        gsem[nr],
                    )

                pltpu.make_async_copy(
                    g_hbm.at[idx.at[u, 0]], rows.at[r], gsem[r]
                ).wait()

                pltpu.async_copy(
                    rows.at[r], acc_sh.at[idx.at[u, 1]], ssem[r], add=True
                )

        pltpu.make_async_copy(
            rows.at[(CH - 1) % 4], acc_sh.at[idx.at[(CH - 1) % 8, 1]],
            ssem[(CH - 1) % 4],
        ).wait()

        plsc.subcore_barrier()
        pltpu.sync_copy(
            acc_sh.at[pl.ds(s * RPS, RPS)], out_hbm.at[c, pl.ds(s * RPS, RPS)]
        )

    return k(g, er)


def _dinv_col(degp_a, degp_b):
    return jax.lax.rsqrt(degp_a + degp_b + 1.0)[:, 0:1]


def _mm(x, W):
    def body(x_ref, w_ref, o_ref):
        o_ref[...] = jnp.dot(x_ref[...], w_ref[...], preferred_element_type=_f32)

    return pl.pallas_call(
        body, out_shape=jax.ShapeDtypeStruct((N, D), _f32)
    )(x, W)


def _scale(h, degp):
    def body(h_ref, degp_ref, o_ref):
        dinv = _dinv_col(degp_ref[0, :N], degp_ref[1, :N])
        o_ref[...] = h_ref[...] * dinv

    return pl.pallas_call(
        body, out_shape=jax.ShapeDtypeStruct((N, D), _f32)
    )(h, degp)


def _mid(p, g1, degp, b1, W2):

    def body(p_ref, g1_ref, degp_ref, b_ref, w_ref, o_ref):
        dinv = _dinv_col(degp_ref[0, :N], degp_ref[1, :N])
        x2 = jnp.maximum(
            dinv * (p_ref[0, :N] + p_ref[1, :N] + g1_ref[...]) + b_ref[...], 0.0
        )
        o_ref[...] = jnp.dot(x2, w_ref[...], preferred_element_type=_f32) * dinv

    return pl.pallas_call(
        body, out_shape=jax.ShapeDtypeStruct((N, D), _f32)
    )(p, g1, degp, b1.reshape(1, D), W2)


def _final(p, g2, degp, b2):
    def body(p_ref, g2_ref, degp_ref, b_ref, o_ref):
        dinv = _dinv_col(degp_ref[0, :N], degp_ref[1, :N])
        o_ref[...] = jnp.maximum(
            dinv * (p_ref[0, :N] + p_ref[1, :N] + g2_ref[...]) + b_ref[...], 0.0
        )

    return pl.pallas_call(
        body, out_shape=jax.ShapeDtypeStruct((N, D), _f32)
    )(p, g2, degp, b2.reshape(1, D))


def kernel(x, edge_index, W1, b1, W2, b2):
    er = _edges_interleaved(edge_index[0], edge_index[1])

    degp = _deg_partials(er)
    h1 = _mm(x, W1)
    g1 = _scale(h1, degp)
    p1 = _msg_partials(g1, er)
    g2 = _mid(p1, g1, degp, b1, W2)
    p2 = _msg_partials(g2, er)
    out = _final(p2, g2, degp, b2)
    return out

# --- scband reference (transcript-rebuilt; emitter-appended) ---
"""Pipeline reference for scband-encoder-34540126994448 (READ-ONLY COPY).

The authoritative reference and input builder live on the scoring server;
editing this copy changes nothing except your own understanding.
"""

import jax, jax.numpy as jnp
import numpy as np

N = 10000
E = 320000
D = 128


def setup_inputs(seed: int = 0) -> dict:
    key = jax.random.key(seed)
    k1, k2, k3, k4, k5, k6 = jax.random.split(key, 6)
    x = jax.random.normal(k1, (N, D), dtype=jnp.float32)
    edge_index = jax.random.randint(k2, (2, E), 0, N, dtype=jnp.int32)
    # GCNConv layer parameters (glorot-ish init)
    W1 = jax.random.normal(k3, (D, D), dtype=jnp.float32) * (1.0 / np.sqrt(D))
    b1 = jnp.zeros((D,), dtype=jnp.float32)
    W2 = jax.random.normal(k4, (D, D), dtype=jnp.float32) * (1.0 / np.sqrt(D))
    b2 = jnp.zeros((D,), dtype=jnp.float32)
    return {"x": x, "edge_index": edge_index, "W1": W1, "b1": b1, "W2": W2, "b2": b2}


def _gcn_conv(x, edge_index, W, b):
    n = x.shape[0]
    # add self-loops (GCNConv default add_self_loops=True)
    loop = jnp.arange(n, dtype=edge_index.dtype)
    src = jnp.concatenate([edge_index[0], loop])
    dst = jnp.concatenate([edge_index[1], loop])
    # linear transform
    h = x @ W
    # symmetric normalization D^{-1/2} A_hat D^{-1/2}
    deg = jnp.zeros((n,), dtype=x.dtype).at[dst].add(1.0)
    deg_inv_sqrt = jnp.where(deg > 0, jax.lax.rsqrt(jnp.maximum(deg, 1e-12)), 0.0)
    norm = deg_inv_sqrt[src] * deg_inv_sqrt[dst]
    # gather messages from source nodes, scale, scatter-add to dst
    msgs = h[src] * norm[:, None]
    out = jnp.zeros_like(h).at[dst].add(msgs)
    return out + b


def reference(x, edge_index, W1, b1, W2, b2):
    h = jax.nn.relu(_gcn_conv(x, edge_index, W1, b1))
    out = jax.nn.relu(_gcn_conv(h, edge_index, W2, b2))
    return out

if __name__ == "__main__":
    import jax
    _d = setup_inputs()
    print(jax.jit(kernel)(*tuple(_d.values())))

</pallas_src>

<mosaic_0001>
#map = affine_map<(d0, d1) -> (0, 0, 0, 0)>
#map1 = affine_map<(d0, d1) -> (0, 0, 0)>
module attributes {stable_mosaic.version = 14 : i64} {
  func.func @k(%arg0: i32, %arg1: i32, %arg2: memref<32x160x2x64xi32, #tpu.memory_space<hbm>>, %arg3: memref<2x10112x128xf32, #tpu.memory_space<hbm>>, %arg4: memref<160x2x64xi32, #tpu.memory_space<vmem>>, %arg5: memref<64x128xf32, #tpu.memory_space<vmem>>, %arg6: memref<8x128xf32, #tpu.memory_space<vmem>>, %arg7: memref<10112x128xf32, #tpu.memory_space<vmem_shared>>, %arg8: memref<!tpu.dma_semaphore, #tpu.memory_space<semaphore_mem>>, %arg9: memref<!tpu.dma_semaphore, #tpu.memory_space<semaphore_mem>>, %arg10: memref<!tpu.dma_semaphore, #tpu.memory_space<semaphore_mem>>) attributes {dimension_semantics = [#tpu.dimension_semantics<core_parallel>, #tpu.dimension_semantics<subcore_parallel>], iteration_bounds = array<i64: 2, 16>, scalar_prefetch = 0 : i64, scratch_operands = 7 : i64, tpu.core_type = #tpu.core_type<sc_vector_subcore>, window_params = [{transform_indices = #map}, {transform_indices = #map1}]} {
    %mul3A = arith.constant 16 : i32
    %mul3A_0 = arith.muli %arg0, %mul3A : i32
    %add3A = arith.addi %mul3A_0, %arg1 : i32
    %dma_start3A = arith.constant 0 : i32
    %dma_start3A_1 = arith.constant 0 : i32
    %dma_start3A_2 = arith.constant 0 : i32
    %dma_start3A_3 = tpu.memref_slice %arg2[%add3A, %dma_start3A, %dma_start3A_1, %dma_start3A_2] : memref<32x160x2x64xi32, #tpu.memory_space<hbm>> -> memref<1x160x2x64xi32, #tpu.memory_space<hbm>>
    %dma_start3A_4 = tpu.memref_squeeze %dma_start3A_3 : memref<1x160x2x64xi32, #tpu.memory_space<hbm>> -> memref<160x2x64xi32, #tpu.memory_space<hbm>>
    %dma_start3A_5 = arith.constant 0 : i32
    %dma_start3A_6 = arith.constant 0 : i32
    %dma_start3A_7 = arith.constant 0 : i32
    %dma_start3A_8 = tpu.memref_slice %arg2[%add3A, %dma_start3A_5, %dma_start3A_6, %dma_start3A_7] : memref<32x160x2x64xi32, #tpu.memory_space<hbm>> -> memref<1x160x2x64xi32, #tpu.memory_space<hbm>>
    %dma_start3A_9 = tpu.memref_squeeze %dma_start3A_8 : memref<1x160x2x64xi32, #tpu.memory_space<hbm>> -> memref<160x2x64xi32, #tpu.memory_space<hbm>>
    tpu.enqueue_dma source(%dma_start3A_9 : memref<160x2x64xi32, #tpu.memory_space<hbm>>) target(%arg4 : memref<160x2x64xi32, #tpu.memory_space<vmem>>) target_semaphore(%arg10 : memref<!tpu.dma_semaphore, #tpu.memory_space<semaphore_mem>>)
    %broadcast_in_dim3A = arith.constant 0.000000e+00 : f32
    %broadcast_in_dim3A_10 = vector.broadcast %broadcast_in_dim3A : f32 to vector<16xf32>
    %broadcast_in_dim3A_11 = arith.constant 1.000000e+00 : f32
    %broadcast_in_dim3A_12 = vector.broadcast %broadcast_in_dim3A_11 : f32 to vector<16xf32>
    %scan3A = arith.constant 0 : i32
    %scan3A_13 = arith.constant 8 : i32
    %scan3A_14 = arith.addi %scan3A, %scan3A_13 : i32
    %scan3A_15 = arith.constant 1 : i32
    scf.for %scan3A_56 = %scan3A to %scan3A_14 step %scan3A_15  : i32 {
      %mul3A_57 = arith.constant 1 : i32
      %mul3A_58 = arith.muli %scan3A_56, %mul3A_57 : i32
      %add3A_59 = arith.constant 0 : i32
      %add3A_60 = arith.addi %add3A_59, %mul3A_58 : i32
      %scan3A_61 = arith.constant 0 : i32
      %scan3A_62 = arith.constant 8 : i32
      %scan3A_63 = arith.addi %scan3A_61, %scan3A_62 : i32
      %scan3A_64 = arith.constant 1 : i32
      scf.for %scan3A_66 = %scan3A_61 to %scan3A_63 step %scan3A_64  : i32 {
        %mul3A_67 = arith.constant 1 : i32
        %mul3A_68 = arith.muli %scan3A_66, %mul3A_67 : i32
        %add3A_69 = arith.constant 0 : i32
        %add3A_70 = arith.addi %add3A_69, %mul3A_68 : i32
        %mul3A_71 = arith.constant 16 : i32
        %mul3A_72 = arith.muli %add3A_70, %mul3A_71 : i32
        %swap3A = arith.index_cast %add3A_60 : i32 to index
        %swap3A_73 = arith.index_cast %mul3A_72 : i32 to index
        %swap3A_74 = tpu.vector_load %arg6[%swap3A, %swap3A_73] {strides = array<i32>} : memref<8x128xf32, #tpu.memory_space<vmem>>, vector<1x16xf32>,
        %swap3A_75 = vector.shape_cast %swap3A_74 : vector<1x16xf32> to vector<16xf32>
        %swap3A_76 = vector.shape_cast %broadcast_in_dim3A_10 : vector<16xf32> to vector<1x16xf32>
        tpu.vector_store %arg6[%swap3A, %swap3A_73], %swap3A_76 {strides = array<i32>} : memref<8x128xf32, #tpu.memory_space<vmem>>, vector<1x16xf32>,
      }
      %scan3A_65 = arith.constant 8 : i32
    }
    %scan3A_16 = arith.constant 8 : i32
    %scan3A_17 = arith.constant 0 : i32
    %scan3A_18 = arith.constant 79 : i32
    %scan3A_19 = arith.addi %scan3A_17, %scan3A_18 : i32
    %scan3A_20 = arith.constant 1 : i32
    scf.for %scan3A_56 = %scan3A_17 to %scan3A_19 step %scan3A_20  : i32 {
      %mul3A_57 = arith.constant 1 : i32
      %mul3A_58 = arith.muli %scan3A_56, %mul3A_57 : i32
      %add3A_59 = arith.constant 0 : i32
      %add3A_60 = arith.addi %add3A_59, %mul3A_58 : i32
      %mul3A_61 = arith.constant 632 : i32
      %mul3A_62 = arith.muli %arg1, %mul3A_61 : i32
      %mul3A_63 = arith.constant 8 : i32
      %mul3A_64 = arith.muli %add3A_60, %mul3A_63 : i32
      %add3A_65 = arith.addi %mul3A_62, %mul3A_64 : i32
      %dma_start3A_66 = arith.constant 0 : i32
      %dma_start3A_67 = tpu.memref_slice %arg7[%add3A_65, %dma_start3A_66] : memref<10112x128xf32, #tpu.memory_space<vmem_shared>> -> memref<8x128xf32, #tpu.memory_space<vmem_shared>>
      %dma_start3A_68 = arith.constant 0 : i32
      %dma_start3A_69 = tpu.memref_slice %arg7[%add3A_65, %dma_start3A_68] : memref<10112x128xf32, #tpu.memory_space<vmem_shared>> -> memref<8x128xf32, #tpu.memory_space<vmem_shared>>
      tpu.enqueue_dma source(%arg6 : memref<8x128xf32, #tpu.memory_space<vmem>>) target(%dma_start3A_69 : memref<8x128xf32, #tpu.memory_space<vmem_shared>>) target_semaphore(%arg9 : memref<!tpu.dma_semaphore, #tpu.memory_space<semaphore_mem>>)
    }
    %scan3A_21 = arith.constant 79 : i32
    %scan3A_22 = arith.constant 0 : i32
    %scan3A_23 = arith.constant 64 : i32
    %scan3A_24 = arith.addi %scan3A_22, %scan3A_23 : i32
    %scan3A_25 = arith.constant 1 : i32
    scf.for %scan3A_56 = %scan3A_22 to %scan3A_24 step %scan3A_25  : i32 {
      %mul3A_57 = arith.constant 1 : i32
      %mul3A_58 = arith.muli %scan3A_56, %mul3A_57 : i32
      %add3A_59 = arith.constant 0 : i32
      %add3A_60 = arith.addi %add3A_59, %mul3A_58 : i32
      %scan3A_61 = arith.constant 0 : i32
      %scan3A_62 = arith.constant 8 : i32
      %scan3A_63 = arith.addi %scan3A_61, %scan3A_62 : i32
      %scan3A_64 = arith.constant 1 : i32
      scf.for %scan3A_66 = %scan3A_61 to %scan3A_63 step %scan3A_64  : i32 {
        %mul3A_67 = arith.constant 1 : i32
        %mul3A_68 = arith.muli %scan3A_66, %mul3A_67 : i32
        %add3A_69 = arith.constant 0 : i32
        %add3A_70 = arith.addi %add3A_69, %mul3A_68 : i32
        %mul3A_71 = arith.constant 16 : i32
        %mul3A_72 = arith.muli %add3A_70, %mul3A_71 : i32
        %swap3A = arith.index_cast %add3A_60 : i32 to index
        %swap3A_73 = arith.index_cast %mul3A_72 : i32 to index
        %swap3A_74 = tpu.vector_load %arg5[%swap3A, %swap3A_73] {strides = array<i32>} : memref<64x128xf32, #tpu.memory_space<vmem>>, vector<1x16xf32>,
        %swap3A_75 = vector.shape_cast %swap3A_74 : vector<1x16xf32> to vector<16xf32>
        %swap3A_76 = vector.shape_cast %broadcast_in_dim3A_12 : vector<16xf32> to vector<1x16xf32>
        tpu.vector_store %arg5[%swap3A, %swap3A_73], %swap3A_76 {strides = array<i32>} : memref<64x128xf32, #tpu.memory_space<vmem>>, vector<1x16xf32>,
      }
      %scan3A_65 = arith.constant 8 : i32
    }
    %scan3A_26 = arith.constant 64 : i32
    %scan3A_27 = arith.constant 0 : i32
    %scan3A_28 = arith.constant 79 : i32
    %scan3A_29 = arith.addi %scan3A_27, %scan3A_28 : i32
    %scan3A_30 = arith.constant 1 : i32
    scf.for %scan3A_56 = %scan3A_27 to %scan3A_29 step %scan3A_30  : i32 {
      %mul3A_57 = arith.constant 1 : i32
      %mul3A_58 = arith.muli %scan3A_56, %mul3A_57 : i32
      %add3A_59 = arith.constant 0 : i32
      %add3A_60 = arith.addi %add3A_59, %mul3A_58 : i32
      %mul3A_61 = arith.constant 632 : i32
      %mul3A_62 = arith.muli %arg1, %mul3A_61 : i32
      %mul3A_63 = arith.constant 8 : i32
      %mul3A_64 = arith.muli %add3A_60, %mul3A_63 : i32
      %add3A_65 = arith.addi %mul3A_62, %mul3A_64 : i32
      %dma_wait3A_66 = arith.constant 0 : i32
      %dma_wait3A_67 = tpu.memref_slice %arg7[%add3A_65, %dma_wait3A_66] : memref<10112x128xf32, #tpu.memory_space<vmem_shared>> -> memref<8x128xf32, #tpu.memory_space<vmem_shared>>
      %dma_wait3A_68 = arith.constant 0 : i32
      %dma_wait3A_69 = tpu.memref_slice %arg7[%add3A_65, %dma_wait3A_68] : memref<10112x128xf32, #tpu.memory_space<vmem_shared>> -> memref<8x128xf32, #tpu.memory_space<vmem_shared>>
      tpu.wait_dma2 semaphore(%arg9 : memref<!tpu.dma_semaphore, #tpu.memory_space<semaphore_mem>>) src(%arg6 : memref<8x128xf32, #tpu.memory_space<vmem>>) dst(%dma_wait3A_69 : memref<8x128xf32, #tpu.memory_space<vmem_shared>>)
    }
    %scan3A_31 = arith.constant 79 : i32
    %dma_wait3A = arith.constant 0 : i32
    %dma_wait3A_32 = arith.constant 0 : i32
    %dma_wait3A_33 = arith.constant 0 : i32
    %dma_wait3A_34 = tpu.memref_slice %arg2[%add3A, %dma_wait3A, %dma_wait3A_32, %dma_wait3A_33] : memref<32x160x2x64xi32, #tpu.memory_space<hbm>> -> memref<1x160x2x64xi32, #tpu.memory_space<hbm>>
    %dma_wait3A_35 = tpu.memref_squeeze %dma_wait3A_34 : memref<1x160x2x64xi32, #tpu.memory_space<hbm>> -> memref<160x2x64xi32, #tpu.memory_space<hbm>>
    %dma_wait3A_36 = arith.constant 0 : i32
    %dma_wait3A_37 = arith.constant 0 : i32
    %dma_wait3A_38 = arith.constant 0 : i32
    %dma_wait3A_39 = tpu.memref_slice %arg2[%add3A, %dma_wait3A_36, %dma_wait3A_37, %dma_wait3A_38] : memref<32x160x2x64xi32, #tpu.memory_space<hbm>> -> memref<1x160x2x64xi32, #tpu.memory_space<hbm>>
    %dma_wait3A_40 = tpu.memref_squeeze %dma_wait3A_39 : memref<1x160x2x64xi32, #tpu.memory_space<hbm>> -> memref<160x2x64xi32, #tpu.memory_space<hbm>>
    tpu.wait_dma2 semaphore(%arg10 : memref<!tpu.dma_semaphore, #tpu.memory_space<semaphore_mem>>) src(%dma_wait3A_40 : memref<160x2x64xi32, #tpu.memory_space<hbm>>) dst(%arg4 : memref<160x2x64xi32, #tpu.memory_space<vmem>>)
    %barrier3A = arith.constant 0 : index
    tpu.barrier barrier_id(%barrier3A)
    %scan3A_41 = arith.constant 0 : i32
    %scan3A_42 = arith.constant 160 : i32
    %scan3A_43 = arith.addi %scan3A_41, %scan3A_42 : i32
    %scan3A_44 = arith.constant 1 : i32
    scf.for %scan3A_56 = %scan3A_41 to %scan3A_43 step %scan3A_44  : i32 {
      %mul3A_57 = arith.constant 1 : i32
      %mul3A_58 = arith.muli %scan3A_56, %mul3A_57 : i32
      %add3A_59 = arith.constant 0 : i32
      %add3A_60 = arith.addi %add3A_59, %mul3A_58 : i32
      %dma_start3A_61 = arith.constant 1 : i32
      %dma_start3A_62 = arith.constant 0 : i32
      %dma_start3A_63 = tpu.memref_slice %arg4[%add3A_60, %dma_start3A_61, %dma_start3A_62] : memref<160x2x64xi32, #tpu.memory_space<vmem>> -> memref<1x1x64xi32, #tpu.memory_space<vmem>>
      %dma_start3A_64 = tpu.memref_squeeze %dma_start3A_63 : memref<1x1x64xi32, #tpu.memory_space<vmem>> -> memref<64xi32, #tpu.memory_space<vmem>>
      %dma_start3A_65 = arith.constant 0 : i32
      %dma_start3A_66 = arith.constant 0 : i32
      %dma_start3A_67 = tpu.memref_slice %arg7[%dma_start3A_65, %dma_start3A_66] : memref<10112x128xf32, #tpu.memory_space<vmem_shared>> -> memref<10112x128xf32, #tpu.memory_space<vmem_shared>>
      tpu.enqueue_indirect_dma source(%arg5 : memref<64x128xf32, #tpu.memory_space<vmem>>) target(%dma_start3A_67 : memref<10112x128xf32, #tpu.memory_space<vmem_shared>>) offsets(%dma_start3A_64 : memref<64xi32, #tpu.memory_space<vmem>>) semaphore(%arg8 : memref<!tpu.dma_semaphore, #tpu.memory_space<semaphore_mem>>) {add = true}
      %ge3A = arith.constant 8 : i32
      %ge3A_68 = arith.cmpi sge, %add3A_60, %ge3A : i32
      %convert_element_type3A = arith.extui %ge3A_68 : i1 to i32
      %cond3A = arith.constant 0 : i32
      %cond3A_69 = arith.cmpi ne, %convert_element_type3A, %cond3A : i32
      scf.if %cond3A_69 {
        %sub3A = arith.constant 8 : i32
        %sub3A_70 = arith.subi %add3A_60, %sub3A : i32
        %dma_wait3A_71 = arith.constant 1 : i32
        %dma_wait3A_72 = arith.constant 0 : i32
        %dma_wait3A_73 = tpu.memref_slice %arg4[%sub3A_70, %dma_wait3A_71, %dma_wait3A_72] : memref<160x2x64xi32, #tpu.memory_space<vmem>> -> memref<1x1x64xi32, #tpu.memory_space<vmem>>
        %dma_wait3A_74 = tpu.memref_squeeze %dma_wait3A_73 : memref<1x1x64xi32, #tpu.memory_space<vmem>> -> memref<64xi32, #tpu.memory_space<vmem>>
        %dma_wait3A_75 = arith.constant 0 : i32
        %dma_wait3A_76 = arith.constant 0 : i32
        %dma_wait3A_77 = tpu.memref_slice %arg7[%dma_wait3A_75, %dma_wait3A_76] : memref<10112x128xf32, #tpu.memory_space<vmem_shared>> -> memref<10112x128xf32, #tpu.memory_space<vmem_shared>>
        tpu.wait_indirect_dma semaphore(%arg8 : memref<!tpu.dma_semaphore, #tpu.memory_space<semaphore_mem>>) src(%arg5 : memref<64x128xf32, #tpu.memory_space<vmem>>) dst(%dma_wait3A_77 : memref<10112x128xf32, #tpu.memory_space<vmem_shared>>)
      } else {
      }
    }
    %scan3A_45 = arith.constant 160 : i32
    %scan3A_46 = arith.constant 0 : i32
    %scan3A_47 = arith.constant 8 : i32
    %scan3A_48 = arith.addi %scan3A_46, %scan3A_47 : i32
    %scan3A_49 = arith.constant 1 : i32
    scf.for %scan3A_56 = %scan3A_46 to %scan3A_48 step %scan3A_49  : i32 {
      %mul3A_57 = arith.constant 1 : i32
      %mul3A_58 = arith.muli %scan3A_56, %mul3A_57 : i32
      %add3A_59 = arith.constant 152 : i32
      %add3A_60 = arith.addi %add3A_59, %mul3A_58 : i32
      %dma_wait3A_61 = arith.constant 1 : i32
      %dma_wait3A_62 = arith.constant 0 : i32
      %dma_wait3A_63 = tpu.memref_slice %arg4[%add3A_60, %dma_wait3A_61, %dma_wait3A_62] : memref<160x2x64xi32, #tpu.memory_space<vmem>> -> memref<1x1x64xi32, #tpu.memory_space<vmem>>
      %dma_wait3A_64 = tpu.memref_squeeze %dma_wait3A_63 : memref<1x1x64xi32, #tpu.memory_space<vmem>> -> memref<64xi32, #tpu.memory_space<vmem>>
      %dma_wait3A_65 = arith.constant 0 : i32
      %dma_wait3A_66 = arith.constant 0 : i32
      %dma_wait3A_67 = tpu.memref_slice %arg7[%dma_wait3A_65, %dma_wait3A_66] : memref<10112x128xf32, #tpu.memory_space<vmem_shared>> -> memref<10112x128xf32, #tpu.memory_space<vmem_shared>>
      tpu.wait_indirect_dma semaphore(%arg8 : memref<!tpu.dma_semaphore, #tpu.memory_space<semaphore_mem>>) src(%arg5 : memref<64x128xf32, #tpu.memory_space<vmem>>) dst(%dma_wait3A_67 : memref<10112x128xf32, #tpu.memory_space<vmem_shared>>)
    }
    %scan3A_50 = arith.constant 8 : i32
    %barrier3A_51 = arith.constant 0 : index
    tpu.barrier barrier_id(%barrier3A_51)
    %mul3A_52 = arith.constant 632 : i32
    %mul3A_53 = arith.muli %arg1, %mul3A_52 : i32
    %mul3A_54 = arith.constant 632 : i32
    %mul3A_55 = arith.muli %arg1, %mul3A_54 : i32
    "tpu.region"() ({
      %run_scoped3A = tpu.sem_alloc : memref<!tpu.dma_semaphore, #tpu.memory_space<semaphore_mem>>
      %dma_start3A_56 = arith.constant 0 : i32
      %dma_start3A_57 = tpu.memref_slice %arg3[%arg0, %mul3A_55, %dma_start3A_56] : memref<2x10112x128xf32, #tpu.memory_space<hbm>> -> memref<1x632x128xf32, #tpu.memory_space<hbm>>
      %dma_start3A_58 = tpu.memref_squeeze %dma_start3A_57 : memref<1x632x128xf32, #tpu.memory_space<hbm>> -> memref<632x128xf32, #tpu.memory_space<hbm>>
      %dma_start3A_59 = arith.constant 0 : i32
      %dma_start3A_60 = tpu.memref_slice %arg7[%mul3A_53, %dma_start3A_59] : memref<10112x128xf32, #tpu.memory_space<vmem_shared>> -> memref<632x128xf32, #tpu.memory_space<vmem_shared>>
      tpu.enqueue_dma source(%dma_start3A_60 : memref<632x128xf32, #tpu.memory_space<vmem_shared>>) target(%dma_start3A_58 : memref<632x128xf32, #tpu.memory_space<hbm>>) target_semaphore(%run_scoped3A : memref<!tpu.dma_semaphore, #tpu.memory_space<semaphore_mem>>)
      %dma_wait3A_61 = arith.constant 0 : i32
      %dma_wait3A_62 = tpu.memref_slice %arg3[%arg0, %mul3A_55, %dma_wait3A_61] : memref<2x10112x128xf32, #tpu.memory_space<hbm>> -> memref<1x632x128xf32, #tpu.memory_space<hbm>>
      %dma_wait3A_63 = tpu.memref_squeeze %dma_wait3A_62 : memref<1x632x128xf32, #tpu.memory_space<hbm>> -> memref<632x128xf32, #tpu.memory_space<hbm>>
      %dma_wait3A_64 = arith.constant 0 : i32
      %dma_wait3A_65 = tpu.memref_slice %arg7[%mul3A_53, %dma_wait3A_64] : memref<10112x128xf32, #tpu.memory_space<vmem_shared>> -> memref<632x128xf32, #tpu.memory_space<vmem_shared>>
      tpu.wait_dma2 semaphore(%run_scoped3A : memref<!tpu.dma_semaphore, #tpu.memory_space<semaphore_mem>>) src(%dma_wait3A_65 : memref<632x128xf32, #tpu.memory_space<vmem_shared>>) dst(%dma_wait3A_63 : memref<632x128xf32, #tpu.memory_space<hbm>>)
      tpu.yield
    }) : () -> ()
    return
  }
}

#map = affine_map<(d0, d1) -> (0, 0)>
#map1 = affine_map<(d0, d1) -> (0, 0, 0, 0)>
#map2 = affine_map<(d0, d1) -> (0, 0, 0)>
module attributes {stable_mosaic.version = 14 : i64} {
  func.func @k(%arg0: i32, %arg1: i32, %arg2: memref<10000x128xf32, #tpu.memory_space<hbm>>, %arg3: memref<32x160x2x64xi32, #tpu.memory_space<hbm>>, %arg4: memref<2x10112x128xf32, #tpu.memory_space<hbm>>, %arg5: memref<8x2x64xi32, #tpu.memory_space<vmem>>, %arg6: memref<4x64x128xf32, #tpu.memory_space<vmem>>, %arg7: memref<8x128xf32, #tpu.memory_space<vmem>>, %arg8: memref<10112x128xf32, #tpu.memory_space<vmem_shared>>, %arg9: memref<!tpu.dma_semaphore, #tpu.memory_space<semaphore_mem>>, %arg10: memref<!tpu.dma_semaphore, #tpu.memory_space<semaphore_mem>>, %arg11: memref<!tpu.dma_semaphore, #tpu.memory_space<semaphore_mem>>, %arg12: memref<!tpu.dma_semaphore, #tpu.memory_space<semaphore_mem>>, %arg13: memref<!tpu.dma_semaphore, #tpu.memory_space<semaphore_mem>>, %arg14: memref<!tpu.dma_semaphore, #tpu.memory_space<semaphore_mem>>, %arg15: memref<!tpu.dma_semaphore, #tpu.memory_space<semaphore_mem>>, %arg16: memref<!tpu.dma_semaphore, #tpu.memory_space<semaphore_mem>>, %arg17: memref<!tpu.dma_semaphore, #tpu.memory_space<semaphore_mem>>, %arg18: memref<!tpu.dma_semaphore, #tpu.memory_space<semaphore_mem>>, %arg19: memref<!tpu.dma_semaphore, #tpu.memory_space<semaphore_mem>>, %arg20: memref<!tpu.dma_semaphore, #tpu.memory_space<semaphore_mem>>, %arg21: memref<!tpu.dma_semaphore, #tpu.memory_space<semaphore_mem>>, %arg22: memref<!tpu.dma_semaphore, #tpu.memory_space<semaphore_mem>>, %arg23: memref<!tpu.dma_semaphore, #tpu.memory_space<semaphore_mem>>, %arg24: memref<!tpu.dma_semaphore, #tpu.memory_space<semaphore_mem>>, %arg25: memref<!tpu.dma_semaphore, #tpu.memory_space<semaphore_mem>>) attributes {dimension_semantics = [#tpu.dimension_semantics<core_parallel>, #tpu.dimension_semantics<subcore_parallel>], iteration_bounds = array<i64: 2, 16>, scalar_prefetch = 0 : i64, scratch_operands = 21 : i64, tpu.core_type = #tpu.core_type<sc_vector_subcore>, window_params = [{transform_indices = #map}, {transform_indices = #map1}, {transform_indices = #map2}]} {
    %mul3A = arith.constant 16 : i32
    %mul3A_0 = arith.muli %arg0, %mul3A : i32
    %add3A = arith.addi %mul3A_0, %arg1 : i32
    %broadcast_in_dim3A = arith.constant 0.000000e+00 : f32
    %broadcast_in_dim3A_1 = vector.broadcast %broadcast_in_dim3A : f32 to vector<16xf32>
    %scan3A = arith.constant 0 : i32
    %scan3A_2 = arith.constant 8 : i32
    %scan3A_3 = arith.addi %scan3A, %scan3A_2 : i32
    %scan3A_4 = arith.constant 1 : i32
    scf.for %scan3A_256 = %scan3A to %scan3A_3 step %scan3A_4  : i32 {
      %mul3A_257 = arith.constant 1 : i32
      %mul3A_258 = arith.muli %scan3A_256, %mul3A_257 : i32
      %add3A_259 = arith.constant 0 : i32
      %add3A_260 = arith.addi %add3A_259, %mul3A_258 : i32
      %scan3A_261 = arith.constant 0 : i32
      %scan3A_262 = arith.constant 8 : i32
      %scan3A_263 = arith.addi %scan3A_261, %scan3A_262 : i32
      %scan3A_264 = arith.constant 1 : i32
      scf.for %scan3A_266 = %scan3A_261 to %scan3A_263 step %scan3A_264  : i32 {
        %mul3A_267 = arith.constant 1 : i32
        %mul3A_268 = arith.muli %scan3A_266, %mul3A_267 : i32
        %add3A_269 = arith.constant 0 : i32
        %add3A_270 = arith.addi %add3A_269, %mul3A_268 : i32
        %mul3A_271 = arith.constant 16 : i32
        %mul3A_272 = arith.muli %add3A_270, %mul3A_271 : i32
        %swap3A = arith.index_cast %add3A_260 : i32 to index
        %swap3A_273 = arith.index_cast %mul3A_272 : i32 to index
        %swap3A_274 = tpu.vector_load %arg7[%swap3A, %swap3A_273] {strides = array<i32>} : memref<8x128xf32, #tpu.memory_space<vmem>>, vector<1x16xf32>,
        %swap3A_275 = vector.shape_cast %swap3A_274 : vector<1x16xf32> to vector<16xf32>
        %swap3A_276 = vector.shape_cast %broadcast_in_dim3A_1 : vector<16xf32> to vector<1x16xf32>
        tpu.vector_store %arg7[%swap3A, %swap3A_273], %swap3A_276 {strides = array<i32>} : memref<8x128xf32, #tpu.memory_space<vmem>>, vector<1x16xf32>,
      }
      %scan3A_265 = arith.constant 8 : i32
    }
    %scan3A_5 = arith.constant 8 : i32
    %scan3A_6 = arith.constant 0 : i32
    %scan3A_7 = arith.constant 79 : i32
    %scan3A_8 = arith.addi %scan3A_6, %scan3A_7 : i32
    %scan3A_9 = arith.constant 1 : i32
    scf.for %scan3A_256 = %scan3A_6 to %scan3A_8 step %scan3A_9  : i32 {
      %mul3A_257 = arith.constant 1 : i32
      %mul3A_258 = arith.muli %scan3A_256, %mul3A_257 : i32
      %add3A_259 = arith.constant 0 : i32
      %add3A_260 = arith.addi %add3A_259, %mul3A_258 : i32
      %mul3A_261 = arith.constant 632 : i32
      %mul3A_262 = arith.muli %arg1, %mul3A_261 : i32
      %mul3A_263 = arith.constant 8 : i32
      %mul3A_264 = arith.muli %add3A_260, %mul3A_263 : i32
      %add3A_265 = arith.addi %mul3A_262, %mul3A_264 : i32
      %dma_start3A_266 = arith.constant 0 : i32
      %dma_start3A_267 = tpu.memref_slice %arg8[%add3A_265, %dma_start3A_266] : memref<10112x128xf32, #tpu.memory_space<vmem_shared>> -> memref<8x128xf32, #tpu.memory_space<vmem_shared>>
      %dma_start3A_268 = arith.constant 0 : i32
      %dma_start3A_269 = tpu.memref_slice %arg8[%add3A_265, %dma_start3A_268] : memref<10112x128xf32, #tpu.memory_space<vmem_shared>> -> memref<8x128xf32, #tpu.memory_space<vmem_shared>>
      tpu.enqueue_dma source(%arg7 : memref<8x128xf32, #tpu.memory_space<vmem>>) target(%dma_start3A_269 : memref<8x128xf32, #tpu.memory_space<vmem_shared>>) target_semaphore(%arg25 : memref<!tpu.dma_semaphore, #tpu.memory_space<semaphore_mem>>)
    }
    %scan3A_10 = arith.constant 79 : i32
    %dma_start3A = arith.constant 0 : i32
    %dma_start3A_11 = arith.constant 0 : i32
    %dma_start3A_12 = arith.constant 0 : i32
    %dma_start3A_13 = arith.constant 0 : i32
    %dma_start3A_14 = tpu.memref_slice %arg5[%dma_start3A_11, %dma_start3A_12, %dma_start3A_13] : memref<8x2x64xi32, #tpu.memory_space<vmem>> -> memref<1x2x64xi32, #tpu.memory_space<vmem>>
    %dma_start3A_15 = tpu.memref_squeeze %dma_start3A_14 : memref<1x2x64xi32, #tpu.memory_space<vmem>> -> memref<2x64xi32, #tpu.memory_space<vmem>>
    %dma_start3A_16 = arith.constant 0 : i32
    %dma_start3A_17 = arith.constant 0 : i32
    %dma_start3A_18 = tpu.memref_slice %arg3[%add3A, %dma_start3A, %dma_start3A_16, %dma_start3A_17] : memref<32x160x2x64xi32, #tpu.memory_space<hbm>> -> memref<1x1x2x64xi32, #tpu.memory_space<hbm>>
    %dma_start3A_19 = tpu.memref_squeeze %dma_start3A_18 : memref<1x1x2x64xi32, #tpu.memory_space<hbm>> -> memref<2x64xi32, #tpu.memory_space<hbm>>
    %dma_start3A_20 = arith.constant 0 : i32
    %dma_start3A_21 = arith.constant 0 : i32
    %dma_start3A_22 = tpu.memref_slice %arg5[%dma_start3A_11, %dma_start3A_20, %dma_start3A_21] : memref<8x2x64xi32, #tpu.memory_space<vmem>> -> memref<1x2x64xi32, #tpu.memory_space<vmem>>
    %dma_start3A_23 = tpu.memref_squeeze %dma_start3A_22 : memref<1x2x64xi32, #tpu.memory_space<vmem>> -> memref<2x64xi32, #tpu.memory_space<vmem>>
    %dma_start3A_24 = arith.constant 0 : i32
    %dma_start3A_25 = arith.constant 0 : i32
    %dma_start3A_26 = tpu.memref_slice %arg3[%add3A, %dma_start3A, %dma_start3A_24, %dma_start3A_25] : memref<32x160x2x64xi32, #tpu.memory_space<hbm>> -> memref<1x1x2x64xi32, #tpu.memory_space<hbm>>
    %dma_start3A_27 = tpu.memref_squeeze %dma_start3A_26 : memref<1x1x2x64xi32, #tpu.memory_space<hbm>> -> memref<2x64xi32, #tpu.memory_space<hbm>>
    tpu.enqueue_dma source(%dma_start3A_27 : memref<2x64xi32, #tpu.memory_space<hbm>>) target(%dma_start3A_23 : memref<2x64xi32, #tpu.memory_space<vmem>>) target_semaphore(%arg17 : memref<!tpu.dma_semaphore, #tpu.memory_space<semaphore_mem>>)
    %dma_start3A_28 = arith.constant 1 : i32
    %dma_start3A_29 = arith.constant 1 : i32
    %dma_start3A_30 = arith.constant 0 : i32
    %dma_start3A_31 = arith.constant 0 : i32
    %dma_start3A_32 = tpu.memref_slice %arg5[%dma_start3A_29, %dma_start3A_30, %dma_start3A_31] : memref<8x2x64xi32, #tpu.memory_space<vmem>> -> memref<1x2x64xi32, #tpu.memory_space<vmem>>
    %dma_start3A_33 = tpu.memref_squeeze %dma_start3A_32 : memref<1x2x64xi32, #tpu.memory_space<vmem>> -> memref<2x64xi32, #tpu.memory_space<vmem>>
    %dma_start3A_34 = arith.constant 0 : i32
    %dma_start3A_35 = arith.constant 0 : i32
    %dma_start3A_36 = tpu.memref_slice %arg3[%add3A, %dma_start3A_28, %dma_start3A_34, %dma_start3A_35] : memref<32x160x2x64xi32, #tpu.memory_space<hbm>> -> memref<1x1x2x64xi32, #tpu.memory_space<hbm>>
    %dma_start3A_37 = tpu.memref_squeeze %dma_start3A_36 : memref<1x1x2x64xi32, #tpu.memory_space<hbm>> -> memref<2x64xi32, #tpu.memory_space<hbm>>
    %dma_start3A_38 = arith.constant 0 : i32
    %dma_start3A_39 = arith.constant 0 : i32
    %dma_start3A_40 = tpu.memref_slice %arg5[%dma_start3A_29, %dma_start3A_38, %dma_start3A_39] : memref<8x2x64xi32, #tpu.memory_space<vmem>> -> memref<1x2x64xi32, #tpu.memory_space<vmem>>
    %dma_start3A_41 = tpu.memref_squeeze %dma_start3A_40 : memref<1x2x64xi32, #tpu.memory_space<vmem>> -> memref<2x64xi32, #tpu.memory_space<vmem>>
    %dma_start3A_42 = arith.constant 0 : i32
    %dma_start3A_43 = arith.constant 0 : i32
    %dma_start3A_44 = tpu.memref_slice %arg3[%add3A, %dma_start3A_28, %dma_start3A_42, %dma_start3A_43] : memref<32x160x2x64xi32, #tpu.memory_space<hbm>> -> memref<1x1x2x64xi32, #tpu.memory_space<hbm>>
    %dma_start3A_45 = tpu.memref_squeeze %dma_start3A_44 : memref<1x1x2x64xi32, #tpu.memory_space<hbm>> -> memref<2x64xi32, #tpu.memory_space<hbm>>
    tpu.enqueue_dma source(%dma_start3A_45 : memref<2x64xi32, #tpu.memory_space<hbm>>) target(%dma_start3A_41 : memref<2x64xi32, #tpu.memory_space<vmem>>) target_semaphore(%arg18 : memref<!tpu.dma_semaphore, #tpu.memory_space<semaphore_mem>>)
    %dma_start3A_46 = arith.constant 2 : i32
    %dma_start3A_47 = arith.constant 2 : i32
    %dma_start3A_48 = arith.constant 0 : i32
    %dma_start3A_49 = arith.constant 0 : i32
    %dma_start3A_50 = tpu.memref_slice %arg5[%dma_start3A_47, %dma_start3A_48, %dma_start3A_49] : memref<8x2x64xi32, #tpu.memory_space<vmem>> -> memref<1x2x64xi32, #tpu.memory_space<vmem>>
    %dma_start3A_51 = tpu.memref_squeeze %dma_start3A_50 : memref<1x2x64xi32, #tpu.memory_space<vmem>> -> memref<2x64xi32, #tpu.memory_space<vmem>>
    %dma_start3A_52 = arith.constant 0 : i32
    %dma_start3A_53 = arith.constant 0 : i32
    %dma_start3A_54 = tpu.memref_slice %arg3[%add3A, %dma_start3A_46, %dma_start3A_52, %dma_start3A_53] : memref<32x160x2x64xi32, #tpu.memory_space<hbm>> -> memref<1x1x2x64xi32, #tpu.memory_space<hbm>>
    %dma_start3A_55 = tpu.memref_squeeze %dma_start3A_54 : memref<1x1x2x64xi32, #tpu.memory_space<hbm>> -> memref<2x64xi32, #tpu.memory_space<hbm>>
    %dma_start3A_56 = arith.constant 0 : i32
    %dma_start3A_57 = arith.constant 0 : i32
    %dma_start3A_58 = tpu.memref_slice %arg5[%dma_start3A_47, %dma_start3A_56, %dma_start3A_57] : memref<8x2x64xi32, #tpu.memory_space<vmem>> -> memref<1x2x64xi32, #tpu.memory_space<vmem>>
    %dma_start3A_59 = tpu.memref_squeeze %dma_start3A_58 : memref<1x2x64xi32, #tpu.memory_space<vmem>> -> memref<2x64xi32, #tpu.memory_space<vmem>>
    %dma_start3A_60 = arith.constant 0 : i32
    %dma_start3A_61 = arith.constant 0 : i32
    %dma_start3A_62 = tpu.memref_slice %arg3[%add3A, %dma_start3A_46, %dma_start3A_60, %dma_start3A_61] : memref<32x160x2x64xi32, #tpu.memory_space<hbm>> -> memref<1x1x2x64xi32, #tpu.memory_space<hbm>>
    %dma_start3A_63 = tpu.memref_squeeze %dma_start3A_62 : memref<1x1x2x64xi32, #tpu.memory_space<hbm>> -> memref<2x64xi32, #tpu.memory_space<hbm>>
    tpu.enqueue_dma source(%dma_start3A_63 : memref<2x64xi32, #tpu.memory_space<hbm>>) target(%dma_start3A_59 : memref<2x64xi32, #tpu.memory_space<vmem>>) target_semaphore(%arg19 : memref<!tpu.dma_semaphore, #tpu.memory_space<semaphore_mem>>)
    %dma_start3A_64 = arith.constant 3 : i32
    %dma_start3A_65 = arith.constant 3 : i32
    %dma_start3A_66 = arith.constant 0 : i32
    %dma_start3A_67 = arith.constant 0 : i32
    %dma_start3A_68 = tpu.memref_slice %arg5[%dma_start3A_65, %dma_start3A_66, %dma_start3A_67] : memref<8x2x64xi32, #tpu.memory_space<vmem>> -> memref<1x2x64xi32, #tpu.memory_space<vmem>>
    %dma_start3A_69 = tpu.memref_squeeze %dma_start3A_68 : memref<1x2x64xi32, #tpu.memory_space<vmem>> -> memref<2x64xi32, #tpu.memory_space<vmem>>
    %dma_start3A_70 = arith.constant 0 : i32
    %dma_start3A_71 = arith.constant 0 : i32
    %dma_start3A_72 = tpu.memref_slice %arg3[%add3A, %dma_start3A_64, %dma_start3A_70, %dma_start3A_71] : memref<32x160x2x64xi32, #tpu.memory_space<hbm>> -> memref<1x1x2x64xi32, #tpu.memory_space<hbm>>
    %dma_start3A_73 = tpu.memref_squeeze %dma_start3A_72 : memref<1x1x2x64xi32, #tpu.memory_space<hbm>> -> memref<2x64xi32, #tpu.memory_space<hbm>>
    %dma_start3A_74 = arith.constant 0 : i32
    %dma_start3A_75 = arith.constant 0 : i32
    %dma_start3A_76 = tpu.memref_slice %arg5[%dma_start3A_65, %dma_start3A_74, %dma_start3A_75] : memref<8x2x64xi32, #tpu.memory_space<vmem>> -> memref<1x2x64xi32, #tpu.memory_space<vmem>>
    %dma_start3A_77 = tpu.memref_squeeze %dma_start3A_76 : memref<1x2x64xi32, #tpu.memory_space<vmem>> -> memref<2x64xi32, #tpu.memory_space<vmem>>
    %dma_start3A_78 = arith.constant 0 : i32
    %dma_start3A_79 = arith.constant 0 : i32
    %dma_start3A_80 = tpu.memref_slice %arg3[%add3A, %dma_start3A_64, %dma_start3A_78, %dma_start3A_79] : memref<32x160x2x64xi32, #tpu.memory_space<hbm>> -> memref<1x1x2x64xi32, #tpu.memory_space<hbm>>
    %dma_start3A_81 = tpu.memref_squeeze %dma_start3A_80 : memref<1x1x2x64xi32, #tpu.memory_space<hbm>> -> memref<2x64xi32, #tpu.memory_space<hbm>>
    tpu.enqueue_dma source(%dma_start3A_81 : memref<2x64xi32, #tpu.memory_space<hbm>>) target(%dma_start3A_77 : memref<2x64xi32, #tpu.memory_space<vmem>>) target_semaphore(%arg20 : memref<!tpu.dma_semaphore, #tpu.memory_space<semaphore_mem>>)
    %dma_start3A_82 = arith.constant 4 : i32
    %dma_start3A_83 = arith.constant 4 : i32
    %dma_start3A_84 = arith.constant 0 : i32
    %dma_start3A_85 = arith.constant 0 : i32
    %dma_start3A_86 = tpu.memref_slice %arg5[%dma_start3A_83, %dma_start3A_84, %dma_start3A_85] : memref<8x2x64xi32, #tpu.memory_space<vmem>> -> memref<1x2x64xi32, #tpu.memory_space<vmem>>
    %dma_start3A_87 = tpu.memref_squeeze %dma_start3A_86 : memref<1x2x64xi32, #tpu.memory_space<vmem>> -> memref<2x64xi32, #tpu.memory_space<vmem>>
    %dma_start3A_88 = arith.constant 0 : i32
    %dma_start3A_89 = arith.constant 0 : i32
    %dma_start3A_90 = tpu.memref_slice %arg3[%add3A, %dma_start3A_82, %dma_start3A_88, %dma_start3A_89] : memref<32x160x2x64xi32, #tpu.memory_space<hbm>> -> memref<1x1x2x64xi32, #tpu.memory_space<hbm>>
    %dma_start3A_91 = tpu.memref_squeeze %dma_start3A_90 : memref<1x1x2x64xi32, #tpu.memory_space<hbm>> -> memref<2x64xi32, #tpu.memory_space<hbm>>
    %dma_start3A_92 = arith.constant 0 : i32
    %dma_start3A_93 = arith.constant 0 : i32
    %dma_start3A_94 = tpu.memref_slice %arg5[%dma_start3A_83, %dma_start3A_92, %dma_start3A_93] : memref<8x2x64xi32, #tpu.memory_space<vmem>> -> memref<1x2x64xi32, #tpu.memory_space<vmem>>
    %dma_start3A_95 = tpu.memref_squeeze %dma_start3A_94 : memref<1x2x64xi32, #tpu.memory_space<vmem>> -> memref<2x64xi32, #tpu.memory_space<vmem>>
    %dma_start3A_96 = arith.constant 0 : i32
    %dma_start3A_97 = arith.constant 0 : i32
    %dma_start3A_98 = tpu.memref_slice %arg3[%add3A, %dma_start3A_82, %dma_start3A_96, %dma_start3A_97] : memref<32x160x2x64xi32, #tpu.memory_space<hbm>> -> memref<1x1x2x64xi32, #tpu.memory_space<hbm>>
    %dma_start3A_99 = tpu.memref_squeeze %dma_start3A_98 : memref<1x1x2x64xi32, #tpu.memory_space<hbm>> -> memref<2x64xi32, #tpu.memory_space<hbm>>
    tpu.enqueue_dma source(%dma_start3A_99 : memref<2x64xi32, #tpu.memory_space<hbm>>) target(%dma_start3A_95 : memref<2x64xi32, #tpu.memory_space<vmem>>) target_semaphore(%arg21 : memref<!tpu.dma_semaphore, #tpu.memory_space<semaphore_mem>>)
    %dma_start3A_100 = arith.constant 5 : i32
    %dma_start3A_101 = arith.constant 5 : i32
    %dma_start3A_102 = arith.constant 0 : i32
    %dma_start3A_103 = arith.constant 0 : i32
    %dma_start3A_104 = tpu.memref_slice %arg5[%dma_start3A_101, %dma_start3A_102, %dma_start3A_103] : memref<8x2x64xi32, #tpu.memory_space<vmem>> -> memref<1x2x64xi32, #tpu.memory_space<vmem>>
    %dma_start3A_105 = tpu.memref_squeeze %dma_start3A_104 : memref<1x2x64xi32, #tpu.memory_space<vmem>> -> memref<2x64xi32, #tpu.memory_space<vmem>>
    %dma_start3A_106 = arith.constant 0 : i32
    %dma_start3A_107 = arith.constant 0 : i32
    %dma_start3A_108 = tpu.memref_slice %arg3[%add3A, %dma_start3A_100, %dma_start3A_106, %dma_start3A_107] : memref<32x160x2x64xi32, #tpu.memory_space<hbm>> -> memref<1x1x2x64xi32, #tpu.memory_space<hbm>>
    %dma_start3A_109 = tpu.memref_squeeze %dma_start3A_108 : memref<1x1x2x64xi32, #tpu.memory_space<hbm>> -> memref<2x64xi32, #tpu.memory_space<hbm>>
    %dma_start3A_110 = arith.constant 0 : i32
    %dma_start3A_111 = arith.constant 0 : i32
    %dma_start3A_112 = tpu.memref_slice %arg5[%dma_start3A_101, %dma_start3A_110, %dma_start3A_111] : memref<8x2x64xi32, #tpu.memory_space<vmem>> -> memref<1x2x64xi32, #tpu.memory_space<vmem>>
    %dma_start3A_113 = tpu.memref_squeeze %dma_start3A_112 : memref<1x2x64xi32, #tpu.memory_space<vmem>> -> memref<2x64xi32, #tpu.memory_space<vmem>>
    %dma_start3A_114 = arith.constant 0 : i32
    %dma_start3A_115 = arith.constant 0 : i32
    %dma_start3A_116 = tpu.memref_slice %arg3[%add3A, %dma_start3A_100, %dma_start3A_114, %dma_start3A_115] : memref<32x160x2x64xi32, #tpu.memory_space<hbm>> -> memref<1x1x2x64xi32, #tpu.memory_space<hbm>>
    %dma_start3A_117 = tpu.memref_squeeze %dma_start3A_116 : memref<1x1x2x64xi32, #tpu.memory_space<hbm>> -> memref<2x64xi32, #tpu.memory_space<hbm>>
    tpu.enqueue_dma source(%dma_start3A_117 : memref<2x64xi32, #tpu.memory_space<hbm>>) target(%dma_start3A_113 : memref<2x64xi32, #tpu.memory_space<vmem>>) target_semaphore(%arg22 : memref<!tpu.dma_semaphore, #tpu.memory_space<semaphore_mem>>)
    %dma_start3A_118 = arith.constant 6 : i32
    %dma_start3A_119 = arith.constant 6 : i32
    %dma_start3A_120 = arith.constant 0 : i32
    %dma_start3A_121 = arith.constant 0 : i32
    %dma_start3A_122 = tpu.memref_slice %arg5[%dma_start3A_119, %dma_start3A_120, %dma_start3A_121] : memref<8x2x64xi32, #tpu.memory_space<vmem>> -> memref<1x2x64xi32, #tpu.memory_space<vmem>>
    %dma_start3A_123 = tpu.memref_squeeze %dma_start3A_122 : memref<1x2x64xi32, #tpu.memory_space<vmem>> -> memref<2x64xi32, #tpu.memory_space<vmem>>
    %dma_start3A_124 = arith.constant 0 : i32
    %dma_start3A_125 = arith.constant 0 : i32
    %dma_start3A_126 = tpu.memref_slice %arg3[%add3A, %dma_start3A_118, %dma_start3A_124, %dma_start3A_125] : memref<32x160x2x64xi32, #tpu.memory_space<hbm>> -> memref<1x1x2x64xi32, #tpu.memory_space<hbm>>
    %dma_start3A_127 = tpu.memref_squeeze %dma_start3A_126 : memref<1x1x2x64xi32, #tpu.memory_space<hbm>> -> memref<2x64xi32, #tpu.memory_space<hbm>>
    %dma_start3A_128 = arith.constant 0 : i32
    %dma_start3A_129 = arith.constant 0 : i32
    %dma_start3A_130 = tpu.memref_slice %arg5[%dma_start3A_119, %dma_start3A_128, %dma_start3A_129] : memref<8x2x64xi32, #tpu.memory_space<vmem>> -> memref<1x2x64xi32, #tpu.memory_space<vmem>>
    %dma_start3A_131 = tpu.memref_squeeze %dma_start3A_130 : memref<1x2x64xi32, #tpu.memory_space<vmem>> -> memref<2x64xi32, #tpu.memory_space<vmem>>
    %dma_start3A_132 = arith.constant 0 : i32
    %dma_start3A_133 = arith.constant 0 : i32
    %dma_start3A_134 = tpu.memref_slice %arg3[%add3A, %dma_start3A_118, %dma_start3A_132, %dma_start3A_133] : memref<32x160x2x64xi32, #tpu.memory_space<hbm>> -> memref<1x1x2x64xi32, #tpu.memory_space<hbm>>
    %dma_start3A_135 = tpu.memref_squeeze %dma_start3A_134 : memref<1x1x2x64xi32, #tpu.memory_space<hbm>> -> memref<2x64xi32, #tpu.memory_space<hbm>>
    tpu.enqueue_dma source(%dma_start3A_135 : memref<2x64xi32, #tpu.memory_space<hbm>>) target(%dma_start3A_131 : memref<2x64xi32, #tpu.memory_space<vmem>>) target_semaphore(%arg23 : memref<!tpu.dma_semaphore, #tpu.memory_space<semaphore_mem>>)
    %dma_wait3A = arith.constant 0 : i32
    %dma_wait3A_136 = arith.constant 0 : i32
    %dma_wait3A_137 = arith.constant 0 : i32
    %dma_wait3A_138 = arith.constant 0 : i32
    %dma_wait3A_139 = tpu.memref_slice %arg5[%dma_wait3A_136, %dma_wait3A_137, %dma_wait3A_138] : memref<8x2x64xi32, #tpu.memory_space<vmem>> -> memref<1x2x64xi32, #tpu.memory_space<vmem>>
    %dma_wait3A_140 = tpu.memref_squeeze %dma_wait3A_139 : memref<1x2x64xi32, #tpu.memory_space<vmem>> -> memref<2x64xi32, #tpu.memory_space<vmem>>
    %dma_wait3A_141 = arith.constant 0 : i32
    %dma_wait3A_142 = arith.constant 0 : i32
    %dma_wait3A_143 = tpu.memref_slice %arg3[%add3A, %dma_wait3A, %dma_wait3A_141, %dma_wait3A_142] : memref<32x160x2x64xi32, #tpu.memory_space<hbm>> -> memref<1x1x2x64xi32, #tpu.memory_space<hbm>>
    %dma_wait3A_144 = tpu.memref_squeeze %dma_wait3A_143 : memref<1x1x2x64xi32, #tpu.memory_space<hbm>> -> memref<2x64xi32, #tpu.memory_space<hbm>>
    %dma_wait3A_145 = arith.constant 0 : i32
    %dma_wait3A_146 = arith.constant 0 : i32
    %dma_wait3A_147 = tpu.memref_slice %arg5[%dma_wait3A_136, %dma_wait3A_145, %dma_wait3A_146] : memref<8x2x64xi32, #tpu.memory_space<vmem>> -> memref<1x2x64xi32, #tpu.memory_space<vmem>>
    %dma_wait3A_148 = tpu.memref_squeeze %dma_wait3A_147 : memref<1x2x64xi32, #tpu.memory_space<vmem>> -> memref<2x64xi32, #tpu.memory_space<vmem>>
    %dma_wait3A_149 = arith.constant 0 : i32
    %dma_wait3A_150 = arith.constant 0 : i32
    %dma_wait3A_151 = tpu.memref_slice %arg3[%add3A, %dma_wait3A, %dma_wait3A_149, %dma_wait3A_150] : memref<32x160x2x64xi32, #tpu.memory_space<hbm>> -> memref<1x1x2x64xi32, #tpu.memory_space<hbm>>
    %dma_wait3A_152 = tpu.memref_squeeze %dma_wait3A_151 : memref<1x1x2x64xi32, #tpu.memory_space<hbm>> -> memref<2x64xi32, #tpu.memory_space<hbm>>
    tpu.wait_dma2 semaphore(%arg17 : memref<!tpu.dma_semaphore, #tpu.memory_space<semaphore_mem>>) src(%dma_wait3A_152 : memref<2x64xi32, #tpu.memory_space<hbm>>) dst(%dma_wait3A_148 : memref<2x64xi32, #tpu.memory_space<vmem>>)
    %dma_start3A_153 = arith.constant 0 : i32
    %dma_start3A_154 = arith.constant 0 : i32
    %dma_start3A_155 = arith.constant 0 : i32
    %dma_start3A_156 = arith.constant 0 : i32
    %dma_start3A_157 = arith.constant 0 : i32
    %dma_start3A_158 = tpu.memref_slice %arg6[%dma_start3A_155, %dma_start3A_156, %dma_start3A_157] : memref<4x64x128xf32, #tpu.memory_space<vmem>> -> memref<1x64x128xf32, #tpu.memory_space<vmem>>
    %dma_start3A_159 = tpu.memref_squeeze %dma_start3A_158 : memref<1x64x128xf32, #tpu.memory_space<vmem>> -> memref<64x128xf32, #tpu.memory_space<vmem>>
    %dma_start3A_160 = arith.constant 0 : i32
    %dma_start3A_161 = tpu.memref_slice %arg5[%dma_start3A_153, %dma_start3A_154, %dma_start3A_160] : memref<8x2x64xi32, #tpu.memory_space<vmem>> -> memref<1x1x64xi32, #tpu.memory_space<vmem>>
    %dma_start3A_162 = tpu.memref_squeeze %dma_start3A_161 : memref<1x1x64xi32, #tpu.memory_space<vmem>> -> memref<64xi32, #tpu.memory_space<vmem>>
    %dma_start3A_163 = arith.constant 0 : i32
    %dma_start3A_164 = arith.constant 0 : i32
    %dma_start3A_165 = tpu.memref_slice %arg2[%dma_start3A_163, %dma_start3A_164] : memref<10000x128xf32, #tpu.memory_space<hbm>> -> memref<10000x128xf32, #tpu.memory_space<hbm>>
    tpu.enqueue_indirect_dma source(%dma_start3A_165 : memref<10000x128xf32, #tpu.memory_space<hbm>>) target(%dma_start3A_159 : memref<64x128xf32, #tpu.memory_space<vmem>>) offsets(%dma_start3A_162 : memref<64xi32, #tpu.memory_space<vmem>>) semaphore(%arg9 : memref<!tpu.dma_semaphore, #tpu.memory_space<semaphore_mem>>)
    %dma_wait3A_166 = arith.constant 1 : i32
    %dma_wait3A_167 = arith.constant 1 : i32
    %dma_wait3A_168 = arith.constant 0 : i32
    %dma_wait3A_169 = arith.constant 0 : i32
    %dma_wait3A_170 = tpu.memref_slice %arg5[%dma_wait3A_167, %dma_wait3A_168, %dma_wait3A_169] : memref<8x2x64xi32, #tpu.memory_space<vmem>> -> memref<1x2x64xi32, #tpu.memory_space<vmem>>
    %dma_wait3A_171 = tpu.memref_squeeze %dma_wait3A_170 : memref<1x2x64xi32, #tpu.memory_space<vmem>> -> memref<2x64xi32, #tpu.memory_space<vmem>>
    %dma_wait3A_172 = arith.constant 0 : i32
    %dma_wait3A_173 = arith.constant 0 : i32
    %dma_wait3A_174 = tpu.memref_slice %arg3[%add3A, %dma_wait3A_166, %dma_wait3A_172, %dma_wait3A_173] : memref<32x160x2x64xi32, #tpu.memory_space<hbm>> -> memref<1x1x2x64xi32, #tpu.memory_space<hbm>>
    %dma_wait3A_175 = tpu.memref_squeeze %dma_wait3A_174 : memref<1x1x2x64xi32, #tpu.memory_space<hbm>> -> memref<2x64xi32, #tpu.memory_space<hbm>>
    %dma_wait3A_176 = arith.constant 0 : i32
    %dma_wait3A_177 = arith.constant 0 : i32
    %dma_wait3A_178 = tpu.memref_slice %arg5[%dma_wait3A_167, %dma_wait3A_176, %dma_wait3A_177] : memref<8x2x64xi32, #tpu.memory_space<vmem>> -> memref<1x2x64xi32, #tpu.memory_space<vmem>>
    %dma_wait3A_179 = tpu.memref_squeeze %dma_wait3A_178 : memref<1x2x64xi32, #tpu.memory_space<vmem>> -> memref<2x64xi32, #tpu.memory_space<vmem>>
    %dma_wait3A_180 = arith.constant 0 : i32
    %dma_wait3A_181 = arith.constant 0 : i32
    %dma_wait3A_182 = tpu.memref_slice %arg3[%add3A, %dma_wait3A_166, %dma_wait3A_180, %dma_wait3A_181] : memref<32x160x2x64xi32, #tpu.memory_space<hbm>> -> memref<1x1x2x64xi32, #tpu.memory_space<hbm>>
    %dma_wait3A_183 = tpu.memref_squeeze %dma_wait3A_182 : memref<1x1x2x64xi32, #tpu.memory_space<hbm>> -> memref<2x64xi32, #tpu.memory_space<hbm>>
    tpu.wait_dma2 semaphore(%arg18 : memref<!tpu.dma_semaphore, #tpu.memory_space<semaphore_mem>>) src(%dma_wait3A_183 : memref<2x64xi32, #tpu.memory_space<hbm>>) dst(%dma_wait3A_179 : memref<2x64xi32, #tpu.memory_space<vmem>>)
    %dma_start3A_184 = arith.constant 1 : i32
    %dma_start3A_185 = arith.constant 0 : i32
    %dma_start3A_186 = arith.constant 1 : i32
    %dma_start3A_187 = arith.constant 0 : i32
    %dma_start3A_188 = arith.constant 0 : i32
    %dma_start3A_189 = tpu.memref_slice %arg6[%dma_start3A_186, %dma_start3A_187, %dma_start3A_188] : memref<4x64x128xf32, #tpu.memory_space<vmem>> -> memref<1x64x128xf32, #tpu.memory_space<vmem>>
    %dma_start3A_190 = tpu.memref_squeeze %dma_start3A_189 : memref<1x64x128xf32, #tpu.memory_space<vmem>> -> memref<64x128xf32, #tpu.memory_space<vmem>>
    %dma_start3A_191 = arith.constant 0 : i32
    %dma_start3A_192 = tpu.memref_slice %arg5[%dma_start3A_184, %dma_start3A_185, %dma_start3A_191] : memref<8x2x64xi32, #tpu.memory_space<vmem>> -> memref<1x1x64xi32, #tpu.memory_space<vmem>>
    %dma_start3A_193 = tpu.memref_squeeze %dma_start3A_192 : memref<1x1x64xi32, #tpu.memory_space<vmem>> -> memref<64xi32, #tpu.memory_space<vmem>>
    %dma_start3A_194 = arith.constant 0 : i32
    %dma_start3A_195 = arith.constant 0 : i32
    %dma_start3A_196 = tpu.memref_slice %arg2[%dma_start3A_194, %dma_start3A_195] : memref<10000x128xf32, #tpu.memory_space<hbm>> -> memref<10000x128xf32, #tpu.memory_space<hbm>>
    tpu.enqueue_indirect_dma source(%dma_start3A_196 : memref<10000x128xf32, #tpu.memory_space<hbm>>) target(%dma_start3A_190 : memref<64x128xf32, #tpu.memory_space<vmem>>) offsets(%dma_start3A_193 : memref<64xi32, #tpu.memory_space<vmem>>) semaphore(%arg10 : memref<!tpu.dma_semaphore, #tpu.memory_space<semaphore_mem>>)
    %dma_wait3A_197 = arith.constant 2 : i32
    %dma_wait3A_198 = arith.constant 2 : i32
    %dma_wait3A_199 = arith.constant 0 : i32
    %dma_wait3A_200 = arith.constant 0 : i32
    %dma_wait3A_201 = tpu.memref_slice %arg5[%dma_wait3A_198, %dma_wait3A_199, %dma_wait3A_200] : memref<8x2x64xi32, #tpu.memory_space<vmem>> -> memref<1x2x64xi32, #tpu.memory_space<vmem>>
    %dma_wait3A_202 = tpu.memref_squeeze %dma_wait3A_201 : memref<1x2x64xi32, #tpu.memory_space<vmem>> -> memref<2x64xi32, #tpu.memory_space<vmem>>
    %dma_wait3A_203 = arith.constant 0 : i32
    %dma_wait3A_204 = arith.constant 0 : i32
    %dma_wait3A_205 = tpu.memref_slice %arg3[%add3A, %dma_wait3A_197, %dma_wait3A_203, %dma_wait3A_204] : memref<32x160x2x64xi32, #tpu.memory_space<hbm>> -> memref<1x1x2x64xi32, #tpu.memory_space<hbm>>
    %dma_wait3A_206 = tpu.memref_squeeze %dma_wait3A_205 : memref<1x1x2x64xi32, #tpu.memory_space<hbm>> -> memref<2x64xi32, #tpu.memory_space<hbm>>
    %dma_wait3A_207 = arith.constant 0 : i32
    %dma_wait3A_208 = arith.constant 0 : i32
    %dma_wait3A_209 = tpu.memref_slice %arg5[%dma_wait3A_198, %dma_wait3A_207, %dma_wait3A_208] : memref<8x2x64xi32, #tpu.memory_space<vmem>> -> memref<1x2x64xi32, #tpu.memory_space<vmem>>
    %dma_wait3A_210 = tpu.memref_squeeze %dma_wait3A_209 : memref<1x2x64xi32, #tpu.memory_space<vmem>> -> memref<2x64xi32, #tpu.memory_space<vmem>>
    %dma_wait3A_211 = arith.constant 0 : i32
    %dma_wait3A_212 = arith.constant 0 : i32
    %dma_wait3A_213 = tpu.memref_slice %arg3[%add3A, %dma_wait3A_197, %dma_wait3A_211, %dma_wait3A_212] : memref<32x160x2x64xi32, #tpu.memory_space<hbm>> -> memref<1x1x2x64xi32, #tpu.memory_space<hbm>>
    %dma_wait3A_214 = tpu.memref_squeeze %dma_wait3A_213 : memref<1x1x2x64xi32, #tpu.memory_space<hbm>> -> memref<2x64xi32, #tpu.memory_space<hbm>>
    tpu.wait_dma2 semaphore(%arg19 : memref<!tpu.dma_semaphore, #tpu.memory_space<semaphore_mem>>) src(%dma_wait3A_214 : memref<2x64xi32, #tpu.memory_space<hbm>>) dst(%dma_wait3A_210 : memref<2x64xi32, #tpu.memory_space<vmem>>)
    %dma_start3A_215 = arith.constant 2 : i32
    %dma_start3A_216 = arith.constant 0 : i32
    %dma_start3A_217 = arith.constant 2 : i32
    %dma_start3A_218 = arith.constant 0 : i32
    %dma_start3A_219 = arith.constant 0 : i32
    %dma_start3A_220 = tpu.memref_slice %arg6[%dma_start3A_217, %dma_start3A_218, %dma_start3A_219] : memref<4x64x128xf32, #tpu.memory_space<vmem>> -> memref<1x64x128xf32, #tpu.memory_space<vmem>>
    %dma_start3A_221 = tpu.memref_squeeze %dma_start3A_220 : memref<1x64x128xf32, #tpu.memory_space<vmem>> -> memref<64x128xf32, #tpu.memory_space<vmem>>
    %dma_start3A_222 = arith.constant 0 : i32
    %dma_start3A_223 = tpu.memref_slice %arg5[%dma_start3A_215, %dma_start3A_216, %dma_start3A_222] : memref<8x2x64xi32, #tpu.memory_space<vmem>> -> memref<1x1x64xi32, #tpu.memory_space<vmem>>
    %dma_start3A_224 = tpu.memref_squeeze %dma_start3A_223 : memref<1x1x64xi32, #tpu.memory_space<vmem>> -> memref<64xi32, #tpu.memory_space<vmem>>
    %dma_start3A_225 = arith.constant 0 : i32
    %dma_start3A_226 = arith.constant 0 : i32
    %dma_start3A_227 = tpu.memref_slice %arg2[%dma_start3A_225, %dma_start3A_226] : memref<10000x128xf32, #tpu.memory_space<hbm>> -> memref<10000x128xf32, #tpu.memory_space<hbm>>
    tpu.enqueue_indirect_dma source(%dma_start3A_227 : memref<10000x128xf32, #tpu.memory_space<hbm>>) target(%dma_start3A_221 : memref<64x128xf32, #tpu.memory_space<vmem>>) offsets(%dma_start3A_224 : memref<64xi32, #tpu.memory_space<vmem>>) semaphore(%arg11 : memref<!tpu.dma_semaphore, #tpu.memory_space<semaphore_mem>>)
    %scan3A_228 = arith.constant 0 : i32
    %scan3A_229 = arith.constant 79 : i32
    %scan3A_230 = arith.addi %scan3A_228, %scan3A_229 : i32
    %scan3A_231 = arith.constant 1 : i32
    scf.for %scan3A_256 = %scan3A_228 to %scan3A_230 step %scan3A_231  : i32 {
      %mul3A_257 = arith.constant 1 : i32
      %mul3A_258 = arith.muli %scan3A_256, %mul3A_257 : i32
      %add3A_259 = arith.constant 0 : i32
      %add3A_260 = arith.addi %add3A_259, %mul3A_258 : i32
      %mul3A_261 = arith.constant 632 : i32
      %mul3A_262 = arith.muli %arg1, %mul3A_261 : i32
      %mul3A_263 = arith.constant 8 : i32
      %mul3A_264 = arith.muli %add3A_260, %mul3A_263 : i32
      %add3A_265 = arith.addi %mul3A_262, %mul3A_264 : i32
      %dma_wait3A_266 = arith.constant 0 : i32
      %dma_wait3A_267 = tpu.memref_slice %arg8[%add3A_265, %dma_wait3A_266] : memref<10112x128xf32, #tpu.memory_space<vmem_shared>> -> memref<8x128xf32, #tpu.memory_space<vmem_shared>>
      %dma_wait3A_268 = arith.constant 0 : i32
      %dma_wait3A_269 = tpu.memref_slice %arg8[%add3A_265, %dma_wait3A_268] : memref<10112x128xf32, #tpu.memory_space<vmem_shared>> -> memref<8x128xf32, #tpu.memory_space<vmem_shared>>
      tpu.wait_dma2 semaphore(%arg25 : memref<!tpu.dma_semaphore, #tpu.memory_space<semaphore_mem>>) src(%arg7 : memref<8x128xf32, #tpu.memory_space<vmem>>) dst(%dma_wait3A_269 : memref<8x128xf32, #tpu.memory_space<vmem_shared>>)
    }
    %scan3A_232 = arith.constant 79 : i32
    %barrier3A = arith.constant 0 : index
    tpu.barrier barrier_id(%barrier3A)
    %scan3A_233 = arith.constant 0 : i32
    %scan3A_234 = arith.constant 20 : i32
    %scan3A_235 = arith.addi %scan3A_233, %scan3A_234 : i32
    %scan3A_236 = arith.constant 1 : i32
    scf.for %scan3A_256 = %scan3A_233 to %scan3A_235 step %scan3A_236  : i32 {
      %mul3A_257 = arith.constant 8 : i32
      %mul3A_258 = arith.muli %scan3A_256, %mul3A_257 : i32
      %add3A_259 = arith.constant 0 : i32
      %add3A_260 = arith.addi %add3A_259, %mul3A_258 : i32
      %add3A_261 = arith.constant 0 : i32
      %add3A_262 = arith.addi %add3A_260, %add3A_261 : i32
      %ge3A = arith.constant 1 : i32
      %ge3A_263 = arith.cmpi sge, %add3A_262, %ge3A : i32
      %convert_element_type3A = arith.extui %ge3A_263 : i1 to i32
      %cond3A = arith.constant 0 : i32
      %cond3A_264 = arith.cmpi ne, %convert_element_type3A, %cond3A : i32
      scf.if %cond3A_264 {
        %dma_wait3A_633 = arith.constant 3 : i32
        %dma_wait3A_634 = arith.constant 7 : i32
        %dma_wait3A_635 = arith.constant 1 : i32
        %dma_wait3A_636 = arith.constant 0 : i32
        %dma_wait3A_637 = arith.constant 0 : i32
        %dma_wait3A_638 = tpu.memref_slice %arg6[%dma_wait3A_633, %dma_wait3A_636, %dma_wait3A_637] : memref<4x64x128xf32, #tpu.memory_space<vmem>> -> memref<1x64x128xf32, #tpu.memory_space<vmem>>
        %dma_wait3A_639 = tpu.memref_squeeze %dma_wait3A_638 : memref<1x64x128xf32, #tpu.memory_space<vmem>> -> memref<64x128xf32, #tpu.memory_space<vmem>>
        %dma_wait3A_640 = arith.constant 0 : i32
        %dma_wait3A_641 = tpu.memref_slice %arg5[%dma_wait3A_634, %dma_wait3A_635, %dma_wait3A_640] : memref<8x2x64xi32, #tpu.memory_space<vmem>> -> memref<1x1x64xi32, #tpu.memory_space<vmem>>
        %dma_wait3A_642 = tpu.memref_squeeze %dma_wait3A_641 : memref<1x1x64xi32, #tpu.memory_space<vmem>> -> memref<64xi32, #tpu.memory_space<vmem>>
        %dma_wait3A_643 = arith.constant 0 : i32
        %dma_wait3A_644 = arith.constant 0 : i32
        %dma_wait3A_645 = tpu.memref_slice %arg8[%dma_wait3A_643, %dma_wait3A_644] : memref<10112x128xf32, #tpu.memory_space<vmem_shared>> -> memref<10112x128xf32, #tpu.memory_space<vmem_shared>>
        tpu.wait_indirect_dma semaphore(%arg16 : memref<!tpu.dma_semaphore, #tpu.memory_space<semaphore_mem>>) src(%dma_wait3A_639 : memref<64x128xf32, #tpu.memory_space<vmem>>) dst(%dma_wait3A_645 : memref<10112x128xf32, #tpu.memory_space<vmem_shared>>)
      } else {
      }
      %add3A_265 = arith.constant 7 : i32
      %add3A_266 = arith.addi %add3A_262, %add3A_265 : i32
      %lt3A = arith.constant 160 : i32
      %lt3A_267 = arith.cmpi slt, %add3A_266, %lt3A : i32
      %convert_element_type3A_268 = arith.extui %lt3A_267 : i1 to i32
      %cond3A_269 = arith.constant 0 : i32
      %cond3A_270 = arith.cmpi ne, %convert_element_type3A_268, %cond3A_269 : i32
      scf.if %cond3A_270 {
        %add3A_633 = arith.constant 7 : i32
        %add3A_634 = arith.addi %add3A_262, %add3A_633 : i32
        %dma_start3A_635 = arith.constant 7 : i32
        %dma_start3A_636 = arith.constant 0 : i32
        %dma_start3A_637 = arith.constant 0 : i32
        %dma_start3A_638 = tpu.memref_slice %arg5[%dma_start3A_635, %dma_start3A_636, %dma_start3A_637] : memref<8x2x64xi32, #tpu.memory_space<vmem>> -> memref<1x2x64xi32, #tpu.memory_space<vmem>>
        %dma_start3A_639 = tpu.memref_squeeze %dma_start3A_638 : memref<1x2x64xi32, #tpu.memory_space<vmem>> -> memref<2x64xi32, #tpu.memory_space<vmem>>
        %dma_start3A_640 = arith.constant 0 : i32
        %dma_start3A_641 = arith.constant 0 : i32
        %dma_start3A_642 = tpu.memref_slice %arg3[%add3A, %add3A_634, %dma_start3A_640, %dma_start3A_641] : memref<32x160x2x64xi32, #tpu.memory_space<hbm>> -> memref<1x1x2x64xi32, #tpu.memory_space<hbm>>
        %dma_start3A_643 = tpu.memref_squeeze %dma_start3A_642 : memref<1x1x2x64xi32, #tpu.memory_space<hbm>> -> memref<2x64xi32, #tpu.memory_space<hbm>>
        %dma_start3A_644 = arith.constant 0 : i32
        %dma_start3A_645 = arith.constant 0 : i32
        %dma_start3A_646 = tpu.memref_slice %arg5[%dma_start3A_635, %dma_start3A_644, %dma_start3A_645] : memref<8x2x64xi32, #tpu.memory_space<vmem>> -> memref<1x2x64xi32, #tpu.memory_space<vmem>>
        %dma_start3A_647 = tpu.memref_squeeze %dma_start3A_646 : memref<1x2x64xi32, #tpu.memory_space<vmem>> -> memref<2x64xi32, #tpu.memory_space<vmem>>
        %dma_start3A_648 = arith.constant 0 : i32
        %dma_start3A_649 = arith.constant 0 : i32
        %dma_start3A_650 = tpu.memref_slice %arg3[%add3A, %add3A_634, %dma_start3A_648, %dma_start3A_649] : memref<32x160x2x64xi32, #tpu.memory_space<hbm>> -> memref<1x1x2x64xi32, #tpu.memory_space<hbm>>
        %dma_start3A_651 = tpu.memref_squeeze %dma_start3A_650 : memref<1x1x2x64xi32, #tpu.memory_space<hbm>> -> memref<2x64xi32, #tpu.memory_space<hbm>>
        tpu.enqueue_dma source(%dma_start3A_651 : memref<2x64xi32, #tpu.memory_space<hbm>>) target(%dma_start3A_647 : memref<2x64xi32, #tpu.memory_space<vmem>>) target_semaphore(%arg24 : memref<!tpu.dma_semaphore, #tpu.memory_space<semaphore_mem>>)
      } else {
      }
      %add3A_271 = arith.constant 3 : i32
      %add3A_272 = arith.addi %add3A_262, %add3A_271 : i32
      %lt3A_273 = arith.constant 160 : i32
      %lt3A_274 = arith.cmpi slt, %add3A_272, %lt3A_273 : i32
      %convert_element_type3A_275 = arith.extui %lt3A_274 : i1 to i32
      %cond3A_276 = arith.constant 0 : i32
      %cond3A_277 = arith.cmpi ne, %convert_element_type3A_275, %cond3A_276 : i32
      scf.if %cond3A_277 {
        %add3A_633 = arith.constant 3 : i32
        %add3A_634 = arith.addi %add3A_262, %add3A_633 : i32
        %dma_wait3A_635 = arith.constant 3 : i32
        %dma_wait3A_636 = arith.constant 0 : i32
        %dma_wait3A_637 = arith.constant 0 : i32
        %dma_wait3A_638 = tpu.memref_slice %arg5[%dma_wait3A_635, %dma_wait3A_636, %dma_wait3A_637] : memref<8x2x64xi32, #tpu.memory_space<vmem>> -> memref<1x2x64xi32, #tpu.memory_space<vmem>>
        %dma_wait3A_639 = tpu.memref_squeeze %dma_wait3A_638 : memref<1x2x64xi32, #tpu.memory_space<vmem>> -> memref<2x64xi32, #tpu.memory_space<vmem>>
        %dma_wait3A_640 = arith.constant 0 : i32
        %dma_wait3A_641 = arith.constant 0 : i32
        %dma_wait3A_642 = tpu.memref_slice %arg3[%add3A, %add3A_634, %dma_wait3A_640, %dma_wait3A_641] : memref<32x160x2x64xi32, #tpu.memory_space<hbm>> -> memref<1x1x2x64xi32, #tpu.memory_space<hbm>>
        %dma_wait3A_643 = tpu.memref_squeeze %dma_wait3A_642 : memref<1x1x2x64xi32, #tpu.memory_space<hbm>> -> memref<2x64xi32, #tpu.memory_space<hbm>>
        %dma_wait3A_644 = arith.constant 0 : i32
        %dma_wait3A_645 = arith.constant 0 : i32
        %dma_wait3A_646 = tpu.memref_slice %arg5[%dma_wait3A_635, %dma_wait3A_644, %dma_wait3A_645] : memref<8x2x64xi32, #tpu.memory_space<vmem>> -> memref<1x2x64xi32, #tpu.memory_space<vmem>>
        %dma_wait3A_647 = tpu.memref_squeeze %dma_wait3A_646 : memref<1x2x64xi32, #tpu.memory_space<vmem>> -> memref<2x64xi32, #tpu.memory_space<vmem>>
        %dma_wait3A_648 = arith.constant 0 : i32
        %dma_wait3A_649 = arith.constant 0 : i32
        %dma_wait3A_650 = tpu.memref_slice %arg3[%add3A, %add3A_634, %dma_wait3A_648, %dma_wait3A_649] : memref<32x160x2x64xi32, #tpu.memory_space<hbm>> -> memref<1x1x2x64xi32, #tpu.memory_space<hbm>>
        %dma_wait3A_651 = tpu.memref_squeeze %dma_wait3A_650 : memref<1x1x2x64xi32, #tpu.memory_space<hbm>> -> memref<2x64xi32, #tpu.memory_space<hbm>>
        tpu.wait_dma2 semaphore(%arg20 : memref<!tpu.dma_semaphore, #tpu.memory_space<semaphore_mem>>) src(%dma_wait3A_651 : memref<2x64xi32, #tpu.memory_space<hbm>>) dst(%dma_wait3A_647 : memref<2x64xi32, #tpu.memory_space<vmem>>)
        %dma_start3A_652 = arith.constant 3 : i32
        %dma_start3A_653 = arith.constant 0 : i32
        %dma_start3A_654 = arith.constant 3 : i32
        %dma_start3A_655 = arith.constant 0 : i32
        %dma_start3A_656 = arith.constant 0 : i32
        %dma_start3A_657 = tpu.memref_slice %arg6[%dma_start3A_654, %dma_start3A_655, %dma_start3A_656] : memref<4x64x128xf32, #tpu.memory_space<vmem>> -> memref<1x64x128xf32, #tpu.memory_space<vmem>>
        %dma_start3A_658 = tpu.memref_squeeze %dma_start3A_657 : memref<1x64x128xf32, #tpu.memory_space<vmem>> -> memref<64x128xf32, #tpu.memory_space<vmem>>
        %dma_start3A_659 = arith.constant 0 : i32
        %dma_start3A_660 = tpu.memref_slice %arg5[%dma_start3A_652, %dma_start3A_653, %dma_start3A_659] : memref<8x2x64xi32, #tpu.memory_space<vmem>> -> memref<1x1x64xi32, #tpu.memory_space<vmem>>
        %dma_start3A_661 = tpu.memref_squeeze %dma_start3A_660 : memref<1x1x64xi32, #tpu.memory_space<vmem>> -> memref<64xi32, #tpu.memory_space<vmem>>
        %dma_start3A_662 = arith.constant 0 : i32
        %dma_start3A_663 = arith.constant 0 : i32
        %dma_start3A_664 = tpu.memref_slice %arg2[%dma_start3A_662, %dma_start3A_663] : memref<10000x128xf32, #tpu.memory_space<hbm>> -> memref<10000x128xf32, #tpu.memory_space<hbm>>
        tpu.enqueue_indirect_dma source(%dma_start3A_664 : memref<10000x128xf32, #tpu.memory_space<hbm>>) target(%dma_start3A_658 : memref<64x128xf32, #tpu.memory_space<vmem>>) offsets(%dma_start3A_661 : memref<64xi32, #tpu.memory_space<vmem>>) semaphore(%arg12 : memref<!tpu.dma_semaphore, #tpu.memory_space<semaphore_mem>>)
      } else {
      }
      %dma_wait3A_278 = arith.constant 0 : i32
      %dma_wait3A_279 = arith.constant 0 : i32
      %dma_wait3A_280 = arith.constant 0 : i32
      %dma_wait3A_281 = arith.constant 0 : i32
      %dma_wait3A_282 = arith.constant 0 : i32
      %dma_wait3A_283 = tpu.memref_slice %arg6[%dma_wait3A_280, %dma_wait3A_281, %dma_wait3A_282] : memref<4x64x128xf32, #tpu.memory_space<vmem>> -> memref<1x64x128xf32, #tpu.memory_space<vmem>>
      %dma_wait3A_284 = tpu.memref_squeeze %dma_wait3A_283 : memref<1x64x128xf32, #tpu.memory_space<vmem>> -> memref<64x128xf32, #tpu.memory_space<vmem>>
      %dma_wait3A_285 = arith.constant 0 : i32
      %dma_wait3A_286 = tpu.memref_slice %arg5[%dma_wait3A_278, %dma_wait3A_279, %dma_wait3A_285] : memref<8x2x64xi32, #tpu.memory_space<vmem>> -> memref<1x1x64xi32, #tpu.memory_space<vmem>>
      %dma_wait3A_287 = tpu.memref_squeeze %dma_wait3A_286 : memref<1x1x64xi32, #tpu.memory_space<vmem>> -> memref<64xi32, #tpu.memory_space<vmem>>
      %dma_wait3A_288 = arith.constant 0 : i32
      %dma_wait3A_289 = arith.constant 0 : i32
      %dma_wait3A_290 = tpu.memref_slice %arg2[%dma_wait3A_288, %dma_wait3A_289] : memref<10000x128xf32, #tpu.memory_space<hbm>> -> memref<10000x128xf32, #tpu.memory_space<hbm>>
      tpu.wait_indirect_dma semaphore(%arg9 : memref<!tpu.dma_semaphore, #tpu.memory_space<semaphore_mem>>) src(%dma_wait3A_290 : memref<10000x128xf32, #tpu.memory_space<hbm>>) dst(%dma_wait3A_284 : memref<64x128xf32, #tpu.memory_space<vmem>>)
      %dma_start3A_291 = arith.constant 0 : i32
      %dma_start3A_292 = arith.constant 0 : i32
      %dma_start3A_293 = arith.constant 1 : i32
      %dma_start3A_294 = arith.constant 0 : i32
      %dma_start3A_295 = arith.constant 0 : i32
      %dma_start3A_296 = tpu.memref_slice %arg6[%dma_start3A_291, %dma_start3A_294, %dma_start3A_295] : memref<4x64x128xf32, #tpu.memory_space<vmem>> -> memref<1x64x128xf32, #tpu.memory_space<vmem>>
      %dma_start3A_297 = tpu.memref_squeeze %dma_start3A_296 : memref<1x64x128xf32, #tpu.memory_space<vmem>> -> memref<64x128xf32, #tpu.memory_space<vmem>>
      %dma_start3A_298 = arith.constant 0 : i32
      %dma_start3A_299 = tpu.memref_slice %arg5[%dma_start3A_292, %dma_start3A_293, %dma_start3A_298] : memref<8x2x64xi32, #tpu.memory_space<vmem>> -> memref<1x1x64xi32, #tpu.memory_space<vmem>>
      %dma_start3A_300 = tpu.memref_squeeze %dma_start3A_299 : memref<1x1x64xi32, #tpu.memory_space<vmem>> -> memref<64xi32, #tpu.memory_space<vmem>>
      %dma_start3A_301 = arith.constant 0 : i32
      %dma_start3A_302 = arith.constant 0 : i32
      %dma_start3A_303 = tpu.memref_slice %arg8[%dma_start3A_301, %dma_start3A_302] : memref<10112x128xf32, #tpu.memory_space<vmem_shared>> -> memref<10112x128xf32, #tpu.memory_space<vmem_shared>>
      tpu.enqueue_indirect_dma source(%dma_start3A_297 : memref<64x128xf32, #tpu.memory_space<vmem>>) target(%dma_start3A_303 : memref<10112x128xf32, #tpu.memory_space<vmem_shared>>) offsets(%dma_start3A_300 : memref<64xi32, #tpu.memory_space<vmem>>) semaphore(%arg13 : memref<!tpu.dma_semaphore, #tpu.memory_space<semaphore_mem>>) {add = true}
      %add3A_304 = arith.constant 1 : i32
      %add3A_305 = arith.addi %add3A_260, %add3A_304 : i32
      %ge3A_306 = arith.constant 1 : i32
      %ge3A_307 = arith.cmpi sge, %add3A_305, %ge3A_306 : i32
      %convert_element_type3A_308 = arith.extui %ge3A_307 : i1 to i32
      %cond3A_309 = arith.constant 0 : i32
      %cond3A_310 = arith.cmpi ne, %convert_element_type3A_308, %cond3A_309 : i32
      scf.if %cond3A_310 {
        %dma_wait3A_633 = arith.constant 0 : i32
        %dma_wait3A_634 = arith.constant 0 : i32
        %dma_wait3A_635 = arith.constant 1 : i32
        %dma_wait3A_636 = arith.constant 0 : i32
        %dma_wait3A_637 = arith.constant 0 : i32
        %dma_wait3A_638 = tpu.memref_slice %arg6[%dma_wait3A_633, %dma_wait3A_636, %dma_wait3A_637] : memref<4x64x128xf32, #tpu.memory_space<vmem>> -> memref<1x64x128xf32, #tpu.memory_space<vmem>>
        %dma_wait3A_639 = tpu.memref_squeeze %dma_wait3A_638 : memref<1x64x128xf32, #tpu.memory_space<vmem>> -> memref<64x128xf32, #tpu.memory_space<vmem>>
        %dma_wait3A_640 = arith.constant 0 : i32
        %dma_wait3A_641 = tpu.memref_slice %arg5[%dma_wait3A_634, %dma_wait3A_635, %dma_wait3A_640] : memref<8x2x64xi32, #tpu.memory_space<vmem>> -> memref<1x1x64xi32, #tpu.memory_space<vmem>>
        %dma_wait3A_642 = tpu.memref_squeeze %dma_wait3A_641 : memref<1x1x64xi32, #tpu.memory_space<vmem>> -> memref<64xi32, #tpu.memory_space<vmem>>
        %dma_wait3A_643 = arith.constant 0 : i32
        %dma_wait3A_644 = arith.constant 0 : i32
        %dma_wait3A_645 = tpu.memref_slice %arg8[%dma_wait3A_643, %dma_wait3A_644] : memref<10112x128xf32, #tpu.memory_space<vmem_shared>> -> memref<10112x128xf32, #tpu.memory_space<vmem_shared>>
        tpu.wait_indirect_dma semaphore(%arg13 : memref<!tpu.dma_semaphore, #tpu.memory_space<semaphore_mem>>) src(%dma_wait3A_639 : memref<64x128xf32, #tpu.memory_space<vmem>>) dst(%dma_wait3A_645 : memref<10112x128xf32, #tpu.memory_space<vmem_shared>>)
      } else {
      }
      %add3A_311 = arith.constant 7 : i32
      %add3A_312 = arith.addi %add3A_305, %add3A_311 : i32
      %lt3A_313 = arith.constant 160 : i32
      %lt3A_314 = arith.cmpi slt, %add3A_312, %lt3A_313 : i32
      %convert_element_type3A_315 = arith.extui %lt3A_314 : i1 to i32
      %cond3A_316 = arith.constant 0 : i32
      %cond3A_317 = arith.cmpi ne, %convert_element_type3A_315, %cond3A_316 : i32
      scf.if %cond3A_317 {
        %add3A_633 = arith.constant 7 : i32
        %add3A_634 = arith.addi %add3A_305, %add3A_633 : i32
        %dma_start3A_635 = arith.constant 0 : i32
        %dma_start3A_636 = arith.constant 0 : i32
        %dma_start3A_637 = arith.constant 0 : i32
        %dma_start3A_638 = tpu.memref_slice %arg5[%dma_start3A_635, %dma_start3A_636, %dma_start3A_637] : memref<8x2x64xi32, #tpu.memory_space<vmem>> -> memref<1x2x64xi32, #tpu.memory_space<vmem>>
        %dma_start3A_639 = tpu.memref_squeeze %dma_start3A_638 : memref<1x2x64xi32, #tpu.memory_space<vmem>> -> memref<2x64xi32, #tpu.memory_space<vmem>>
        %dma_start3A_640 = arith.constant 0 : i32
        %dma_start3A_641 = arith.constant 0 : i32
        %dma_start3A_642 = tpu.memref_slice %arg3[%add3A, %add3A_634, %dma_start3A_640, %dma_start3A_641] : memref<32x160x2x64xi32, #tpu.memory_space<hbm>> -> memref<1x1x2x64xi32, #tpu.memory_space<hbm>>
        %dma_start3A_643 = tpu.memref_squeeze %dma_start3A_642 : memref<1x1x2x64xi32, #tpu.memory_space<hbm>> -> memref<2x64xi32, #tpu.memory_space<hbm>>
        %dma_start3A_644 = arith.constant 0 : i32
        %dma_start3A_645 = arith.constant 0 : i32
        %dma_start3A_646 = tpu.memref_slice %arg5[%dma_start3A_635, %dma_start3A_644, %dma_start3A_645] : memref<8x2x64xi32, #tpu.memory_space<vmem>> -> memref<1x2x64xi32, #tpu.memory_space<vmem>>
        %dma_start3A_647 = tpu.memref_squeeze %dma_start3A_646 : memref<1x2x64xi32, #tpu.memory_space<vmem>> -> memref<2x64xi32, #tpu.memory_space<vmem>>
        %dma_start3A_648 = arith.constant 0 : i32
        %dma_start3A_649 = arith.constant 0 : i32
        %dma_start3A_650 = tpu.memref_slice %arg3[%add3A, %add3A_634, %dma_start3A_648, %dma_start3A_649] : memref<32x160x2x64xi32, #tpu.memory_space<hbm>> -> memref<1x1x2x64xi32, #tpu.memory_space<hbm>>
        %dma_start3A_651 = tpu.memref_squeeze %dma_start3A_650 : memref<1x1x2x64xi32, #tpu.memory_space<hbm>> -> memref<2x64xi32, #tpu.memory_space<hbm>>
        tpu.enqueue_dma source(%dma_start3A_651 : memref<2x64xi32, #tpu.memory_space<hbm>>) target(%dma_start3A_647 : memref<2x64xi32, #tpu.memory_space<vmem>>) target_semaphore(%arg17 : memref<!tpu.dma_semaphore, #tpu.memory_space<semaphore_mem>>)
      } else {
      }
      %add3A_318 = arith.constant 3 : i32
      %add3A_319 = arith.addi %add3A_305, %add3A_318 : i32
      %lt3A_320 = arith.constant 160 : i32
      %lt3A_321 = arith.cmpi slt, %add3A_319, %lt3A_320 : i32
      %convert_element_type3A_322 = arith.extui %lt3A_321 : i1 to i32
      %cond3A_323 = arith.constant 0 : i32
      %cond3A_324 = arith.cmpi ne, %convert_element_type3A_322, %cond3A_323 : i32
      scf.if %cond3A_324 {
        %add3A_633 = arith.constant 3 : i32
        %add3A_634 = arith.addi %add3A_305, %add3A_633 : i32
        %dma_wait3A_635 = arith.constant 4 : i32
        %dma_wait3A_636 = arith.constant 0 : i32
        %dma_wait3A_637 = arith.constant 0 : i32
        %dma_wait3A_638 = tpu.memref_slice %arg5[%dma_wait3A_635, %dma_wait3A_636, %dma_wait3A_637] : memref<8x2x64xi32, #tpu.memory_space<vmem>> -> memref<1x2x64xi32, #tpu.memory_space<vmem>>
        %dma_wait3A_639 = tpu.memref_squeeze %dma_wait3A_638 : memref<1x2x64xi32, #tpu.memory_space<vmem>> -> memref<2x64xi32, #tpu.memory_space<vmem>>
        %dma_wait3A_640 = arith.constant 0 : i32
        %dma_wait3A_641 = arith.constant 0 : i32
        %dma_wait3A_642 = tpu.memref_slice %arg3[%add3A, %add3A_634, %dma_wait3A_640, %dma_wait3A_641] : memref<32x160x2x64xi32, #tpu.memory_space<hbm>> -> memref<1x1x2x64xi32, #tpu.memory_space<hbm>>
        %dma_wait3A_643 = tpu.memref_squeeze %dma_wait3A_642 : memref<1x1x2x64xi32, #tpu.memory_space<hbm>> -> memref<2x64xi32, #tpu.memory_space<hbm>>
        %dma_wait3A_644 = arith.constant 0 : i32
        %dma_wait3A_645 = arith.constant 0 : i32
        %dma_wait3A_646 = tpu.memref_slice %arg5[%dma_wait3A_635, %dma_wait3A_644, %dma_wait3A_645] : memref<8x2x64xi32, #tpu.memory_space<vmem>> -> memref<1x2x64xi32, #tpu.memory_space<vmem>>
        %dma_wait3A_647 = tpu.memref_squeeze %dma_wait3A_646 : memref<1x2x64xi32, #tpu.memory_space<vmem>> -> memref<2x64xi32, #tpu.memory_space<vmem>>
        %dma_wait3A_648 = arith.constant 0 : i32
        %dma_wait3A_649 = arith.constant 0 : i32
        %dma_wait3A_650 = tpu.memref_slice %arg3[%add3A, %add3A_634, %dma_wait3A_648, %dma_wait3A_649] : memref<32x160x2x64xi32, #tpu.memory_space<hbm>> -> memref<1x1x2x64xi32, #tpu.memory_space<hbm>>
        %dma_wait3A_651 = tpu.memref_squeeze %dma_wait3A_650 : memref<1x1x2x64xi32, #tpu.memory_space<hbm>> -> memref<2x64xi32, #tpu.memory_space<hbm>>
        tpu.wait_dma2 semaphore(%arg21 : memref<!tpu.dma_semaphore, #tpu.memory_space<semaphore_mem>>) src(%dma_wait3A_651 : memref<2x64xi32, #tpu.memory_space<hbm>>) dst(%dma_wait3A_647 : memref<2x64xi32, #tpu.memory_space<vmem>>)
        %dma_start3A_652 = arith.constant 4 : i32
        %dma_start3A_653 = arith.constant 0 : i32
        %dma_start3A_654 = arith.constant 0 : i32
        %dma_start3A_655 = arith.constant 0 : i32
        %dma_start3A_656 = arith.constant 0 : i32
        %dma_start3A_657 = tpu.memref_slice %arg6[%dma_start3A_654, %dma_start3A_655, %dma_start3A_656] : memref<4x64x128xf32, #tpu.memory_space<vmem>> -> memref<1x64x128xf32, #tpu.memory_space<vmem>>
        %dma_start3A_658 = tpu.memref_squeeze %dma_start3A_657 : memref<1x64x128xf32, #tpu.memory_space<vmem>> -> memref<64x128xf32, #tpu.memory_space<vmem>>
        %dma_start3A_659 = arith.constant 0 : i32
        %dma_start3A_660 = tpu.memref_slice %arg5[%dma_start3A_652, %dma_start3A_653, %dma_start3A_659] : memref<8x2x64xi32, #tpu.memory_space<vmem>> -> memref<1x1x64xi32, #tpu.memory_space<vmem>>
        %dma_start3A_661 = tpu.memref_squeeze %dma_start3A_660 : memref<1x1x64xi32, #tpu.memory_space<vmem>> -> memref<64xi32, #tpu.memory_space<vmem>>
        %dma_start3A_662 = arith.constant 0 : i32
        %dma_start3A_663 = arith.constant 0 : i32
        %dma_start3A_664 = tpu.memref_slice %arg2[%dma_start3A_662, %dma_start3A_663] : memref<10000x128xf32, #tpu.memory_space<hbm>> -> memref<10000x128xf32, #tpu.memory_space<hbm>>
        tpu.enqueue_indirect_dma source(%dma_start3A_664 : memref<10000x128xf32, #tpu.memory_space<hbm>>) target(%dma_start3A_658 : memref<64x128xf32, #tpu.memory_space<vmem>>) offsets(%dma_start3A_661 : memref<64xi32, #tpu.memory_space<vmem>>) semaphore(%arg9 : memref<!tpu.dma_semaphore, #tpu.memory_space<semaphore_mem>>)
      } else {
      }
      %dma_wait3A_325 = arith.constant 1 : i32
      %dma_wait3A_326 = arith.constant 0 : i32
      %dma_wait3A_327 = arith.constant 1 : i32
      %dma_wait3A_328 = arith.constant 0 : i32
      %dma_wait3A_329 = arith.constant 0 : i32
      %dma_wait3A_330 = tpu.memref_slice %arg6[%dma_wait3A_327, %dma_wait3A_328, %dma_wait3A_329] : memref<4x64x128xf32, #tpu.memory_space<vmem>> -> memref<1x64x128xf32, #tpu.memory_space<vmem>>
      %dma_wait3A_331 = tpu.memref_squeeze %dma_wait3A_330 : memref<1x64x128xf32, #tpu.memory_space<vmem>> -> memref<64x128xf32, #tpu.memory_space<vmem>>
      %dma_wait3A_332 = arith.constant 0 : i32
      %dma_wait3A_333 = tpu.memref_slice %arg5[%dma_wait3A_325, %dma_wait3A_326, %dma_wait3A_332] : memref<8x2x64xi32, #tpu.memory_space<vmem>> -> memref<1x1x64xi32, #tpu.memory_space<vmem>>
      %dma_wait3A_334 = tpu.memref_squeeze %dma_wait3A_333 : memref<1x1x64xi32, #tpu.memory_space<vmem>> -> memref<64xi32, #tpu.memory_space<vmem>>
      %dma_wait3A_335 = arith.constant 0 : i32
      %dma_wait3A_336 = arith.constant 0 : i32
      %dma_wait3A_337 = tpu.memref_slice %arg2[%dma_wait3A_335, %dma_wait3A_336] : memref<10000x128xf32, #tpu.memory_space<hbm>> -> memref<10000x128xf32, #tpu.memory_space<hbm>>
      tpu.wait_indirect_dma semaphore(%arg10 : memref<!tpu.dma_semaphore, #tpu.memory_space<semaphore_mem>>) src(%dma_wait3A_337 : memref<10000x128xf32, #tpu.memory_space<hbm>>) dst(%dma_wait3A_331 : memref<64x128xf32, #tpu.memory_space<vmem>>)
      %dma_start3A_338 = arith.constant 1 : i32
      %dma_start3A_339 = arith.constant 1 : i32
      %dma_start3A_340 = arith.constant 1 : i32
      %dma_start3A_341 = arith.constant 0 : i32
      %dma_start3A_342 = arith.constant 0 : i32
      %dma_start3A_343 = tpu.memref_slice %arg6[%dma_start3A_338, %dma_start3A_341, %dma_start3A_342] : memref<4x64x128xf32, #tpu.memory_space<vmem>> -> memref<1x64x128xf32, #tpu.memory_space<vmem>>
      %dma_start3A_344 = tpu.memref_squeeze %dma_start3A_343 : memref<1x64x128xf32, #tpu.memory_space<vmem>> -> memref<64x128xf32, #tpu.memory_space<vmem>>
      %dma_start3A_345 = arith.constant 0 : i32
      %dma_start3A_346 = tpu.memref_slice %arg5[%dma_start3A_339, %dma_start3A_340, %dma_start3A_345] : memref<8x2x64xi32, #tpu.memory_space<vmem>> -> memref<1x1x64xi32, #tpu.memory_space<vmem>>
      %dma_start3A_347 = tpu.memref_squeeze %dma_start3A_346 : memref<1x1x64xi32, #tpu.memory_space<vmem>> -> memref<64xi32, #tpu.memory_space<vmem>>
      %dma_start3A_348 = arith.constant 0 : i32
      %dma_start3A_349 = arith.constant 0 : i32
      %dma_start3A_350 = tpu.memref_slice %arg8[%dma_start3A_348, %dma_start3A_349] : memref<10112x128xf32, #tpu.memory_space<vmem_shared>> -> memref<10112x128xf32, #tpu.memory_space<vmem_shared>>
      tpu.enqueue_indirect_dma source(%dma_start3A_344 : memref<64x128xf32, #tpu.memory_space<vmem>>) target(%dma_start3A_350 : memref<10112x128xf32, #tpu.memory_space<vmem_shared>>) offsets(%dma_start3A_347 : memref<64xi32, #tpu.memory_space<vmem>>) semaphore(%arg14 : memref<!tpu.dma_semaphore, #tpu.memory_space<semaphore_mem>>) {add = true}
      %add3A_351 = arith.constant 2 : i32
      %add3A_352 = arith.addi %add3A_260, %add3A_351 : i32
      %ge3A_353 = arith.constant 1 : i32
      %ge3A_354 = arith.cmpi sge, %add3A_352, %ge3A_353 : i32
      %convert_element_type3A_355 = arith.extui %ge3A_354 : i1 to i32
      %cond3A_356 = arith.constant 0 : i32
      %cond3A_357 = arith.cmpi ne, %convert_element_type3A_355, %cond3A_356 : i32
      scf.if %cond3A_357 {
        %dma_wait3A_633 = arith.constant 1 : i32
        %dma_wait3A_634 = arith.constant 1 : i32
        %dma_wait3A_635 = arith.constant 1 : i32
        %dma_wait3A_636 = arith.constant 0 : i32
        %dma_wait3A_637 = arith.constant 0 : i32
        %dma_wait3A_638 = tpu.memref_slice %arg6[%dma_wait3A_633, %dma_wait3A_636, %dma_wait3A_637] : memref<4x64x128xf32, #tpu.memory_space<vmem>> -> memref<1x64x128xf32, #tpu.memory_space<vmem>>
        %dma_wait3A_639 = tpu.memref_squeeze %dma_wait3A_638 : memref<1x64x128xf32, #tpu.memory_space<vmem>> -> memref<64x128xf32, #tpu.memory_space<vmem>>
        %dma_wait3A_640 = arith.constant 0 : i32
        %dma_wait3A_641 = tpu.memref_slice %arg5[%dma_wait3A_634, %dma_wait3A_635, %dma_wait3A_640] : memref<8x2x64xi32, #tpu.memory_space<vmem>> -> memref<1x1x64xi32, #tpu.memory_space<vmem>>
        %dma_wait3A_642 = tpu.memref_squeeze %dma_wait3A_641 : memref<1x1x64xi32, #tpu.memory_space<vmem>> -> memref<64xi32, #tpu.memory_space<vmem>>
        %dma_wait3A_643 = arith.constant 0 : i32
        %dma_wait3A_644 = arith.constant 0 : i32
        %dma_wait3A_645 = tpu.memref_slice %arg8[%dma_wait3A_643, %dma_wait3A_644] : memref<10112x128xf32, #tpu.memory_space<vmem_shared>> -> memref<10112x128xf32, #tpu.memory_space<vmem_shared>>
        tpu.wait_indirect_dma semaphore(%arg14 : memref<!tpu.dma_semaphore, #tpu.memory_space<semaphore_mem>>) src(%dma_wait3A_639 : memref<64x128xf32, #tpu.memory_space<vmem>>) dst(%dma_wait3A_645 : memref<10112x128xf32, #tpu.memory_space<vmem_shared>>)
      } else {
      }
      %add3A_358 = arith.constant 7 : i32
      %add3A_359 = arith.addi %add3A_352, %add3A_358 : i32
      %lt3A_360 = arith.constant 160 : i32
      %lt3A_361 = arith.cmpi slt, %add3A_359, %lt3A_360 : i32
      %convert_element_type3A_362 = arith.extui %lt3A_361 : i1 to i32
      %cond3A_363 = arith.constant 0 : i32
      %cond3A_364 = arith.cmpi ne, %convert_element_type3A_362, %cond3A_363 : i32
      scf.if %cond3A_364 {
        %add3A_633 = arith.constant 7 : i32
        %add3A_634 = arith.addi %add3A_352, %add3A_633 : i32
        %dma_start3A_635 = arith.constant 1 : i32
        %dma_start3A_636 = arith.constant 0 : i32
        %dma_start3A_637 = arith.constant 0 : i32
        %dma_start3A_638 = tpu.memref_slice %arg5[%dma_start3A_635, %dma_start3A_636, %dma_start3A_637] : memref<8x2x64xi32, #tpu.memory_space<vmem>> -> memref<1x2x64xi32, #tpu.memory_space<vmem>>
        %dma_start3A_639 = tpu.memref_squeeze %dma_start3A_638 : memref<1x2x64xi32, #tpu.memory_space<vmem>> -> memref<2x64xi32, #tpu.memory_space<vmem>>
        %dma_start3A_640 = arith.constant 0 : i32
        %dma_start3A_641 = arith.constant 0 : i32
        %dma_start3A_642 = tpu.memref_slice %arg3[%add3A, %add3A_634, %dma_start3A_640, %dma_start3A_641] : memref<32x160x2x64xi32, #tpu.memory_space<hbm>> -> memref<1x1x2x64xi32, #tpu.memory_space<hbm>>
        %dma_start3A_643 = tpu.memref_squeeze %dma_start3A_642 : memref<1x1x2x64xi32, #tpu.memory_space<hbm>> -> memref<2x64xi32, #tpu.memory_space<hbm>>
        %dma_start3A_644 = arith.constant 0 : i32
        %dma_start3A_645 = arith.constant 0 : i32
        %dma_start3A_646 = tpu.memref_slice %arg5[%dma_start3A_635, %dma_start3A_644, %dma_start3A_645] : memref<8x2x64xi32, #tpu.memory_space<vmem>> -> memref<1x2x64xi32, #tpu.memory_space<vmem>>
        %dma_start3A_647 = tpu.memref_squeeze %dma_start3A_646 : memref<1x2x64xi32, #tpu.memory_space<vmem>> -> memref<2x64xi32, #tpu.memory_space<vmem>>
        %dma_start3A_648 = arith.constant 0 : i32
        %dma_start3A_649 = arith.constant 0 : i32
        %dma_start3A_650 = tpu.memref_slice %arg3[%add3A, %add3A_634, %dma_start3A_648, %dma_start3A_649] : memref<32x160x2x64xi32, #tpu.memory_space<hbm>> -> memref<1x1x2x64xi32, #tpu.memory_space<hbm>>
        %dma_start3A_651 = tpu.memref_squeeze %dma_start3A_650 : memref<1x1x2x64xi32, #tpu.memory_space<hbm>> -> memref<2x64xi32, #tpu.memory_space<hbm>>
        tpu.enqueue_dma source(%dma_start3A_651 : memref<2x64xi32, #tpu.memory_space<hbm>>) target(%dma_start3A_647 : memref<2x64xi32, #tpu.memory_space<vmem>>) target_semaphore(%arg18 : memref<!tpu.dma_semaphore, #tpu.memory_space<semaphore_mem>>)
      } else {
      }
      %add3A_365 = arith.constant 3 : i32
      %add3A_366 = arith.addi %add3A_352, %add3A_365 : i32
      %lt3A_367 = arith.constant 160 : i32
      %lt3A_368 = arith.cmpi slt, %add3A_366, %lt3A_367 : i32
      %convert_element_type3A_369 = arith.extui %lt3A_368 : i1 to i32
      %cond3A_370 = arith.constant 0 : i32
      %cond3A_371 = arith.cmpi ne, %convert_element_type3A_369, %cond3A_370 : i32
      scf.if %cond3A_371 {
        %add3A_633 = arith.constant 3 : i32
        %add3A_634 = arith.addi %add3A_352, %add3A_633 : i32
        %dma_wait3A_635 = arith.constant 5 : i32
        %dma_wait3A_636 = arith.constant 0 : i32
        %dma_wait3A_637 = arith.constant 0 : i32
        %dma_wait3A_638 = tpu.memref_slice %arg5[%dma_wait3A_635, %dma_wait3A_636, %dma_wait3A_637] : memref<8x2x64xi32, #tpu.memory_space<vmem>> -> memref<1x2x64xi32, #tpu.memory_space<vmem>>
        %dma_wait3A_639 = tpu.memref_squeeze %dma_wait3A_638 : memref<1x2x64xi32, #tpu.memory_space<vmem>> -> memref<2x64xi32, #tpu.memory_space<vmem>>
        %dma_wait3A_640 = arith.constant 0 : i32
        %dma_wait3A_641 = arith.constant 0 : i32
        %dma_wait3A_642 = tpu.memref_slice %arg3[%add3A, %add3A_634, %dma_wait3A_640, %dma_wait3A_641] : memref<32x160x2x64xi32, #tpu.memory_space<hbm>> -> memref<1x1x2x64xi32, #tpu.memory_space<hbm>>
        %dma_wait3A_643 = tpu.memref_squeeze %dma_wait3A_642 : memref<1x1x2x64xi32, #tpu.memory_space<hbm>> -> memref<2x64xi32, #tpu.memory_space<hbm>>
        %dma_wait3A_644 = arith.constant 0 : i32
        %dma_wait3A_645 = arith.constant 0 : i32
        %dma_wait3A_646 = tpu.memref_slice %arg5[%dma_wait3A_635, %dma_wait3A_644, %dma_wait3A_645] : memref<8x2x64xi32, #tpu.memory_space<vmem>> -> memref<1x2x64xi32, #tpu.memory_space<vmem>>
        %dma_wait3A_647 = tpu.memref_squeeze %dma_wait3A_646 : memref<1x2x64xi32, #tpu.memory_space<vmem>> -> memref<2x64xi32, #tpu.memory_space<vmem>>
        %dma_wait3A_648 = arith.constant 0 : i32
        %dma_wait3A_649 = arith.constant 0 : i32
        %dma_wait3A_650 = tpu.memref_slice %arg3[%add3A, %add3A_634, %dma_wait3A_648, %dma_wait3A_649] : memref<32x160x2x64xi32, #tpu.memory_space<hbm>> -> memref<1x1x2x64xi32, #tpu.memory_space<hbm>>
        %dma_wait3A_651 = tpu.memref_squeeze %dma_wait3A_650 : memref<1x1x2x64xi32, #tpu.memory_space<hbm>> -> memref<2x64xi32, #tpu.memory_space<hbm>>
        tpu.wait_dma2 semaphore(%arg22 : memref<!tpu.dma_semaphore, #tpu.memory_space<semaphore_mem>>) src(%dma_wait3A_651 : memref<2x64xi32, #tpu.memory_space<hbm>>) dst(%dma_wait3A_647 : memref<2x64xi32, #tpu.memory_space<vmem>>)
        %dma_start3A_652 = arith.constant 5 : i32
        %dma_start3A_653 = arith.constant 0 : i32
        %dma_start3A_654 = arith.constant 1 : i32
        %dma_start3A_655 = arith.constant 0 : i32
        %dma_start3A_656 = arith.constant 0 : i32
        %dma_start3A_657 = tpu.memref_slice %arg6[%dma_start3A_654, %dma_start3A_655, %dma_start3A_656] : memref<4x64x128xf32, #tpu.memory_space<vmem>> -> memref<1x64x128xf32, #tpu.memory_space<vmem>>
        %dma_start3A_658 = tpu.memref_squeeze %dma_start3A_657 : memref<1x64x128xf32, #tpu.memory_space<vmem>> -> memref<64x128xf32, #tpu.memory_space<vmem>>
        %dma_start3A_659 = arith.constant 0 : i32
        %dma_start3A_660 = tpu.memref_slice %arg5[%dma_start3A_652, %dma_start3A_653, %dma_start3A_659] : memref<8x2x64xi32, #tpu.memory_space<vmem>> -> memref<1x1x64xi32, #tpu.memory_space<vmem>>
        %dma_start3A_661 = tpu.memref_squeeze %dma_start3A_660 : memref<1x1x64xi32, #tpu.memory_space<vmem>> -> memref<64xi32, #tpu.memory_space<vmem>>
        %dma_start3A_662 = arith.constant 0 : i32
        %dma_start3A_663 = arith.constant 0 : i32
        %dma_start3A_664 = tpu.memref_slice %arg2[%dma_start3A_662, %dma_start3A_663] : memref<10000x128xf32, #tpu.memory_space<hbm>> -> memref<10000x128xf32, #tpu.memory_space<hbm>>
        tpu.enqueue_indirect_dma source(%dma_start3A_664 : memref<10000x128xf32, #tpu.memory_space<hbm>>) target(%dma_start3A_658 : memref<64x128xf32, #tpu.memory_space<vmem>>) offsets(%dma_start3A_661 : memref<64xi32, #tpu.memory_space<vmem>>) semaphore(%arg10 : memref<!tpu.dma_semaphore, #tpu.memory_space<semaphore_mem>>)
      } else {
      }
      %dma_wait3A_372 = arith.constant 2 : i32
      %dma_wait3A_373 = arith.constant 0 : i32
      %dma_wait3A_374 = arith.constant 2 : i32
      %dma_wait3A_375 = arith.constant 0 : i32
      %dma_wait3A_376 = arith.constant 0 : i32
      %dma_wait3A_377 = tpu.memref_slice %arg6[%dma_wait3A_374, %dma_wait3A_375, %dma_wait3A_376] : memref<4x64x128xf32, #tpu.memory_space<vmem>> -> memref<1x64x128xf32, #tpu.memory_space<vmem>>
      %dma_wait3A_378 = tpu.memref_squeeze %dma_wait3A_377 : memref<1x64x128xf32, #tpu.memory_space<vmem>> -> memref<64x128xf32, #tpu.memory_space<vmem>>
      %dma_wait3A_379 = arith.constant 0 : i32
      %dma_wait3A_380 = tpu.memref_slice %arg5[%dma_wait3A_372, %dma_wait3A_373, %dma_wait3A_379] : memref<8x2x64xi32, #tpu.memory_space<vmem>> -> memref<1x1x64xi32, #tpu.memory_space<vmem>>
      %dma_wait3A_381 = tpu.memref_squeeze %dma_wait3A_380 : memref<1x1x64xi32, #tpu.memory_space<vmem>> -> memref<64xi32, #tpu.memory_space<vmem>>
      %dma_wait3A_382 = arith.constant 0 : i32
      %dma_wait3A_383 = arith.constant 0 : i32
      %dma_wait3A_384 = tpu.memref_slice %arg2[%dma_wait3A_382, %dma_wait3A_383] : memref<10000x128xf32, #tpu.memory_space<hbm>> -> memref<10000x128xf32, #tpu.memory_space<hbm>>
      tpu.wait_indirect_dma semaphore(%arg11 : memref<!tpu.dma_semaphore, #tpu.memory_space<semaphore_mem>>) src(%dma_wait3A_384 : memref<10000x128xf32, #tpu.memory_space<hbm>>) dst(%dma_wait3A_378 : memref<64x128xf32, #tpu.memory_space<vmem>>)
      %dma_start3A_385 = arith.constant 2 : i32
      %dma_start3A_386 = arith.constant 2 : i32
      %dma_start3A_387 = arith.constant 1 : i32
      %dma_start3A_388 = arith.constant 0 : i32
      %dma_start3A_389 = arith.constant 0 : i32
      %dma_start3A_390 = tpu.memref_slice %arg6[%dma_start3A_385, %dma_start3A_388, %dma_start3A_389] : memref<4x64x128xf32, #tpu.memory_space<vmem>> -> memref<1x64x128xf32, #tpu.memory_space<vmem>>
      %dma_start3A_391 = tpu.memref_squeeze %dma_start3A_390 : memref<1x64x128xf32, #tpu.memory_space<vmem>> -> memref<64x128xf32, #tpu.memory_space<vmem>>
      %dma_start3A_392 = arith.constant 0 : i32
      %dma_start3A_393 = tpu.memref_slice %arg5[%dma_start3A_386, %dma_start3A_387, %dma_start3A_392] : memref<8x2x64xi32, #tpu.memory_space<vmem>> -> memref<1x1x64xi32, #tpu.memory_space<vmem>>
      %dma_start3A_394 = tpu.memref_squeeze %dma_start3A_393 : memref<1x1x64xi32, #tpu.memory_space<vmem>> -> memref<64xi32, #tpu.memory_space<vmem>>
      %dma_start3A_395 = arith.constant 0 : i32
      %dma_start3A_396 = arith.constant 0 : i32
      %dma_start3A_397 = tpu.memref_slice %arg8[%dma_start3A_395, %dma_start3A_396] : memref<10112x128xf32, #tpu.memory_space<vmem_shared>> -> memref<10112x128xf32, #tpu.memory_space<vmem_shared>>
      tpu.enqueue_indirect_dma source(%dma_start3A_391 : memref<64x128xf32, #tpu.memory_space<vmem>>) target(%dma_start3A_397 : memref<10112x128xf32, #tpu.memory_space<vmem_shared>>) offsets(%dma_start3A_394 : memref<64xi32, #tpu.memory_space<vmem>>) semaphore(%arg15 : memref<!tpu.dma_semaphore, #tpu.memory_space<semaphore_mem>>) {add = true}
      %add3A_398 = arith.constant 3 : i32
      %add3A_399 = arith.addi %add3A_260, %add3A_398 : i32
      %ge3A_400 = arith.constant 1 : i32
      %ge3A_401 = arith.cmpi sge, %add3A_399, %ge3A_400 : i32
      %convert_element_type3A_402 = arith.extui %ge3A_401 : i1 to i32
      %cond3A_403 = arith.constant 0 : i32
      %cond3A_404 = arith.cmpi ne, %convert_element_type3A_402, %cond3A_403 : i32
      scf.if %cond3A_404 {
        %dma_wait3A_633 = arith.constant 2 : i32
        %dma_wait3A_634 = arith.constant 2 : i32
        %dma_wait3A_635 = arith.constant 1 : i32
        %dma_wait3A_636 = arith.constant 0 : i32
        %dma_wait3A_637 = arith.constant 0 : i32
        %dma_wait3A_638 = tpu.memref_slice %arg6[%dma_wait3A_633, %dma_wait3A_636, %dma_wait3A_637] : memref<4x64x128xf32, #tpu.memory_space<vmem>> -> memref<1x64x128xf32, #tpu.memory_space<vmem>>
        %dma_wait3A_639 = tpu.memref_squeeze %dma_wait3A_638 : memref<1x64x128xf32, #tpu.memory_space<vmem>> -> memref<64x128xf32, #tpu.memory_space<vmem>>
        %dma_wait3A_640 = arith.constant 0 : i32
        %dma_wait3A_641 = tpu.memref_slice %arg5[%dma_wait3A_634, %dma_wait3A_635, %dma_wait3A_640] : memref<8x2x64xi32, #tpu.memory_space<vmem>> -> memref<1x1x64xi32, #tpu.memory_space<vmem>>
        %dma_wait3A_642 = tpu.memref_squeeze %dma_wait3A_641 : memref<1x1x64xi32, #tpu.memory_space<vmem>> -> memref<64xi32, #tpu.memory_space<vmem>>
        %dma_wait3A_643 = arith.constant 0 : i32
        %dma_wait3A_644 = arith.constant 0 : i32
        %dma_wait3A_645 = tpu.memref_slice %arg8[%dma_wait3A_643, %dma_wait3A_644] : memref<10112x128xf32, #tpu.memory_space<vmem_shared>> -> memref<10112x128xf32, #tpu.memory_space<vmem_shared>>
        tpu.wait_indirect_dma semaphore(%arg15 : memref<!tpu.dma_semaphore, #tpu.memory_space<semaphore_mem>>) src(%dma_wait3A_639 : memref<64x128xf32, #tpu.memory_space<vmem>>) dst(%dma_wait3A_645 : memref<10112x128xf32, #tpu.memory_space<vmem_shared>>)
      } else {
      }
      %add3A_405 = arith.constant 7 : i32
      %add3A_406 = arith.addi %add3A_399, %add3A_405 : i32
      %lt3A_407 = arith.constant 160 : i32
      %lt3A_408 = arith.cmpi slt, %add3A_406, %lt3A_407 : i32
      %convert_element_type3A_409 = arith.extui %lt3A_408 : i1 to i32
      %cond3A_410 = arith.constant 0 : i32
      %cond3A_411 = arith.cmpi ne, %convert_element_type3A_409, %cond3A_410 : i32
      scf.if %cond3A_411 {
        %add3A_633 = arith.constant 7 : i32
        %add3A_634 = arith.addi %add3A_399, %add3A_633 : i32
        %dma_start3A_635 = arith.constant 2 : i32
        %dma_start3A_636 = arith.constant 0 : i32
        %dma_start3A_637 = arith.constant 0 : i32
        %dma_start3A_638 = tpu.memref_slice %arg5[%dma_start3A_635, %dma_start3A_636, %dma_start3A_637] : memref<8x2x64xi32, #tpu.memory_space<vmem>> -> memref<1x2x64xi32, #tpu.memory_space<vmem>>
        %dma_start3A_639 = tpu.memref_squeeze %dma_start3A_638 : memref<1x2x64xi32, #tpu.memory_space<vmem>> -> memref<2x64xi32, #tpu.memory_space<vmem>>
        %dma_start3A_640 = arith.constant 0 : i32
        %dma_start3A_641 = arith.constant 0 : i32
        %dma_start3A_642 = tpu.memref_slice %arg3[%add3A, %add3A_634, %dma_start3A_640, %dma_start3A_641] : memref<32x160x2x64xi32, #tpu.memory_space<hbm>> -> memref<1x1x2x64xi32, #tpu.memory_space<hbm>>
        %dma_start3A_643 = tpu.memref_squeeze %dma_start3A_642 : memref<1x1x2x64xi32, #tpu.memory_space<hbm>> -> memref<2x64xi32, #tpu.memory_space<hbm>>
        %dma_start3A_644 = arith.constant 0 : i32
        %dma_start3A_645 = arith.constant 0 : i32
        %dma_start3A_646 = tpu.memref_slice %arg5[%dma_start3A_635, %dma_start3A_644, %dma_start3A_645] : memref<8x2x64xi32, #tpu.memory_space<vmem>> -> memref<1x2x64xi32, #tpu.memory_space<vmem>>
        %dma_start3A_647 = tpu.memref_squeeze %dma_start3A_646 : memref<1x2x64xi32, #tpu.memory_space<vmem>> -> memref<2x64xi32, #tpu.memory_space<vmem>>
        %dma_start3A_648 = arith.constant 0 : i32
        %dma_start3A_649 = arith.constant 0 : i32
        %dma_start3A_650 = tpu.memref_slice %arg3[%add3A, %add3A_634, %dma_start3A_648, %dma_start3A_649] : memref<32x160x2x64xi32, #tpu.memory_space<hbm>> -> memref<1x1x2x64xi32, #tpu.memory_space<hbm>>
        %dma_start3A_651 = tpu.memref_squeeze %dma_start3A_650 : memref<1x1x2x64xi32, #tpu.memory_space<hbm>> -> memref<2x64xi32, #tpu.memory_space<hbm>>
        tpu.enqueue_dma source(%dma_start3A_651 : memref<2x64xi32, #tpu.memory_space<hbm>>) target(%dma_start3A_647 : memref<2x64xi32, #tpu.memory_space<vmem>>) target_semaphore(%arg19 : memref<!tpu.dma_semaphore, #tpu.memory_space<semaphore_mem>>)
      } else {
      }
      %add3A_412 = arith.constant 3 : i32
      %add3A_413 = arith.addi %add3A_399, %add3A_412 : i32
      %lt3A_414 = arith.constant 160 : i32
      %lt3A_415 = arith.cmpi slt, %add3A_413, %lt3A_414 : i32
      %convert_element_type3A_416 = arith.extui %lt3A_415 : i1 to i32
      %cond3A_417 = arith.constant 0 : i32
      %cond3A_418 = arith.cmpi ne, %convert_element_type3A_416, %cond3A_417 : i32
      scf.if %cond3A_418 {
        %add3A_633 = arith.constant 3 : i32
        %add3A_634 = arith.addi %add3A_399, %add3A_633 : i32
        %dma_wait3A_635 = arith.constant 6 : i32
        %dma_wait3A_636 = arith.constant 0 : i32
        %dma_wait3A_637 = arith.constant 0 : i32
        %dma_wait3A_638 = tpu.memref_slice %arg5[%dma_wait3A_635, %dma_wait3A_636, %dma_wait3A_637] : memref<8x2x64xi32, #tpu.memory_space<vmem>> -> memref<1x2x64xi32, #tpu.memory_space<vmem>>
        %dma_wait3A_639 = tpu.memref_squeeze %dma_wait3A_638 : memref<1x2x64xi32, #tpu.memory_space<vmem>> -> memref<2x64xi32, #tpu.memory_space<vmem>>
        %dma_wait3A_640 = arith.constant 0 : i32
        %dma_wait3A_641 = arith.constant 0 : i32
        %dma_wait3A_642 = tpu.memref_slice %arg3[%add3A, %add3A_634, %dma_wait3A_640, %dma_wait3A_641] : memref<32x160x2x64xi32, #tpu.memory_space<hbm>> -> memref<1x1x2x64xi32, #tpu.memory_space<hbm>>
        %dma_wait3A_643 = tpu.memref_squeeze %dma_wait3A_642 : memref<1x1x2x64xi32, #tpu.memory_space<hbm>> -> memref<2x64xi32, #tpu.memory_space<hbm>>
        %dma_wait3A_644 = arith.constant 0 : i32
        %dma_wait3A_645 = arith.constant 0 : i32
        %dma_wait3A_646 = tpu.memref_slice %arg5[%dma_wait3A_635, %dma_wait3A_644, %dma_wait3A_645] : memref<8x2x64xi32, #tpu.memory_space<vmem>> -> memref<1x2x64xi32, #tpu.memory_space<vmem>>
        %dma_wait3A_647 = tpu.memref_squeeze %dma_wait3A_646 : memref<1x2x64xi32, #tpu.memory_space<vmem>> -> memref<2x64xi32, #tpu.memory_space<vmem>>
        %dma_wait3A_648 = arith.constant 0 : i32
        %dma_wait3A_649 = arith.constant 0 : i32
        %dma_wait3A_650 = tpu.memref_slice %arg3[%add3A, %add3A_634, %dma_wait3A_648, %dma_wait3A_649] : memref<32x160x2x64xi32, #tpu.memory_space<hbm>> -> memref<1x1x2x64xi32, #tpu.memory_space<hbm>>
        %dma_wait3A_651 = tpu.memref_squeeze %dma_wait3A_650 : memref<1x1x2x64xi32, #tpu.memory_space<hbm>> -> memref<2x64xi32, #tpu.memory_space<hbm>>
        tpu.wait_dma2 semaphore(%arg23 : memref<!tpu.dma_semaphore, #tpu.memory_space<semaphore_mem>>) src(%dma_wait3A_651 : memref<2x64xi32, #tpu.memory_space<hbm>>) dst(%dma_wait3A_647 : memref<2x64xi32, #tpu.memory_space<vmem>>)
        %dma_start3A_652 = arith.constant 6 : i32
        %dma_start3A_653 = arith.constant 0 : i32
        %dma_start3A_654 = arith.constant 2 : i32
        %dma_start3A_655 = arith.constant 0 : i32
        %dma_start3A_656 = arith.constant 0 : i32
        %dma_start3A_657 = tpu.memref_slice %arg6[%dma_start3A_654, %dma_start3A_655, %dma_start3A_656] : memref<4x64x128xf32, #tpu.memory_space<vmem>> -> memref<1x64x128xf32, #tpu.memory_space<vmem>>
        %dma_start3A_658 = tpu.memref_squeeze %dma_start3A_657 : memref<1x64x128xf32, #tpu.memory_space<vmem>> -> memref<64x128xf32, #tpu.memory_space<vmem>>
        %dma_start3A_659 = arith.constant 0 : i32
        %dma_start3A_660 = tpu.memref_slice %arg5[%dma_start3A_652, %dma_start3A_653, %dma_start3A_659] : memref<8x2x64xi32, #tpu.memory_space<vmem>> -> memref<1x1x64xi32, #tpu.memory_space<vmem>>
        %dma_start3A_661 = tpu.memref_squeeze %dma_start3A_660 : memref<1x1x64xi32, #tpu.memory_space<vmem>> -> memref<64xi32, #tpu.memory_space<vmem>>
        %dma_start3A_662 = arith.constant 0 : i32
        %dma_start3A_663 = arith.constant 0 : i32
        %dma_start3A_664 = tpu.memref_slice %arg2[%dma_start3A_662, %dma_start3A_663] : memref<10000x128xf32, #tpu.memory_space<hbm>> -> memref<10000x128xf32, #tpu.memory_space<hbm>>
        tpu.enqueue_indirect_dma source(%dma_start3A_664 : memref<10000x128xf32, #tpu.memory_space<hbm>>) target(%dma_start3A_658 : memref<64x128xf32, #tpu.memory_space<vmem>>) offsets(%dma_start3A_661 : memref<64xi32, #tpu.memory_space<vmem>>) semaphore(%arg11 : memref<!tpu.dma_semaphore, #tpu.memory_space<semaphore_mem>>)
      } else {
      }
      %dma_wait3A_419 = arith.constant 3 : i32
      %dma_wait3A_420 = arith.constant 0 : i32
      %dma_wait3A_421 = arith.constant 3 : i32
      %dma_wait3A_422 = arith.constant 0 : i32
      %dma_wait3A_423 = arith.constant 0 : i32
      %dma_wait3A_424 = tpu.memref_slice %arg6[%dma_wait3A_421, %dma_wait3A_422, %dma_wait3A_423] : memref<4x64x128xf32, #tpu.memory_space<vmem>> -> memref<1x64x128xf32, #tpu.memory_space<vmem>>
      %dma_wait3A_425 = tpu.memref_squeeze %dma_wait3A_424 : memref<1x64x128xf32, #tpu.memory_space<vmem>> -> memref<64x128xf32, #tpu.memory_space<vmem>>
      %dma_wait3A_426 = arith.constant 0 : i32
      %dma_wait3A_427 = tpu.memref_slice %arg5[%dma_wait3A_419, %dma_wait3A_420, %dma_wait3A_426] : memref<8x2x64xi32, #tpu.memory_space<vmem>> -> memref<1x1x64xi32, #tpu.memory_space<vmem>>
      %dma_wait3A_428 = tpu.memref_squeeze %dma_wait3A_427 : memref<1x1x64xi32, #tpu.memory_space<vmem>> -> memref<64xi32, #tpu.memory_space<vmem>>
      %dma_wait3A_429 = arith.constant 0 : i32
      %dma_wait3A_430 = arith.constant 0 : i32
      %dma_wait3A_431 = tpu.memref_slice %arg2[%dma_wait3A_429, %dma_wait3A_430] : memref<10000x128xf32, #tpu.memory_space<hbm>> -> memref<10000x128xf32, #tpu.memory_space<hbm>>
      tpu.wait_indirect_dma semaphore(%arg12 : memref<!tpu.dma_semaphore, #tpu.memory_space<semaphore_mem>>) src(%dma_wait3A_431 : memref<10000x128xf32, #tpu.memory_space<hbm>>) dst(%dma_wait3A_425 : memref<64x128xf32, #tpu.memory_space<vmem>>)
      %dma_start3A_432 = arith.constant 3 : i32
      %dma_start3A_433 = arith.constant 3 : i32
      %dma_start3A_434 = arith.constant 1 : i32
      %dma_start3A_435 = arith.constant 0 : i32
      %dma_start3A_436 = arith.constant 0 : i32
      %dma_start3A_437 = tpu.memref_slice %arg6[%dma_start3A_432, %dma_start3A_435, %dma_start3A_436] : memref<4x64x128xf32, #tpu.memory_space<vmem>> -> memref<1x64x128xf32, #tpu.memory_space<vmem>>
      %dma_start3A_438 = tpu.memref_squeeze %dma_start3A_437 : memref<1x64x128xf32, #tpu.memory_space<vmem>> -> memref<64x128xf32, #tpu.memory_space<vmem>>
      %dma_start3A_439 = arith.constant 0 : i32
      %dma_start3A_440 = tpu.memref_slice %arg5[%dma_start3A_433, %dma_start3A_434, %dma_start3A_439] : memref<8x2x64xi32, #tpu.memory_space<vmem>> -> memref<1x1x64xi32, #tpu.memory_space<vmem>>
      %dma_start3A_441 = tpu.memref_squeeze %dma_start3A_440 : memref<1x1x64xi32, #tpu.memory_space<vmem>> -> memref<64xi32, #tpu.memory_space<vmem>>
      %dma_start3A_442 = arith.constant 0 : i32
      %dma_start3A_443 = arith.constant 0 : i32
      %dma_start3A_444 = tpu.memref_slice %arg8[%dma_start3A_442, %dma_start3A_443] : memref<10112x128xf32, #tpu.memory_space<vmem_shared>> -> memref<10112x128xf32, #tpu.memory_space<vmem_shared>>
      tpu.enqueue_indirect_dma source(%dma_start3A_438 : memref<64x128xf32, #tpu.memory_space<vmem>>) target(%dma_start3A_444 : memref<10112x128xf32, #tpu.memory_space<vmem_shared>>) offsets(%dma_start3A_441 : memref<64xi32, #tpu.memory_space<vmem>>) semaphore(%arg16 : memref<!tpu.dma_semaphore, #tpu.memory_space<semaphore_mem>>) {add = true}
      %add3A_445 = arith.constant 4 : i32
      %add3A_446 = arith.addi %add3A_260, %add3A_445 : i32
      %ge3A_447 = arith.constant 1 : i32
      %ge3A_448 = arith.cmpi sge, %add3A_446, %ge3A_447 : i32
      %convert_element_type3A_449 = arith.extui %ge3A_448 : i1 to i32
      %cond3A_450 = arith.constant 0 : i32
      %cond3A_451 = arith.cmpi ne, %convert_element_type3A_449, %cond3A_450 : i32
      scf.if %cond3A_451 {
        %dma_wait3A_633 = arith.constant 3 : i32
        %dma_wait3A_634 = arith.constant 3 : i32
        %dma_wait3A_635 = arith.constant 1 : i32
        %dma_wait3A_636 = arith.constant 0 : i32
        %dma_wait3A_637 = arith.constant 0 : i32
        %dma_wait3A_638 = tpu.memref_slice %arg6[%dma_wait3A_633, %dma_wait3A_636, %dma_wait3A_637] : memref<4x64x128xf32, #tpu.memory_space<vmem>> -> memref<1x64x128xf32, #tpu.memory_space<vmem>>
        %dma_wait3A_639 = tpu.memref_squeeze %dma_wait3A_638 : memref<1x64x128xf32, #tpu.memory_space<vmem>> -> memref<64x128xf32, #tpu.memory_space<vmem>>
        %dma_wait3A_640 = arith.constant 0 : i32
        %dma_wait3A_641 = tpu.memref_slice %arg5[%dma_wait3A_634, %dma_wait3A_635, %dma_wait3A_640] : memref<8x2x64xi32, #tpu.memory_space<vmem>> -> memref<1x1x64xi32, #tpu.memory_space<vmem>>
        %dma_wait3A_642 = tpu.memref_squeeze %dma_wait3A_641 : memref<1x1x64xi32, #tpu.memory_space<vmem>> -> memref<64xi32, #tpu.memory_space<vmem>>
        %dma_wait3A_643 = arith.constant 0 : i32
        %dma_wait3A_644 = arith.constant 0 : i32
        %dma_wait3A_645 = tpu.memref_slice %arg8[%dma_wait3A_643, %dma_wait3A_644] : memref<10112x128xf32, #tpu.memory_space<vmem_shared>> -> memref<10112x128xf32, #tpu.memory_space<vmem_shared>>
        tpu.wait_indirect_dma semaphore(%arg16 : memref<!tpu.dma_semaphore, #tpu.memory_space<semaphore_mem>>) src(%dma_wait3A_639 : memref<64x128xf32, #tpu.memory_space<vmem>>) dst(%dma_wait3A_645 : memref<10112x128xf32, #tpu.memory_space<vmem_shared>>)
      } else {
      }
      %add3A_452 = arith.constant 7 : i32
      %add3A_453 = arith.addi %add3A_446, %add3A_452 : i32
      %lt3A_454 = arith.constant 160 : i32
      %lt3A_455 = arith.cmpi slt, %add3A_453, %lt3A_454 : i32
      %convert_element_type3A_456 = arith.extui %lt3A_455 : i1 to i32
      %cond3A_457 = arith.constant 0 : i32
      %cond3A_458 = arith.cmpi ne, %convert_element_type3A_456, %cond3A_457 : i32
      scf.if %cond3A_458 {
        %add3A_633 = arith.constant 7 : i32
        %add3A_634 = arith.addi %add3A_446, %add3A_633 : i32
        %dma_start3A_635 = arith.constant 3 : i32
        %dma_start3A_636 = arith.constant 0 : i32
        %dma_start3A_637 = arith.constant 0 : i32
        %dma_start3A_638 = tpu.memref_slice %arg5[%dma_start3A_635, %dma_start3A_636, %dma_start3A_637] : memref<8x2x64xi32, #tpu.memory_space<vmem>> -> memref<1x2x64xi32, #tpu.memory_space<vmem>>
        %dma_start3A_639 = tpu.memref_squeeze %dma_start3A_638 : memref<1x2x64xi32, #tpu.memory_space<vmem>> -> memref<2x64xi32, #tpu.memory_space<vmem>>
        %dma_start3A_640 = arith.constant 0 : i32
        %dma_start3A_641 = arith.constant 0 : i32
        %dma_start3A_642 = tpu.memref_slice %arg3[%add3A, %add3A_634, %dma_start3A_640, %dma_start3A_641] : memref<32x160x2x64xi32, #tpu.memory_space<hbm>> -> memref<1x1x2x64xi32, #tpu.memory_space<hbm>>
        %dma_start3A_643 = tpu.memref_squeeze %dma_start3A_642 : memref<1x1x2x64xi32, #tpu.memory_space<hbm>> -> memref<2x64xi32, #tpu.memory_space<hbm>>
        %dma_start3A_644 = arith.constant 0 : i32
        %dma_start3A_645 = arith.constant 0 : i32
        %dma_start3A_646 = tpu.memref_slice %arg5[%dma_start3A_635, %dma_start3A_644, %dma_start3A_645] : memref<8x2x64xi32, #tpu.memory_space<vmem>> -> memref<1x2x64xi32, #tpu.memory_space<vmem>>
        %dma_start3A_647 = tpu.memref_squeeze %dma_start3A_646 : memref<1x2x64xi32, #tpu.memory_space<vmem>> -> memref<2x64xi32, #tpu.memory_space<vmem>>
        %dma_start3A_648 = arith.constant 0 : i32
        %dma_start3A_649 = arith.constant 0 : i32
        %dma_start3A_650 = tpu.memref_slice %arg3[%add3A, %add3A_634, %dma_start3A_648, %dma_start3A_649] : memref<32x160x2x64xi32, #tpu.memory_space<hbm>> -> memref<1x1x2x64xi32, #tpu.memory_space<hbm>>
        %dma_start3A_651 = tpu.memref_squeeze %dma_start3A_650 : memref<1x1x2x64xi32, #tpu.memory_space<hbm>> -> memref<2x64xi32, #tpu.memory_space<hbm>>
        tpu.enqueue_dma source(%dma_start3A_651 : memref<2x64xi32, #tpu.memory_space<hbm>>) target(%dma_start3A_647 : memref<2x64xi32, #tpu.memory_space<vmem>>) target_semaphore(%arg20 : memref<!tpu.dma_semaphore, #tpu.memory_space<semaphore_mem>>)
      } else {
      }
      %add3A_459 = arith.constant 3 : i32
      %add3A_460 = arith.addi %add3A_446, %add3A_459 : i32
      %lt3A_461 = arith.constant 160 : i32
      %lt3A_462 = arith.cmpi slt, %add3A_460, %lt3A_461 : i32
      %convert_element_type3A_463 = arith.extui %lt3A_462 : i1 to i32
      %cond3A_464 = arith.constant 0 : i32
      %cond3A_465 = arith.cmpi ne, %convert_element_type3A_463, %cond3A_464 : i32
      scf.if %cond3A_465 {
        %add3A_633 = arith.constant 3 : i32
        %add3A_634 = arith.addi %add3A_446, %add3A_633 : i32
        %dma_wait3A_635 = arith.constant 7 : i32
        %dma_wait3A_636 = arith.constant 0 : i32
        %dma_wait3A_637 = arith.constant 0 : i32
        %dma_wait3A_638 = tpu.memref_slice %arg5[%dma_wait3A_635, %dma_wait3A_636, %dma_wait3A_637] : memref<8x2x64xi32, #tpu.memory_space<vmem>> -> memref<1x2x64xi32, #tpu.memory_space<vmem>>
        %dma_wait3A_639 = tpu.memref_squeeze %dma_wait3A_638 : memref<1x2x64xi32, #tpu.memory_space<vmem>> -> memref<2x64xi32, #tpu.memory_space<vmem>>
        %dma_wait3A_640 = arith.constant 0 : i32
        %dma_wait3A_641 = arith.constant 0 : i32
        %dma_wait3A_642 = tpu.memref_slice %arg3[%add3A, %add3A_634, %dma_wait3A_640, %dma_wait3A_641] : memref<32x160x2x64xi32, #tpu.memory_space<hbm>> -> memref<1x1x2x64xi32, #tpu.memory_space<hbm>>
        %dma_wait3A_643 = tpu.memref_squeeze %dma_wait3A_642 : memref<1x1x2x64xi32, #tpu.memory_space<hbm>> -> memref<2x64xi32, #tpu.memory_space<hbm>>
        %dma_wait3A_644 = arith.constant 0 : i32
        %dma_wait3A_645 = arith.constant 0 : i32
        %dma_wait3A_646 = tpu.memref_slice %arg5[%dma_wait3A_635, %dma_wait3A_644, %dma_wait3A_645] : memref<8x2x64xi32, #tpu.memory_space<vmem>> -> memref<1x2x64xi32, #tpu.memory_space<vmem>>
        %dma_wait3A_647 = tpu.memref_squeeze %dma_wait3A_646 : memref<1x2x64xi32, #tpu.memory_space<vmem>> -> memref<2x64xi32, #tpu.memory_space<vmem>>
        %dma_wait3A_648 = arith.constant 0 : i32
        %dma_wait3A_649 = arith.constant 0 : i32
        %dma_wait3A_650 = tpu.memref_slice %arg3[%add3A, %add3A_634, %dma_wait3A_648, %dma_wait3A_649] : memref<32x160x2x64xi32, #tpu.memory_space<hbm>> -> memref<1x1x2x64xi32, #tpu.memory_space<hbm>>
        %dma_wait3A_651 = tpu.memref_squeeze %dma_wait3A_650 : memref<1x1x2x64xi32, #tpu.memory_space<hbm>> -> memref<2x64xi32, #tpu.memory_space<hbm>>
        tpu.wait_dma2 semaphore(%arg24 : memref<!tpu.dma_semaphore, #tpu.memory_space<semaphore_mem>>) src(%dma_wait3A_651 : memref<2x64xi32, #tpu.memory_space<hbm>>) dst(%dma_wait3A_647 : memref<2x64xi32, #tpu.memory_space<vmem>>)
        %dma_start3A_652 = arith.constant 7 : i32
        %dma_start3A_653 = arith.constant 0 : i32
        %dma_start3A_654 = arith.constant 3 : i32
        %dma_start3A_655 = arith.constant 0 : i32
        %dma_start3A_656 = arith.constant 0 : i32
        %dma_start3A_657 = tpu.memref_slice %arg6[%dma_start3A_654, %dma_start3A_655, %dma_start3A_656] : memref<4x64x128xf32, #tpu.memory_space<vmem>> -> memref<1x64x128xf32, #tpu.memory_space<vmem>>
        %dma_start3A_658 = tpu.memref_squeeze %dma_start3A_657 : memref<1x64x128xf32, #tpu.memory_space<vmem>> -> memref<64x128xf32, #tpu.memory_space<vmem>>
        %dma_start3A_659 = arith.constant 0 : i32
        %dma_start3A_660 = tpu.memref_slice %arg5[%dma_start3A_652, %dma_start3A_653, %dma_start3A_659] : memref<8x2x64xi32, #tpu.memory_space<vmem>> -> memref<1x1x64xi32, #tpu.memory_space<vmem>>
        %dma_start3A_661 = tpu.memref_squeeze %dma_start3A_660 : memref<1x1x64xi32, #tpu.memory_space<vmem>> -> memref<64xi32, #tpu.memory_space<vmem>>
        %dma_start3A_662 = arith.constant 0 : i32
        %dma_start3A_663 = arith.constant 0 : i32
        %dma_start3A_664 = tpu.memref_slice %arg2[%dma_start3A_662, %dma_start3A_663] : memref<10000x128xf32, #tpu.memory_space<hbm>> -> memref<10000x128xf32, #tpu.memory_space<hbm>>
        tpu.enqueue_indirect_dma source(%dma_start3A_664 : memref<10000x128xf32, #tpu.memory_space<hbm>>) target(%dma_start3A_658 : memref<64x128xf32, #tpu.memory_space<vmem>>) offsets(%dma_start3A_661 : memref<64xi32, #tpu.memory_space<vmem>>) semaphore(%arg12 : memref<!tpu.dma_semaphore, #tpu.memory_space<semaphore_mem>>)
      } else {
      }
      %dma_wait3A_466 = arith.constant 4 : i32
      %dma_wait3A_467 = arith.constant 0 : i32
      %dma_wait3A_468 = arith.constant 0 : i32
      %dma_wait3A_469 = arith.constant 0 : i32
      %dma_wait3A_470 = arith.constant 0 : i32
      %dma_wait3A_471 = tpu.memref_slice %arg6[%dma_wait3A_468, %dma_wait3A_469, %dma_wait3A_470] : memref<4x64x128xf32, #tpu.memory_space<vmem>> -> memref<1x64x128xf32, #tpu.memory_space<vmem>>
      %dma_wait3A_472 = tpu.memref_squeeze %dma_wait3A_471 : memref<1x64x128xf32, #tpu.memory_space<vmem>> -> memref<64x128xf32, #tpu.memory_space<vmem>>
      %dma_wait3A_473 = arith.constant 0 : i32
      %dma_wait3A_474 = tpu.memref_slice %arg5[%dma_wait3A_466, %dma_wait3A_467, %dma_wait3A_473] : memref<8x2x64xi32, #tpu.memory_space<vmem>> -> memref<1x1x64xi32, #tpu.memory_space<vmem>>
      %dma_wait3A_475 = tpu.memref_squeeze %dma_wait3A_474 : memref<1x1x64xi32, #tpu.memory_space<vmem>> -> memref<64xi32, #tpu.memory_space<vmem>>
      %dma_wait3A_476 = arith.constant 0 : i32
      %dma_wait3A_477 = arith.constant 0 : i32
      %dma_wait3A_478 = tpu.memref_slice %arg2[%dma_wait3A_476, %dma_wait3A_477] : memref<10000x128xf32, #tpu.memory_space<hbm>> -> memref<10000x128xf32, #tpu.memory_space<hbm>>
      tpu.wait_indirect_dma semaphore(%arg9 : memref<!tpu.dma_semaphore, #tpu.memory_space<semaphore_mem>>) src(%dma_wait3A_478 : memref<10000x128xf32, #tpu.memory_space<hbm>>) dst(%dma_wait3A_472 : memref<64x128xf32, #tpu.memory_space<vmem>>)
      %dma_start3A_479 = arith.constant 0 : i32
      %dma_start3A_480 = arith.constant 4 : i32
      %dma_start3A_481 = arith.constant 1 : i32
      %dma_start3A_482 = arith.constant 0 : i32
      %dma_start3A_483 = arith.constant 0 : i32
      %dma_start3A_484 = tpu.memref_slice %arg6[%dma_start3A_479, %dma_start3A_482, %dma_start3A_483] : memref<4x64x128xf32, #tpu.memory_space<vmem>> -> memref<1x64x128xf32, #tpu.memory_space<vmem>>
      %dma_start3A_485 = tpu.memref_squeeze %dma_start3A_484 : memref<1x64x128xf32, #tpu.memory_space<vmem>> -> memref<64x128xf32, #tpu.memory_space<vmem>>
      %dma_start3A_486 = arith.constant 0 : i32
      %dma_start3A_487 = tpu.memref_slice %arg5[%dma_start3A_480, %dma_start3A_481, %dma_start3A_486] : memref<8x2x64xi32, #tpu.memory_space<vmem>> -> memref<1x1x64xi32, #tpu.memory_space<vmem>>
      %dma_start3A_488 = tpu.memref_squeeze %dma_start3A_487 : memref<1x1x64xi32, #tpu.memory_space<vmem>> -> memref<64xi32, #tpu.memory_space<vmem>>
      %dma_start3A_489 = arith.constant 0 : i32
      %dma_start3A_490 = arith.constant 0 : i32
      %dma_start3A_491 = tpu.memref_slice %arg8[%dma_start3A_489, %dma_start3A_490] : memref<10112x128xf32, #tpu.memory_space<vmem_shared>> -> memref<10112x128xf32, #tpu.memory_space<vmem_shared>>
      tpu.enqueue_indirect_dma source(%dma_start3A_485 : memref<64x128xf32, #tpu.memory_space<vmem>>) target(%dma_start3A_491 : memref<10112x128xf32, #tpu.memory_space<vmem_shared>>) offsets(%dma_start3A_488 : memref<64xi32, #tpu.memory_space<vmem>>) semaphore(%arg13 : memref<!tpu.dma_semaphore, #tpu.memory_space<semaphore_mem>>) {add = true}
      %add3A_492 = arith.constant 5 : i32
      %add3A_493 = arith.addi %add3A_260, %add3A_492 : i32
      %ge3A_494 = arith.constant 1 : i32
      %ge3A_495 = arith.cmpi sge, %add3A_493, %ge3A_494 : i32
      %convert_element_type3A_496 = arith.extui %ge3A_495 : i1 to i32
      %cond3A_497 = arith.constant 0 : i32
      %cond3A_498 = arith.cmpi ne, %convert_element_type3A_496, %cond3A_497 : i32
      scf.if %cond3A_498 {
        %dma_wait3A_633 = arith.constant 0 : i32
        %dma_wait3A_634 = arith.constant 4 : i32
        %dma_wait3A_635 = arith.constant 1 : i32
        %dma_wait3A_636 = arith.constant 0 : i32
        %dma_wait3A_637 = arith.constant 0 : i32
        %dma_wait3A_638 = tpu.memref_slice %arg6[%dma_wait3A_633, %dma_wait3A_636, %dma_wait3A_637] : memref<4x64x128xf32, #tpu.memory_space<vmem>> -> memref<1x64x128xf32, #tpu.memory_space<vmem>>
        %dma_wait3A_639 = tpu.memref_squeeze %dma_wait3A_638 : memref<1x64x128xf32, #tpu.memory_space<vmem>> -> memref<64x128xf32, #tpu.memory_space<vmem>>
        %dma_wait3A_640 = arith.constant 0 : i32
        %dma_wait3A_641 = tpu.memref_slice %arg5[%dma_wait3A_634, %dma_wait3A_635, %dma_wait3A_640] : memref<8x2x64xi32, #tpu.memory_space<vmem>> -> memref<1x1x64xi32, #tpu.memory_space<vmem>>
        %dma_wait3A_642 = tpu.memref_squeeze %dma_wait3A_641 : memref<1x1x64xi32, #tpu.memory_space<vmem>> -> memref<64xi32, #tpu.memory_space<vmem>>
        %dma_wait3A_643 = arith.constant 0 : i32
        %dma_wait3A_644 = arith.constant 0 : i32
        %dma_wait3A_645 = tpu.memref_slice %arg8[%dma_wait3A_643, %dma_wait3A_644] : memref<10112x128xf32, #tpu.memory_space<vmem_shared>> -> memref<10112x128xf32, #tpu.memory_space<vmem_shared>>
        tpu.wait_indirect_dma semaphore(%arg13 : memref<!tpu.dma_semaphore, #tpu.memory_space<semaphore_mem>>) src(%dma_wait3A_639 : memref<64x128xf32, #tpu.memory_space<vmem>>) dst(%dma_wait3A_645 : memref<10112x128xf32, #tpu.memory_space<vmem_shared>>)
      } else {
      }
      %add3A_499 = arith.constant 7 : i32
      %add3A_500 = arith.addi %add3A_493, %add3A_499 : i32
      %lt3A_501 = arith.constant 160 : i32
      %lt3A_502 = arith.cmpi slt, %add3A_500, %lt3A_501 : i32
      %convert_element_type3A_503 = arith.extui %lt3A_502 : i1 to i32
      %cond3A_504 = arith.constant 0 : i32
      %cond3A_505 = arith.cmpi ne, %convert_element_type3A_503, %cond3A_504 : i32
      scf.if %cond3A_505 {
        %add3A_633 = arith.constant 7 : i32
        %add3A_634 = arith.addi %add3A_493, %add3A_633 : i32
        %dma_start3A_635 = arith.constant 4 : i32
        %dma_start3A_636 = arith.constant 0 : i32
        %dma_start3A_637 = arith.constant 0 : i32
        %dma_start3A_638 = tpu.memref_slice %arg5[%dma_start3A_635, %dma_start3A_636, %dma_start3A_637] : memref<8x2x64xi32, #tpu.memory_space<vmem>> -> memref<1x2x64xi32, #tpu.memory_space<vmem>>
        %dma_start3A_639 = tpu.memref_squeeze %dma_start3A_638 : memref<1x2x64xi32, #tpu.memory_space<vmem>> -> memref<2x64xi32, #tpu.memory_space<vmem>>
        %dma_start3A_640 = arith.constant 0 : i32
        %dma_start3A_641 = arith.constant 0 : i32
        %dma_start3A_642 = tpu.memref_slice %arg3[%add3A, %add3A_634, %dma_start3A_640, %dma_start3A_641] : memref<32x160x2x64xi32, #tpu.memory_space<hbm>> -> memref<1x1x2x64xi32, #tpu.memory_space<hbm>>
        %dma_start3A_643 = tpu.memref_squeeze %dma_start3A_642 : memref<1x1x2x64xi32, #tpu.memory_space<hbm>> -> memref<2x64xi32, #tpu.memory_space<hbm>>
        %dma_start3A_644 = arith.constant 0 : i32
        %dma_start3A_645 = arith.constant 0 : i32
        %dma_start3A_646 = tpu.memref_slice %arg5[%dma_start3A_635, %dma_start3A_644, %dma_start3A_645] : memref<8x2x64xi32, #tpu.memory_space<vmem>> -> memref<1x2x64xi32, #tpu.memory_space<vmem>>
        %dma_start3A_647 = tpu.memref_squeeze %dma_start3A_646 : memref<1x2x64xi32, #tpu.memory_space<vmem>> -> memref<2x64xi32, #tpu.memory_space<vmem>>
        %dma_start3A_648 = arith.constant 0 : i32
        %dma_start3A_649 = arith.constant 0 : i32
        %dma_start3A_650 = tpu.memref_slice %arg3[%add3A, %add3A_634, %dma_start3A_648, %dma_start3A_649] : memref<32x160x2x64xi32, #tpu.memory_space<hbm>> -> memref<1x1x2x64xi32, #tpu.memory_space<hbm>>
        %dma_start3A_651 = tpu.memref_squeeze %dma_start3A_650 : memref<1x1x2x64xi32, #tpu.memory_space<hbm>> -> memref<2x64xi32, #tpu.memory_space<hbm>>
        tpu.enqueue_dma source(%dma_start3A_651 : memref<2x64xi32, #tpu.memory_space<hbm>>) target(%dma_start3A_647 : memref<2x64xi32, #tpu.memory_space<vmem>>) target_semaphore(%arg21 : memref<!tpu.dma_semaphore, #tpu.memory_space<semaphore_mem>>)
      } else {
      }
      %add3A_506 = arith.constant 3 : i32
      %add3A_507 = arith.addi %add3A_493, %add3A_506 : i32
      %lt3A_508 = arith.constant 160 : i32
      %lt3A_509 = arith.cmpi slt, %add3A_507, %lt3A_508 : i32
      %convert_element_type3A_510 = arith.extui %lt3A_509 : i1 to i32
      %cond3A_511 = arith.constant 0 : i32
      %cond3A_512 = arith.cmpi ne, %convert_element_type3A_510, %cond3A_511 : i32
      scf.if %cond3A_512 {
        %add3A_633 = arith.constant 3 : i32
        %add3A_634 = arith.addi %add3A_493, %add3A_633 : i32
        %dma_wait3A_635 = arith.constant 0 : i32
        %dma_wait3A_636 = arith.constant 0 : i32
        %dma_wait3A_637 = arith.constant 0 : i32
        %dma_wait3A_638 = tpu.memref_slice %arg5[%dma_wait3A_635, %dma_wait3A_636, %dma_wait3A_637] : memref<8x2x64xi32, #tpu.memory_space<vmem>> -> memref<1x2x64xi32, #tpu.memory_space<vmem>>
        %dma_wait3A_639 = tpu.memref_squeeze %dma_wait3A_638 : memref<1x2x64xi32, #tpu.memory_space<vmem>> -> memref<2x64xi32, #tpu.memory_space<vmem>>
        %dma_wait3A_640 = arith.constant 0 : i32
        %dma_wait3A_641 = arith.constant 0 : i32
        %dma_wait3A_642 = tpu.memref_slice %arg3[%add3A, %add3A_634, %dma_wait3A_640, %dma_wait3A_641] : memref<32x160x2x64xi32, #tpu.memory_space<hbm>> -> memref<1x1x2x64xi32, #tpu.memory_space<hbm>>
        %dma_wait3A_643 = tpu.memref_squeeze %dma_wait3A_642 : memref<1x1x2x64xi32, #tpu.memory_space<hbm>> -> memref<2x64xi32, #tpu.memory_space<hbm>>
        %dma_wait3A_644 = arith.constant 0 : i32
        %dma_wait3A_645 = arith.constant 0 : i32
        %dma_wait3A_646 = tpu.memref_slice %arg5[%dma_wait3A_635, %dma_wait3A_644, %dma_wait3A_645] : memref<8x2x64xi32, #tpu.memory_space<vmem>> -> memref<1x2x64xi32, #tpu.memory_space<vmem>>
        %dma_wait3A_647 = tpu.memref_squeeze %dma_wait3A_646 : memref<1x2x64xi32, #tpu.memory_space<vmem>> -> memref<2x64xi32, #tpu.memory_space<vmem>>
        %dma_wait3A_648 = arith.constant 0 : i32
        %dma_wait3A_649 = arith.constant 0 : i32
        %dma_wait3A_650 = tpu.memref_slice %arg3[%add3A, %add3A_634, %dma_wait3A_648, %dma_wait3A_649] : memref<32x160x2x64xi32, #tpu.memory_space<hbm>> -> memref<1x1x2x64xi32, #tpu.memory_space<hbm>>
        %dma_wait3A_651 = tpu.memref_squeeze %dma_wait3A_650 : memref<1x1x2x64xi32, #tpu.memory_space<hbm>> -> memref<2x64xi32, #tpu.memory_space<hbm>>
        tpu.wait_dma2 semaphore(%arg17 : memref<!tpu.dma_semaphore, #tpu.memory_space<semaphore_mem>>) src(%dma_wait3A_651 : memref<2x64xi32, #tpu.memory_space<hbm>>) dst(%dma_wait3A_647 : memref<2x64xi32, #tpu.memory_space<vmem>>)
        %dma_start3A_652 = arith.constant 0 : i32
        %dma_start3A_653 = arith.constant 0 : i32
        %dma_start3A_654 = arith.constant 0 : i32
        %dma_start3A_655 = arith.constant 0 : i32
        %dma_start3A_656 = arith.constant 0 : i32
        %dma_start3A_657 = tpu.memref_slice %arg6[%dma_start3A_654, %dma_start3A_655, %dma_start3A_656] : memref<4x64x128xf32, #tpu.memory_space<vmem>> -> memref<1x64x128xf32, #tpu.memory_space<vmem>>
        %dma_start3A_658 = tpu.memref_squeeze %dma_start3A_657 : memref<1x64x128xf32, #tpu.memory_space<vmem>> -> memref<64x128xf32, #tpu.memory_space<vmem>>
        %dma_start3A_659 = arith.constant 0 : i32
        %dma_start3A_660 = tpu.memref_slice %arg5[%dma_start3A_652, %dma_start3A_653, %dma_start3A_659] : memref<8x2x64xi32, #tpu.memory_space<vmem>> -> memref<1x1x64xi32, #tpu.memory_space<vmem>>
        %dma_start3A_661 = tpu.memref_squeeze %dma_start3A_660 : memref<1x1x64xi32, #tpu.memory_space<vmem>> -> memref<64xi32, #tpu.memory_space<vmem>>
        %dma_start3A_662 = arith.constant 0 : i32
        %dma_start3A_663 = arith.constant 0 : i32
        %dma_start3A_664 = tpu.memref_slice %arg2[%dma_start3A_662, %dma_start3A_663] : memref<10000x128xf32, #tpu.memory_space<hbm>> -> memref<10000x128xf32, #tpu.memory_space<hbm>>
        tpu.enqueue_indirect_dma source(%dma_start3A_664 : memref<10000x128xf32, #tpu.memory_space<hbm>>) target(%dma_start3A_658 : memref<64x128xf32, #tpu.memory_space<vmem>>) offsets(%dma_start3A_661 : memref<64xi32, #tpu.memory_space<vmem>>) semaphore(%arg9 : memref<!tpu.dma_semaphore, #tpu.memory_space<semaphore_mem>>)
      } else {
      }
      %dma_wait3A_513 = arith.constant 5 : i32
      %dma_wait3A_514 = arith.constant 0 : i32
      %dma_wait3A_515 = arith.constant 1 : i32
      %dma_wait3A_516 = arith.constant 0 : i32
      %dma_wait3A_517 = arith.constant 0 : i32
      %dma_wait3A_518 = tpu.memref_slice %arg6[%dma_wait3A_515, %dma_wait3A_516, %dma_wait3A_517] : memref<4x64x128xf32, #tpu.memory_space<vmem>> -> memref<1x64x128xf32, #tpu.memory_space<vmem>>
      %dma_wait3A_519 = tpu.memref_squeeze %dma_wait3A_518 : memref<1x64x128xf32, #tpu.memory_space<vmem>> -> memref<64x128xf32, #tpu.memory_space<vmem>>
      %dma_wait3A_520 = arith.constant 0 : i32
      %dma_wait3A_521 = tpu.memref_slice %arg5[%dma_wait3A_513, %dma_wait3A_514, %dma_wait3A_520] : memref<8x2x64xi32, #tpu.memory_space<vmem>> -> memref<1x1x64xi32, #tpu.memory_space<vmem>>
      %dma_wait3A_522 = tpu.memref_squeeze %dma_wait3A_521 : memref<1x1x64xi32, #tpu.memory_space<vmem>> -> memref<64xi32, #tpu.memory_space<vmem>>
      %dma_wait3A_523 = arith.constant 0 : i32
      %dma_wait3A_524 = arith.constant 0 : i32
      %dma_wait3A_525 = tpu.memref_slice %arg2[%dma_wait3A_523, %dma_wait3A_524] : memref<10000x128xf32, #tpu.memory_space<hbm>> -> memref<10000x128xf32, #tpu.memory_space<hbm>>
      tpu.wait_indirect_dma semaphore(%arg10 : memref<!tpu.dma_semaphore, #tpu.memory_space<semaphore_mem>>) src(%dma_wait3A_525 : memref<10000x128xf32, #tpu.memory_space<hbm>>) dst(%dma_wait3A_519 : memref<64x128xf32, #tpu.memory_space<vmem>>)
      %dma_start3A_526 = arith.constant 1 : i32
      %dma_start3A_527 = arith.constant 5 : i32
      %dma_start3A_528 = arith.constant 1 : i32
      %dma_start3A_529 = arith.constant 0 : i32
      %dma_start3A_530 = arith.constant 0 : i32
      %dma_start3A_531 = tpu.memref_slice %arg6[%dma_start3A_526, %dma_start3A_529, %dma_start3A_530] : memref<4x64x128xf32, #tpu.memory_space<vmem>> -> memref<1x64x128xf32, #tpu.memory_space<vmem>>
      %dma_start3A_532 = tpu.memref_squeeze %dma_start3A_531 : memref<1x64x128xf32, #tpu.memory_space<vmem>> -> memref<64x128xf32, #tpu.memory_space<vmem>>
      %dma_start3A_533 = arith.constant 0 : i32
      %dma_start3A_534 = tpu.memref_slice %arg5[%dma_start3A_527, %dma_start3A_528, %dma_start3A_533] : memref<8x2x64xi32, #tpu.memory_space<vmem>> -> memref<1x1x64xi32, #tpu.memory_space<vmem>>
      %dma_start3A_535 = tpu.memref_squeeze %dma_start3A_534 : memref<1x1x64xi32, #tpu.memory_space<vmem>> -> memref<64xi32, #tpu.memory_space<vmem>>
      %dma_start3A_536 = arith.constant 0 : i32
      %dma_start3A_537 = arith.constant 0 : i32
      %dma_start3A_538 = tpu.memref_slice %arg8[%dma_start3A_536, %dma_start3A_537] : memref<10112x128xf32, #tpu.memory_space<vmem_shared>> -> memref<10112x128xf32, #tpu.memory_space<vmem_shared>>
      tpu.enqueue_indirect_dma source(%dma_start3A_532 : memref<64x128xf32, #tpu.memory_space<vmem>>) target(%dma_start3A_538 : memref<10112x128xf32, #tpu.memory_space<vmem_shared>>) offsets(%dma_start3A_535 : memref<64xi32, #tpu.memory_space<vmem>>) semaphore(%arg14 : memref<!tpu.dma_semaphore, #tpu.memory_space<semaphore_mem>>) {add = true}
      %add3A_539 = arith.constant 6 : i32
      %add3A_540 = arith.addi %add3A_260, %add3A_539 : i32
      %ge3A_541 = arith.constant 1 : i32
      %ge3A_542 = arith.cmpi sge, %add3A_540, %ge3A_541 : i32
      %convert_element_type3A_543 = arith.extui %ge3A_542 : i1 to i32
      %cond3A_544 = arith.constant 0 : i32
      %cond3A_545 = arith.cmpi ne, %convert_element_type3A_543, %cond3A_544 : i32
      scf.if %cond3A_545 {
        %dma_wait3A_633 = arith.constant 1 : i32
        %dma_wait3A_634 = arith.constant 5 : i32
        %dma_wait3A_635 = arith.constant 1 : i32
        %dma_wait3A_636 = arith.constant 0 : i32
        %dma_wait3A_637 = arith.constant 0 : i32
        %dma_wait3A_638 = tpu.memref_slice %arg6[%dma_wait3A_633, %dma_wait3A_636, %dma_wait3A_637] : memref<4x64x128xf32, #tpu.memory_space<vmem>> -> memref<1x64x128xf32, #tpu.memory_space<vmem>>
        %dma_wait3A_639 = tpu.memref_squeeze %dma_wait3A_638 : memref<1x64x128xf32, #tpu.memory_space<vmem>> -> memref<64x128xf32, #tpu.memory_space<vmem>>
        %dma_wait3A_640 = arith.constant 0 : i32
        %dma_wait3A_641 = tpu.memref_slice %arg5[%dma_wait3A_634, %dma_wait3A_635, %dma_wait3A_640] : memref<8x2x64xi32, #tpu.memory_space<vmem>> -> memref<1x1x64xi32, #tpu.memory_space<vmem>>
        %dma_wait3A_642 = tpu.memref_squeeze %dma_wait3A_641 : memref<1x1x64xi32, #tpu.memory_space<vmem>> -> memref<64xi32, #tpu.memory_space<vmem>>
        %dma_wait3A_643 = arith.constant 0 : i32
        %dma_wait3A_644 = arith.constant 0 : i32
        %dma_wait3A_645 = tpu.memref_slice %arg8[%dma_wait3A_643, %dma_wait3A_644] : memref<10112x128xf32, #tpu.memory_space<vmem_shared>> -> memref<10112x128xf32, #tpu.memory_space<vmem_shared>>
        tpu.wait_indirect_dma semaphore(%arg14 : memref<!tpu.dma_semaphore, #tpu.memory_space<semaphore_mem>>) src(%dma_wait3A_639 : memref<64x128xf32, #tpu.memory_space<vmem>>) dst(%dma_wait3A_645 : memref<10112x128xf32, #tpu.memory_space<vmem_shared>>)
      } else {
      }
      %add3A_546 = arith.constant 7 : i32
      %add3A_547 = arith.addi %add3A_540, %add3A_546 : i32
      %lt3A_548 = arith.constant 160 : i32
      %lt3A_549 = arith.cmpi slt, %add3A_547, %lt3A_548 : i32
      %convert_element_type3A_550 = arith.extui %lt3A_549 : i1 to i32
      %cond3A_551 = arith.constant 0 : i32
      %cond3A_552 = arith.cmpi ne, %convert_element_type3A_550, %cond3A_551 : i32
      scf.if %cond3A_552 {
        %add3A_633 = arith.constant 7 : i32
        %add3A_634 = arith.addi %add3A_540, %add3A_633 : i32
        %dma_start3A_635 = arith.constant 5 : i32
        %dma_start3A_636 = arith.constant 0 : i32
        %dma_start3A_637 = arith.constant 0 : i32
        %dma_start3A_638 = tpu.memref_slice %arg5[%dma_start3A_635, %dma_start3A_636, %dma_start3A_637] : memref<8x2x64xi32, #tpu.memory_space<vmem>> -> memref<1x2x64xi32, #tpu.memory_space<vmem>>
        %dma_start3A_639 = tpu.memref_squeeze %dma_start3A_638 : memref<1x2x64xi32, #tpu.memory_space<vmem>> -> memref<2x64xi32, #tpu.memory_space<vmem>>
        %dma_start3A_640 = arith.constant 0 : i32
        %dma_start3A_641 = arith.constant 0 : i32
        %dma_start3A_642 = tpu.memref_slice %arg3[%add3A, %add3A_634, %dma_start3A_640, %dma_start3A_641] : memref<32x160x2x64xi32, #tpu.memory_space<hbm>> -> memref<1x1x2x64xi32, #tpu.memory_space<hbm>>
        %dma_start3A_643 = tpu.memref_squeeze %dma_start3A_642 : memref<1x1x2x64xi32, #tpu.memory_space<hbm>> -> memref<2x64xi32, #tpu.memory_space<hbm>>
        %dma_start3A_644 = arith.constant 0 : i32
        %dma_start3A_645 = arith.constant 0 : i32
        %dma_start3A_646 = tpu.memref_slice %arg5[%dma_start3A_635, %dma_start3A_644, %dma_start3A_645] : memref<8x2x64xi32, #tpu.memory_space<vmem>> -> memref<1x2x64xi32, #tpu.memory_space<vmem>>
        %dma_start3A_647 = tpu.memref_squeeze %dma_start3A_646 : memref<1x2x64xi32, #tpu.memory_space<vmem>> -> memref<2x64xi32, #tpu.memory_space<vmem>>
        %dma_start3A_648 = arith.constant 0 : i32
        %dma_start3A_649 = arith.constant 0 : i32
        %dma_start3A_650 = tpu.memref_slice %arg3[%add3A, %add3A_634, %dma_start3A_648, %dma_start3A_649] : memref<32x160x2x64xi32, #tpu.memory_space<hbm>> -> memref<1x1x2x64xi32, #tpu.memory_space<hbm>>
        %dma_start3A_651 = tpu.memref_squeeze %dma_start3A_650 : memref<1x1x2x64xi32, #tpu.memory_space<hbm>> -> memref<2x64xi32, #tpu.memory_space<hbm>>
        tpu.enqueue_dma source(%dma_start3A_651 : memref<2x64xi32, #tpu.memory_space<hbm>>) target(%dma_start3A_647 : memref<2x64xi32, #tpu.memory_space<vmem>>) target_semaphore(%arg22 : memref<!tpu.dma_semaphore, #tpu.memory_space<semaphore_mem>>)
      } else {
      }
      %add3A_553 = arith.constant 3 : i32
      %add3A_554 = arith.addi %add3A_540, %add3A_553 : i32
      %lt3A_555 = arith.constant 160 : i32
      %lt3A_556 = arith.cmpi slt, %add3A_554, %lt3A_555 : i32
      %convert_element_type3A_557 = arith.extui %lt3A_556 : i1 to i32
      %cond3A_558 = arith.constant 0 : i32
      %cond3A_559 = arith.cmpi ne, %convert_element_type3A_557, %cond3A_558 : i32
      scf.if %cond3A_559 {
        %add3A_633 = arith.constant 3 : i32
        %add3A_634 = arith.addi %add3A_540, %add3A_633 : i32
        %dma_wait3A_635 = arith.constant 1 : i32
        %dma_wait3A_636 = arith.constant 0 : i32
        %dma_wait3A_637 = arith.constant 0 : i32
        %dma_wait3A_638 = tpu.memref_slice %arg5[%dma_wait3A_635, %dma_wait3A_636, %dma_wait3A_637] : memref<8x2x64xi32, #tpu.memory_space<vmem>> -> memref<1x2x64xi32, #tpu.memory_space<vmem>>
        %dma_wait3A_639 = tpu.memref_squeeze %dma_wait3A_638 : memref<1x2x64xi32, #tpu.memory_space<vmem>> -> memref<2x64xi32, #tpu.memory_space<vmem>>
        %dma_wait3A_640 = arith.constant 0 : i32
        %dma_wait3A_641 = arith.constant 0 : i32
        %dma_wait3A_642 = tpu.memref_slice %arg3[%add3A, %add3A_634, %dma_wait3A_640, %dma_wait3A_641] : memref<32x160x2x64xi32, #tpu.memory_space<hbm>> -> memref<1x1x2x64xi32, #tpu.memory_space<hbm>>
        %dma_wait3A_643 = tpu.memref_squeeze %dma_wait3A_642 : memref<1x1x2x64xi32, #tpu.memory_space<hbm>> -> memref<2x64xi32, #tpu.memory_space<hbm>>
        %dma_wait3A_644 = arith.constant 0 : i32
        %dma_wait3A_645 = arith.constant 0 : i32
        %dma_wait3A_646 = tpu.memref_slice %arg5[%dma_wait3A_635, %dma_wait3A_644, %dma_wait3A_645] : memref<8x2x64xi32, #tpu.memory_space<vmem>> -> memref<1x2x64xi32, #tpu.memory_space<vmem>>
        %dma_wait3A_647 = tpu.memref_squeeze %dma_wait3A_646 : memref<1x2x64xi32, #tpu.memory_space<vmem>> -> memref<2x64xi32, #tpu.memory_space<vmem>>
        %dma_wait3A_648 = arith.constant 0 : i32
        %dma_wait3A_649 = arith.constant 0 : i32
        %dma_wait3A_650 = tpu.memref_slice %arg3[%add3A, %add3A_634, %dma_wait3A_648, %dma_wait3A_649] : memref<32x160x2x64xi32, #tpu.memory_space<hbm>> -> memref<1x1x2x64xi32, #tpu.memory_space<hbm>>
        %dma_wait3A_651 = tpu.memref_squeeze %dma_wait3A_650 : memref<1x1x2x64xi32, #tpu.memory_space<hbm>> -> memref<2x64xi32, #tpu.memory_space<hbm>>
        tpu.wait_dma2 semaphore(%arg18 : memref<!tpu.dma_semaphore, #tpu.memory_space<semaphore_mem>>) src(%dma_wait3A_651 : memref<2x64xi32, #tpu.memory_space<hbm>>) dst(%dma_wait3A_647 : memref<2x64xi32, #tpu.memory_space<vmem>>)
        %dma_start3A_652 = arith.constant 1 : i32
        %dma_start3A_653 = arith.constant 0 : i32
        %dma_start3A_654 = arith.constant 1 : i32
        %dma_start3A_655 = arith.constant 0 : i32
        %dma_start3A_656 = arith.constant 0 : i32
        %dma_start3A_657 = tpu.memref_slice %arg6[%dma_start3A_654, %dma_start3A_655, %dma_start3A_656] : memref<4x64x128xf32, #tpu.memory_space<vmem>> -> memref<1x64x128xf32, #tpu.memory_space<vmem>>
        %dma_start3A_658 = tpu.memref_squeeze %dma_start3A_657 : memref<1x64x128xf32, #tpu.memory_space<vmem>> -> memref<64x128xf32, #tpu.memory_space<vmem>>
        %dma_start3A_659 = arith.constant 0 : i32
        %dma_start3A_660 = tpu.memref_slice %arg5[%dma_start3A_652, %dma_start3A_653, %dma_start3A_659] : memref<8x2x64xi32, #tpu.memory_space<vmem>> -> memref<1x1x64xi32, #tpu.memory_space<vmem>>
        %dma_start3A_661 = tpu.memref_squeeze %dma_start3A_660 : memref<1x1x64xi32, #tpu.memory_space<vmem>> -> memref<64xi32, #tpu.memory_space<vmem>>
        %dma_start3A_662 = arith.constant 0 : i32
        %dma_start3A_663 = arith.constant 0 : i32
        %dma_start3A_664 = tpu.memref_slice %arg2[%dma_start3A_662, %dma_start3A_663] : memref<10000x128xf32, #tpu.memory_space<hbm>> -> memref<10000x128xf32, #tpu.memory_space<hbm>>
        tpu.enqueue_indirect_dma source(%dma_start3A_664 : memref<10000x128xf32, #tpu.memory_space<hbm>>) target(%dma_start3A_658 : memref<64x128xf32, #tpu.memory_space<vmem>>) offsets(%dma_start3A_661 : memref<64xi32, #tpu.memory_space<vmem>>) semaphore(%arg10 : memref<!tpu.dma_semaphore, #tpu.memory_space<semaphore_mem>>)
      } else {
      }
      %dma_wait3A_560 = arith.constant 6 : i32
      %dma_wait3A_561 = arith.constant 0 : i32
      %dma_wait3A_562 = arith.constant 2 : i32
      %dma_wait3A_563 = arith.constant 0 : i32
      %dma_wait3A_564 = arith.constant 0 : i32
      %dma_wait3A_565 = tpu.memref_slice %arg6[%dma_wait3A_562, %dma_wait3A_563, %dma_wait3A_564] : memref<4x64x128xf32, #tpu.memory_space<vmem>> -> memref<1x64x128xf32, #tpu.memory_space<vmem>>
      %dma_wait3A_566 = tpu.memref_squeeze %dma_wait3A_565 : memref<1x64x128xf32, #tpu.memory_space<vmem>> -> memref<64x128xf32, #tpu.memory_space<vmem>>
      %dma_wait3A_567 = arith.constant 0 : i32
      %dma_wait3A_568 = tpu.memref_slice %arg5[%dma_wait3A_560, %dma_wait3A_561, %dma_wait3A_567] : memref<8x2x64xi32, #tpu.memory_space<vmem>> -> memref<1x1x64xi32, #tpu.memory_space<vmem>>
      %dma_wait3A_569 = tpu.memref_squeeze %dma_wait3A_568 : memref<1x1x64xi32, #tpu.memory_space<vmem>> -> memref<64xi32, #tpu.memory_space<vmem>>
      %dma_wait3A_570 = arith.constant 0 : i32
      %dma_wait3A_571 = arith.constant 0 : i32
      %dma_wait3A_572 = tpu.memref_slice %arg2[%dma_wait3A_570, %dma_wait3A_571] : memref<10000x128xf32, #tpu.memory_space<hbm>> -> memref<10000x128xf32, #tpu.memory_space<hbm>>
      tpu.wait_indirect_dma semaphore(%arg11 : memref<!tpu.dma_semaphore, #tpu.memory_space<semaphore_mem>>) src(%dma_wait3A_572 : memref<10000x128xf32, #tpu.memory_space<hbm>>) dst(%dma_wait3A_566 : memref<64x128xf32, #tpu.memory_space<vmem>>)
      %dma_start3A_573 = arith.constant 2 : i32
      %dma_start3A_574 = arith.constant 6 : i32
      %dma_start3A_575 = arith.constant 1 : i32
      %dma_start3A_576 = arith.constant 0 : i32
      %dma_start3A_577 = arith.constant 0 : i32
      %dma_start3A_578 = tpu.memref_slice %arg6[%dma_start3A_573, %dma_start3A_576, %dma_start3A_577] : memref<4x64x128xf32, #tpu.memory_space<vmem>> -> memref<1x64x128xf32, #tpu.memory_space<vmem>>
      %dma_start3A_579 = tpu.memref_squeeze %dma_start3A_578 : memref<1x64x128xf32, #tpu.memory_space<vmem>> -> memref<64x128xf32, #tpu.memory_space<vmem>>
      %dma_start3A_580 = arith.constant 0 : i32
      %dma_start3A_581 = tpu.memref_slice %arg5[%dma_start3A_574, %dma_start3A_575, %dma_start3A_580] : memref<8x2x64xi32, #tpu.memory_space<vmem>> -> memref<1x1x64xi32, #tpu.memory_space<vmem>>
      %dma_start3A_582 = tpu.memref_squeeze %dma_start3A_581 : memref<1x1x64xi32, #tpu.memory_space<vmem>> -> memref<64xi32, #tpu.memory_space<vmem>>
      %dma_start3A_583 = arith.constant 0 : i32
      %dma_start3A_584 = arith.constant 0 : i32
      %dma_start3A_585 = tpu.memref_slice %arg8[%dma_start3A_583, %dma_start3A_584] : memref<10112x128xf32, #tpu.memory_space<vmem_shared>> -> memref<10112x128xf32, #tpu.memory_space<vmem_shared>>
      tpu.enqueue_indirect_dma source(%dma_start3A_579 : memref<64x128xf32, #tpu.memory_space<vmem>>) target(%dma_start3A_585 : memref<10112x128xf32, #tpu.memory_space<vmem_shared>>) offsets(%dma_start3A_582 : memref<64xi32, #tpu.memory_space<vmem>>) semaphore(%arg15 : memref<!tpu.dma_semaphore, #tpu.memory_space<semaphore_mem>>) {add = true}
      %add3A_586 = arith.constant 7 : i32
      %add3A_587 = arith.addi %add3A_260, %add3A_586 : i32
      %ge3A_588 = arith.constant 1 : i32
      %ge3A_589 = arith.cmpi sge, %add3A_587, %ge3A_588 : i32
      %convert_element_type3A_590 = arith.extui %ge3A_589 : i1 to i32
      %cond3A_591 = arith.constant 0 : i32
      %cond3A_592 = arith.cmpi ne, %convert_element_type3A_590, %cond3A_591 : i32
      scf.if %cond3A_592 {
        %dma_wait3A_633 = arith.constant 2 : i32
        %dma_wait3A_634 = arith.constant 6 : i32
        %dma_wait3A_635 = arith.constant 1 : i32
        %dma_wait3A_636 = arith.constant 0 : i32
        %dma_wait3A_637 = arith.constant 0 : i32
        %dma_wait3A_638 = tpu.memref_slice %arg6[%dma_wait3A_633, %dma_wait3A_636, %dma_wait3A_637] : memref<4x64x128xf32, #tpu.memory_space<vmem>> -> memref<1x64x128xf32, #tpu.memory_space<vmem>>
        %dma_wait3A_639 = tpu.memref_squeeze %dma_wait3A_638 : memref<1x64x128xf32, #tpu.memory_space<vmem>> -> memref<64x128xf32, #tpu.memory_space<vmem>>
        %dma_wait3A_640 = arith.constant 0 : i32
        %dma_wait3A_641 = tpu.memref_slice %arg5[%dma_wait3A_634, %dma_wait3A_635, %dma_wait3A_640] : memref<8x2x64xi32, #tpu.memory_space<vmem>> -> memref<1x1x64xi32, #tpu.memory_space<vmem>>
        %dma_wait3A_642 = tpu.memref_squeeze %dma_wait3A_641 : memref<1x1x64xi32, #tpu.memory_space<vmem>> -> memref<64xi32, #tpu.memory_space<vmem>>
        %dma_wait3A_643 = arith.constant 0 : i32
        %dma_wait3A_644 = arith.constant 0 : i32
        %dma_wait3A_645 = tpu.memref_slice %arg8[%dma_wait3A_643, %dma_wait3A_644] : memref<10112x128xf32, #tpu.memory_space<vmem_shared>> -> memref<10112x128xf32, #tpu.memory_space<vmem_shared>>
        tpu.wait_indirect_dma semaphore(%arg15 : memref<!tpu.dma_semaphore, #tpu.memory_space<semaphore_mem>>) src(%dma_wait3A_639 : memref<64x128xf32, #tpu.memory_space<vmem>>) dst(%dma_wait3A_645 : memref<10112x128xf32, #tpu.memory_space<vmem_shared>>)
      } else {
      }
      %add3A_593 = arith.constant 7 : i32
      %add3A_594 = arith.addi %add3A_587, %add3A_593 : i32
      %lt3A_595 = arith.constant 160 : i32
      %lt3A_596 = arith.cmpi slt, %add3A_594, %lt3A_595 : i32
      %convert_element_type3A_597 = arith.extui %lt3A_596 : i1 to i32
      %cond3A_598 = arith.constant 0 : i32
      %cond3A_599 = arith.cmpi ne, %convert_element_type3A_597, %cond3A_598 : i32
      scf.if %cond3A_599 {
        %add3A_633 = arith.constant 7 : i32
        %add3A_634 = arith.addi %add3A_587, %add3A_633 : i32
        %dma_start3A_635 = arith.constant 6 : i32
        %dma_start3A_636 = arith.constant 0 : i32
        %dma_start3A_637 = arith.constant 0 : i32
        %dma_start3A_638 = tpu.memref_slice %arg5[%dma_start3A_635, %dma_start3A_636, %dma_start3A_637] : memref<8x2x64xi32, #tpu.memory_space<vmem>> -> memref<1x2x64xi32, #tpu.memory_space<vmem>>
        %dma_start3A_639 = tpu.memref_squeeze %dma_start3A_638 : memref<1x2x64xi32, #tpu.memory_space<vmem>> -> memref<2x64xi32, #tpu.memory_space<vmem>>
        %dma_start3A_640 = arith.constant 0 : i32
        %dma_start3A_641 = arith.constant 0 : i32
        %dma_start3A_642 = tpu.memref_slice %arg3[%add3A, %add3A_634, %dma_start3A_640, %dma_start3A_641] : memref<32x160x2x64xi32, #tpu.memory_space<hbm>> -> memref<1x1x2x64xi32, #tpu.memory_space<hbm>>
        %dma_start3A_643 = tpu.memref_squeeze %dma_start3A_642 : memref<1x1x2x64xi32, #tpu.memory_space<hbm>> -> memref<2x64xi32, #tpu.memory_space<hbm>>
        %dma_start3A_644 = arith.constant 0 : i32
        %dma_start3A_645 = arith.constant 0 : i32
        %dma_start3A_646 = tpu.memref_slice %arg5[%dma_start3A_635, %dma_start3A_644, %dma_start3A_645] : memref<8x2x64xi32, #tpu.memory_space<vmem>> -> memref<1x2x64xi32, #tpu.memory_space<vmem>>
        %dma_start3A_647 = tpu.memref_squeeze %dma_start3A_646 : memref<1x2x64xi32, #tpu.memory_space<vmem>> -> memref<2x64xi32, #tpu.memory_space<vmem>>
        %dma_start3A_648 = arith.constant 0 : i32
        %dma_start3A_649 = arith.constant 0 : i32
        %dma_start3A_650 = tpu.memref_slice %arg3[%add3A, %add3A_634, %dma_start3A_648, %dma_start3A_649] : memref<32x160x2x64xi32, #tpu.memory_space<hbm>> -> memref<1x1x2x64xi32, #tpu.memory_space<hbm>>
        %dma_start3A_651 = tpu.memref_squeeze %dma_start3A_650 : memref<1x1x2x64xi32, #tpu.memory_space<hbm>> -> memref<2x64xi32, #tpu.memory_space<hbm>>
        tpu.enqueue_dma source(%dma_start3A_651 : memref<2x64xi32, #tpu.memory_space<hbm>>) target(%dma_start3A_647 : memref<2x64xi32, #tpu.memory_space<vmem>>) target_semaphore(%arg23 : memref<!tpu.dma_semaphore, #tpu.memory_space<semaphore_mem>>)
      } else {
      }
      %add3A_600 = arith.constant 3 : i32
      %add3A_601 = arith.addi %add3A_587, %add3A_600 : i32
      %lt3A_602 = arith.constant 160 : i32
      %lt3A_603 = arith.cmpi slt, %add3A_601, %lt3A_602 : i32
      %convert_element_type3A_604 = arith.extui %lt3A_603 : i1 to i32
      %cond3A_605 = arith.constant 0 : i32
      %cond3A_606 = arith.cmpi ne, %convert_element_type3A_604, %cond3A_605 : i32
      scf.if %cond3A_606 {
        %add3A_633 = arith.constant 3 : i32
        %add3A_634 = arith.addi %add3A_587, %add3A_633 : i32
        %dma_wait3A_635 = arith.constant 2 : i32
        %dma_wait3A_636 = arith.constant 0 : i32
        %dma_wait3A_637 = arith.constant 0 : i32
        %dma_wait3A_638 = tpu.memref_slice %arg5[%dma_wait3A_635, %dma_wait3A_636, %dma_wait3A_637] : memref<8x2x64xi32, #tpu.memory_space<vmem>> -> memref<1x2x64xi32, #tpu.memory_space<vmem>>
        %dma_wait3A_639 = tpu.memref_squeeze %dma_wait3A_638 : memref<1x2x64xi32, #tpu.memory_space<vmem>> -> memref<2x64xi32, #tpu.memory_space<vmem>>
        %dma_wait3A_640 = arith.constant 0 : i32
        %dma_wait3A_641 = arith.constant 0 : i32
        %dma_wait3A_642 = tpu.memref_slice %arg3[%add3A, %add3A_634, %dma_wait3A_640, %dma_wait3A_641] : memref<32x160x2x64xi32, #tpu.memory_space<hbm>> -> memref<1x1x2x64xi32, #tpu.memory_space<hbm>>
        %dma_wait3A_643 = tpu.memref_squeeze %dma_wait3A_642 : memref<1x1x2x64xi32, #tpu.memory_space<hbm>> -> memref<2x64xi32, #tpu.memory_space<hbm>>
        %dma_wait3A_644 = arith.constant 0 : i32
        %dma_wait3A_645 = arith.constant 0 : i32
        %dma_wait3A_646 = tpu.memref_slice %arg5[%dma_wait3A_635, %dma_wait3A_644, %dma_wait3A_645] : memref<8x2x64xi32, #tpu.memory_space<vmem>> -> memref<1x2x64xi32, #tpu.memory_space<vmem>>
        %dma_wait3A_647 = tpu.memref_squeeze %dma_wait3A_646 : memref<1x2x64xi32, #tpu.memory_space<vmem>> -> memref<2x64xi32, #tpu.memory_space<vmem>>
        %dma_wait3A_648 = arith.constant 0 : i32
        %dma_wait3A_649 = arith.constant 0 : i32
        %dma_wait3A_650 = tpu.memref_slice %arg3[%add3A, %add3A_634, %dma_wait3A_648, %dma_wait3A_649] : memref<32x160x2x64xi32, #tpu.memory_space<hbm>> -> memref<1x1x2x64xi32, #tpu.memory_space<hbm>>
        %dma_wait3A_651 = tpu.memref_squeeze %dma_wait3A_650 : memref<1x1x2x64xi32, #tpu.memory_space<hbm>> -> memref<2x64xi32, #tpu.memory_space<hbm>>
        tpu.wait_dma2 semaphore(%arg19 : memref<!tpu.dma_semaphore, #tpu.memory_space<semaphore_mem>>) src(%dma_wait3A_651 : memref<2x64xi32, #tpu.memory_space<hbm>>) dst(%dma_wait3A_647 : memref<2x64xi32, #tpu.memory_space<vmem>>)
        %dma_start3A_652 = arith.constant 2 : i32
        %dma_start3A_653 = arith.constant 0 : i32
        %dma_start3A_654 = arith.constant 2 : i32
        %dma_start3A_655 = arith.constant 0 : i32
        %dma_start3A_656 = arith.constant 0 : i32
        %dma_start3A_657 = tpu.memref_slice %arg6[%dma_start3A_654, %dma_start3A_655, %dma_start3A_656] : memref<4x64x128xf32, #tpu.memory_space<vmem>> -> memref<1x64x128xf32, #tpu.memory_space<vmem>>
        %dma_start3A_658 = tpu.memref_squeeze %dma_start3A_657 : memref<1x64x128xf32, #tpu.memory_space<vmem>> -> memref<64x128xf32, #tpu.memory_space<vmem>>
        %dma_start3A_659 = arith.constant 0 : i32
        %dma_start3A_660 = tpu.memref_slice %arg5[%dma_start3A_652, %dma_start3A_653, %dma_start3A_659] : memref<8x2x64xi32, #tpu.memory_space<vmem>> -> memref<1x1x64xi32, #tpu.memory_space<vmem>>
        %dma_start3A_661 = tpu.memref_squeeze %dma_start3A_660 : memref<1x1x64xi32, #tpu.memory_space<vmem>> -> memref<64xi32, #tpu.memory_space<vmem>>
        %dma_start3A_662 = arith.constant 0 : i32
        %dma_start3A_663 = arith.constant 0 : i32
        %dma_start3A_664 = tpu.memref_slice %arg2[%dma_start3A_662, %dma_start3A_663] : memref<10000x128xf32, #tpu.memory_space<hbm>> -> memref<10000x128xf32, #tpu.memory_space<hbm>>
        tpu.enqueue_indirect_dma source(%dma_start3A_664 : memref<10000x128xf32, #tpu.memory_space<hbm>>) target(%dma_start3A_658 : memref<64x128xf32, #tpu.memory_space<vmem>>) offsets(%dma_start3A_661 : memref<64xi32, #tpu.memory_space<vmem>>) semaphore(%arg11 : memref<!tpu.dma_semaphore, #tpu.memory_space<semaphore_mem>>)
      } else {
      }
      %dma_wait3A_607 = arith.constant 7 : i32
      %dma_wait3A_608 = arith.constant 0 : i32
      %dma_wait3A_609 = arith.constant 3 : i32
      %dma_wait3A_610 = arith.constant 0 : i32
      %dma_wait3A_611 = arith.constant 0 : i32
      %dma_wait3A_612 = tpu.memref_slice %arg6[%dma_wait3A_609, %dma_wait3A_610, %dma_wait3A_611] : memref<4x64x128xf32, #tpu.memory_space<vmem>> -> memref<1x64x128xf32, #tpu.memory_space<vmem>>
      %dma_wait3A_613 = tpu.memref_squeeze %dma_wait3A_612 : memref<1x64x128xf32, #tpu.memory_space<vmem>> -> memref<64x128xf32, #tpu.memory_space<vmem>>
      %dma_wait3A_614 = arith.constant 0 : i32
      %dma_wait3A_615 = tpu.memref_slice %arg5[%dma_wait3A_607, %dma_wait3A_608, %dma_wait3A_614] : memref<8x2x64xi32, #tpu.memory_space<vmem>> -> memref<1x1x64xi32, #tpu.memory_space<vmem>>
      %dma_wait3A_616 = tpu.memref_squeeze %dma_wait3A_615 : memref<1x1x64xi32, #tpu.memory_space<vmem>> -> memref<64xi32, #tpu.memory_space<vmem>>
      %dma_wait3A_617 = arith.constant 0 : i32
      %dma_wait3A_618 = arith.constant 0 : i32
      %dma_wait3A_619 = tpu.memref_slice %arg2[%dma_wait3A_617, %dma_wait3A_618] : memref<10000x128xf32, #tpu.memory_space<hbm>> -> memref<10000x128xf32, #tpu.memory_space<hbm>>
      tpu.wait_indirect_dma semaphore(%arg12 : memref<!tpu.dma_semaphore, #tpu.memory_space<semaphore_mem>>) src(%dma_wait3A_619 : memref<10000x128xf32, #tpu.memory_space<hbm>>) dst(%dma_wait3A_613 : memref<64x128xf32, #tpu.memory_space<vmem>>)
      %dma_start3A_620 = arith.constant 3 : i32
      %dma_start3A_621 = arith.constant 7 : i32
      %dma_start3A_622 = arith.constant 1 : i32
      %dma_start3A_623 = arith.constant 0 : i32
      %dma_start3A_624 = arith.constant 0 : i32
      %dma_start3A_625 = tpu.memref_slice %arg6[%dma_start3A_620, %dma_start3A_623, %dma_start3A_624] : memref<4x64x128xf32, #tpu.memory_space<vmem>> -> memref<1x64x128xf32, #tpu.memory_space<vmem>>
      %dma_start3A_626 = tpu.memref_squeeze %dma_start3A_625 : memref<1x64x128xf32, #tpu.memory_space<vmem>> -> memref<64x128xf32, #tpu.memory_space<vmem>>
      %dma_start3A_627 = arith.constant 0 : i32
      %dma_start3A_628 = tpu.memref_slice %arg5[%dma_start3A_621, %dma_start3A_622, %dma_start3A_627] : memref<8x2x64xi32, #tpu.memory_space<vmem>> -> memref<1x1x64xi32, #tpu.memory_space<vmem>>
      %dma_start3A_629 = tpu.memref_squeeze %dma_start3A_628 : memref<1x1x64xi32, #tpu.memory_space<vmem>> -> memref<64xi32, #tpu.memory_space<vmem>>
      %dma_start3A_630 = arith.constant 0 : i32
      %dma_start3A_631 = arith.constant 0 : i32
      %dma_start3A_632 = tpu.memref_slice %arg8[%dma_start3A_630, %dma_start3A_631] : memref<10112x128xf32, #tpu.memory_space<vmem_shared>> -> memref<10112x128xf32, #tpu.memory_space<vmem_shared>>
      tpu.enqueue_indirect_dma source(%dma_start3A_626 : memref<64x128xf32, #tpu.memory_space<vmem>>) target(%dma_start3A_632 : memref<10112x128xf32, #tpu.memory_space<vmem_shared>>) offsets(%dma_start3A_629 : memref<64xi32, #tpu.memory_space<vmem>>) semaphore(%arg16 : memref<!tpu.dma_semaphore, #tpu.memory_space<semaphore_mem>>) {add = true}
    }
    %scan3A_237 = arith.constant 20 : i32
    %dma_wait3A_238 = arith.constant 3 : i32
    %dma_wait3A_239 = arith.constant 7 : i32
    %dma_wait3A_240 = arith.constant 1 : i32
    %dma_wait3A_241 = arith.constant 0 : i32
    %dma_wait3A_242 = arith.constant 0 : i32
    %dma_wait3A_243 = tpu.memref_slice %arg6[%dma_wait3A_238, %dma_wait3A_241, %dma_wait3A_242] : memref<4x64x128xf32, #tpu.memory_space<vmem>> -> memref<1x64x128xf32, #tpu.memory_space<vmem>>
    %dma_wait3A_244 = tpu.memref_squeeze %dma_wait3A_243 : memref<1x64x128xf32, #tpu.memory_space<vmem>> -> memref<64x128xf32, #tpu.memory_space<vmem>>
    %dma_wait3A_245 = arith.constant 0 : i32
    %dma_wait3A_246 = tpu.memref_slice %arg5[%dma_wait3A_239, %dma_wait3A_240, %dma_wait3A_245] : memref<8x2x64xi32, #tpu.memory_space<vmem>> -> memref<1x1x64xi32, #tpu.memory_space<vmem>>
    %dma_wait3A_247 = tpu.memref_squeeze %dma_wait3A_246 : memref<1x1x64xi32, #tpu.memory_space<vmem>> -> memref<64xi32, #tpu.memory_space<vmem>>
    %dma_wait3A_248 = arith.constant 0 : i32
    %dma_wait3A_249 = arith.constant 0 : i32
    %dma_wait3A_250 = tpu.memref_slice %arg8[%dma_wait3A_248, %dma_wait3A_249] : memref<10112x128xf32, #tpu.memory_space<vmem_shared>> -> memref<10112x128xf32, #tpu.memory_space<vmem_shared>>
    tpu.wait_indirect_dma semaphore(%arg16 : memref<!tpu.dma_semaphore, #tpu.memory_space<semaphore_mem>>) src(%dma_wait3A_244 : memref<64x128xf32, #tpu.memory_space<vmem>>) dst(%dma_wait3A_250 : memref<10112x128xf32, #tpu.memory_space<vmem_shared>>)
    %barrier3A_251 = arith.constant 0 : index
    tpu.barrier barrier_id(%barrier3A_251)
    %mul3A_252 = arith.constant 632 : i32
    %mul3A_253 = arith.muli %arg1, %mul3A_252 : i32
    %mul3A_254 = arith.constant 632 : i32
    %mul3A_255 = arith.muli %arg1, %mul3A_254 : i32
    "tpu.region"() ({
      %run_scoped3A = tpu.sem_alloc : memref<!tpu.dma_semaphore, #tpu.memory_space<semaphore_mem>>
      %dma_start3A_256 = arith.constant 0 : i32
      %dma_start3A_257 = tpu.memref_slice %arg4[%arg0, %mul3A_255, %dma_start3A_256] : memref<2x10112x128xf32, #tpu.memory_space<hbm>> -> memref<1x632x128xf32, #tpu.memory_space<hbm>>
      %dma_start3A_258 = tpu.memref_squeeze %dma_start3A_257 : memref<1x632x128xf32, #tpu.memory_space<hbm>> -> memref<632x128xf32, #tpu.memory_space<hbm>>
      %dma_start3A_259 = arith.constant 0 : i32
      %dma_start3A_260 = tpu.memref_slice %arg8[%mul3A_253, %dma_start3A_259] : memref<10112x128xf32, #tpu.memory_space<vmem_shared>> -> memref<632x128xf32, #tpu.memory_space<vmem_shared>>
      tpu.enqueue_dma source(%dma_start3A_260 : memref<632x128xf32, #tpu.memory_space<vmem_shared>>) target(%dma_start3A_258 : memref<632x128xf32, #tpu.memory_space<hbm>>) target_semaphore(%run_scoped3A : memref<!tpu.dma_semaphore, #tpu.memory_space<semaphore_mem>>)
      %dma_wait3A_261 = arith.constant 0 : i32
      %dma_wait3A_262 = tpu.memref_slice %arg4[%arg0, %mul3A_255, %dma_wait3A_261] : memref<2x10112x128xf32, #tpu.memory_space<hbm>> -> memref<1x632x128xf32, #tpu.memory_space<hbm>>
      %dma_wait3A_263 = tpu.memref_squeeze %dma_wait3A_262 : memref<1x632x128xf32, #tpu.memory_space<hbm>> -> memref<632x128xf32, #tpu.memory_space<hbm>>
      %dma_wait3A_264 = arith.constant 0 : i32
      %dma_wait3A_265 = tpu.memref_slice %arg8[%mul3A_253, %dma_wait3A_264] : memref<10112x128xf32, #tpu.memory_space<vmem_shared>> -> memref<632x128xf32, #tpu.memory_space<vmem_shared>>
      tpu.wait_dma2 semaphore(%run_scoped3A : memref<!tpu.dma_semaphore, #tpu.memory_space<semaphore_mem>>) src(%dma_wait3A_265 : memref<632x128xf32, #tpu.memory_space<vmem_shared>>) dst(%dma_wait3A_263 : memref<632x128xf32, #tpu.memory_space<hbm>>)
      tpu.yield
    }) : () -> ()
    return
  }
}

#map = affine_map<(d0, d1) -> (0, 0)>
#map1 = affine_map<(d0, d1) -> (0, 0, 0, 0)>
#map2 = affine_map<(d0, d1) -> (0, 0, 0)>
module attributes {stable_mosaic.version = 14 : i64} {
  func.func @k(%arg0: i32, %arg1: i32, %arg2: memref<10000x128xf32, #tpu.memory_space<hbm>>, %arg3: memref<32x160x2x64xi32, #tpu.memory_space<hbm>>, %arg4: memref<2x10112x128xf32, #tpu.memory_space<hbm>>, %arg5: memref<8x2x64xi32, #tpu.memory_space<vmem>>, %arg6: memref<4x64x128xf32, #tpu.memory_space<vmem>>, %arg7: memref<8x128xf32, #tpu.memory_space<vmem>>, %arg8: memref<10112x128xf32, #tpu.memory_space<vmem_shared>>, %arg9: memref<!tpu.dma_semaphore, #tpu.memory_space<semaphore_mem>>, %arg10: memref<!tpu.dma_semaphore, #tpu.memory_space<semaphore_mem>>, %arg11: memref<!tpu.dma_semaphore, #tpu.memory_space<semaphore_mem>>, %arg12: memref<!tpu.dma_semaphore, #tpu.memory_space<semaphore_mem>>, %arg13: memref<!tpu.dma_semaphore, #tpu.memory_space<semaphore_mem>>, %arg14: memref<!tpu.dma_semaphore, #tpu.memory_space<semaphore_mem>>, %arg15: memref<!tpu.dma_semaphore, #tpu.memory_space<semaphore_mem>>, %arg16: memref<!tpu.dma_semaphore, #tpu.memory_space<semaphore_mem>>, %arg17: memref<!tpu.dma_semaphore, #tpu.memory_space<semaphore_mem>>, %arg18: memref<!tpu.dma_semaphore, #tpu.memory_space<semaphore_mem>>, %arg19: memref<!tpu.dma_semaphore, #tpu.memory_space<semaphore_mem>>, %arg20: memref<!tpu.dma_semaphore, #tpu.memory_space<semaphore_mem>>, %arg21: memref<!tpu.dma_semaphore, #tpu.memory_space<semaphore_mem>>, %arg22: memref<!tpu.dma_semaphore, #tpu.memory_space<semaphore_mem>>, %arg23: memref<!tpu.dma_semaphore, #tpu.memory_space<semaphore_mem>>, %arg24: memref<!tpu.dma_semaphore, #tpu.memory_space<semaphore_mem>>, %arg25: memref<!tpu.dma_semaphore, #tpu.memory_space<semaphore_mem>>) attributes {dimension_semantics = [#tpu.dimension_semantics<core_parallel>, #tpu.dimension_semantics<subcore_parallel>], iteration_bounds = array<i64: 2, 16>, scalar_prefetch = 0 : i64, scratch_operands = 21 : i64, tpu.core_type = #tpu.core_type<sc_vector_subcore>, window_params = [{transform_indices = #map}, {transform_indices = #map1}, {transform_indices = #map2}]} {
    %mul3A = arith.constant 16 : i32
    %mul3A_0 = arith.muli %arg0, %mul3A : i32
    %add3A = arith.addi %mul3A_0, %arg1 : i32
    %broadcast_in_dim3A = arith.constant 0.000000e+00 : f32
    %broadcast_in_dim3A_1 = vector.broadcast %broadcast_in_dim3A : f32 to vector<16xf32>
    %scan3A = arith.constant 0 : i32
    %scan3A_2 = arith.constant 8 : i32
    %scan3A_3 = arith.addi %scan3A, %scan3A_2 : i32
    %scan3A_4 = arith.constant 1 : i32
    scf.for %scan3A_256 = %scan3A to %scan3A_3 step %scan3A_4  : i32 {
      %mul3A_257 = arith.constant 1 : i32
      %mul3A_258 = arith.muli %scan3A_256, %mul3A_257 : i32
      %add3A_259 = arith.constant 0 : i32
      %add3A_260 = arith.addi %add3A_259, %mul3A_258 : i32
      %scan3A_261 = arith.constant 0 : i32
      %scan3A_262 = arith.constant 8 : i32
      %scan3A_263 = arith.addi %scan3A_261, %scan3A_262 : i32
      %scan3A_264 = arith.constant 1 : i32
      scf.for %scan3A_266 = %scan3A_261 to %scan3A_263 step %scan3A_264  : i32 {
        %mul3A_267 = arith.constant 1 : i32
        %mul3A_268 = arith.muli %scan3A_266, %mul3A_267 : i32
        %add3A_269 = arith.constant 0 : i32
        %add3A_270 = arith.addi %add3A_269, %mul3A_268 : i32
        %mul3A_271 = arith.constant 16 : i32
        %mul3A_272 = arith.muli %add3A_270, %mul3A_271 : i32
        %swap3A = arith.index_cast %add3A_260 : i32 to index
        %swap3A_273 = arith.index_cast %mul3A_272 : i32 to index
        %swap3A_274 = tpu.vector_load %arg7[%swap3A, %swap3A_273] {strides = array<i32>} : memref<8x128xf32, #tpu.memory_space<vmem>>, vector<1x16xf32>,
        %swap3A_275 = vector.shape_cast %swap3A_274 : vector<1x16xf32> to vector<16xf32>
        %swap3A_276 = vector.shape_cast %broadcast_in_dim3A_1 : vector<16xf32> to vector<1x16xf32>
        tpu.vector_store %arg7[%swap3A, %swap3A_273], %swap3A_276 {strides = array<i32>} : memref<8x128xf32, #tpu.memory_space<vmem>>, vector<1x16xf32>,
      }
      %scan3A_265 = arith.constant 8 : i32
    }
    %scan3A_5 = arith.constant 8 : i32
    %scan3A_6 = arith.constant 0 : i32
    %scan3A_7 = arith.constant 79 : i32
    %scan3A_8 = arith.addi %scan3A_6, %scan3A_7 : i32
    %scan3A_9 = arith.constant 1 : i32
    scf.for %scan3A_256 = %scan3A_6 to %scan3A_8 step %scan3A_9  : i32 {
      %mul3A_257 = arith.constant 1 : i32
      %mul3A_258 = arith.muli %scan3A_256, %mul3A_257 : i32
      %add3A_259 = arith.constant 0 : i32
      %add3A_260 = arith.addi %add3A_259, %mul3A_258 : i32
      %mul3A_261 = arith.constant 632 : i32
      %mul3A_262 = arith.muli %arg1, %mul3A_261 : i32
      %mul3A_263 = arith.constant 8 : i32
      %mul3A_264 = arith.muli %add3A_260, %mul3A_263 : i32
      %add3A_265 = arith.addi %mul3A_262, %mul3A_264 : i32
      %dma_start3A_266 = arith.constant 0 : i32
      %dma_start3A_267 = tpu.memref_slice %arg8[%add3A_265, %dma_start3A_266] : memref<10112x128xf32, #tpu.memory_space<vmem_shared>> -> memref<8x128xf32, #tpu.memory_space<vmem_shared>>
      %dma_start3A_268 = arith.constant 0 : i32
      %dma_start3A_269 = tpu.memref_slice %arg8[%add3A_265, %dma_start3A_268] : memref<10112x128xf32, #tpu.memory_space<vmem_shared>> -> memref<8x128xf32, #tpu.memory_space<vmem_shared>>
      tpu.enqueue_dma source(%arg7 : memref<8x128xf32, #tpu.memory_space<vmem>>) target(%dma_start3A_269 : memref<8x128xf32, #tpu.memory_space<vmem_shared>>) target_semaphore(%arg25 : memref<!tpu.dma_semaphore, #tpu.memory_space<semaphore_mem>>)
    }
    %scan3A_10 = arith.constant 79 : i32
    %dma_start3A = arith.constant 0 : i32
    %dma_start3A_11 = arith.constant 0 : i32
    %dma_start3A_12 = arith.constant 0 : i32
    %dma_start3A_13 = arith.constant 0 : i32
    %dma_start3A_14 = tpu.memref_slice %arg5[%dma_start3A_11, %dma_start3A_12, %dma_start3A_13] : memref<8x2x64xi32, #tpu.memory_space<vmem>> -> memref<1x2x64xi32, #tpu.memory_space<vmem>>
    %dma_start3A_15 = tpu.memref_squeeze %dma_start3A_14 : memref<1x2x64xi32, #tpu.memory_space<vmem>> -> memref<2x64xi32, #tpu.memory_space<vmem>>
    %dma_start3A_16 = arith.constant 0 : i32
    %dma_start3A_17 = arith.constant 0 : i32
    %dma_start3A_18 = tpu.memref_slice %arg3[%add3A, %dma_start3A, %dma_start3A_16, %dma_start3A_17] : memref<32x160x2x64xi32, #tpu.memory_space<hbm>> -> memref<1x1x2x64xi32, #tpu.memory_space<hbm>>
    %dma_start3A_19 = tpu.memref_squeeze %dma_start3A_18 : memref<1x1x2x64xi32, #tpu.memory_space<hbm>> -> memref<2x64xi32, #tpu.memory_space<hbm>>
    %dma_start3A_20 = arith.constant 0 : i32
    %dma_start3A_21 = arith.constant 0 : i32
    %dma_start3A_22 = tpu.memref_slice %arg5[%dma_start3A_11, %dma_start3A_20, %dma_start3A_21] : memref<8x2x64xi32, #tpu.memory_space<vmem>> -> memref<1x2x64xi32, #tpu.memory_space<vmem>>
    %dma_start3A_23 = tpu.memref_squeeze %dma_start3A_22 : memref<1x2x64xi32, #tpu.memory_space<vmem>> -> memref<2x64xi32, #tpu.memory_space<vmem>>
    %dma_start3A_24 = arith.constant 0 : i32
    %dma_start3A_25 = arith.constant 0 : i32
    %dma_start3A_26 = tpu.memref_slice %arg3[%add3A, %dma_start3A, %dma_start3A_24, %dma_start3A_25] : memref<32x160x2x64xi32, #tpu.memory_space<hbm>> -> memref<1x1x2x64xi32, #tpu.memory_space<hbm>>
    %dma_start3A_27 = tpu.memref_squeeze %dma_start3A_26 : memref<1x1x2x64xi32, #tpu.memory_space<hbm>> -> memref<2x64xi32, #tpu.memory_space<hbm>>
    tpu.enqueue_dma source(%dma_start3A_27 : memref<2x64xi32, #tpu.memory_space<hbm>>) target(%dma_start3A_23 : memref<2x64xi32, #tpu.memory_space<vmem>>) target_semaphore(%arg17 : memref<!tpu.dma_semaphore, #tpu.memory_space<semaphore_mem>>)
    %dma_start3A_28 = arith.constant 1 : i32
    %dma_start3A_29 = arith.constant 1 : i32
    %dma_start3A_30 = arith.constant 0 : i32
    %dma_start3A_31 = arith.constant 0 : i32
    %dma_start3A_32 = tpu.memref_slice %arg5[%dma_start3A_29, %dma_start3A_30, %dma_start3A_31] : memref<8x2x64xi32, #tpu.memory_space<vmem>> -> memref<1x2x64xi32, #tpu.memory_space<vmem>>
    %dma_start3A_33 = tpu.memref_squeeze %dma_start3A_32 : memref<1x2x64xi32, #tpu.memory_space<vmem>> -> memref<2x64xi32, #tpu.memory_space<vmem>>
    %dma_start3A_34 = arith.constant 0 : i32
    %dma_start3A_35 = arith.constant 0 : i32
    %dma_start3A_36 = tpu.memref_slice %arg3[%add3A, %dma_start3A_28, %dma_start3A_34, %dma_start3A_35] : memref<32x160x2x64xi32, #tpu.memory_space<hbm>> -> memref<1x1x2x64xi32, #tpu.memory_space<hbm>>
    %dma_start3A_37 = tpu.memref_squeeze %dma_start3A_36 : memref<1x1x2x64xi32, #tpu.memory_space<hbm>> -> memref<2x64xi32, #tpu.memory_space<hbm>>
    %dma_start3A_38 = arith.constant 0 : i32
    %dma_start3A_39 = arith.constant 0 : i32
    %dma_start3A_40 = tpu.memref_slice %arg5[%dma_start3A_29, %dma_start3A_38, %dma_start3A_39] : memref<8x2x64xi32, #tpu.memory_space<vmem>> -> memref<1x2x64xi32, #tpu.memory_space<vmem>>
    %dma_start3A_41 = tpu.memref_squeeze %dma_start3A_40 : memref<1x2x64xi32, #tpu.memory_space<vmem>> -> memref<2x64xi32, #tpu.memory_space<vmem>>
    %dma_start3A_42 = arith.constant 0 : i32
    %dma_start3A_43 = arith.constant 0 : i32
    %dma_start3A_44 = tpu.memref_slice %arg3[%add3A, %dma_start3A_28, %dma_start3A_42, %dma_start3A_43] : memref<32x160x2x64xi32, #tpu.memory_space<hbm>> -> memref<1x1x2x64xi32, #tpu.memory_space<hbm>>
    %dma_start3A_45 = tpu.memref_squeeze %dma_start3A_44 : memref<1x1x2x64xi32, #tpu.memory_space<hbm>> -> memref<2x64xi32, #tpu.memory_space<hbm>>
    tpu.enqueue_dma source(%dma_start3A_45 : memref<2x64xi32, #tpu.memory_space<hbm>>) target(%dma_start3A_41 : memref<2x64xi32, #tpu.memory_space<vmem>>) target_semaphore(%arg18 : memref<!tpu.dma_semaphore, #tpu.memory_space<semaphore_mem>>)
    %dma_start3A_46 = arith.constant 2 : i32
    %dma_start3A_47 = arith.constant 2 : i32
    %dma_start3A_48 = arith.constant 0 : i32
    %dma_start3A_49 = arith.constant 0 : i32
    %dma_start3A_50 = tpu.memref_slice %arg5[%dma_start3A_47, %dma_start3A_48, %dma_start3A_49] : memref<8x2x64xi32, #tpu.memory_space<vmem>> -> memref<1x2x64xi32, #tpu.memory_space<vmem>>
    %dma_start3A_51 = tpu.memref_squeeze %dma_start3A_50 : memref<1x2x64xi32, #tpu.memory_space<vmem>> -> memref<2x64xi32, #tpu.memory_space<vmem>>
    %dma_start3A_52 = arith.constant 0 : i32
    %dma_start3A_53 = arith.constant 0 : i32
    %dma_start3A_54 = tpu.memref_slice %arg3[%add3A, %dma_start3A_46, %dma_start3A_52, %dma_start3A_53] : memref<32x160x2x64xi32, #tpu.memory_space<hbm>> -> memref<1x1x2x64xi32, #tpu.memory_space<hbm>>
    %dma_start3A_55 = tpu.memref_squeeze %dma_start3A_54 : memref<1x1x2x64xi32, #tpu.memory_space<hbm>> -> memref<2x64xi32, #tpu.memory_space<hbm>>
    %dma_start3A_56 = arith.constant 0 : i32
    %dma_start3A_57 = arith.constant 0 : i32
    %dma_start3A_58 = tpu.memref_slice %arg5[%dma_start3A_47, %dma_start3A_56, %dma_start3A_57] : memref<8x2x64xi32, #tpu.memory_space<vmem>> -> memref<1x2x64xi32, #tpu.memory_space<vmem>>
    %dma_start3A_59 = tpu.memref_squeeze %dma_start3A_58 : memref<1x2x64xi32, #tpu.memory_space<vmem>> -> memref<2x64xi32, #tpu.memory_space<vmem>>
    %dma_start3A_60 = arith.constant 0 : i32
    %dma_start3A_61 = arith.constant 0 : i32
    %dma_start3A_62 = tpu.memref_slice %arg3[%add3A, %dma_start3A_46, %dma_start3A_60, %dma_start3A_61] : memref<32x160x2x64xi32, #tpu.memory_space<hbm>> -> memref<1x1x2x64xi32, #tpu.memory_space<hbm>>
    %dma_start3A_63 = tpu.memref_squeeze %dma_start3A_62 : memref<1x1x2x64xi32, #tpu.memory_space<hbm>> -> memref<2x64xi32, #tpu.memory_space<hbm>>
    tpu.enqueue_dma source(%dma_start3A_63 : memref<2x64xi32, #tpu.memory_space<hbm>>) target(%dma_start3A_59 : memref<2x64xi32, #tpu.memory_space<vmem>>) target_semaphore(%arg19 : memref<!tpu.dma_semaphore, #tpu.memory_space<semaphore_mem>>)
    %dma_start3A_64 = arith.constant 3 : i32
    %dma_start3A_65 = arith.constant 3 : i32
    %dma_start3A_66 = arith.constant 0 : i32
    %dma_start3A_67 = arith.constant 0 : i32
    %dma_start3A_68 = tpu.memref_slice %arg5[%dma_start3A_65, %dma_start3A_66, %dma_start3A_67] : memref<8x2x64xi32, #tpu.memory_space<vmem>> -> memref<1x2x64xi32, #tpu.memory_space<vmem>>
    %dma_start3A_69 = tpu.memref_squeeze %dma_start3A_68 : memref<1x2x64xi32, #tpu.memory_space<vmem>> -> memref<2x64xi32, #tpu.memory_space<vmem>>
    %dma_start3A_70 = arith.constant 0 : i32
    %dma_start3A_71 = arith.constant 0 : i32
    %dma_start3A_72 = tpu.memref_slice %arg3[%add3A, %dma_start3A_64, %dma_start3A_70, %dma_start3A_71] : memref<32x160x2x64xi32, #tpu.memory_space<hbm>> -> memref<1x1x2x64xi32, #tpu.memory_space<hbm>>
    %dma_start3A_73 = tpu.memref_squeeze %dma_start3A_72 : memref<1x1x2x64xi32, #tpu.memory_space<hbm>> -> memref<2x64xi32, #tpu.memory_space<hbm>>
    %dma_start3A_74 = arith.constant 0 : i32
    %dma_start3A_75 = arith.constant 0 : i32
    %dma_start3A_76 = tpu.memref_slice %arg5[%dma_start3A_65, %dma_start3A_74, %dma_start3A_75] : memref<8x2x64xi32, #tpu.memory_space<vmem>> -> memref<1x2x64xi32, #tpu.memory_space<vmem>>
    %dma_start3A_77 = tpu.memref_squeeze %dma_start3A_76 : memref<1x2x64xi32, #tpu.memory_space<vmem>> -> memref<2x64xi32, #tpu.memory_space<vmem>>
    %dma_start3A_78 = arith.constant 0 : i32
    %dma_start3A_79 = arith.constant 0 : i32
    %dma_start3A_80 = tpu.memref_slice %arg3[%add3A, %dma_start3A_64, %dma_start3A_78, %dma_start3A_79] : memref<32x160x2x64xi32, #tpu.memory_space<hbm>> -> memref<1x1x2x64xi32, #tpu.memory_space<hbm>>
    %dma_start3A_81 = tpu.memref_squeeze %dma_start3A_80 : memref<1x1x2x64xi32, #tpu.memory_space<hbm>> -> memref<2x64xi32, #tpu.memory_space<hbm>>
    tpu.enqueue_dma source(%dma_start3A_81 : memref<2x64xi32, #tpu.memory_space<hbm>>) target(%dma_start3A_77 : memref<2x64xi32, #tpu.memory_space<vmem>>) target_semaphore(%arg20 : memref<!tpu.dma_semaphore, #tpu.memory_space<semaphore_mem>>)
    %dma_start3A_82 = arith.constant 4 : i32
    %dma_start3A_83 = arith.constant 4 : i32
    %dma_start3A_84 = arith.constant 0 : i32
    %dma_start3A_85 = arith.constant 0 : i32
    %dma_start3A_86 = tpu.memref_slice %arg5[%dma_start3A_83, %dma_start3A_84, %dma_start3A_85] : memref<8x2x64xi32, #tpu.memory_space<vmem>> -> memref<1x2x64xi32, #tpu.memory_space<vmem>>
    %dma_start3A_87 = tpu.memref_squeeze %dma_start3A_86 : memref<1x2x64xi32, #tpu.memory_space<vmem>> -> memref<2x64xi32, #tpu.memory_space<vmem>>
    %dma_start3A_88 = arith.constant 0 : i32
    %dma_start3A_89 = arith.constant 0 : i32
    %dma_start3A_90 = tpu.memref_slice %arg3[%add3A, %dma_start3A_82, %dma_start3A_88, %dma_start3A_89] : memref<32x160x2x64xi32, #tpu.memory_space<hbm>> -> memref<1x1x2x64xi32, #tpu.memory_space<hbm>>
    %dma_start3A_91 = tpu.memref_squeeze %dma_start3A_90 : memref<1x1x2x64xi32, #tpu.memory_space<hbm>> -> memref<2x64xi32, #tpu.memory_space<hbm>>
    %dma_start3A_92 = arith.constant 0 : i32
    %dma_start3A_93 = arith.constant 0 : i32
    %dma_start3A_94 = tpu.memref_slice %arg5[%dma_start3A_83, %dma_start3A_92, %dma_start3A_93] : memref<8x2x64xi32, #tpu.memory_space<vmem>> -> memref<1x2x64xi32, #tpu.memory_space<vmem>>
    %dma_start3A_95 = tpu.memref_squeeze %dma_start3A_94 : memref<1x2x64xi32, #tpu.memory_space<vmem>> -> memref<2x64xi32, #tpu.memory_space<vmem>>
    %dma_start3A_96 = arith.constant 0 : i32
    %dma_start3A_97 = arith.constant 0 : i32
    %dma_start3A_98 = tpu.memref_slice %arg3[%add3A, %dma_start3A_82, %dma_start3A_96, %dma_start3A_97] : memref<32x160x2x64xi32, #tpu.memory_space<hbm>> -> memref<1x1x2x64xi32, #tpu.memory_space<hbm>>
    %dma_start3A_99 = tpu.memref_squeeze %dma_start3A_98 : memref<1x1x2x64xi32, #tpu.memory_space<hbm>> -> memref<2x64xi32, #tpu.memory_space<hbm>>
    tpu.enqueue_dma source(%dma_start3A_99 : memref<2x64xi32, #tpu.memory_space<hbm>>) target(%dma_start3A_95 : memref<2x64xi32, #tpu.memory_space<vmem>>) target_semaphore(%arg21 : memref<!tpu.dma_semaphore, #tpu.memory_space<semaphore_mem>>)
    %dma_start3A_100 = arith.constant 5 : i32
    %dma_start3A_101 = arith.constant 5 : i32
    %dma_start3A_102 = arith.constant 0 : i32
    %dma_start3A_103 = arith.constant 0 : i32
    %dma_start3A_104 = tpu.memref_slice %arg5[%dma_start3A_101, %dma_start3A_102, %dma_start3A_103] : memref<8x2x64xi32, #tpu.memory_space<vmem>> -> memref<1x2x64xi32, #tpu.memory_space<vmem>>
    %dma_start3A_105 = tpu.memref_squeeze %dma_start3A_104 : memref<1x2x64xi32, #tpu.memory_space<vmem>> -> memref<2x64xi32, #tpu.memory_space<vmem>>
    %dma_start3A_106 = arith.constant 0 : i32
    %dma_start3A_107 = arith.constant 0 : i32
    %dma_start3A_108 = tpu.memref_slice %arg3[%add3A, %dma_start3A_100, %dma_start3A_106, %dma_start3A_107] : memref<32x160x2x64xi32, #tpu.memory_space<hbm>> -> memref<1x1x2x64xi32, #tpu.memory_space<hbm>>
    %dma_start3A_109 = tpu.memref_squeeze %dma_start3A_108 : memref<1x1x2x64xi32, #tpu.memory_space<hbm>> -> memref<2x64xi32, #tpu.memory_space<hbm>>
    %dma_start3A_110 = arith.constant 0 : i32
    %dma_start3A_111 = arith.constant 0 : i32
    %dma_start3A_112 = tpu.memref_slice %arg5[%dma_start3A_101, %dma_start3A_110, %dma_start3A_111] : memref<8x2x64xi32, #tpu.memory_space<vmem>> -> memref<1x2x64xi32, #tpu.memory_space<vmem>>
    %dma_start3A_113 = tpu.memref_squeeze %dma_start3A_112 : memref<1x2x64xi32, #tpu.memory_space<vmem>> -> memref<2x64xi32, #tpu.memory_space<vmem>>
    %dma_start3A_114 = arith.constant 0 : i32
    %dma_start3A_115 = arith.constant 0 : i32
    %dma_start3A_116 = tpu.memref_slice %arg3[%add3A, %dma_start3A_100, %dma_start3A_114, %dma_start3A_115] : memref<32x160x2x64xi32, #tpu.memory_space<hbm>> -> memref<1x1x2x64xi32, #tpu.memory_space<hbm>>
    %dma_start3A_117 = tpu.memref_squeeze %dma_start3A_116 : memref<1x1x2x64xi32, #tpu.memory_space<hbm>> -> memref<2x64xi32, #tpu.memory_space<hbm>>
    tpu.enqueue_dma source(%dma_start3A_117 : memref<2x64xi32, #tpu.memory_space<hbm>>) target(%dma_start3A_113 : memref<2x64xi32, #tpu.memory_space<vmem>>) target_semaphore(%arg22 : memref<!tpu.dma_semaphore, #tpu.memory_space<semaphore_mem>>)
    %dma_start3A_118 = arith.constant 6 : i32
    %dma_start3A_119 = arith.constant 6 : i32
    %dma_start3A_120 = arith.constant 0 : i32
    %dma_start3A_121 = arith.constant 0 : i32
    %dma_start3A_122 = tpu.memref_slice %arg5[%dma_start3A_119, %dma_start3A_120, %dma_start3A_121] : memref<8x2x64xi32, #tpu.memory_space<vmem>> -> memref<1x2x64xi32, #tpu.memory_space<vmem>>
    %dma_start3A_123 = tpu.memref_squeeze %dma_start3A_122 : memref<1x2x64xi32, #tpu.memory_space<vmem>> -> memref<2x64xi32, #tpu.memory_space<vmem>>
    %dma_start3A_124 = arith.constant 0 : i32
    %dma_start3A_125 = arith.constant 0 : i32
    %dma_start3A_126 = tpu.memref_slice %arg3[%add3A, %dma_start3A_118, %dma_start3A_124, %dma_start3A_125] : memref<32x160x2x64xi32, #tpu.memory_space<hbm>> -> memref<1x1x2x64xi32, #tpu.memory_space<hbm>>
    %dma_start3A_127 = tpu.memref_squeeze %dma_start3A_126 : memref<1x1x2x64xi32, #tpu.memory_space<hbm>> -> memref<2x64xi32, #tpu.memory_space<hbm>>
    %dma_start3A_128 = arith.constant 0 : i32
    %dma_start3A_129 = arith.constant 0 : i32
    %dma_start3A_130 = tpu.memref_slice %arg5[%dma_start3A_119, %dma_start3A_128, %dma_start3A_129] : memref<8x2x64xi32, #tpu.memory_space<vmem>> -> memref<1x2x64xi32, #tpu.memory_space<vmem>>
    %dma_start3A_131 = tpu.memref_squeeze %dma_start3A_130 : memref<1x2x64xi32, #tpu.memory_space<vmem>> -> memref<2x64xi32, #tpu.memory_space<vmem>>
    %dma_start3A_132 = arith.constant 0 : i32
    %dma_start3A_133 = arith.constant 0 : i32
    %dma_start3A_134 = tpu.memref_slice %arg3[%add3A, %dma_start3A_118, %dma_start3A_132, %dma_start3A_133] : memref<32x160x2x64xi32, #tpu.memory_space<hbm>> -> memref<1x1x2x64xi32, #tpu.memory_space<hbm>>
    %dma_start3A_135 = tpu.memref_squeeze %dma_start3A_134 : memref<1x1x2x64xi32, #tpu.memory_space<hbm>> -> memref<2x64xi32, #tpu.memory_space<hbm>>
    tpu.enqueue_dma source(%dma_start3A_135 : memref<2x64xi32, #tpu.memory_space<hbm>>) target(%dma_start3A_131 : memref<2x64xi32, #tpu.memory_space<vmem>>) target_semaphore(%arg23 : memref<!tpu.dma_semaphore, #tpu.memory_space<semaphore_mem>>)
    %dma_wait3A = arith.constant 0 : i32
    %dma_wait3A_136 = arith.constant 0 : i32
    %dma_wait3A_137 = arith.constant 0 : i32
    %dma_wait3A_138 = arith.constant 0 : i32
    %dma_wait3A_139 = tpu.memref_slice %arg5[%dma_wait3A_136, %dma_wait3A_137, %dma_wait3A_138] : memref<8x2x64xi32, #tpu.memory_space<vmem>> -> memref<1x2x64xi32, #tpu.memory_space<vmem>>
    %dma_wait3A_140 = tpu.memref_squeeze %dma_wait3A_139 : memref<1x2x64xi32, #tpu.memory_space<vmem>> -> memref<2x64xi32, #tpu.memory_space<vmem>>
    %dma_wait3A_141 = arith.constant 0 : i32
    %dma_wait3A_142 = arith.constant 0 : i32
    %dma_wait3A_143 = tpu.memref_slice %arg3[%add3A, %dma_wait3A, %dma_wait3A_141, %dma_wait3A_142] : memref<32x160x2x64xi32, #tpu.memory_space<hbm>> -> memref<1x1x2x64xi32, #tpu.memory_space<hbm>>
    %dma_wait3A_144 = tpu.memref_squeeze %dma_wait3A_143 : memref<1x1x2x64xi32, #tpu.memory_space<hbm>> -> memref<2x64xi32, #tpu.memory_space<hbm>>
    %dma_wait3A_145 = arith.constant 0 : i32
    %dma_wait3A_146 = arith.constant 0 : i32
    %dma_wait3A_147 = tpu.memref_slice %arg5[%dma_wait3A_136, %dma_wait3A_145, %dma_wait3A_146] : memref<8x2x64xi32, #tpu.memory_space<vmem>> -> memref<1x2x64xi32, #tpu.memory_space<vmem>>
    %dma_wait3A_148 = tpu.memref_squeeze %dma_wait3A_147 : memref<1x2x64xi32, #tpu.memory_space<vmem>> -> memref<2x64xi32, #tpu.memory_space<vmem>>
    %dma_wait3A_149 = arith.constant 0 : i32
    %dma_wait3A_150 = arith.constant 0 : i32
    %dma_wait3A_151 = tpu.memref_slice %arg3[%add3A, %dma_wait3A, %dma_wait3A_149, %dma_wait3A_150] : memref<32x160x2x64xi32, #tpu.memory_space<hbm>> -> memref<1x1x2x64xi32, #tpu.memory_space<hbm>>
    %dma_wait3A_152 = tpu.memref_squeeze %dma_wait3A_151 : memref<1x1x2x64xi32, #tpu.memory_space<hbm>> -> memref<2x64xi32, #tpu.memory_space<hbm>>
    tpu.wait_dma2 semaphore(%arg17 : memref<!tpu.dma_semaphore, #tpu.memory_space<semaphore_mem>>) src(%dma_wait3A_152 : memref<2x64xi32, #tpu.memory_space<hbm>>) dst(%dma_wait3A_148 : memref<2x64xi32, #tpu.memory_space<vmem>>)
    %dma_start3A_153 = arith.constant 0 : i32
    %dma_start3A_154 = arith.constant 0 : i32
    %dma_start3A_155 = arith.constant 0 : i32
    %dma_start3A_156 = arith.constant 0 : i32
    %dma_start3A_157 = arith.constant 0 : i32
    %dma_start3A_158 = tpu.memref_slice %arg6[%dma_start3A_155, %dma_start3A_156, %dma_start3A_157] : memref<4x64x128xf32, #tpu.memory_space<vmem>> -> memref<1x64x128xf32, #tpu.memory_space<vmem>>
    %dma_start3A_159 = tpu.memref_squeeze %dma_start3A_158 : memref<1x64x128xf32, #tpu.memory_space<vmem>> -> memref<64x128xf32, #tpu.memory_space<vmem>>
    %dma_start3A_160 = arith.constant 0 : i32
    %dma_start3A_161 = tpu.memref_slice %arg5[%dma_start3A_153, %dma_start3A_154, %dma_start3A_160] : memref<8x2x64xi32, #tpu.memory_space<vmem>> -> memref<1x1x64xi32, #tpu.memory_space<vmem>>
    %dma_start3A_162 = tpu.memref_squeeze %dma_start3A_161 : memref<1x1x64xi32, #tpu.memory_space<vmem>> -> memref<64xi32, #tpu.memory_space<vmem>>
    %dma_start3A_163 = arith.constant 0 : i32
    %dma_start3A_164 = arith.constant 0 : i32
    %dma_start3A_165 = tpu.memref_slice %arg2[%dma_start3A_163, %dma_start3A_164] : memref<10000x128xf32, #tpu.memory_space<hbm>> -> memref<10000x128xf32, #tpu.memory_space<hbm>>
    tpu.enqueue_indirect_dma source(%dma_start3A_165 : memref<10000x128xf32, #tpu.memory_space<hbm>>) target(%dma_start3A_159 : memref<64x128xf32, #tpu.memory_space<vmem>>) offsets(%dma_start3A_162 : memref<64xi32, #tpu.memory_space<vmem>>) semaphore(%arg9 : memref<!tpu.dma_semaphore, #tpu.memory_space<semaphore_mem>>)
    %dma_wait3A_166 = arith.constant 1 : i32
    %dma_wait3A_167 = arith.constant 1 : i32
    %dma_wait3A_168 = arith.constant 0 : i32
    %dma_wait3A_169 = arith.constant 0 : i32
    %dma_wait3A_170 = tpu.memref_slice %arg5[%dma_wait3A_167, %dma_wait3A_168, %dma_wait3A_169] : memref<8x2x64xi32, #tpu.memory_space<vmem>> -> memref<1x2x64xi32, #tpu.memory_space<vmem>>
    %dma_wait3A_171 = tpu.memref_squeeze %dma_wait3A_170 : memref<1x2x64xi32, #tpu.memory_space<vmem>> -> memref<2x64xi32, #tpu.memory_space<vmem>>
    %dma_wait3A_172 = arith.constant 0 : i32
    %dma_wait3A_173 = arith.constant 0 : i32
    %dma_wait3A_174 = tpu.memref_slice %arg3[%add3A, %dma_wait3A_166, %dma_wait3A_172, %dma_wait3A_173] : memref<32x160x2x64xi32, #tpu.memory_space<hbm>> -> memref<1x1x2x64xi32, #tpu.memory_space<hbm>>
    %dma_wait3A_175 = tpu.memref_squeeze %dma_wait3A_174 : memref<1x1x2x64xi32, #tpu.memory_space<hbm>> -> memref<2x64xi32, #tpu.memory_space<hbm>>
    %dma_wait3A_176 = arith.constant 0 : i32
    %dma_wait3A_177 = arith.constant 0 : i32
    %dma_wait3A_178 = tpu.memref_slice %arg5[%dma_wait3A_167, %dma_wait3A_176, %dma_wait3A_177] : memref<8x2x64xi32, #tpu.memory_space<vmem>> -> memref<1x2x64xi32, #tpu.memory_space<vmem>>
    %dma_wait3A_179 = tpu.memref_squeeze %dma_wait3A_178 : memref<1x2x64xi32, #tpu.memory_space<vmem>> -> memref<2x64xi32, #tpu.memory_space<vmem>>
    %dma_wait3A_180 = arith.constant 0 : i32
    %dma_wait3A_181 = arith.constant 0 : i32
    %dma_wait3A_182 = tpu.memref_slice %arg3[%add3A, %dma_wait3A_166, %dma_wait3A_180, %dma_wait3A_181] : memref<32x160x2x64xi32, #tpu.memory_space<hbm>> -> memref<1x1x2x64xi32, #tpu.memory_space<hbm>>
    %dma_wait3A_183 = tpu.memref_squeeze %dma_wait3A_182 : memref<1x1x2x64xi32, #tpu.memory_space<hbm>> -> memref<2x64xi32, #tpu.memory_space<hbm>>
    tpu.wait_dma2 semaphore(%arg18 : memref<!tpu.dma_semaphore, #tpu.memory_space<semaphore_mem>>) src(%dma_wait3A_183 : memref<2x64xi32, #tpu.memory_space<hbm>>) dst(%dma_wait3A_179 : memref<2x64xi32, #tpu.memory_space<vmem>>)
    %dma_start3A_184 = arith.constant 1 : i32
    %dma_start3A_185 = arith.constant 0 : i32
    %dma_start3A_186 = arith.constant 1 : i32
    %dma_start3A_187 = arith.constant 0 : i32
    %dma_start3A_188 = arith.constant 0 : i32
    %dma_start3A_189 = tpu.memref_slice %arg6[%dma_start3A_186, %dma_start3A_187, %dma_start3A_188] : memref<4x64x128xf32, #tpu.memory_space<vmem>> -> memref<1x64x128xf32, #tpu.memory_space<vmem>>
    %dma_start3A_190 = tpu.memref_squeeze %dma_start3A_189 : memref<1x64x128xf32, #tpu.memory_space<vmem>> -> memref<64x128xf32, #tpu.memory_space<vmem>>
    %dma_start3A_191 = arith.constant 0 : i32
    %dma_start3A_192 = tpu.memref_slice %arg5[%dma_start3A_184, %dma_start3A_185, %dma_start3A_191] : memref<8x2x64xi32, #tpu.memory_space<vmem>> -> memref<1x1x64xi32, #tpu.memory_space<vmem>>
    %dma_start3A_193 = tpu.memref_squeeze %dma_start3A_192 : memref<1x1x64xi32, #tpu.memory_space<vmem>> -> memref<64xi32, #tpu.memory_space<vmem>>
    %dma_start3A_194 = arith.constant 0 : i32
    %dma_start3A_195 = arith.constant 0 : i32
    %dma_start3A_196 = tpu.memref_slice %arg2[%dma_start3A_194, %dma_start3A_195] : memref<10000x128xf32, #tpu.memory_space<hbm>> -> memref<10000x128xf32, #tpu.memory_space<hbm>>
    tpu.enqueue_indirect_dma source(%dma_start3A_196 : memref<10000x128xf32, #tpu.memory_space<hbm>>) target(%dma_start3A_190 : memref<64x128xf32, #tpu.memory_space<vmem>>) offsets(%dma_start3A_193 : memref<64xi32, #tpu.memory_space<vmem>>) semaphore(%arg10 : memref<!tpu.dma_semaphore, #tpu.memory_space<semaphore_mem>>)
    %dma_wait3A_197 = arith.constant 2 : i32
    %dma_wait3A_198 = arith.constant 2 : i32
    %dma_wait3A_199 = arith.constant 0 : i32
    %dma_wait3A_200 = arith.constant 0 : i32
    %dma_wait3A_201 = tpu.memref_slice %arg5[%dma_wait3A_198, %dma_wait3A_199, %dma_wait3A_200] : memref<8x2x64xi32, #tpu.memory_space<vmem>> -> memref<1x2x64xi32, #tpu.memory_space<vmem>>
    %dma_wait3A_202 = tpu.memref_squeeze %dma_wait3A_201 : memref<1x2x64xi32, #tpu.memory_space<vmem>> -> memref<2x64xi32, #tpu.memory_space<vmem>>
    %dma_wait3A_203 = arith.constant 0 : i32
    %dma_wait3A_204 = arith.constant 0 : i32
    %dma_wait3A_205 = tpu.memref_slice %arg3[%add3A, %dma_wait3A_197, %dma_wait3A_203, %dma_wait3A_204] : memref<32x160x2x64xi32, #tpu.memory_space<hbm>> -> memref<1x1x2x64xi32, #tpu.memory_space<hbm>>
    %dma_wait3A_206 = tpu.memref_squeeze %dma_wait3A_205 : memref<1x1x2x64xi32, #tpu.memory_space<hbm>> -> memref<2x64xi32, #tpu.memory_space<hbm>>
    %dma_wait3A_207 = arith.constant 0 : i32
    %dma_wait3A_208 = arith.constant 0 : i32
    %dma_wait3A_209 = tpu.memref_slice %arg5[%dma_wait3A_198, %dma_wait3A_207, %dma_wait3A_208] : memref<8x2x64xi32, #tpu.memory_space<vmem>> -> memref<1x2x64xi32, #tpu.memory_space<vmem>>
    %dma_wait3A_210 = tpu.memref_squeeze %dma_wait3A_209 : memref<1x2x64xi32, #tpu.memory_space<vmem>> -> memref<2x64xi32, #tpu.memory_space<vmem>>
    %dma_wait3A_211 = arith.constant 0 : i32
    %dma_wait3A_212 = arith.constant 0 : i32
    %dma_wait3A_213 = tpu.memref_slice %arg3[%add3A, %dma_wait3A_197, %dma_wait3A_211, %dma_wait3A_212] : memref<32x160x2x64xi32, #tpu.memory_space<hbm>> -> memref<1x1x2x64xi32, #tpu.memory_space<hbm>>
    %dma_wait3A_214 = tpu.memref_squeeze %dma_wait3A_213 : memref<1x1x2x64xi32, #tpu.memory_space<hbm>> -> memref<2x64xi32, #tpu.memory_space<hbm>>
    tpu.wait_dma2 semaphore(%arg19 : memref<!tpu.dma_semaphore, #tpu.memory_space<semaphore_mem>>) src(%dma_wait3A_214 : memref<2x64xi32, #tpu.memory_space<hbm>>) dst(%dma_wait3A_210 : memref<2x64xi32, #tpu.memory_space<vmem>>)
    %dma_start3A_215 = arith.constant 2 : i32
    %dma_start3A_216 = arith.constant 0 : i32
    %dma_start3A_217 = arith.constant 2 : i32
    %dma_start3A_218 = arith.constant 0 : i32
    %dma_start3A_219 = arith.constant 0 : i32
    %dma_start3A_220 = tpu.memref_slice %arg6[%dma_start3A_217, %dma_start3A_218, %dma_start3A_219] : memref<4x64x128xf32, #tpu.memory_space<vmem>> -> memref<1x64x128xf32, #tpu.memory_space<vmem>>
    %dma_start3A_221 = tpu.memref_squeeze %dma_start3A_220 : memref<1x64x128xf32, #tpu.memory_space<vmem>> -> memref<64x128xf32, #tpu.memory_space<vmem>>
    %dma_start3A_222 = arith.constant 0 : i32
    %dma_start3A_223 = tpu.memref_slice %arg5[%dma_start3A_215, %dma_start3A_216, %dma_start3A_222] : memref<8x2x64xi32, #tpu.memory_space<vmem>> -> memref<1x1x64xi32, #tpu.memory_space<vmem>>
    %dma_start3A_224 = tpu.memref_squeeze %dma_start3A_223 : memref<1x1x64xi32, #tpu.memory_space<vmem>> -> memref<64xi32, #tpu.memory_space<vmem>>
    %dma_start3A_225 = arith.constant 0 : i32
    %dma_start3A_226 = arith.constant 0 : i32
    %dma_start3A_227 = tpu.memref_slice %arg2[%dma_start3A_225, %dma_start3A_226] : memref<10000x128xf32, #tpu.memory_space<hbm>> -> memref<10000x128xf32, #tpu.memory_space<hbm>>
    tpu.enqueue_indirect_dma source(%dma_start3A_227 : memref<10000x128xf32, #tpu.memory_space<hbm>>) target(%dma_start3A_221 : memref<64x128xf32, #tpu.memory_space<vmem>>) offsets(%dma_start3A_224 : memref<64xi32, #tpu.memory_space<vmem>>) semaphore(%arg11 : memref<!tpu.dma_semaphore, #tpu.memory_space<semaphore_mem>>)
    %scan3A_228 = arith.constant 0 : i32
    %scan3A_229 = arith.constant 79 : i32
    %scan3A_230 = arith.addi %scan3A_228, %scan3A_229 : i32
    %scan3A_231 = arith.constant 1 : i32
    scf.for %scan3A_256 = %scan3A_228 to %scan3A_230 step %scan3A_231  : i32 {
      %mul3A_257 = arith.constant 1 : i32
      %mul3A_258 = arith.muli %scan3A_256, %mul3A_257 : i32
      %add3A_259 = arith.constant 0 : i32
      %add3A_260 = arith.addi %add3A_259, %mul3A_258 : i32
      %mul3A_261 = arith.constant 632 : i32
      %mul3A_262 = arith.muli %arg1, %mul3A_261 : i32
      %mul3A_263 = arith.constant 8 : i32
      %mul3A_264 = arith.muli %add3A_260, %mul3A_263 : i32
      %add3A_265 = arith.addi %mul3A_262, %mul3A_264 : i32
      %dma_wait3A_266 = arith.constant 0 : i32
      %dma_wait3A_267 = tpu.memref_slice %arg8[%add3A_265, %dma_wait3A_266] : memref<10112x128xf32, #tpu.memory_space<vmem_shared>> -> memref<8x128xf32, #tpu.memory_space<vmem_shared>>
      %dma_wait3A_268 = arith.constant 0 : i32
      %dma_wait3A_269 = tpu.memref_slice %arg8[%add3A_265, %dma_wait3A_268] : memref<10112x128xf32, #tpu.memory_space<vmem_shared>> -> memref<8x128xf32, #tpu.memory_space<vmem_shared>>
      tpu.wait_dma2 semaphore(%arg25 : memref<!tpu.dma_semaphore, #tpu.memory_space<semaphore_mem>>) src(%arg7 : memref<8x128xf32, #tpu.memory_space<vmem>>) dst(%dma_wait3A_269 : memref<8x128xf32, #tpu.memory_space<vmem_shared>>)
    }
    %scan3A_232 = arith.constant 79 : i32
    %barrier3A = arith.constant 0 : index
    tpu.barrier barrier_id(%barrier3A)
    %scan3A_233 = arith.constant 0 : i32
    %scan3A_234 = arith.constant 20 : i32
    %scan3A_235 = arith.addi %scan3A_233, %scan3A_234 : i32
    %scan3A_236 = arith.constant 1 : i32
    scf.for %scan3A_256 = %scan3A_233 to %scan3A_235 step %scan3A_236  : i32 {
      %mul3A_257 = arith.constant 8 : i32
      %mul3A_258 = arith.muli %scan3A_256, %mul3A_257 : i32
      %add3A_259 = arith.constant 0 : i32
      %add3A_260 = arith.addi %add3A_259, %mul3A_258 : i32
      %add3A_261 = arith.constant 0 : i32
      %add3A_262 = arith.addi %add3A_260, %add3A_261 : i32
      %ge3A = arith.constant 1 : i32
      %ge3A_263 = arith.cmpi sge, %add3A_262, %ge3A : i32
      %convert_element_type3A = arith.extui %ge3A_263 : i1 to i32
      %cond3A = arith.constant 0 : i32
      %cond3A_264 = arith.cmpi ne, %convert_element_type3A, %cond3A : i32
      scf.if %cond3A_264 {
        %dma_wait3A_633 = arith.constant 3 : i32
        %dma_wait3A_634 = arith.constant 7 : i32
        %dma_wait3A_635 = arith.constant 1 : i32
        %dma_wait3A_636 = arith.constant 0 : i32
        %dma_wait3A_637 = arith.constant 0 : i32
        %dma_wait3A_638 = tpu.memref_slice %arg6[%dma_wait3A_633, %dma_wait3A_636, %dma_wait3A_637] : memref<4x64x128xf32, #tpu.memory_space<vmem>> -> memref<1x64x128xf32, #tpu.memory_space<vmem>>
        %dma_wait3A_639 = tpu.memref_squeeze %dma_wait3A_638 : memref<1x64x128xf32, #tpu.memory_space<vmem>> -> memref<64x128xf32, #tpu.memory_space<vmem>>
        %dma_wait3A_640 = arith.constant 0 : i32
        %dma_wait3A_641 = tpu.memref_slice %arg5[%dma_wait3A_634, %dma_wait3A_635, %dma_wait3A_640] : memref<8x2x64xi32, #tpu.memory_space<vmem>> -> memref<1x1x64xi32, #tpu.memory_space<vmem>>
        %dma_wait3A_642 = tpu.memref_squeeze %dma_wait3A_641 : memref<1x1x64xi32, #tpu.memory_space<vmem>> -> memref<64xi32, #tpu.memory_space<vmem>>
        %dma_wait3A_643 = arith.constant 0 : i32
        %dma_wait3A_644 = arith.constant 0 : i32
        %dma_wait3A_645 = tpu.memref_slice %arg8[%dma_wait3A_643, %dma_wait3A_644] : memref<10112x128xf32, #tpu.memory_space<vmem_shared>> -> memref<10112x128xf32, #tpu.memory_space<vmem_shared>>
        tpu.wait_indirect_dma semaphore(%arg16 : memref<!tpu.dma_semaphore, #tpu.memory_space<semaphore_mem>>) src(%dma_wait3A_639 : memref<64x128xf32, #tpu.memory_space<vmem>>) dst(%dma_wait3A_645 : memref<10112x128xf32, #tpu.memory_space<vmem_shared>>)
      } else {
      }
      %add3A_265 = arith.constant 7 : i32
      %add3A_266 = arith.addi %add3A_262, %add3A_265 : i32
      %lt3A = arith.constant 160 : i32
      %lt3A_267 = arith.cmpi slt, %add3A_266, %lt3A : i32
      %convert_element_type3A_268 = arith.extui %lt3A_267 : i1 to i32
      %cond3A_269 = arith.constant 0 : i32
      %cond3A_270 = arith.cmpi ne, %convert_element_type3A_268, %cond3A_269 : i32
      scf.if %cond3A_270 {
        %add3A_633 = arith.constant 7 : i32
        %add3A_634 = arith.addi %add3A_262, %add3A_633 : i32
        %dma_start3A_635 = arith.constant 7 : i32
        %dma_start3A_636 = arith.constant 0 : i32
        %dma_start3A_637 = arith.constant 0 : i32
        %dma_start3A_638 = tpu.memref_slice %arg5[%dma_start3A_635, %dma_start3A_636, %dma_start3A_637] : memref<8x2x64xi32, #tpu.memory_space<vmem>> -> memref<1x2x64xi32, #tpu.memory_space<vmem>>
        %dma_start3A_639 = tpu.memref_squeeze %dma_start3A_638 : memref<1x2x64xi32, #tpu.memory_space<vmem>> -> memref<2x64xi32, #tpu.memory_space<vmem>>
        %dma_start3A_640 = arith.constant 0 : i32
        %dma_start3A_641 = arith.constant 0 : i32
        %dma_start3A_642 = tpu.memref_slice %arg3[%add3A, %add3A_634, %dma_start3A_640, %dma_start3A_641] : memref<32x160x2x64xi32, #tpu.memory_space<hbm>> -> memref<1x1x2x64xi32, #tpu.memory_space<hbm>>
        %dma_start3A_643 = tpu.memref_squeeze %dma_start3A_642 : memref<1x1x2x64xi32, #tpu.memory_space<hbm>> -> memref<2x64xi32, #tpu.memory_space<hbm>>
        %dma_start3A_644 = arith.constant 0 : i32
        %dma_start3A_645 = arith.constant 0 : i32
        %dma_start3A_646 = tpu.memref_slice %arg5[%dma_start3A_635, %dma_start3A_644, %dma_start3A_645] : memref<8x2x64xi32, #tpu.memory_space<vmem>> -> memref<1x2x64xi32, #tpu.memory_space<vmem>>
        %dma_start3A_647 = tpu.memref_squeeze %dma_start3A_646 : memref<1x2x64xi32, #tpu.memory_space<vmem>> -> memref<2x64xi32, #tpu.memory_space<vmem>>
        %dma_start3A_648 = arith.constant 0 : i32
        %dma_start3A_649 = arith.constant 0 : i32
        %dma_start3A_650 = tpu.memref_slice %arg3[%add3A, %add3A_634, %dma_start3A_648, %dma_start3A_649] : memref<32x160x2x64xi32, #tpu.memory_space<hbm>> -> memref<1x1x2x64xi32, #tpu.memory_space<hbm>>
        %dma_start3A_651 = tpu.memref_squeeze %dma_start3A_650 : memref<1x1x2x64xi32, #tpu.memory_space<hbm>> -> memref<2x64xi32, #tpu.memory_space<hbm>>
        tpu.enqueue_dma source(%dma_start3A_651 : memref<2x64xi32, #tpu.memory_space<hbm>>) target(%dma_start3A_647 : memref<2x64xi32, #tpu.memory_space<vmem>>) target_semaphore(%arg24 : memref<!tpu.dma_semaphore, #tpu.memory_space<semaphore_mem>>)
      } else {
      }
      %add3A_271 = arith.constant 3 : i32
      %add3A_272 = arith.addi %add3A_262, %add3A_271 : i32
      %lt3A_273 = arith.constant 160 : i32
      %lt3A_274 = arith.cmpi slt, %add3A_272, %lt3A_273 : i32
      %convert_element_type3A_275 = arith.extui %lt3A_274 : i1 to i32
      %cond3A_276 = arith.constant 0 : i32
      %cond3A_277 = arith.cmpi ne, %convert_element_type3A_275, %cond3A_276 : i32
      scf.if %cond3A_277 {
        %add3A_633 = arith.constant 3 : i32
        %add3A_634 = arith.addi %add3A_262, %add3A_633 : i32
        %dma_wait3A_635 = arith.constant 3 : i32
        %dma_wait3A_636 = arith.constant 0 : i32
        %dma_wait3A_637 = arith.constant 0 : i32
        %dma_wait3A_638 = tpu.memref_slice %arg5[%dma_wait3A_635, %dma_wait3A_636, %dma_wait3A_637] : memref<8x2x64xi32, #tpu.memory_space<vmem>> -> memref<1x2x64xi32, #tpu.memory_space<vmem>>
        %dma_wait3A_639 = tpu.memref_squeeze %dma_wait3A_638 : memref<1x2x64xi32, #tpu.memory_space<vmem>> -> memref<2x64xi32, #tpu.memory_space<vmem>>
        %dma_wait3A_640 = arith.constant 0 : i32
        %dma_wait3A_641 = arith.constant 0 : i32
        %dma_wait3A_642 = tpu.memref_slice %arg3[%add3A, %add3A_634, %dma_wait3A_640, %dma_wait3A_641] : memref<32x160x2x64xi32, #tpu.memory_space<hbm>> -> memref<1x1x2x64xi32, #tpu.memory_space<hbm>>
        %dma_wait3A_643 = tpu.memref_squeeze %dma_wait3A_642 : memref<1x1x2x64xi32, #tpu.memory_space<hbm>> -> memref<2x64xi32, #tpu.memory_space<hbm>>
        %dma_wait3A_644 = arith.constant 0 : i32
        %dma_wait3A_645 = arith.constant 0 : i32
        %dma_wait3A_646 = tpu.memref_slice %arg5[%dma_wait3A_635, %dma_wait3A_644, %dma_wait3A_645] : memref<8x2x64xi32, #tpu.memory_space<vmem>> -> memref<1x2x64xi32, #tpu.memory_space<vmem>>
        %dma_wait3A_647 = tpu.memref_squeeze %dma_wait3A_646 : memref<1x2x64xi32, #tpu.memory_space<vmem>> -> memref<2x64xi32, #tpu.memory_space<vmem>>
        %dma_wait3A_648 = arith.constant 0 : i32
        %dma_wait3A_649 = arith.constant 0 : i32
        %dma_wait3A_650 = tpu.memref_slice %arg3[%add3A, %add3A_634, %dma_wait3A_648, %dma_wait3A_649] : memref<32x160x2x64xi32, #tpu.memory_space<hbm>> -> memref<1x1x2x64xi32, #tpu.memory_space<hbm>>
        %dma_wait3A_651 = tpu.memref_squeeze %dma_wait3A_650 : memref<1x1x2x64xi32, #tpu.memory_space<hbm>> -> memref<2x64xi32, #tpu.memory_space<hbm>>
        tpu.wait_dma2 semaphore(%arg20 : memref<!tpu.dma_semaphore, #tpu.memory_space<semaphore_mem>>) src(%dma_wait3A_651 : memref<2x64xi32, #tpu.memory_space<hbm>>) dst(%dma_wait3A_647 : memref<2x64xi32, #tpu.memory_space<vmem>>)
        %dma_start3A_652 = arith.constant 3 : i32
        %dma_start3A_653 = arith.constant 0 : i32
        %dma_start3A_654 = arith.constant 3 : i32
        %dma_start3A_655 = arith.constant 0 : i32
        %dma_start3A_656 = arith.constant 0 : i32
        %dma_start3A_657 = tpu.memref_slice %arg6[%dma_start3A_654, %dma_start3A_655, %dma_start3A_656] : memref<4x64x128xf32, #tpu.memory_space<vmem>> -> memref<1x64x128xf32, #tpu.memory_space<vmem>>
        %dma_start3A_658 = tpu.memref_squeeze %dma_start3A_657 : memref<1x64x128xf32, #tpu.memory_space<vmem>> -> memref<64x128xf32, #tpu.memory_space<vmem>>
        %dma_start3A_659 = arith.constant 0 : i32
        %dma_start3A_660 = tpu.memref_slice %arg5[%dma_start3A_652, %dma_start3A_653, %dma_start3A_659] : memref<8x2x64xi32, #tpu.memory_space<vmem>> -> memref<1x1x64xi32, #tpu.memory_space<vmem>>
        %dma_start3A_661 = tpu.memref_squeeze %dma_start3A_660 : memref<1x1x64xi32, #tpu.memory_space<vmem>> -> memref<64xi32, #tpu.memory_space<vmem>>
        %dma_start3A_662 = arith.constant 0 : i32
        %dma_start3A_663 = arith.constant 0 : i32
        %dma_start3A_664 = tpu.memref_slice %arg2[%dma_start3A_662, %dma_start3A_663] : memref<10000x128xf32, #tpu.memory_space<hbm>> -> memref<10000x128xf32, #tpu.memory_space<hbm>>
        tpu.enqueue_indirect_dma source(%dma_start3A_664 : memref<10000x128xf32, #tpu.memory_space<hbm>>) target(%dma_start3A_658 : memref<64x128xf32, #tpu.memory_space<vmem>>) offsets(%dma_start3A_661 : memref<64xi32, #tpu.memory_space<vmem>>) semaphore(%arg12 : memref<!tpu.dma_semaphore, #tpu.memory_space<semaphore_mem>>)
      } else {
      }
      %dma_wait3A_278 = arith.constant 0 : i32
      %dma_wait3A_279 = arith.constant 0 : i32
      %dma_wait3A_280 = arith.constant 0 : i32
      %dma_wait3A_281 = arith.constant 0 : i32
      %dma_wait3A_282 = arith.constant 0 : i32
      %dma_wait3A_283 = tpu.memref_slice %arg6[%dma_wait3A_280, %dma_wait3A_281, %dma_wait3A_282] : memref<4x64x128xf32, #tpu.memory_space<vmem>> -> memref<1x64x128xf32, #tpu.memory_space<vmem>>
      %dma_wait3A_284 = tpu.memref_squeeze %dma_wait3A_283 : memref<1x64x128xf32, #tpu.memory_space<vmem>> -> memref<64x128xf32, #tpu.memory_space<vmem>>
      %dma_wait3A_285 = arith.constant 0 : i32
      %dma_wait3A_286 = tpu.memref_slice %arg5[%dma_wait3A_278, %dma_wait3A_279, %dma_wait3A_285] : memref<8x2x64xi32, #tpu.memory_space<vmem>> -> memref<1x1x64xi32, #tpu.memory_space<vmem>>
      %dma_wait3A_287 = tpu.memref_squeeze %dma_wait3A_286 : memref<1x1x64xi32, #tpu.memory_space<vmem>> -> memref<64xi32, #tpu.memory_space<vmem>>
      %dma_wait3A_288 = arith.constant 0 : i32
      %dma_wait3A_289 = arith.constant 0 : i32
      %dma_wait3A_290 = tpu.memref_slice %arg2[%dma_wait3A_288, %dma_wait3A_289] : memref<10000x128xf32, #tpu.memory_space<hbm>> -> memref<10000x128xf32, #tpu.memory_space<hbm>>
      tpu.wait_indirect_dma semaphore(%arg9 : memref<!tpu.dma_semaphore, #tpu.memory_space<semaphore_mem>>) src(%dma_wait3A_290 : memref<10000x128xf32, #tpu.memory_space<hbm>>) dst(%dma_wait3A_284 : memref<64x128xf32, #tpu.memory_space<vmem>>)
      %dma_start3A_291 = arith.constant 0 : i32
      %dma_start3A_292 = arith.constant 0 : i32
      %dma_start3A_293 = arith.constant 1 : i32
      %dma_start3A_294 = arith.constant 0 : i32
      %dma_start3A_295 = arith.constant 0 : i32
      %dma_start3A_296 = tpu.memref_slice %arg6[%dma_start3A_291, %dma_start3A_294, %dma_start3A_295] : memref<4x64x128xf32, #tpu.memory_space<vmem>> -> memref<1x64x128xf32, #tpu.memory_space<vmem>>
      %dma_start3A_297 = tpu.memref_squeeze %dma_start3A_296 : memref<1x64x128xf32, #tpu.memory_space<vmem>> -> memref<64x128xf32, #tpu.memory_space<vmem>>
      %dma_start3A_298 = arith.constant 0 : i32
      %dma_start3A_299 = tpu.memref_slice %arg5[%dma_start3A_292, %dma_start3A_293, %dma_start3A_298] : memref<8x2x64xi32, #tpu.memory_space<vmem>> -> memref<1x1x64xi32, #tpu.memory_space<vmem>>
      %dma_start3A_300 = tpu.memref_squeeze %dma_start3A_299 : memref<1x1x64xi32, #tpu.memory_space<vmem>> -> memref<64xi32, #tpu.memory_space<vmem>>
      %dma_start3A_301 = arith.constant 0 : i32
      %dma_start3A_302 = arith.constant 0 : i32
      %dma_start3A_303 = tpu.memref_slice %arg8[%dma_start3A_301, %dma_start3A_302] : memref<10112x128xf32, #tpu.memory_space<vmem_shared>> -> memref<10112x128xf32, #tpu.memory_space<vmem_shared>>
      tpu.enqueue_indirect_dma source(%dma_start3A_297 : memref<64x128xf32, #tpu.memory_space<vmem>>) target(%dma_start3A_303 : memref<10112x128xf32, #tpu.memory_space<vmem_shared>>) offsets(%dma_start3A_300 : memref<64xi32, #tpu.memory_space<vmem>>) semaphore(%arg13 : memref<!tpu.dma_semaphore, #tpu.memory_space<semaphore_mem>>) {add = true}
      %add3A_304 = arith.constant 1 : i32
      %add3A_305 = arith.addi %add3A_260, %add3A_304 : i32
      %ge3A_306 = arith.constant 1 : i32
      %ge3A_307 = arith.cmpi sge, %add3A_305, %ge3A_306 : i32
      %convert_element_type3A_308 = arith.extui %ge3A_307 : i1 to i32
      %cond3A_309 = arith.constant 0 : i32
      %cond3A_310 = arith.cmpi ne, %convert_element_type3A_308, %cond3A_309 : i32
      scf.if %cond3A_310 {
        %dma_wait3A_633 = arith.constant 0 : i32
        %dma_wait3A_634 = arith.constant 0 : i32
        %dma_wait3A_635 = arith.constant 1 : i32
        %dma_wait3A_636 = arith.constant 0 : i32
        %dma_wait3A_637 = arith.constant 0 : i32
        %dma_wait3A_638 = tpu.memref_slice %arg6[%dma_wait3A_633, %dma_wait3A_636, %dma_wait3A_637] : memref<4x64x128xf32, #tpu.memory_space<vmem>> -> memref<1x64x128xf32, #tpu.memory_space<vmem>>
        %dma_wait3A_639 = tpu.memref_squeeze %dma_wait3A_638 : memref<1x64x128xf32, #tpu.memory_space<vmem>> -> memref<64x128xf32, #tpu.memory_space<vmem>>
        %dma_wait3A_640 = arith.constant 0 : i32
        %dma_wait3A_641 = tpu.memref_slice %arg5[%dma_wait3A_634, %dma_wait3A_635, %dma_wait3A_640] : memref<8x2x64xi32, #tpu.memory_space<vmem>> -> memref<1x1x64xi32, #tpu.memory_space<vmem>>
        %dma_wait3A_642 = tpu.memref_squeeze %dma_wait3A_641 : memref<1x1x64xi32, #tpu.memory_space<vmem>> -> memref<64xi32, #tpu.memory_space<vmem>>
        %dma_wait3A_643 = arith.constant 0 : i32
        %dma_wait3A_644 = arith.constant 0 : i32
        %dma_wait3A_645 = tpu.memref_slice %arg8[%dma_wait3A_643, %dma_wait3A_644] : memref<10112x128xf32, #tpu.memory_space<vmem_shared>> -> memref<10112x128xf32, #tpu.memory_space<vmem_shared>>
        tpu.wait_indirect_dma semaphore(%arg13 : memref<!tpu.dma_semaphore, #tpu.memory_space<semaphore_mem>>) src(%dma_wait3A_639 : memref<64x128xf32, #tpu.memory_space<vmem>>) dst(%dma_wait3A_645 : memref<10112x128xf32, #tpu.memory_space<vmem_shared>>)
      } else {
      }
      %add3A_311 = arith.constant 7 : i32
      %add3A_312 = arith.addi %add3A_305, %add3A_311 : i32
      %lt3A_313 = arith.constant 160 : i32
      %lt3A_314 = arith.cmpi slt, %add3A_312, %lt3A_313 : i32
      %convert_element_type3A_315 = arith.extui %lt3A_314 : i1 to i32
      %cond3A_316 = arith.constant 0 : i32
      %cond3A_317 = arith.cmpi ne, %convert_element_type3A_315, %cond3A_316 : i32
      scf.if %cond3A_317 {
        %add3A_633 = arith.constant 7 : i32
        %add3A_634 = arith.addi %add3A_305, %add3A_633 : i32
        %dma_start3A_635 = arith.constant 0 : i32
        %dma_start3A_636 = arith.constant 0 : i32
        %dma_start3A_637 = arith.constant 0 : i32
        %dma_start3A_638 = tpu.memref_slice %arg5[%dma_start3A_635, %dma_start3A_636, %dma_start3A_637] : memref<8x2x64xi32, #tpu.memory_space<vmem>> -> memref<1x2x64xi32, #tpu.memory_space<vmem>>
        %dma_start3A_639 = tpu.memref_squeeze %dma_start3A_638 : memref<1x2x64xi32, #tpu.memory_space<vmem>> -> memref<2x64xi32, #tpu.memory_space<vmem>>
        %dma_start3A_640 = arith.constant 0 : i32
        %dma_start3A_641 = arith.constant 0 : i32
        %dma_start3A_642 = tpu.memref_slice %arg3[%add3A, %add3A_634, %dma_start3A_640, %dma_start3A_641] : memref<32x160x2x64xi32, #tpu.memory_space<hbm>> -> memref<1x1x2x64xi32, #tpu.memory_space<hbm>>
        %dma_start3A_643 = tpu.memref_squeeze %dma_start3A_642 : memref<1x1x2x64xi32, #tpu.memory_space<hbm>> -> memref<2x64xi32, #tpu.memory_space<hbm>>
        %dma_start3A_644 = arith.constant 0 : i32
        %dma_start3A_645 = arith.constant 0 : i32
        %dma_start3A_646 = tpu.memref_slice %arg5[%dma_start3A_635, %dma_start3A_644, %dma_start3A_645] : memref<8x2x64xi32, #tpu.memory_space<vmem>> -> memref<1x2x64xi32, #tpu.memory_space<vmem>>
        %dma_start3A_647 = tpu.memref_squeeze %dma_start3A_646 : memref<1x2x64xi32, #tpu.memory_space<vmem>> -> memref<2x64xi32, #tpu.memory_space<vmem>>
        %dma_start3A_648 = arith.constant 0 : i32
        %dma_start3A_649 = arith.constant 0 : i32
        %dma_start3A_650 = tpu.memref_slice %arg3[%add3A, %add3A_634, %dma_start3A_648, %dma_start3A_649] : memref<32x160x2x64xi32, #tpu.memory_space<hbm>> -> memref<1x1x2x64xi32, #tpu.memory_space<hbm>>
        %dma_start3A_651 = tpu.memref_squeeze %dma_start3A_650 : memref<1x1x2x64xi32, #tpu.memory_space<hbm>> -> memref<2x64xi32, #tpu.memory_space<hbm>>
        tpu.enqueue_dma source(%dma_start3A_651 : memref<2x64xi32, #tpu.memory_space<hbm>>) target(%dma_start3A_647 : memref<2x64xi32, #tpu.memory_space<vmem>>) target_semaphore(%arg17 : memref<!tpu.dma_semaphore, #tpu.memory_space<semaphore_mem>>)
      } else {
      }
      %add3A_318 = arith.constant 3 : i32
      %add3A_319 = arith.addi %add3A_305, %add3A_318 : i32
      %lt3A_320 = arith.constant 160 : i32
      %lt3A_321 = arith.cmpi slt, %add3A_319, %lt3A_320 : i32
      %convert_element_type3A_322 = arith.extui %lt3A_321 : i1 to i32
      %cond3A_323 = arith.constant 0 : i32
      %cond3A_324 = arith.cmpi ne, %convert_element_type3A_322, %cond3A_323 : i32
      scf.if %cond3A_324 {
        %add3A_633 = arith.constant 3 : i32
        %add3A_634 = arith.addi %add3A_305, %add3A_633 : i32
        %dma_wait3A_635 = arith.constant 4 : i32
        %dma_wait3A_636 = arith.constant 0 : i32
        %dma_wait3A_637 = arith.constant 0 : i32
        %dma_wait3A_638 = tpu.memref_slice %arg5[%dma_wait3A_635, %dma_wait3A_636, %dma_wait3A_637] : memref<8x2x64xi32, #tpu.memory_space<vmem>> -> memref<1x2x64xi32, #tpu.memory_space<vmem>>
        %dma_wait3A_639 = tpu.memref_squeeze %dma_wait3A_638 : memref<1x2x64xi32, #tpu.memory_space<vmem>> -> memref<2x64xi32, #tpu.memory_space<vmem>>
        %dma_wait3A_640 = arith.constant 0 : i32
        %dma_wait3A_641 = arith.constant 0 : i32
        %dma_wait3A_642 = tpu.memref_slice %arg3[%add3A, %add3A_634, %dma_wait3A_640, %dma_wait3A_641] : memref<32x160x2x64xi32, #tpu.memory_space<hbm>> -> memref<1x1x2x64xi32, #tpu.memory_space<hbm>>
        %dma_wait3A_643 = tpu.memref_squeeze %dma_wait3A_642 : memref<1x1x2x64xi32, #tpu.memory_space<hbm>> -> memref<2x64xi32, #tpu.memory_space<hbm>>
        %dma_wait3A_644 = arith.constant 0 : i32
        %dma_wait3A_645 = arith.constant 0 : i32
        %dma_wait3A_646 = tpu.memref_slice %arg5[%dma_wait3A_635, %dma_wait3A_644, %dma_wait3A_645] : memref<8x2x64xi32, #tpu.memory_space<vmem>> -> memref<1x2x64xi32, #tpu.memory_space<vmem>>
        %dma_wait3A_647 = tpu.memref_squeeze %dma_wait3A_646 : memref<1x2x64xi32, #tpu.memory_space<vmem>> -> memref<2x64xi32, #tpu.memory_space<vmem>>
        %dma_wait3A_648 = arith.constant 0 : i32
        %dma_wait3A_649 = arith.constant 0 : i32
        %dma_wait3A_650 = tpu.memref_slice %arg3[%add3A, %add3A_634, %dma_wait3A_648, %dma_wait3A_649] : memref<32x160x2x64xi32, #tpu.memory_space<hbm>> -> memref<1x1x2x64xi32, #tpu.memory_space<hbm>>
        %dma_wait3A_651 = tpu.memref_squeeze %dma_wait3A_650 : memref<1x1x2x64xi32, #tpu.memory_space<hbm>> -> memref<2x64xi32, #tpu.memory_space<hbm>>
        tpu.wait_dma2 semaphore(%arg21 : memref<!tpu.dma_semaphore, #tpu.memory_space<semaphore_mem>>) src(%dma_wait3A_651 : memref<2x64xi32, #tpu.memory_space<hbm>>) dst(%dma_wait3A_647 : memref<2x64xi32, #tpu.memory_space<vmem>>)
        %dma_start3A_652 = arith.constant 4 : i32
        %dma_start3A_653 = arith.constant 0 : i32
        %dma_start3A_654 = arith.constant 0 : i32
        %dma_start3A_655 = arith.constant 0 : i32
        %dma_start3A_656 = arith.constant 0 : i32
        %dma_start3A_657 = tpu.memref_slice %arg6[%dma_start3A_654, %dma_start3A_655, %dma_start3A_656] : memref<4x64x128xf32, #tpu.memory_space<vmem>> -> memref<1x64x128xf32, #tpu.memory_space<vmem>>
        %dma_start3A_658 = tpu.memref_squeeze %dma_start3A_657 : memref<1x64x128xf32, #tpu.memory_space<vmem>> -> memref<64x128xf32, #tpu.memory_space<vmem>>
        %dma_start3A_659 = arith.constant 0 : i32
        %dma_start3A_660 = tpu.memref_slice %arg5[%dma_start3A_652, %dma_start3A_653, %dma_start3A_659] : memref<8x2x64xi32, #tpu.memory_space<vmem>> -> memref<1x1x64xi32, #tpu.memory_space<vmem>>
        %dma_start3A_661 = tpu.memref_squeeze %dma_start3A_660 : memref<1x1x64xi32, #tpu.memory_space<vmem>> -> memref<64xi32, #tpu.memory_space<vmem>>
        %dma_start3A_662 = arith.constant 0 : i32
        %dma_start3A_663 = arith.constant 0 : i32
        %dma_start3A_664 = tpu.memref_slice %arg2[%dma_start3A_662, %dma_start3A_663] : memref<10000x128xf32, #tpu.memory_space<hbm>> -> memref<10000x128xf32, #tpu.memory_space<hbm>>
        tpu.enqueue_indirect_dma source(%dma_start3A_664 : memref<10000x128xf32, #tpu.memory_space<hbm>>) target(%dma_start3A_658 : memref<64x128xf32, #tpu.memory_space<vmem>>) offsets(%dma_start3A_661 : memref<64xi32, #tpu.memory_space<vmem>>) semaphore(%arg9 : memref<!tpu.dma_semaphore, #tpu.memory_space<semaphore_mem>>)
      } else {
      }
      %dma_wait3A_325 = arith.constant 1 : i32
      %dma_wait3A_326 = arith.constant 0 : i32
      %dma_wait3A_327 = arith.constant 1 : i32
      %dma_wait3A_328 = arith.constant 0 : i32
      %dma_wait3A_329 = arith.constant 0 : i32
      %dma_wait3A_330 = tpu.memref_slice %arg6[%dma_wait3A_327, %dma_wait3A_328, %dma_wait3A_329] : memref<4x64x128xf32, #tpu.memory_space<vmem>> -> memref<1x64x128xf32, #tpu.memory_space<vmem>>
      %dma_wait3A_331 = tpu.memref_squeeze %dma_wait3A_330 : memref<1x64x128xf32, #tpu.memory_space<vmem>> -> memref<64x128xf32, #tpu.memory_space<vmem>>
      %dma_wait3A_332 = arith.constant 0 : i32
      %dma_wait3A_333 = tpu.memref_slice %arg5[%dma_wait3A_325, %dma_wait3A_326, %dma_wait3A_332] : memref<8x2x64xi32, #tpu.memory_space<vmem>> -> memref<1x1x64xi32, #tpu.memory_space<vmem>>
      %dma_wait3A_334 = tpu.memref_squeeze %dma_wait3A_333 : memref<1x1x64xi32, #tpu.memory_space<vmem>> -> memref<64xi32, #tpu.memory_space<vmem>>
      %dma_wait3A_335 = arith.constant 0 : i32
      %dma_wait3A_336 = arith.constant 0 : i32
      %dma_wait3A_337 = tpu.memref_slice %arg2[%dma_wait3A_335, %dma_wait3A_336] : memref<10000x128xf32, #tpu.memory_space<hbm>> -> memref<10000x128xf32, #tpu.memory_space<hbm>>
      tpu.wait_indirect_dma semaphore(%arg10 : memref<!tpu.dma_semaphore, #tpu.memory_space<semaphore_mem>>) src(%dma_wait3A_337 : memref<10000x128xf32, #tpu.memory_space<hbm>>) dst(%dma_wait3A_331 : memref<64x128xf32, #tpu.memory_space<vmem>>)
      %dma_start3A_338 = arith.constant 1 : i32
      %dma_start3A_339 = arith.constant 1 : i32
      %dma_start3A_340 = arith.constant 1 : i32
      %dma_start3A_341 = arith.constant 0 : i32
      %dma_start3A_342 = arith.constant 0 : i32
      %dma_start3A_343 = tpu.memref_slice %arg6[%dma_start3A_338, %dma_start3A_341, %dma_start3A_342] : memref<4x64x128xf32, #tpu.memory_space<vmem>> -> memref<1x64x128xf32, #tpu.memory_space<vmem>>
      %dma_start3A_344 = tpu.memref_squeeze %dma_start3A_343 : memref<1x64x128xf32, #tpu.memory_space<vmem>> -> memref<64x128xf32, #tpu.memory_space<vmem>>
      %dma_start3A_345 = arith.constant 0 : i32
      %dma_start3A_346 = tpu.memref_slice %arg5[%dma_start3A_339, %dma_start3A_340, %dma_start3A_345] : memref<8x2x64xi32, #tpu.memory_space<vmem>> -> memref<1x1x64xi32, #tpu.memory_space<vmem>>
      %dma_start3A_347 = tpu.memref_squeeze %dma_start3A_346 : memref<1x1x64xi32, #tpu.memory_space<vmem>> -> memref<64xi32, #tpu.memory_space<vmem>>
      %dma_start3A_348 = arith.constant 0 : i32
      %dma_start3A_349 = arith.constant 0 : i32
      %dma_start3A_350 = tpu.memref_slice %arg8[%dma_start3A_348, %dma_start3A_349] : memref<10112x128xf32, #tpu.memory_space<vmem_shared>> -> memref<10112x128xf32, #tpu.memory_space<vmem_shared>>
      tpu.enqueue_indirect_dma source(%dma_start3A_344 : memref<64x128xf32, #tpu.memory_space<vmem>>) target(%dma_start3A_350 : memref<10112x128xf32, #tpu.memory_space<vmem_shared>>) offsets(%dma_start3A_347 : memref<64xi32, #tpu.memory_space<vmem>>) semaphore(%arg14 : memref<!tpu.dma_semaphore, #tpu.memory_space<semaphore_mem>>) {add = true}
      %add3A_351 = arith.constant 2 : i32
      %add3A_352 = arith.addi %add3A_260, %add3A_351 : i32
      %ge3A_353 = arith.constant 1 : i32
      %ge3A_354 = arith.cmpi sge, %add3A_352, %ge3A_353 : i32
      %convert_element_type3A_355 = arith.extui %ge3A_354 : i1 to i32
      %cond3A_356 = arith.constant 0 : i32
      %cond3A_357 = arith.cmpi ne, %convert_element_type3A_355, %cond3A_356 : i32
      scf.if %cond3A_357 {
        %dma_wait3A_633 = arith.constant 1 : i32
        %dma_wait3A_634 = arith.constant 1 : i32
        %dma_wait3A_635 = arith.constant 1 : i32
        %dma_wait3A_636 = arith.constant 0 : i32
        %dma_wait3A_637 = arith.constant 0 : i32
        %dma_wait3A_638 = tpu.memref_slice %arg6[%dma_wait3A_633, %dma_wait3A_636, %dma_wait3A_637] : memref<4x64x128xf32, #tpu.memory_space<vmem>> -> memref<1x64x128xf32, #tpu.memory_space<vmem>>
        %dma_wait3A_639 = tpu.memref_squeeze %dma_wait3A_638 : memref<1x64x128xf32, #tpu.memory_space<vmem>> -> memref<64x128xf32, #tpu.memory_space<vmem>>
        %dma_wait3A_640 = arith.constant 0 : i32
        %dma_wait3A_641 = tpu.memref_slice %arg5[%dma_wait3A_634, %dma_wait3A_635, %dma_wait3A_640] : memref<8x2x64xi32, #tpu.memory_space<vmem>> -> memref<1x1x64xi32, #tpu.memory_space<vmem>>
        %dma_wait3A_642 = tpu.memref_squeeze %dma_wait3A_641 : memref<1x1x64xi32, #tpu.memory_space<vmem>> -> memref<64xi32, #tpu.memory_space<vmem>>
        %dma_wait3A_643 = arith.constant 0 : i32
        %dma_wait3A_644 = arith.constant 0 : i32
        %dma_wait3A_645 = tpu.memref_slice %arg8[%dma_wait3A_643, %dma_wait3A_644] : memref<10112x128xf32, #tpu.memory_space<vmem_shared>> -> memref<10112x128xf32, #tpu.memory_space<vmem_shared>>
        tpu.wait_indirect_dma semaphore(%arg14 : memref<!tpu.dma_semaphore, #tpu.memory_space<semaphore_mem>>) src(%dma_wait3A_639 : memref<64x128xf32, #tpu.memory_space<vmem>>) dst(%dma_wait3A_645 : memref<10112x128xf32, #tpu.memory_space<vmem_shared>>)
      } else {
      }
      %add3A_358 = arith.constant 7 : i32
      %add3A_359 = arith.addi %add3A_352, %add3A_358 : i32
      %lt3A_360 = arith.constant 160 : i32
      %lt3A_361 = arith.cmpi slt, %add3A_359, %lt3A_360 : i32
      %convert_element_type3A_362 = arith.extui %lt3A_361 : i1 to i32
      %cond3A_363 = arith.constant 0 : i32
      %cond3A_364 = arith.cmpi ne, %convert_element_type3A_362, %cond3A_363 : i32
      scf.if %cond3A_364 {
        %add3A_633 = arith.constant 7 : i32
        %add3A_634 = arith.addi %add3A_352, %add3A_633 : i32
        %dma_start3A_635 = arith.constant 1 : i32
        %dma_start3A_636 = arith.constant 0 : i32
        %dma_start3A_637 = arith.constant 0 : i32
        %dma_start3A_638 = tpu.memref_slice %arg5[%dma_start3A_635, %dma_start3A_636, %dma_start3A_637] : memref<8x2x64xi32, #tpu.memory_space<vmem>> -> memref<1x2x64xi32, #tpu.memory_space<vmem>>
        %dma_start3A_639 = tpu.memref_squeeze %dma_start3A_638 : memref<1x2x64xi32, #tpu.memory_space<vmem>> -> memref<2x64xi32, #tpu.memory_space<vmem>>
        %dma_start3A_640 = arith.constant 0 : i32
        %dma_start3A_641 = arith.constant 0 : i32
        %dma_start3A_642 = tpu.memref_slice %arg3[%add3A, %add3A_634, %dma_start3A_640, %dma_start3A_641] : memref<32x160x2x64xi32, #tpu.memory_space<hbm>> -> memref<1x1x2x64xi32, #tpu.memory_space<hbm>>
        %dma_start3A_643 = tpu.memref_squeeze %dma_start3A_642 : memref<1x1x2x64xi32, #tpu.memory_space<hbm>> -> memref<2x64xi32, #tpu.memory_space<hbm>>
        %dma_start3A_644 = arith.constant 0 : i32
        %dma_start3A_645 = arith.constant 0 : i32
        %dma_start3A_646 = tpu.memref_slice %arg5[%dma_start3A_635, %dma_start3A_644, %dma_start3A_645] : memref<8x2x64xi32, #tpu.memory_space<vmem>> -> memref<1x2x64xi32, #tpu.memory_space<vmem>>
        %dma_start3A_647 = tpu.memref_squeeze %dma_start3A_646 : memref<1x2x64xi32, #tpu.memory_space<vmem>> -> memref<2x64xi32, #tpu.memory_space<vmem>>
        %dma_start3A_648 = arith.constant 0 : i32
        %dma_start3A_649 = arith.constant 0 : i32
        %dma_start3A_650 = tpu.memref_slice %arg3[%add3A, %add3A_634, %dma_start3A_648, %dma_start3A_649] : memref<32x160x2x64xi32, #tpu.memory_space<hbm>> -> memref<1x1x2x64xi32, #tpu.memory_space<hbm>>
        %dma_start3A_651 = tpu.memref_squeeze %dma_start3A_650 : memref<1x1x2x64xi32, #tpu.memory_space<hbm>> -> memref<2x64xi32, #tpu.memory_space<hbm>>
        tpu.enqueue_dma source(%dma_start3A_651 : memref<2x64xi32, #tpu.memory_space<hbm>>) target(%dma_start3A_647 : memref<2x64xi32, #tpu.memory_space<vmem>>) target_semaphore(%arg18 : memref<!tpu.dma_semaphore, #tpu.memory_space<semaphore_mem>>)
      } else {
      }
      %add3A_365 = arith.constant 3 : i32
      %add3A_366 = arith.addi %add3A_352, %add3A_365 : i32
      %lt3A_367 = arith.constant 160 : i32
      %lt3A_368 = arith.cmpi slt, %add3A_366, %lt3A_367 : i32
      %convert_element_type3A_369 = arith.extui %lt3A_368 : i1 to i32
      %cond3A_370 = arith.constant 0 : i32
      %cond3A_371 = arith.cmpi ne, %convert_element_type3A_369, %cond3A_370 : i32
      scf.if %cond3A_371 {
        %add3A_633 = arith.constant 3 : i32
        %add3A_634 = arith.addi %add3A_352, %add3A_633 : i32
        %dma_wait3A_635 = arith.constant 5 : i32
        %dma_wait3A_636 = arith.constant 0 : i32
        %dma_wait3A_637 = arith.constant 0 : i32
        %dma_wait3A_638 = tpu.memref_slice %arg5[%dma_wait3A_635, %dma_wait3A_636, %dma_wait3A_637] : memref<8x2x64xi32, #tpu.memory_space<vmem>> -> memref<1x2x64xi32, #tpu.memory_space<vmem>>
        %dma_wait3A_639 = tpu.memref_squeeze %dma_wait3A_638 : memref<1x2x64xi32, #tpu.memory_space<vmem>> -> memref<2x64xi32, #tpu.memory_space<vmem>>
        %dma_wait3A_640 = arith.constant 0 : i32
        %dma_wait3A_641 = arith.constant 0 : i32
        %dma_wait3A_642 = tpu.memref_slice %arg3[%add3A, %add3A_634, %dma_wait3A_640, %dma_wait3A_641] : memref<32x160x2x64xi32, #tpu.memory_space<hbm>> -> memref<1x1x2x64xi32, #tpu.memory_space<hbm>>
        %dma_wait3A_643 = tpu.memref_squeeze %dma_wait3A_642 : memref<1x1x2x64xi32, #tpu.memory_space<hbm>> -> memref<2x64xi32, #tpu.memory_space<hbm>>
        %dma_wait3A_644 = arith.constant 0 : i32
        %dma_wait3A_645 = arith.constant 0 : i32
        %dma_wait3A_646 = tpu.memref_slice %arg5[%dma_wait3A_635, %dma_wait3A_644, %dma_wait3A_645] : memref<8x2x64xi32, #tpu.memory_space<vmem>> -> memref<1x2x64xi32, #tpu.memory_space<vmem>>
        %dma_wait3A_647 = tpu.memref_squeeze %dma_wait3A_646 : memref<1x2x64xi32, #tpu.memory_space<vmem>> -> memref<2x64xi32, #tpu.memory_space<vmem>>
        %dma_wait3A_648 = arith.constant 0 : i32
        %dma_wait3A_649 = arith.constant 0 : i32
        %dma_wait3A_650 = tpu.memref_slice %arg3[%add3A, %add3A_634, %dma_wait3A_648, %dma_wait3A_649] : memref<32x160x2x64xi32, #tpu.memory_space<hbm>> -> memref<1x1x2x64xi32, #tpu.memory_space<hbm>>
        %dma_wait3A_651 = tpu.memref_squeeze %dma_wait3A_650 : memref<1x1x2x64xi32, #tpu.memory_space<hbm>> -> memref<2x64xi32, #tpu.memory_space<hbm>>
        tpu.wait_dma2 semaphore(%arg22 : memref<!tpu.dma_semaphore, #tpu.memory_space<semaphore_mem>>) src(%dma_wait3A_651 : memref<2x64xi32, #tpu.memory_space<hbm>>) dst(%dma_wait3A_647 : memref<2x64xi32, #tpu.memory_space<vmem>>)
        %dma_start3A_652 = arith.constant 5 : i32
        %dma_start3A_653 = arith.constant 0 : i32
        %dma_start3A_654 = arith.constant 1 : i32
        %dma_start3A_655 = arith.constant 0 : i32
        %dma_start3A_656 = arith.constant 0 : i32
        %dma_start3A_657 = tpu.memref_slice %arg6[%dma_start3A_654, %dma_start3A_655, %dma_start3A_656] : memref<4x64x128xf32, #tpu.memory_space<vmem>> -> memref<1x64x128xf32, #tpu.memory_space<vmem>>
        %dma_start3A_658 = tpu.memref_squeeze %dma_start3A_657 : memref<1x64x128xf32, #tpu.memory_space<vmem>> -> memref<64x128xf32, #tpu.memory_space<vmem>>
        %dma_start3A_659 = arith.constant 0 : i32
        %dma_start3A_660 = tpu.memref_slice %arg5[%dma_start3A_652, %dma_start3A_653, %dma_start3A_659] : memref<8x2x64xi32, #tpu.memory_space<vmem>> -> memref<1x1x64xi32, #tpu.memory_space<vmem>>
        %dma_start3A_661 = tpu.memref_squeeze %dma_start3A_660 : memref<1x1x64xi32, #tpu.memory_space<vmem>> -> memref<64xi32, #tpu.memory_space<vmem>>
        %dma_start3A_662 = arith.constant 0 : i32
        %dma_start3A_663 = arith.constant 0 : i32
        %dma_start3A_664 = tpu.memref_slice %arg2[%dma_start3A_662, %dma_start3A_663] : memref<10000x128xf32, #tpu.memory_space<hbm>> -> memref<10000x128xf32, #tpu.memory_space<hbm>>
        tpu.enqueue_indirect_dma source(%dma_start3A_664 : memref<10000x128xf32, #tpu.memory_space<hbm>>) target(%dma_start3A_658 : memref<64x128xf32, #tpu.memory_space<vmem>>) offsets(%dma_start3A_661 : memref<64xi32, #tpu.memory_space<vmem>>) semaphore(%arg10 : memref<!tpu.dma_semaphore, #tpu.memory_space<semaphore_mem>>)
      } else {
      }
      %dma_wait3A_372 = arith.constant 2 : i32
      %dma_wait3A_373 = arith.constant 0 : i32
      %dma_wait3A_374 = arith.constant 2 : i32
      %dma_wait3A_375 = arith.constant 0 : i32
      %dma_wait3A_376 = arith.constant 0 : i32
      %dma_wait3A_377 = tpu.memref_slice %arg6[%dma_wait3A_374, %dma_wait3A_375, %dma_wait3A_376] : memref<4x64x128xf32, #tpu.memory_space<vmem>> -> memref<1x64x128xf32, #tpu.memory_space<vmem>>
      %dma_wait3A_378 = tpu.memref_squeeze %dma_wait3A_377 : memref<1x64x128xf32, #tpu.memory_space<vmem>> -> memref<64x128xf32, #tpu.memory_space<vmem>>
      %dma_wait3A_379 = arith.constant 0 : i32
      %dma_wait3A_380 = tpu.memref_slice %arg5[%dma_wait3A_372, %dma_wait3A_373, %dma_wait3A_379] : memref<8x2x64xi32, #tpu.memory_space<vmem>> -> memref<1x1x64xi32, #tpu.memory_space<vmem>>
      %dma_wait3A_381 = tpu.memref_squeeze %dma_wait3A_380 : memref<1x1x64xi32, #tpu.memory_space<vmem>> -> memref<64xi32, #tpu.memory_space<vmem>>
      %dma_wait3A_382 = arith.constant 0 : i32
      %dma_wait3A_383 = arith.constant 0 : i32
      %dma_wait3A_384 = tpu.memref_slice %arg2[%dma_wait3A_382, %dma_wait3A_383] : memref<10000x128xf32, #tpu.memory_space<hbm>> -> memref<10000x128xf32, #tpu.memory_space<hbm>>
      tpu.wait_indirect_dma semaphore(%arg11 : memref<!tpu.dma_semaphore, #tpu.memory_space<semaphore_mem>>) src(%dma_wait3A_384 : memref<10000x128xf32, #tpu.memory_space<hbm>>) dst(%dma_wait3A_378 : memref<64x128xf32, #tpu.memory_space<vmem>>)
      %dma_start3A_385 = arith.constant 2 : i32
      %dma_start3A_386 = arith.constant 2 : i32
      %dma_start3A_387 = arith.constant 1 : i32
      %dma_start3A_388 = arith.constant 0 : i32
      %dma_start3A_389 = arith.constant 0 : i32
      %dma_start3A_390 = tpu.memref_slice %arg6[%dma_start3A_385, %dma_start3A_388, %dma_start3A_389] : memref<4x64x128xf32, #tpu.memory_space<vmem>> -> memref<1x64x128xf32, #tpu.memory_space<vmem>>
      %dma_start3A_391 = tpu.memref_squeeze %dma_start3A_390 : memref<1x64x128xf32, #tpu.memory_space<vmem>> -> memref<64x128xf32, #tpu.memory_space<vmem>>
      %dma_start3A_392 = arith.constant 0 : i32
      %dma_start3A_393 = tpu.memref_slice %arg5[%dma_start3A_386, %dma_start3A_387, %dma_start3A_392] : memref<8x2x64xi32, #tpu.memory_space<vmem>> -> memref<1x1x64xi32, #tpu.memory_space<vmem>>
      %dma_start3A_394 = tpu.memref_squeeze %dma_start3A_393 : memref<1x1x64xi32, #tpu.memory_space<vmem>> -> memref<64xi32, #tpu.memory_space<vmem>>
      %dma_start3A_395 = arith.constant 0 : i32
      %dma_start3A_396 = arith.constant 0 : i32
      %dma_start3A_397 = tpu.memref_slice %arg8[%dma_start3A_395, %dma_start3A_396] : memref<10112x128xf32, #tpu.memory_space<vmem_shared>> -> memref<10112x128xf32, #tpu.memory_space<vmem_shared>>
      tpu.enqueue_indirect_dma source(%dma_start3A_391 : memref<64x128xf32, #tpu.memory_space<vmem>>) target(%dma_start3A_397 : memref<10112x128xf32, #tpu.memory_space<vmem_shared>>) offsets(%dma_start3A_394 : memref<64xi32, #tpu.memory_space<vmem>>) semaphore(%arg15 : memref<!tpu.dma_semaphore, #tpu.memory_space<semaphore_mem>>) {add = true}
      %add3A_398 = arith.constant 3 : i32
      %add3A_399 = arith.addi %add3A_260, %add3A_398 : i32
      %ge3A_400 = arith.constant 1 : i32
      %ge3A_401 = arith.cmpi sge, %add3A_399, %ge3A_400 : i32
      %convert_element_type3A_402 = arith.extui %ge3A_401 : i1 to i32
      %cond3A_403 = arith.constant 0 : i32
      %cond3A_404 = arith.cmpi ne, %convert_element_type3A_402, %cond3A_403 : i32
      scf.if %cond3A_404 {
        %dma_wait3A_633 = arith.constant 2 : i32
        %dma_wait3A_634 = arith.constant 2 : i32
        %dma_wait3A_635 = arith.constant 1 : i32
        %dma_wait3A_636 = arith.constant 0 : i32
        %dma_wait3A_637 = arith.constant 0 : i32
        %dma_wait3A_638 = tpu.memref_slice %arg6[%dma_wait3A_633, %dma_wait3A_636, %dma_wait3A_637] : memref<4x64x128xf32, #tpu.memory_space<vmem>> -> memref<1x64x128xf32, #tpu.memory_space<vmem>>
        %dma_wait3A_639 = tpu.memref_squeeze %dma_wait3A_638 : memref<1x64x128xf32, #tpu.memory_space<vmem>> -> memref<64x128xf32, #tpu.memory_space<vmem>>
        %dma_wait3A_640 = arith.constant 0 : i32
        %dma_wait3A_641 = tpu.memref_slice %arg5[%dma_wait3A_634, %dma_wait3A_635, %dma_wait3A_640] : memref<8x2x64xi32, #tpu.memory_space<vmem>> -> memref<1x1x64xi32, #tpu.memory_space<vmem>>
        %dma_wait3A_642 = tpu.memref_squeeze %dma_wait3A_641 : memref<1x1x64xi32, #tpu.memory_space<vmem>> -> memref<64xi32, #tpu.memory_space<vmem>>
        %dma_wait3A_643 = arith.constant 0 : i32
        %dma_wait3A_644 = arith.constant 0 : i32
        %dma_wait3A_645 = tpu.memref_slice %arg8[%dma_wait3A_643, %dma_wait3A_644] : memref<10112x128xf32, #tpu.memory_space<vmem_shared>> -> memref<10112x128xf32, #tpu.memory_space<vmem_shared>>
        tpu.wait_indirect_dma semaphore(%arg15 : memref<!tpu.dma_semaphore, #tpu.memory_space<semaphore_mem>>) src(%dma_wait3A_639 : memref<64x128xf32, #tpu.memory_space<vmem>>) dst(%dma_wait3A_645 : memref<10112x128xf32, #tpu.memory_space<vmem_shared>>)
      } else {
      }
      %add3A_405 = arith.constant 7 : i32
      %add3A_406 = arith.addi %add3A_399, %add3A_405 : i32
      %lt3A_407 = arith.constant 160 : i32
      %lt3A_408 = arith.cmpi slt, %add3A_406, %lt3A_407 : i32
      %convert_element_type3A_409 = arith.extui %lt3A_408 : i1 to i32
      %cond3A_410 = arith.constant 0 : i32
      %cond3A_411 = arith.cmpi ne, %convert_element_type3A_409, %cond3A_410 : i32
      scf.if %cond3A_411 {
        %add3A_633 = arith.constant 7 : i32
        %add3A_634 = arith.addi %add3A_399, %add3A_633 : i32
        %dma_start3A_635 = arith.constant 2 : i32
        %dma_start3A_636 = arith.constant 0 : i32
        %dma_start3A_637 = arith.constant 0 : i32
        %dma_start3A_638 = tpu.memref_slice %arg5[%dma_start3A_635, %dma_start3A_636, %dma_start3A_637] : memref<8x2x64xi32, #tpu.memory_space<vmem>> -> memref<1x2x64xi32, #tpu.memory_space<vmem>>
        %dma_start3A_639 = tpu.memref_squeeze %dma_start3A_638 : memref<1x2x64xi32, #tpu.memory_space<vmem>> -> memref<2x64xi32, #tpu.memory_space<vmem>>
        %dma_start3A_640 = arith.constant 0 : i32
        %dma_start3A_641 = arith.constant 0 : i32
        %dma_start3A_642 = tpu.memref_slice %arg3[%add3A, %add3A_634, %dma_start3A_640, %dma_start3A_641] : memref<32x160x2x64xi32, #tpu.memory_space<hbm>> -> memref<1x1x2x64xi32, #tpu.memory_space<hbm>>
        %dma_start3A_643 = tpu.memref_squeeze %dma_start3A_642 : memref<1x1x2x64xi32, #tpu.memory_space<hbm>> -> memref<2x64xi32, #tpu.memory_space<hbm>>
        %dma_start3A_644 = arith.constant 0 : i32
        %dma_start3A_645 = arith.constant 0 : i32
        %dma_start3A_646 = tpu.memref_slice %arg5[%dma_start3A_635, %dma_start3A_644, %dma_start3A_645] : memref<8x2x64xi32, #tpu.memory_space<vmem>> -> memref<1x2x64xi32, #tpu.memory_space<vmem>>
        %dma_start3A_647 = tpu.memref_squeeze %dma_start3A_646 : memref<1x2x64xi32, #tpu.memory_space<vmem>> -> memref<2x64xi32, #tpu.memory_space<vmem>>
        %dma_start3A_648 = arith.constant 0 : i32
        %dma_start3A_649 = arith.constant 0 : i32
        %dma_start3A_650 = tpu.memref_slice %arg3[%add3A, %add3A_634, %dma_start3A_648, %dma_start3A_649] : memref<32x160x2x64xi32, #tpu.memory_space<hbm>> -> memref<1x1x2x64xi32, #tpu.memory_space<hbm>>
        %dma_start3A_651 = tpu.memref_squeeze %dma_start3A_650 : memref<1x1x2x64xi32, #tpu.memory_space<hbm>> -> memref<2x64xi32, #tpu.memory_space<hbm>>
        tpu.enqueue_dma source(%dma_start3A_651 : memref<2x64xi32, #tpu.memory_space<hbm>>) target(%dma_start3A_647 : memref<2x64xi32, #tpu.memory_space<vmem>>) target_semaphore(%arg19 : memref<!tpu.dma_semaphore, #tpu.memory_space<semaphore_mem>>)
      } else {
      }
      %add3A_412 = arith.constant 3 : i32
      %add3A_413 = arith.addi %add3A_399, %add3A_412 : i32
      %lt3A_414 = arith.constant 160 : i32
      %lt3A_415 = arith.cmpi slt, %add3A_413, %lt3A_414 : i32
      %convert_element_type3A_416 = arith.extui %lt3A_415 : i1 to i32
      %cond3A_417 = arith.constant 0 : i32
      %cond3A_418 = arith.cmpi ne, %convert_element_type3A_416, %cond3A_417 : i32
      scf.if %cond3A_418 {
        %add3A_633 = arith.constant 3 : i32
        %add3A_634 = arith.addi %add3A_399, %add3A_633 : i32
        %dma_wait3A_635 = arith.constant 6 : i32
        %dma_wait3A_636 = arith.constant 0 : i32
        %dma_wait3A_637 = arith.constant 0 : i32
        %dma_wait3A_638 = tpu.memref_slice %arg5[%dma_wait3A_635, %dma_wait3A_636, %dma_wait3A_637] : memref<8x2x64xi32, #tpu.memory_space<vmem>> -> memref<1x2x64xi32, #tpu.memory_space<vmem>>
        %dma_wait3A_639 = tpu.memref_squeeze %dma_wait3A_638 : memref<1x2x64xi32, #tpu.memory_space<vmem>> -> memref<2x64xi32, #tpu.memory_space<vmem>>
        %dma_wait3A_640 = arith.constant 0 : i32
        %dma_wait3A_641 = arith.constant 0 : i32
        %dma_wait3A_642 = tpu.memref_slice %arg3[%add3A, %add3A_634, %dma_wait3A_640, %dma_wait3A_641] : memref<32x160x2x64xi32, #tpu.memory_space<hbm>> -> memref<1x1x2x64xi32, #tpu.memory_space<hbm>>
        %dma_wait3A_643 = tpu.memref_squeeze %dma_wait3A_642 : memref<1x1x2x64xi32, #tpu.memory_space<hbm>> -> memref<2x64xi32, #tpu.memory_space<hbm>>
        %dma_wait3A_644 = arith.constant 0 : i32
        %dma_wait3A_645 = arith.constant 0 : i32
        %dma_wait3A_646 = tpu.memref_slice %arg5[%dma_wait3A_635, %dma_wait3A_644, %dma_wait3A_645] : memref<8x2x64xi32, #tpu.memory_space<vmem>> -> memref<1x2x64xi32, #tpu.memory_space<vmem>>
        %dma_wait3A_647 = tpu.memref_squeeze %dma_wait3A_646 : memref<1x2x64xi32, #tpu.memory_space<vmem>> -> memref<2x64xi32, #tpu.memory_space<vmem>>
        %dma_wait3A_648 = arith.constant 0 : i32
        %dma_wait3A_649 = arith.constant 0 : i32
        %dma_wait3A_650 = tpu.memref_slice %arg3[%add3A, %add3A_634, %dma_wait3A_648, %dma_wait3A_649] : memref<32x160x2x64xi32, #tpu.memory_space<hbm>> -> memref<1x1x2x64xi32, #tpu.memory_space<hbm>>
        %dma_wait3A_651 = tpu.memref_squeeze %dma_wait3A_650 : memref<1x1x2x64xi32, #tpu.memory_space<hbm>> -> memref<2x64xi32, #tpu.memory_space<hbm>>
        tpu.wait_dma2 semaphore(%arg23 : memref<!tpu.dma_semaphore, #tpu.memory_space<semaphore_mem>>) src(%dma_wait3A_651 : memref<2x64xi32, #tpu.memory_space<hbm>>) dst(%dma_wait3A_647 : memref<2x64xi32, #tpu.memory_space<vmem>>)
        %dma_start3A_652 = arith.constant 6 : i32
        %dma_start3A_653 = arith.constant 0 : i32
        %dma_start3A_654 = arith.constant 2 : i32
        %dma_start3A_655 = arith.constant 0 : i32
        %dma_start3A_656 = arith.constant 0 : i32
        %dma_start3A_657 = tpu.memref_slice %arg6[%dma_start3A_654, %dma_start3A_655, %dma_start3A_656] : memref<4x64x128xf32, #tpu.memory_space<vmem>> -> memref<1x64x128xf32, #tpu.memory_space<vmem>>
        %dma_start3A_658 = tpu.memref_squeeze %dma_start3A_657 : memref<1x64x128xf32, #tpu.memory_space<vmem>> -> memref<64x128xf32, #tpu.memory_space<vmem>>
        %dma_start3A_659 = arith.constant 0 : i32
        %dma_start3A_660 = tpu.memref_slice %arg5[%dma_start3A_652, %dma_start3A_653, %dma_start3A_659] : memref<8x2x64xi32, #tpu.memory_space<vmem>> -> memref<1x1x64xi32, #tpu.memory_space<vmem>>
        %dma_start3A_661 = tpu.memref_squeeze %dma_start3A_660 : memref<1x1x64xi32, #tpu.memory_space<vmem>> -> memref<64xi32, #tpu.memory_space<vmem>>
        %dma_start3A_662 = arith.constant 0 : i32
        %dma_start3A_663 = arith.constant 0 : i32
        %dma_start3A_664 = tpu.memref_slice %arg2[%dma_start3A_662, %dma_start3A_663] : memref<10000x128xf32, #tpu.memory_space<hbm>> -> memref<10000x128xf32, #tpu.memory_space<hbm>>
        tpu.enqueue_indirect_dma source(%dma_start3A_664 : memref<10000x128xf32, #tpu.memory_space<hbm>>) target(%dma_start3A_658 : memref<64x128xf32, #tpu.memory_space<vmem>>) offsets(%dma_start3A_661 : memref<64xi32, #tpu.memory_space<vmem>>) semaphore(%arg11 : memref<!tpu.dma_semaphore, #tpu.memory_space<semaphore_mem>>)
      } else {
      }
      %dma_wait3A_419 = arith.constant 3 : i32
      %dma_wait3A_420 = arith.constant 0 : i32
      %dma_wait3A_421 = arith.constant 3 : i32
      %dma_wait3A_422 = arith.constant 0 : i32
      %dma_wait3A_423 = arith.constant 0 : i32
      %dma_wait3A_424 = tpu.memref_slice %arg6[%dma_wait3A_421, %dma_wait3A_422, %dma_wait3A_423] : memref<4x64x128xf32, #tpu.memory_space<vmem>> -> memref<1x64x128xf32, #tpu.memory_space<vmem>>
      %dma_wait3A_425 = tpu.memref_squeeze %dma_wait3A_424 : memref<1x64x128xf32, #tpu.memory_space<vmem>> -> memref<64x128xf32, #tpu.memory_space<vmem>>
      %dma_wait3A_426 = arith.constant 0 : i32
      %dma_wait3A_427 = tpu.memref_slice %arg5[%dma_wait3A_419, %dma_wait3A_420, %dma_wait3A_426] : memref<8x2x64xi32, #tpu.memory_space<vmem>> -> memref<1x1x64xi32, #tpu.memory_space<vmem>>
      %dma_wait3A_428 = tpu.memref_squeeze %dma_wait3A_427 : memref<1x1x64xi32, #tpu.memory_space<vmem>> -> memref<64xi32, #tpu.memory_space<vmem>>
      %dma_wait3A_429 = arith.constant 0 : i32
      %dma_wait3A_430 = arith.constant 0 : i32
      %dma_wait3A_431 = tpu.memref_slice %arg2[%dma_wait3A_429, %dma_wait3A_430] : memref<10000x128xf32, #tpu.memory_space<hbm>> -> memref<10000x128xf32, #tpu.memory_space<hbm>>
      tpu.wait_indirect_dma semaphore(%arg12 : memref<!tpu.dma_semaphore, #tpu.memory_space<semaphore_mem>>) src(%dma_wait3A_431 : memref<10000x128xf32, #tpu.memory_space<hbm>>) dst(%dma_wait3A_425 : memref<64x128xf32, #tpu.memory_space<vmem>>)
      %dma_start3A_432 = arith.constant 3 : i32
      %dma_start3A_433 = arith.constant 3 : i32
      %dma_start3A_434 = arith.constant 1 : i32
      %dma_start3A_435 = arith.constant 0 : i32
      %dma_start3A_436 = arith.constant 0 : i32
      %dma_start3A_437 = tpu.memref_slice %arg6[%dma_start3A_432, %dma_start3A_435, %dma_start3A_436] : memref<4x64x128xf32, #tpu.memory_space<vmem>> -> memref<1x64x128xf32, #tpu.memory_space<vmem>>
      %dma_start3A_438 = tpu.memref_squeeze %dma_start3A_437 : memref<1x64x128xf32, #tpu.memory_space<vmem>> -> memref<64x128xf32, #tpu.memory_space<vmem>>
      %dma_start3A_439 = arith.constant 0 : i32
      %dma_start3A_440 = tpu.memref_slice %arg5[%dma_start3A_433, %dma_start3A_434, %dma_start3A_439] : memref<8x2x64xi32, #tpu.memory_space<vmem>> -> memref<1x1x64xi32, #tpu.memory_space<vmem>>
      %dma_start3A_441 = tpu.memref_squeeze %dma_start3A_440 : memref<1x1x64xi32, #tpu.memory_space<vmem>> -> memref<64xi32, #tpu.memory_space<vmem>>
      %dma_start3A_442 = arith.constant 0 : i32
      %dma_start3A_443 = arith.constant 0 : i32
      %dma_start3A_444 = tpu.memref_slice %arg8[%dma_start3A_442, %dma_start3A_443] : memref<10112x128xf32, #tpu.memory_space<vmem_shared>> -> memref<10112x128xf32, #tpu.memory_space<vmem_shared>>
      tpu.enqueue_indirect_dma source(%dma_start3A_438 : memref<64x128xf32, #tpu.memory_space<vmem>>) target(%dma_start3A_444 : memref<10112x128xf32, #tpu.memory_space<vmem_shared>>) offsets(%dma_start3A_441 : memref<64xi32, #tpu.memory_space<vmem>>) semaphore(%arg16 : memref<!tpu.dma_semaphore, #tpu.memory_space<semaphore_mem>>) {add = true}
      %add3A_445 = arith.constant 4 : i32
      %add3A_446 = arith.addi %add3A_260, %add3A_445 : i32
      %ge3A_447 = arith.constant 1 : i32
      %ge3A_448 = arith.cmpi sge, %add3A_446, %ge3A_447 : i32
      %convert_element_type3A_449 = arith.extui %ge3A_448 : i1 to i32
      %cond3A_450 = arith.constant 0 : i32
      %cond3A_451 = arith.cmpi ne, %convert_element_type3A_449, %cond3A_450 : i32
      scf.if %cond3A_451 {
        %dma_wait3A_633 = arith.constant 3 : i32
        %dma_wait3A_634 = arith.constant 3 : i32
        %dma_wait3A_635 = arith.constant 1 : i32
        %dma_wait3A_636 = arith.constant 0 : i32
        %dma_wait3A_637 = arith.constant 0 : i32
        %dma_wait3A_638 = tpu.memref_slice %arg6[%dma_wait3A_633, %dma_wait3A_636, %dma_wait3A_637] : memref<4x64x128xf32, #tpu.memory_space<vmem>> -> memref<1x64x128xf32, #tpu.memory_space<vmem>>
        %dma_wait3A_639 = tpu.memref_squeeze %dma_wait3A_638 : memref<1x64x128xf32, #tpu.memory_space<vmem>> -> memref<64x128xf32, #tpu.memory_space<vmem>>
        %dma_wait3A_640 = arith.constant 0 : i32
        %dma_wait3A_641 = tpu.memref_slice %arg5[%dma_wait3A_634, %dma_wait3A_635, %dma_wait3A_640] : memref<8x2x64xi32, #tpu.memory_space<vmem>> -> memref<1x1x64xi32, #tpu.memory_space<vmem>>
        %dma_wait3A_642 = tpu.memref_squeeze %dma_wait3A_641 : memref<1x1x64xi32, #tpu.memory_space<vmem>> -> memref<64xi32, #tpu.memory_space<vmem>>
        %dma_wait3A_643 = arith.constant 0 : i32
        %dma_wait3A_644 = arith.constant 0 : i32
        %dma_wait3A_645 = tpu.memref_slice %arg8[%dma_wait3A_643, %dma_wait3A_644] : memref<10112x128xf32, #tpu.memory_space<vmem_shared>> -> memref<10112x128xf32, #tpu.memory_space<vmem_shared>>
        tpu.wait_indirect_dma semaphore(%arg16 : memref<!tpu.dma_semaphore, #tpu.memory_space<semaphore_mem>>) src(%dma_wait3A_639 : memref<64x128xf32, #tpu.memory_space<vmem>>) dst(%dma_wait3A_645 : memref<10112x128xf32, #tpu.memory_space<vmem_shared>>)
      } else {
      }
      %add3A_452 = arith.constant 7 : i32
      %add3A_453 = arith.addi %add3A_446, %add3A_452 : i32
      %lt3A_454 = arith.constant 160 : i32
      %lt3A_455 = arith.cmpi slt, %add3A_453, %lt3A_454 : i32
      %convert_element_type3A_456 = arith.extui %lt3A_455 : i1 to i32
      %cond3A_457 = arith.constant 0 : i32
      %cond3A_458 = arith.cmpi ne, %convert_element_type3A_456, %cond3A_457 : i32
      scf.if %cond3A_458 {
        %add3A_633 = arith.constant 7 : i32
        %add3A_634 = arith.addi %add3A_446, %add3A_633 : i32
        %dma_start3A_635 = arith.constant 3 : i32
        %dma_start3A_636 = arith.constant 0 : i32
        %dma_start3A_637 = arith.constant 0 : i32
        %dma_start3A_638 = tpu.memref_slice %arg5[%dma_start3A_635, %dma_start3A_636, %dma_start3A_637] : memref<8x2x64xi32, #tpu.memory_space<vmem>> -> memref<1x2x64xi32, #tpu.memory_space<vmem>>
        %dma_start3A_639 = tpu.memref_squeeze %dma_start3A_638 : memref<1x2x64xi32, #tpu.memory_space<vmem>> -> memref<2x64xi32, #tpu.memory_space<vmem>>
        %dma_start3A_640 = arith.constant 0 : i32
        %dma_start3A_641 = arith.constant 0 : i32
        %dma_start3A_642 = tpu.memref_slice %arg3[%add3A, %add3A_634, %dma_start3A_640, %dma_start3A_641] : memref<32x160x2x64xi32, #tpu.memory_space<hbm>> -> memref<1x1x2x64xi32, #tpu.memory_space<hbm>>
        %dma_start3A_643 = tpu.memref_squeeze %dma_start3A_642 : memref<1x1x2x64xi32, #tpu.memory_space<hbm>> -> memref<2x64xi32, #tpu.memory_space<hbm>>
        %dma_start3A_644 = arith.constant 0 : i32
        %dma_start3A_645 = arith.constant 0 : i32
        %dma_start3A_646 = tpu.memref_slice %arg5[%dma_start3A_635, %dma_start3A_644, %dma_start3A_645] : memref<8x2x64xi32, #tpu.memory_space<vmem>> -> memref<1x2x64xi32, #tpu.memory_space<vmem>>
        %dma_start3A_647 = tpu.memref_squeeze %dma_start3A_646 : memref<1x2x64xi32, #tpu.memory_space<vmem>> -> memref<2x64xi32, #tpu.memory_space<vmem>>
        %dma_start3A_648 = arith.constant 0 : i32
        %dma_start3A_649 = arith.constant 0 : i32
        %dma_start3A_650 = tpu.memref_slice %arg3[%add3A, %add3A_634, %dma_start3A_648, %dma_start3A_649] : memref<32x160x2x64xi32, #tpu.memory_space<hbm>> -> memref<1x1x2x64xi32, #tpu.memory_space<hbm>>
        %dma_start3A_651 = tpu.memref_squeeze %dma_start3A_650 : memref<1x1x2x64xi32, #tpu.memory_space<hbm>> -> memref<2x64xi32, #tpu.memory_space<hbm>>
        tpu.enqueue_dma source(%dma_start3A_651 : memref<2x64xi32, #tpu.memory_space<hbm>>) target(%dma_start3A_647 : memref<2x64xi32, #tpu.memory_space<vmem>>) target_semaphore(%arg20 : memref<!tpu.dma_semaphore, #tpu.memory_space<semaphore_mem>>)
      } else {
      }
      %add3A_459 = arith.constant 3 : i32
      %add3A_460 = arith.addi %add3A_446, %add3A_459 : i32
      %lt3A_461 = arith.constant 160 : i32
      %lt3A_462 = arith.cmpi slt, %add3A_460, %lt3A_461 : i32
      %convert_element_type3A_463 = arith.extui %lt3A_462 : i1 to i32
      %cond3A_464 = arith.constant 0 : i32
      %cond3A_465 = arith.cmpi ne, %convert_element_type3A_463, %cond3A_464 : i32
      scf.if %cond3A_465 {
        %add3A_633 = arith.constant 3 : i32
        %add3A_634 = arith.addi %add3A_446, %add3A_633 : i32
        %dma_wait3A_635 = arith.constant 7 : i32
        %dma_wait3A_636 = arith.constant 0 : i32
        %dma_wait3A_637 = arith.constant 0 : i32
        %dma_wait3A_638 = tpu.memref_slice %arg5[%dma_wait3A_635, %dma_wait3A_636, %dma_wait3A_637] : memref<8x2x64xi32, #tpu.memory_space<vmem>> -> memref<1x2x64xi32, #tpu.memory_space<vmem>>
        %dma_wait3A_639 = tpu.memref_squeeze %dma_wait3A_638 : memref<1x2x64xi32, #tpu.memory_space<vmem>> -> memref<2x64xi32, #tpu.memory_space<vmem>>
        %dma_wait3A_640 = arith.constant 0 : i32
        %dma_wait3A_641 = arith.constant 0 : i32
        %dma_wait3A_642 = tpu.memref_slice %arg3[%add3A, %add3A_634, %dma_wait3A_640, %dma_wait3A_641] : memref<32x160x2x64xi32, #tpu.memory_space<hbm>> -> memref<1x1x2x64xi32, #tpu.memory_space<hbm>>
        %dma_wait3A_643 = tpu.memref_squeeze %dma_wait3A_642 : memref<1x1x2x64xi32, #tpu.memory_space<hbm>> -> memref<2x64xi32, #tpu.memory_space<hbm>>
        %dma_wait3A_644 = arith.constant 0 : i32
        %dma_wait3A_645 = arith.constant 0 : i32
        %dma_wait3A_646 = tpu.memref_slice %arg5[%dma_wait3A_635, %dma_wait3A_644, %dma_wait3A_645] : memref<8x2x64xi32, #tpu.memory_space<vmem>> -> memref<1x2x64xi32, #tpu.memory_space<vmem>>
        %dma_wait3A_647 = tpu.memref_squeeze %dma_wait3A_646 : memref<1x2x64xi32, #tpu.memory_space<vmem>> -> memref<2x64xi32, #tpu.memory_space<vmem>>
        %dma_wait3A_648 = arith.constant 0 : i32
        %dma_wait3A_649 = arith.constant 0 : i32
        %dma_wait3A_650 = tpu.memref_slice %arg3[%add3A, %add3A_634, %dma_wait3A_648, %dma_wait3A_649] : memref<32x160x2x64xi32, #tpu.memory_space<hbm>> -> memref<1x1x2x64xi32, #tpu.memory_space<hbm>>
        %dma_wait3A_651 = tpu.memref_squeeze %dma_wait3A_650 : memref<1x1x2x64xi32, #tpu.memory_space<hbm>> -> memref<2x64xi32, #tpu.memory_space<hbm>>
        tpu.wait_dma2 semaphore(%arg24 : memref<!tpu.dma_semaphore, #tpu.memory_space<semaphore_mem>>) src(%dma_wait3A_651 : memref<2x64xi32, #tpu.memory_space<hbm>>) dst(%dma_wait3A_647 : memref<2x64xi32, #tpu.memory_space<vmem>>)
        %dma_start3A_652 = arith.constant 7 : i32
        %dma_start3A_653 = arith.constant 0 : i32
        %dma_start3A_654 = arith.constant 3 : i32
        %dma_start3A_655 = arith.constant 0 : i32
        %dma_start3A_656 = arith.constant 0 : i32
        %dma_start3A_657 = tpu.memref_slice %arg6[%dma_start3A_654, %dma_start3A_655, %dma_start3A_656] : memref<4x64x128xf32, #tpu.memory_space<vmem>> -> memref<1x64x128xf32, #tpu.memory_space<vmem>>
        %dma_start3A_658 = tpu.memref_squeeze %dma_start3A_657 : memref<1x64x128xf32, #tpu.memory_space<vmem>> -> memref<64x128xf32, #tpu.memory_space<vmem>>
        %dma_start3A_659 = arith.constant 0 : i32
        %dma_start3A_660 = tpu.memref_slice %arg5[%dma_start3A_652, %dma_start3A_653, %dma_start3A_659] : memref<8x2x64xi32, #tpu.memory_space<vmem>> -> memref<1x1x64xi32, #tpu.memory_space<vmem>>
        %dma_start3A_661 = tpu.memref_squeeze %dma_start3A_660 : memref<1x1x64xi32, #tpu.memory_space<vmem>> -> memref<64xi32, #tpu.memory_space<vmem>>
        %dma_start3A_662 = arith.constant 0 : i32
        %dma_start3A_663 = arith.constant 0 : i32
        %dma_start3A_664 = tpu.memref_slice %arg2[%dma_start3A_662, %dma_start3A_663] : memref<10000x128xf32, #tpu.memory_space<hbm>> -> memref<10000x128xf32, #tpu.memory_space<hbm>>
        tpu.enqueue_indirect_dma source(%dma_start3A_664 : memref<10000x128xf32, #tpu.memory_space<hbm>>) target(%dma_start3A_658 : memref<64x128xf32, #tpu.memory_space<vmem>>) offsets(%dma_start3A_661 : memref<64xi32, #tpu.memory_space<vmem>>) semaphore(%arg12 : memref<!tpu.dma_semaphore, #tpu.memory_space<semaphore_mem>>)
      } else {
      }
      %dma_wait3A_466 = arith.constant 4 : i32
      %dma_wait3A_467 = arith.constant 0 : i32
      %dma_wait3A_468 = arith.constant 0 : i32
      %dma_wait3A_469 = arith.constant 0 : i32
      %dma_wait3A_470 = arith.constant 0 : i32
      %dma_wait3A_471 = tpu.memref_slice %arg6[%dma_wait3A_468, %dma_wait3A_469, %dma_wait3A_470] : memref<4x64x128xf32, #tpu.memory_space<vmem>> -> memref<1x64x128xf32, #tpu.memory_space<vmem>>
      %dma_wait3A_472 = tpu.memref_squeeze %dma_wait3A_471 : memref<1x64x128xf32, #tpu.memory_space<vmem>> -> memref<64x128xf32, #tpu.memory_space<vmem>>
      %dma_wait3A_473 = arith.constant 0 : i32
      %dma_wait3A_474 = tpu.memref_slice %arg5[%dma_wait3A_466, %dma_wait3A_467, %dma_wait3A_473] : memref<8x2x64xi32, #tpu.memory_space<vmem>> -> memref<1x1x64xi32, #tpu.memory_space<vmem>>
      %dma_wait3A_475 = tpu.memref_squeeze %dma_wait3A_474 : memref<1x1x64xi32, #tpu.memory_space<vmem>> -> memref<64xi32, #tpu.memory_space<vmem>>
      %dma_wait3A_476 = arith.constant 0 : i32
      %dma_wait3A_477 = arith.constant 0 : i32
      %dma_wait3A_478 = tpu.memref_slice %arg2[%dma_wait3A_476, %dma_wait3A_477] : memref<10000x128xf32, #tpu.memory_space<hbm>> -> memref<10000x128xf32, #tpu.memory_space<hbm>>
      tpu.wait_indirect_dma semaphore(%arg9 : memref<!tpu.dma_semaphore, #tpu.memory_space<semaphore_mem>>) src(%dma_wait3A_478 : memref<10000x128xf32, #tpu.memory_space<hbm>>) dst(%dma_wait3A_472 : memref<64x128xf32, #tpu.memory_space<vmem>>)
      %dma_start3A_479 = arith.constant 0 : i32
      %dma_start3A_480 = arith.constant 4 : i32
      %dma_start3A_481 = arith.constant 1 : i32
      %dma_start3A_482 = arith.constant 0 : i32
      %dma_start3A_483 = arith.constant 0 : i32
      %dma_start3A_484 = tpu.memref_slice %arg6[%dma_start3A_479, %dma_start3A_482, %dma_start3A_483] : memref<4x64x128xf32, #tpu.memory_space<vmem>> -> memref<1x64x128xf32, #tpu.memory_space<vmem>>
      %dma_start3A_485 = tpu.memref_squeeze %dma_start3A_484 : memref<1x64x128xf32, #tpu.memory_space<vmem>> -> memref<64x128xf32, #tpu.memory_space<vmem>>
      %dma_start3A_486 = arith.constant 0 : i32
      %dma_start3A_487 = tpu.memref_slice %arg5[%dma_start3A_480, %dma_start3A_481, %dma_start3A_486] : memref<8x2x64xi32, #tpu.memory_space<vmem>> -> memref<1x1x64xi32, #tpu.memory_space<vmem>>
      %dma_start3A_488 = tpu.memref_squeeze %dma_start3A_487 : memref<1x1x64xi32, #tpu.memory_space<vmem>> -> memref<64xi32, #tpu.memory_space<vmem>>
      %dma_start3A_489 = arith.constant 0 : i32
      %dma_start3A_490 = arith.constant 0 : i32
      %dma_start3A_491 = tpu.memref_slice %arg8[%dma_start3A_489, %dma_start3A_490] : memref<10112x128xf32, #tpu.memory_space<vmem_shared>> -> memref<10112x128xf32, #tpu.memory_space<vmem_shared>>
      tpu.enqueue_indirect_dma source(%dma_start3A_485 : memref<64x128xf32, #tpu.memory_space<vmem>>) target(%dma_start3A_491 : memref<10112x128xf32, #tpu.memory_space<vmem_shared>>) offsets(%dma_start3A_488 : memref<64xi32, #tpu.memory_space<vmem>>) semaphore(%arg13 : memref<!tpu.dma_semaphore, #tpu.memory_space<semaphore_mem>>) {add = true}
      %add3A_492 = arith.constant 5 : i32
      %add3A_493 = arith.addi %add3A_260, %add3A_492 : i32
      %ge3A_494 = arith.constant 1 : i32
      %ge3A_495 = arith.cmpi sge, %add3A_493, %ge3A_494 : i32
      %convert_element_type3A_496 = arith.extui %ge3A_495 : i1 to i32
      %cond3A_497 = arith.constant 0 : i32
      %cond3A_498 = arith.cmpi ne, %convert_element_type3A_496, %cond3A_497 : i32
      scf.if %cond3A_498 {
        %dma_wait3A_633 = arith.constant 0 : i32
        %dma_wait3A_634 = arith.constant 4 : i32
        %dma_wait3A_635 = arith.constant 1 : i32
        %dma_wait3A_636 = arith.constant 0 : i32
        %dma_wait3A_637 = arith.constant 0 : i32
        %dma_wait3A_638 = tpu.memref_slice %arg6[%dma_wait3A_633, %dma_wait3A_636, %dma_wait3A_637] : memref<4x64x128xf32, #tpu.memory_space<vmem>> -> memref<1x64x128xf32, #tpu.memory_space<vmem>>
        %dma_wait3A_639 = tpu.memref_squeeze %dma_wait3A_638 : memref<1x64x128xf32, #tpu.memory_space<vmem>> -> memref<64x128xf32, #tpu.memory_space<vmem>>
        %dma_wait3A_640 = arith.constant 0 : i32
        %dma_wait3A_641 = tpu.memref_slice %arg5[%dma_wait3A_634, %dma_wait3A_635, %dma_wait3A_640] : memref<8x2x64xi32, #tpu.memory_space<vmem>> -> memref<1x1x64xi32, #tpu.memory_space<vmem>>
        %dma_wait3A_642 = tpu.memref_squeeze %dma_wait3A_641 : memref<1x1x64xi32, #tpu.memory_space<vmem>> -> memref<64xi32, #tpu.memory_space<vmem>>
        %dma_wait3A_643 = arith.constant 0 : i32
        %dma_wait3A_644 = arith.constant 0 : i32
        %dma_wait3A_645 = tpu.memref_slice %arg8[%dma_wait3A_643, %dma_wait3A_644] : memref<10112x128xf32, #tpu.memory_space<vmem_shared>> -> memref<10112x128xf32, #tpu.memory_space<vmem_shared>>
        tpu.wait_indirect_dma semaphore(%arg13 : memref<!tpu.dma_semaphore, #tpu.memory_space<semaphore_mem>>) src(%dma_wait3A_639 : memref<64x128xf32, #tpu.memory_space<vmem>>) dst(%dma_wait3A_645 : memref<10112x128xf32, #tpu.memory_space<vmem_shared>>)
      } else {
      }
      %add3A_499 = arith.constant 7 : i32
      %add3A_500 = arith.addi %add3A_493, %add3A_499 : i32
      %lt3A_501 = arith.constant 160 : i32
      %lt3A_502 = arith.cmpi slt, %add3A_500, %lt3A_501 : i32
      %convert_element_type3A_503 = arith.extui %lt3A_502 : i1 to i32
      %cond3A_504 = arith.constant 0 : i32
      %cond3A_505 = arith.cmpi ne, %convert_element_type3A_503, %cond3A_504 : i32
      scf.if %cond3A_505 {
        %add3A_633 = arith.constant 7 : i32
        %add3A_634 = arith.addi %add3A_493, %add3A_633 : i32
        %dma_start3A_635 = arith.constant 4 : i32
        %dma_start3A_636 = arith.constant 0 : i32
        %dma_start3A_637 = arith.constant 0 : i32
        %dma_start3A_638 = tpu.memref_slice %arg5[%dma_start3A_635, %dma_start3A_636, %dma_start3A_637] : memref<8x2x64xi32, #tpu.memory_space<vmem>> -> memref<1x2x64xi32, #tpu.memory_space<vmem>>
        %dma_start3A_639 = tpu.memref_squeeze %dma_start3A_638 : memref<1x2x64xi32, #tpu.memory_space<vmem>> -> memref<2x64xi32, #tpu.memory_space<vmem>>
        %dma_start3A_640 = arith.constant 0 : i32
        %dma_start3A_641 = arith.constant 0 : i32
        %dma_start3A_642 = tpu.memref_slice %arg3[%add3A, %add3A_634, %dma_start3A_640, %dma_start3A_641] : memref<32x160x2x64xi32, #tpu.memory_space<hbm>> -> memref<1x1x2x64xi32, #tpu.memory_space<hbm>>
        %dma_start3A_643 = tpu.memref_squeeze %dma_start3A_642 : memref<1x1x2x64xi32, #tpu.memory_space<hbm>> -> memref<2x64xi32, #tpu.memory_space<hbm>>
        %dma_start3A_644 = arith.constant 0 : i32
        %dma_start3A_645 = arith.constant 0 : i32
        %dma_start3A_646 = tpu.memref_slice %arg5[%dma_start3A_635, %dma_start3A_644, %dma_start3A_645] : memref<8x2x64xi32, #tpu.memory_space<vmem>> -> memref<1x2x64xi32, #tpu.memory_space<vmem>>
        %dma_start3A_647 = tpu.memref_squeeze %dma_start3A_646 : memref<1x2x64xi32, #tpu.memory_space<vmem>> -> memref<2x64xi32, #tpu.memory_space<vmem>>
        %dma_start3A_648 = arith.constant 0 : i32
        %dma_start3A_649 = arith.constant 0 : i32
        %dma_start3A_650 = tpu.memref_slice %arg3[%add3A, %add3A_634, %dma_start3A_648, %dma_start3A_649] : memref<32x160x2x64xi32, #tpu.memory_space<hbm>> -> memref<1x1x2x64xi32, #tpu.memory_space<hbm>>
        %dma_start3A_651 = tpu.memref_squeeze %dma_start3A_650 : memref<1x1x2x64xi32, #tpu.memory_space<hbm>> -> memref<2x64xi32, #tpu.memory_space<hbm>>
        tpu.enqueue_dma source(%dma_start3A_651 : memref<2x64xi32, #tpu.memory_space<hbm>>) target(%dma_start3A_647 : memref<2x64xi32, #tpu.memory_space<vmem>>) target_semaphore(%arg21 : memref<!tpu.dma_semaphore, #tpu.memory_space<semaphore_mem>>)
      } else {
      }
      %add3A_506 = arith.constant 3 : i32
      %add3A_507 = arith.addi %add3A_493, %add3A_506 : i32
      %lt3A_508 = arith.constant 160 : i32
      %lt3A_509 = arith.cmpi slt, %add3A_507, %lt3A_508 : i32
      %convert_element_type3A_510 = arith.extui %lt3A_509 : i1 to i32
      %cond3A_511 = arith.constant 0 : i32
      %cond3A_512 = arith.cmpi ne, %convert_element_type3A_510, %cond3A_511 : i32
      scf.if %cond3A_512 {
        %add3A_633 = arith.constant 3 : i32
        %add3A_634 = arith.addi %add3A_493, %add3A_633 : i32
        %dma_wait3A_635 = arith.constant 0 : i32
        %dma_wait3A_636 = arith.constant 0 : i32
        %dma_wait3A_637 = arith.constant 0 : i32
        %dma_wait3A_638 = tpu.memref_slice %arg5[%dma_wait3A_635, %dma_wait3A_636, %dma_wait3A_637] : memref<8x2x64xi32, #tpu.memory_space<vmem>> -> memref<1x2x64xi32, #tpu.memory_space<vmem>>
        %dma_wait3A_639 = tpu.memref_squeeze %dma_wait3A_638 : memref<1x2x64xi32, #tpu.memory_space<vmem>> -> memref<2x64xi32, #tpu.memory_space<vmem>>
        %dma_wait3A_640 = arith.constant 0 : i32
        %dma_wait3A_641 = arith.constant 0 : i32
        %dma_wait3A_642 = tpu.memref_slice %arg3[%add3A, %add3A_634, %dma_wait3A_640, %dma_wait3A_641] : memref<32x160x2x64xi32, #tpu.memory_space<hbm>> -> memref<1x1x2x64xi32, #tpu.memory_space<hbm>>
        %dma_wait3A_643 = tpu.memref_squeeze %dma_wait3A_642 : memref<1x1x2x64xi32, #tpu.memory_space<hbm>> -> memref<2x64xi32, #tpu.memory_space<hbm>>
        %dma_wait3A_644 = arith.constant 0 : i32
        %dma_wait3A_645 = arith.constant 0 : i32
        %dma_wait3A_646 = tpu.memref_slice %arg5[%dma_wait3A_635, %dma_wait3A_644, %dma_wait3A_645] : memref<8x2x64xi32, #tpu.memory_space<vmem>> -> memref<1x2x64xi32, #tpu.memory_space<vmem>>
        %dma_wait3A_647 = tpu.memref_squeeze %dma_wait3A_646 : memref<1x2x64xi32, #tpu.memory_space<vmem>> -> memref<2x64xi32, #tpu.memory_space<vmem>>
        %dma_wait3A_648 = arith.constant 0 : i32
        %dma_wait3A_649 = arith.constant 0 : i32
        %dma_wait3A_650 = tpu.memref_slice %arg3[%add3A, %add3A_634, %dma_wait3A_648, %dma_wait3A_649] : memref<32x160x2x64xi32, #tpu.memory_space<hbm>> -> memref<1x1x2x64xi32, #tpu.memory_space<hbm>>
        %dma_wait3A_651 = tpu.memref_squeeze %dma_wait3A_650 : memref<1x1x2x64xi32, #tpu.memory_space<hbm>> -> memref<2x64xi32, #tpu.memory_space<hbm>>
        tpu.wait_dma2 semaphore(%arg17 : memref<!tpu.dma_semaphore, #tpu.memory_space<semaphore_mem>>) src(%dma_wait3A_651 : memref<2x64xi32, #tpu.memory_space<hbm>>) dst(%dma_wait3A_647 : memref<2x64xi32, #tpu.memory_space<vmem>>)
        %dma_start3A_652 = arith.constant 0 : i32
        %dma_start3A_653 = arith.constant 0 : i32
        %dma_start3A_654 = arith.constant 0 : i32
        %dma_start3A_655 = arith.constant 0 : i32
        %dma_start3A_656 = arith.constant 0 : i32
        %dma_start3A_657 = tpu.memref_slice %arg6[%dma_start3A_654, %dma_start3A_655, %dma_start3A_656] : memref<4x64x128xf32, #tpu.memory_space<vmem>> -> memref<1x64x128xf32, #tpu.memory_space<vmem>>
        %dma_start3A_658 = tpu.memref_squeeze %dma_start3A_657 : memref<1x64x128xf32, #tpu.memory_space<vmem>> -> memref<64x128xf32, #tpu.memory_space<vmem>>
        %dma_start3A_659 = arith.constant 0 : i32
        %dma_start3A_660 = tpu.memref_slice %arg5[%dma_start3A_652, %dma_start3A_653, %dma_start3A_659] : memref<8x2x64xi32, #tpu.memory_space<vmem>> -> memref<1x1x64xi32, #tpu.memory_space<vmem>>
        %dma_start3A_661 = tpu.memref_squeeze %dma_start3A_660 : memref<1x1x64xi32, #tpu.memory_space<vmem>> -> memref<64xi32, #tpu.memory_space<vmem>>
        %dma_start3A_662 = arith.constant 0 : i32
        %dma_start3A_663 = arith.constant 0 : i32
        %dma_start3A_664 = tpu.memref_slice %arg2[%dma_start3A_662, %dma_start3A_663] : memref<10000x128xf32, #tpu.memory_space<hbm>> -> memref<10000x128xf32, #tpu.memory_space<hbm>>
        tpu.enqueue_indirect_dma source(%dma_start3A_664 : memref<10000x128xf32, #tpu.memory_space<hbm>>) target(%dma_start3A_658 : memref<64x128xf32, #tpu.memory_space<vmem>>) offsets(%dma_start3A_661 : memref<64xi32, #tpu.memory_space<vmem>>) semaphore(%arg9 : memref<!tpu.dma_semaphore, #tpu.memory_space<semaphore_mem>>)
      } else {
      }
      %dma_wait3A_513 = arith.constant 5 : i32
      %dma_wait3A_514 = arith.constant 0 : i32
      %dma_wait3A_515 = arith.constant 1 : i32
      %dma_wait3A_516 = arith.constant 0 : i32
      %dma_wait3A_517 = arith.constant 0 : i32
      %dma_wait3A_518 = tpu.memref_slice %arg6[%dma_wait3A_515, %dma_wait3A_516, %dma_wait3A_517] : memref<4x64x128xf32, #tpu.memory_space<vmem>> -> memref<1x64x128xf32, #tpu.memory_space<vmem>>
      %dma_wait3A_519 = tpu.memref_squeeze %dma_wait3A_518 : memref<1x64x128xf32, #tpu.memory_space<vmem>> -> memref<64x128xf32, #tpu.memory_space<vmem>>
      %dma_wait3A_520 = arith.constant 0 : i32
      %dma_wait3A_521 = tpu.memref_slice %arg5[%dma_wait3A_513, %dma_wait3A_514, %dma_wait3A_520] : memref<8x2x64xi32, #tpu.memory_space<vmem>> -> memref<1x1x64xi32, #tpu.memory_space<vmem>>
      %dma_wait3A_522 = tpu.memref_squeeze %dma_wait3A_521 : memref<1x1x64xi32, #tpu.memory_space<vmem>> -> memref<64xi32, #tpu.memory_space<vmem>>
      %dma_wait3A_523 = arith.constant 0 : i32
      %dma_wait3A_524 = arith.constant 0 : i32
      %dma_wait3A_525 = tpu.memref_slice %arg2[%dma_wait3A_523, %dma_wait3A_524] : memref<10000x128xf32, #tpu.memory_space<hbm>> -> memref<10000x128xf32, #tpu.memory_space<hbm>>
      tpu.wait_indirect_dma semaphore(%arg10 : memref<!tpu.dma_semaphore, #tpu.memory_space<semaphore_mem>>) src(%dma_wait3A_525 : memref<10000x128xf32, #tpu.memory_space<hbm>>) dst(%dma_wait3A_519 : memref<64x128xf32, #tpu.memory_space<vmem>>)
      %dma_start3A_526 = arith.constant 1 : i32
      %dma_start3A_527 = arith.constant 5 : i32
      %dma_start3A_528 = arith.constant 1 : i32
      %dma_start3A_529 = arith.constant 0 : i32
      %dma_start3A_530 = arith.constant 0 : i32
      %dma_start3A_531 = tpu.memref_slice %arg6[%dma_start3A_526, %dma_start3A_529, %dma_start3A_530] : memref<4x64x128xf32, #tpu.memory_space<vmem>> -> memref<1x64x128xf32, #tpu.memory_space<vmem>>
      %dma_start3A_532 = tpu.memref_squeeze %dma_start3A_531 : memref<1x64x128xf32, #tpu.memory_space<vmem>> -> memref<64x128xf32, #tpu.memory_space<vmem>>
      %dma_start3A_533 = arith.constant 0 : i32
      %dma_start3A_534 = tpu.memref_slice %arg5[%dma_start3A_527, %dma_start3A_528, %dma_start3A_533] : memref<8x2x64xi32, #tpu.memory_space<vmem>> -> memref<1x1x64xi32, #tpu.memory_space<vmem>>
      %dma_start3A_535 = tpu.memref_squeeze %dma_start3A_534 : memref<1x1x64xi32, #tpu.memory_space<vmem>> -> memref<64xi32, #tpu.memory_space<vmem>>
      %dma_start3A_536 = arith.constant 0 : i32
      %dma_start3A_537 = arith.constant 0 : i32
      %dma_start3A_538 = tpu.memref_slice %arg8[%dma_start3A_536, %dma_start3A_537] : memref<10112x128xf32, #tpu.memory_space<vmem_shared>> -> memref<10112x128xf32, #tpu.memory_space<vmem_shared>>
      tpu.enqueue_indirect_dma source(%dma_start3A_532 : memref<64x128xf32, #tpu.memory_space<vmem>>) target(%dma_start3A_538 : memref<10112x128xf32, #tpu.memory_space<vmem_shared>>) offsets(%dma_start3A_535 : memref<64xi32, #tpu.memory_space<vmem>>) semaphore(%arg14 : memref<!tpu.dma_semaphore, #tpu.memory_space<semaphore_mem>>) {add = true}
      %add3A_539 = arith.constant 6 : i32
      %add3A_540 = arith.addi %add3A_260, %add3A_539 : i32
      %ge3A_541 = arith.constant 1 : i32
      %ge3A_542 = arith.cmpi sge, %add3A_540, %ge3A_541 : i32
      %convert_element_type3A_543 = arith.extui %ge3A_542 : i1 to i32
      %cond3A_544 = arith.constant 0 : i32
      %cond3A_545 = arith.cmpi ne, %convert_element_type3A_543, %cond3A_544 : i32
      scf.if %cond3A_545 {
        %dma_wait3A_633 = arith.constant 1 : i32
        %dma_wait3A_634 = arith.constant 5 : i32
        %dma_wait3A_635 = arith.constant 1 : i32
        %dma_wait3A_636 = arith.constant 0 : i32
        %dma_wait3A_637 = arith.constant 0 : i32
        %dma_wait3A_638 = tpu.memref_slice %arg6[%dma_wait3A_633, %dma_wait3A_636, %dma_wait3A_637] : memref<4x64x128xf32, #tpu.memory_space<vmem>> -> memref<1x64x128xf32, #tpu.memory_space<vmem>>
        %dma_wait3A_639 = tpu.memref_squeeze %dma_wait3A_638 : memref<1x64x128xf32, #tpu.memory_space<vmem>> -> memref<64x128xf32, #tpu.memory_space<vmem>>
        %dma_wait3A_640 = arith.constant 0 : i32
        %dma_wait3A_641 = tpu.memref_slice %arg5[%dma_wait3A_634, %dma_wait3A_635, %dma_wait3A_640] : memref<8x2x64xi32, #tpu.memory_space<vmem>> -> memref<1x1x64xi32, #tpu.memory_space<vmem>>
        %dma_wait3A_642 = tpu.memref_squeeze %dma_wait3A_641 : memref<1x1x64xi32, #tpu.memory_space<vmem>> -> memref<64xi32, #tpu.memory_space<vmem>>
        %dma_wait3A_643 = arith.constant 0 : i32
        %dma_wait3A_644 = arith.constant 0 : i32
        %dma_wait3A_645 = tpu.memref_slice %arg8[%dma_wait3A_643, %dma_wait3A_644] : memref<10112x128xf32, #tpu.memory_space<vmem_shared>> -> memref<10112x128xf32, #tpu.memory_space<vmem_shared>>
        tpu.wait_indirect_dma semaphore(%arg14 : memref<!tpu.dma_semaphore, #tpu.memory_space<semaphore_mem>>) src(%dma_wait3A_639 : memref<64x128xf32, #tpu.memory_space<vmem>>) dst(%dma_wait3A_645 : memref<10112x128xf32, #tpu.memory_space<vmem_shared>>)
      } else {
      }
      %add3A_546 = arith.constant 7 : i32
      %add3A_547 = arith.addi %add3A_540, %add3A_546 : i32
      %lt3A_548 = arith.constant 160 : i32
      %lt3A_549 = arith.cmpi slt, %add3A_547, %lt3A_548 : i32
      %convert_element_type3A_550 = arith.extui %lt3A_549 : i1 to i32
      %cond3A_551 = arith.constant 0 : i32
      %cond3A_552 = arith.cmpi ne, %convert_element_type3A_550, %cond3A_551 : i32
      scf.if %cond3A_552 {
        %add3A_633 = arith.constant 7 : i32
        %add3A_634 = arith.addi %add3A_540, %add3A_633 : i32
        %dma_start3A_635 = arith.constant 5 : i32
        %dma_start3A_636 = arith.constant 0 : i32
        %dma_start3A_637 = arith.constant 0 : i32
        %dma_start3A_638 = tpu.memref_slice %arg5[%dma_start3A_635, %dma_start3A_636, %dma_start3A_637] : memref<8x2x64xi32, #tpu.memory_space<vmem>> -> memref<1x2x64xi32, #tpu.memory_space<vmem>>
        %dma_start3A_639 = tpu.memref_squeeze %dma_start3A_638 : memref<1x2x64xi32, #tpu.memory_space<vmem>> -> memref<2x64xi32, #tpu.memory_space<vmem>>
        %dma_start3A_640 = arith.constant 0 : i32
        %dma_start3A_641 = arith.constant 0 : i32
        %dma_start3A_642 = tpu.memref_slice %arg3[%add3A, %add3A_634, %dma_start3A_640, %dma_start3A_641] : memref<32x160x2x64xi32, #tpu.memory_space<hbm>> -> memref<1x1x2x64xi32, #tpu.memory_space<hbm>>
        %dma_start3A_643 = tpu.memref_squeeze %dma_start3A_642 : memref<1x1x2x64xi32, #tpu.memory_space<hbm>> -> memref<2x64xi32, #tpu.memory_space<hbm>>
        %dma_start3A_644 = arith.constant 0 : i32
        %dma_start3A_645 = arith.constant 0 : i32
        %dma_start3A_646 = tpu.memref_slice %arg5[%dma_start3A_635, %dma_start3A_644, %dma_start3A_645] : memref<8x2x64xi32, #tpu.memory_space<vmem>> -> memref<1x2x64xi32, #tpu.memory_space<vmem>>
        %dma_start3A_647 = tpu.memref_squeeze %dma_start3A_646 : memref<1x2x64xi32, #tpu.memory_space<vmem>> -> memref<2x64xi32, #tpu.memory_space<vmem>>
        %dma_start3A_648 = arith.constant 0 : i32
        %dma_start3A_649 = arith.constant 0 : i32
        %dma_start3A_650 = tpu.memref_slice %arg3[%add3A, %add3A_634, %dma_start3A_648, %dma_start3A_649] : memref<32x160x2x64xi32, #tpu.memory_space<hbm>> -> memref<1x1x2x64xi32, #tpu.memory_space<hbm>>
        %dma_start3A_651 = tpu.memref_squeeze %dma_start3A_650 : memref<1x1x2x64xi32, #tpu.memory_space<hbm>> -> memref<2x64xi32, #tpu.memory_space<hbm>>
        tpu.enqueue_dma source(%dma_start3A_651 : memref<2x64xi32, #tpu.memory_space<hbm>>) target(%dma_start3A_647 : memref<2x64xi32, #tpu.memory_space<vmem>>) target_semaphore(%arg22 : memref<!tpu.dma_semaphore, #tpu.memory_space<semaphore_mem>>)
      } else {
      }
      %add3A_553 = arith.constant 3 : i32
      %add3A_554 = arith.addi %add3A_540, %add3A_553 : i32
      %lt3A_555 = arith.constant 160 : i32
      %lt3A_556 = arith.cmpi slt, %add3A_554, %lt3A_555 : i32
      %convert_element_type3A_557 = arith.extui %lt3A_556 : i1 to i32
      %cond3A_558 = arith.constant 0 : i32
      %cond3A_559 = arith.cmpi ne, %convert_element_type3A_557, %cond3A_558 : i32
      scf.if %cond3A_559 {
        %add3A_633 = arith.constant 3 : i32
        %add3A_634 = arith.addi %add3A_540, %add3A_633 : i32
        %dma_wait3A_635 = arith.constant 1 : i32
        %dma_wait3A_636 = arith.constant 0 : i32
        %dma_wait3A_637 = arith.constant 0 : i32
        %dma_wait3A_638 = tpu.memref_slice %arg5[%dma_wait3A_635, %dma_wait3A_636, %dma_wait3A_637] : memref<8x2x64xi32, #tpu.memory_space<vmem>> -> memref<1x2x64xi32, #tpu.memory_space<vmem>>
        %dma_wait3A_639 = tpu.memref_squeeze %dma_wait3A_638 : memref<1x2x64xi32, #tpu.memory_space<vmem>> -> memref<2x64xi32, #tpu.memory_space<vmem>>
        %dma_wait3A_640 = arith.constant 0 : i32
        %dma_wait3A_641 = arith.constant 0 : i32
        %dma_wait3A_642 = tpu.memref_slice %arg3[%add3A, %add3A_634, %dma_wait3A_640, %dma_wait3A_641] : memref<32x160x2x64xi32, #tpu.memory_space<hbm>> -> memref<1x1x2x64xi32, #tpu.memory_space<hbm>>
        %dma_wait3A_643 = tpu.memref_squeeze %dma_wait3A_642 : memref<1x1x2x64xi32, #tpu.memory_space<hbm>> -> memref<2x64xi32, #tpu.memory_space<hbm>>
        %dma_wait3A_644 = arith.constant 0 : i32
        %dma_wait3A_645 = arith.constant 0 : i32
        %dma_wait3A_646 = tpu.memref_slice %arg5[%dma_wait3A_635, %dma_wait3A_644, %dma_wait3A_645] : memref<8x2x64xi32, #tpu.memory_space<vmem>> -> memref<1x2x64xi32, #tpu.memory_space<vmem>>
        %dma_wait3A_647 = tpu.memref_squeeze %dma_wait3A_646 : memref<1x2x64xi32, #tpu.memory_space<vmem>> -> memref<2x64xi32, #tpu.memory_space<vmem>>
        %dma_wait3A_648 = arith.constant 0 : i32
        %dma_wait3A_649 = arith.constant 0 : i32
        %dma_wait3A_650 = tpu.memref_slice %arg3[%add3A, %add3A_634, %dma_wait3A_648, %dma_wait3A_649] : memref<32x160x2x64xi32, #tpu.memory_space<hbm>> -> memref<1x1x2x64xi32, #tpu.memory_space<hbm>>
        %dma_wait3A_651 = tpu.memref_squeeze %dma_wait3A_650 : memref<1x1x2x64xi32, #tpu.memory_space<hbm>> -> memref<2x64xi32, #tpu.memory_space<hbm>>
        tpu.wait_dma2 semaphore(%arg18 : memref<!tpu.dma_semaphore, #tpu.memory_space<semaphore_mem>>) src(%dma_wait3A_651 : memref<2x64xi32, #tpu.memory_space<hbm>>) dst(%dma_wait3A_647 : memref<2x64xi32, #tpu.memory_space<vmem>>)
        %dma_start3A_652 = arith.constant 1 : i32
        %dma_start3A_653 = arith.constant 0 : i32
        %dma_start3A_654 = arith.constant 1 : i32
        %dma_start3A_655 = arith.constant 0 : i32
        %dma_start3A_656 = arith.constant 0 : i32
        %dma_start3A_657 = tpu.memref_slice %arg6[%dma_start3A_654, %dma_start3A_655, %dma_start3A_656] : memref<4x64x128xf32, #tpu.memory_space<vmem>> -> memref<1x64x128xf32, #tpu.memory_space<vmem>>
        %dma_start3A_658 = tpu.memref_squeeze %dma_start3A_657 : memref<1x64x128xf32, #tpu.memory_space<vmem>> -> memref<64x128xf32, #tpu.memory_space<vmem>>
        %dma_start3A_659 = arith.constant 0 : i32
        %dma_start3A_660 = tpu.memref_slice %arg5[%dma_start3A_652, %dma_start3A_653, %dma_start3A_659] : memref<8x2x64xi32, #tpu.memory_space<vmem>> -> memref<1x1x64xi32, #tpu.memory_space<vmem>>
        %dma_start3A_661 = tpu.memref_squeeze %dma_start3A_660 : memref<1x1x64xi32, #tpu.memory_space<vmem>> -> memref<64xi32, #tpu.memory_space<vmem>>
        %dma_start3A_662 = arith.constant 0 : i32
        %dma_start3A_663 = arith.constant 0 : i32
        %dma_start3A_664 = tpu.memref_slice %arg2[%dma_start3A_662, %dma_start3A_663] : memref<10000x128xf32, #tpu.memory_space<hbm>> -> memref<10000x128xf32, #tpu.memory_space<hbm>>
        tpu.enqueue_indirect_dma source(%dma_start3A_664 : memref<10000x128xf32, #tpu.memory_space<hbm>>) target(%dma_start3A_658 : memref<64x128xf32, #tpu.memory_space<vmem>>) offsets(%dma_start3A_661 : memref<64xi32, #tpu.memory_space<vmem>>) semaphore(%arg10 : memref<!tpu.dma_semaphore, #tpu.memory_space<semaphore_mem>>)
      } else {
      }
      %dma_wait3A_560 = arith.constant 6 : i32
      %dma_wait3A_561 = arith.constant 0 : i32
      %dma_wait3A_562 = arith.constant 2 : i32
      %dma_wait3A_563 = arith.constant 0 : i32
      %dma_wait3A_564 = arith.constant 0 : i32
      %dma_wait3A_565 = tpu.memref_slice %arg6[%dma_wait3A_562, %dma_wait3A_563, %dma_wait3A_564] : memref<4x64x128xf32, #tpu.memory_space<vmem>> -> memref<1x64x128xf32, #tpu.memory_space<vmem>>
      %dma_wait3A_566 = tpu.memref_squeeze %dma_wait3A_565 : memref<1x64x128xf32, #tpu.memory_space<vmem>> -> memref<64x128xf32, #tpu.memory_space<vmem>>
      %dma_wait3A_567 = arith.constant 0 : i32
      %dma_wait3A_568 = tpu.memref_slice %arg5[%dma_wait3A_560, %dma_wait3A_561, %dma_wait3A_567] : memref<8x2x64xi32, #tpu.memory_space<vmem>> -> memref<1x1x64xi32, #tpu.memory_space<vmem>>
      %dma_wait3A_569 = tpu.memref_squeeze %dma_wait3A_568 : memref<1x1x64xi32, #tpu.memory_space<vmem>> -> memref<64xi32, #tpu.memory_space<vmem>>
      %dma_wait3A_570 = arith.constant 0 : i32
      %dma_wait3A_571 = arith.constant 0 : i32
      %dma_wait3A_572 = tpu.memref_slice %arg2[%dma_wait3A_570, %dma_wait3A_571] : memref<10000x128xf32, #tpu.memory_space<hbm>> -> memref<10000x128xf32, #tpu.memory_space<hbm>>
      tpu.wait_indirect_dma semaphore(%arg11 : memref<!tpu.dma_semaphore, #tpu.memory_space<semaphore_mem>>) src(%dma_wait3A_572 : memref<10000x128xf32, #tpu.memory_space<hbm>>) dst(%dma_wait3A_566 : memref<64x128xf32, #tpu.memory_space<vmem>>)
      %dma_start3A_573 = arith.constant 2 : i32
      %dma_start3A_574 = arith.constant 6 : i32
      %dma_start3A_575 = arith.constant 1 : i32
      %dma_start3A_576 = arith.constant 0 : i32
      %dma_start3A_577 = arith.constant 0 : i32
      %dma_start3A_578 = tpu.memref_slice %arg6[%dma_start3A_573, %dma_start3A_576, %dma_start3A_577] : memref<4x64x128xf32, #tpu.memory_space<vmem>> -> memref<1x64x128xf32, #tpu.memory_space<vmem>>
      %dma_start3A_579 = tpu.memref_squeeze %dma_start3A_578 : memref<1x64x128xf32, #tpu.memory_space<vmem>> -> memref<64x128xf32, #tpu.memory_space<vmem>>
      %dma_start3A_580 = arith.constant 0 : i32
      %dma_start3A_581 = tpu.memref_slice %arg5[%dma_start3A_574, %dma_start3A_575, %dma_start3A_580] : memref<8x2x64xi32, #tpu.memory_space<vmem>> -> memref<1x1x64xi32, #tpu.memory_space<vmem>>
      %dma_start3A_582 = tpu.memref_squeeze %dma_start3A_581 : memref<1x1x64xi32, #tpu.memory_space<vmem>> -> memref<64xi32, #tpu.memory_space<vmem>>
      %dma_start3A_583 = arith.constant 0 : i32
      %dma_start3A_584 = arith.constant 0 : i32
      %dma_start3A_585 = tpu.memref_slice %arg8[%dma_start3A_583, %dma_start3A_584] : memref<10112x128xf32, #tpu.memory_space<vmem_shared>> -> memref<10112x128xf32, #tpu.memory_space<vmem_shared>>
      tpu.enqueue_indirect_dma source(%dma_start3A_579 : memref<64x128xf32, #tpu.memory_space<vmem>>) target(%dma_start3A_585 : memref<10112x128xf32, #tpu.memory_space<vmem_shared>>) offsets(%dma_start3A_582 : memref<64xi32, #tpu.memory_space<vmem>>) semaphore(%arg15 : memref<!tpu.dma_semaphore, #tpu.memory_space<semaphore_mem>>) {add = true}
      %add3A_586 = arith.constant 7 : i32
      %add3A_587 = arith.addi %add3A_260, %add3A_586 : i32
      %ge3A_588 = arith.constant 1 : i32
      %ge3A_589 = arith.cmpi sge, %add3A_587, %ge3A_588 : i32
      %convert_element_type3A_590 = arith.extui %ge3A_589 : i1 to i32
      %cond3A_591 = arith.constant 0 : i32
      %cond3A_592 = arith.cmpi ne, %convert_element_type3A_590, %cond3A_591 : i32
      scf.if %cond3A_592 {
        %dma_wait3A_633 = arith.constant 2 : i32
        %dma_wait3A_634 = arith.constant 6 : i32
        %dma_wait3A_635 = arith.constant 1 : i32
        %dma_wait3A_636 = arith.constant 0 : i32
        %dma_wait3A_637 = arith.constant 0 : i32
        %dma_wait3A_638 = tpu.memref_slice %arg6[%dma_wait3A_633, %dma_wait3A_636, %dma_wait3A_637] : memref<4x64x128xf32, #tpu.memory_space<vmem>> -> memref<1x64x128xf32, #tpu.memory_space<vmem>>
        %dma_wait3A_639 = tpu.memref_squeeze %dma_wait3A_638 : memref<1x64x128xf32, #tpu.memory_space<vmem>> -> memref<64x128xf32, #tpu.memory_space<vmem>>
        %dma_wait3A_640 = arith.constant 0 : i32
        %dma_wait3A_641 = tpu.memref_slice %arg5[%dma_wait3A_634, %dma_wait3A_635, %dma_wait3A_640] : memref<8x2x64xi32, #tpu.memory_space<vmem>> -> memref<1x1x64xi32, #tpu.memory_space<vmem>>
        %dma_wait3A_642 = tpu.memref_squeeze %dma_wait3A_641 : memref<1x1x64xi32, #tpu.memory_space<vmem>> -> memref<64xi32, #tpu.memory_space<vmem>>
        %dma_wait3A_643 = arith.constant 0 : i32
        %dma_wait3A_644 = arith.constant 0 : i32
        %dma_wait3A_645 = tpu.memref_slice %arg8[%dma_wait3A_643, %dma_wait3A_644] : memref<10112x128xf32, #tpu.memory_space<vmem_shared>> -> memref<10112x128xf32, #tpu.memory_space<vmem_shared>>
        tpu.wait_indirect_dma semaphore(%arg15 : memref<!tpu.dma_semaphore, #tpu.memory_space<semaphore_mem>>) src(%dma_wait3A_639 : memref<64x128xf32, #tpu.memory_space<vmem>>) dst(%dma_wait3A_645 : memref<10112x128xf32, #tpu.memory_space<vmem_shared>>)
      } else {
      }
      %add3A_593 = arith.constant 7 : i32
      %add3A_594 = arith.addi %add3A_587, %add3A_593 : i32
      %lt3A_595 = arith.constant 160 : i32
      %lt3A_596 = arith.cmpi slt, %add3A_594, %lt3A_595 : i32
      %convert_element_type3A_597 = arith.extui %lt3A_596 : i1 to i32
      %cond3A_598 = arith.constant 0 : i32
      %cond3A_599 = arith.cmpi ne, %convert_element_type3A_597, %cond3A_598 : i32
      scf.if %cond3A_599 {
        %add3A_633 = arith.constant 7 : i32
        %add3A_634 = arith.addi %add3A_587, %add3A_633 : i32
        %dma_start3A_635 = arith.constant 6 : i32
        %dma_start3A_636 = arith.constant 0 : i32
        %dma_start3A_637 = arith.constant 0 : i32
        %dma_start3A_638 = tpu.memref_slice %arg5[%dma_start3A_635, %dma_start3A_636, %dma_start3A_637] : memref<8x2x64xi32, #tpu.memory_space<vmem>> -> memref<1x2x64xi32, #tpu.memory_space<vmem>>
        %dma_start3A_639 = tpu.memref_squeeze %dma_start3A_638 : memref<1x2x64xi32, #tpu.memory_space<vmem>> -> memref<2x64xi32, #tpu.memory_space<vmem>>
        %dma_start3A_640 = arith.constant 0 : i32
        %dma_start3A_641 = arith.constant 0 : i32
        %dma_start3A_642 = tpu.memref_slice %arg3[%add3A, %add3A_634, %dma_start3A_640, %dma_start3A_641] : memref<32x160x2x64xi32, #tpu.memory_space<hbm>> -> memref<1x1x2x64xi32, #tpu.memory_space<hbm>>
        %dma_start3A_643 = tpu.memref_squeeze %dma_start3A_642 : memref<1x1x2x64xi32, #tpu.memory_space<hbm>> -> memref<2x64xi32, #tpu.memory_space<hbm>>
        %dma_start3A_644 = arith.constant 0 : i32
        %dma_start3A_645 = arith.constant 0 : i32
        %dma_start3A_646 = tpu.memref_slice %arg5[%dma_start3A_635, %dma_start3A_644, %dma_start3A_645] : memref<8x2x64xi32, #tpu.memory_space<vmem>> -> memref<1x2x64xi32, #tpu.memory_space<vmem>>
        %dma_start3A_647 = tpu.memref_squeeze %dma_start3A_646 : memref<1x2x64xi32, #tpu.memory_space<vmem>> -> memref<2x64xi32, #tpu.memory_space<vmem>>
        %dma_start3A_648 = arith.constant 0 : i32
        %dma_start3A_649 = arith.constant 0 : i32
        %dma_start3A_650 = tpu.memref_slice %arg3[%add3A, %add3A_634, %dma_start3A_648, %dma_start3A_649] : memref<32x160x2x64xi32, #tpu.memory_space<hbm>> -> memref<1x1x2x64xi32, #tpu.memory_space<hbm>>
        %dma_start3A_651 = tpu.memref_squeeze %dma_start3A_650 : memref<1x1x2x64xi32, #tpu.memory_space<hbm>> -> memref<2x64xi32, #tpu.memory_space<hbm>>
        tpu.enqueue_dma source(%dma_start3A_651 : memref<2x64xi32, #tpu.memory_space<hbm>>) target(%dma_start3A_647 : memref<2x64xi32, #tpu.memory_space<vmem>>) target_semaphore(%arg23 : memref<!tpu.dma_semaphore, #tpu.memory_space<semaphore_mem>>)
      } else {
      }
      %add3A_600 = arith.constant 3 : i32
      %add3A_601 = arith.addi %add3A_587, %add3A_600 : i32
      %lt3A_602 = arith.constant 160 : i32
      %lt3A_603 = arith.cmpi slt, %add3A_601, %lt3A_602 : i32
      %convert_element_type3A_604 = arith.extui %lt3A_603 : i1 to i32
      %cond3A_605 = arith.constant 0 : i32
      %cond3A_606 = arith.cmpi ne, %convert_element_type3A_604, %cond3A_605 : i32
      scf.if %cond3A_606 {
        %add3A_633 = arith.constant 3 : i32
        %add3A_634 = arith.addi %add3A_587, %add3A_633 : i32
        %dma_wait3A_635 = arith.constant 2 : i32
        %dma_wait3A_636 = arith.constant 0 : i32
        %dma_wait3A_637 = arith.constant 0 : i32
        %dma_wait3A_638 = tpu.memref_slice %arg5[%dma_wait3A_635, %dma_wait3A_636, %dma_wait3A_637] : memref<8x2x64xi32, #tpu.memory_space<vmem>> -> memref<1x2x64xi32, #tpu.memory_space<vmem>>
        %dma_wait3A_639 = tpu.memref_squeeze %dma_wait3A_638 : memref<1x2x64xi32, #tpu.memory_space<vmem>> -> memref<2x64xi32, #tpu.memory_space<vmem>>
        %dma_wait3A_640 = arith.constant 0 : i32
        %dma_wait3A_641 = arith.constant 0 : i32
        %dma_wait3A_642 = tpu.memref_slice %arg3[%add3A, %add3A_634, %dma_wait3A_640, %dma_wait3A_641] : memref<32x160x2x64xi32, #tpu.memory_space<hbm>> -> memref<1x1x2x64xi32, #tpu.memory_space<hbm>>
        %dma_wait3A_643 = tpu.memref_squeeze %dma_wait3A_642 : memref<1x1x2x64xi32, #tpu.memory_space<hbm>> -> memref<2x64xi32, #tpu.memory_space<hbm>>
        %dma_wait3A_644 = arith.constant 0 : i32
        %dma_wait3A_645 = arith.constant 0 : i32
        %dma_wait3A_646 = tpu.memref_slice %arg5[%dma_wait3A_635, %dma_wait3A_644, %dma_wait3A_645] : memref<8x2x64xi32, #tpu.memory_space<vmem>> -> memref<1x2x64xi32, #tpu.memory_space<vmem>>
        %dma_wait3A_647 = tpu.memref_squeeze %dma_wait3A_646 : memref<1x2x64xi32, #tpu.memory_space<vmem>> -> memref<2x64xi32, #tpu.memory_space<vmem>>
        %dma_wait3A_648 = arith.constant 0 : i32
        %dma_wait3A_649 = arith.constant 0 : i32
        %dma_wait3A_650 = tpu.memref_slice %arg3[%add3A, %add3A_634, %dma_wait3A_648, %dma_wait3A_649] : memref<32x160x2x64xi32, #tpu.memory_space<hbm>> -> memref<1x1x2x64xi32, #tpu.memory_space<hbm>>
        %dma_wait3A_651 = tpu.memref_squeeze %dma_wait3A_650 : memref<1x1x2x64xi32, #tpu.memory_space<hbm>> -> memref<2x64xi32, #tpu.memory_space<hbm>>
        tpu.wait_dma2 semaphore(%arg19 : memref<!tpu.dma_semaphore, #tpu.memory_space<semaphore_mem>>) src(%dma_wait3A_651 : memref<2x64xi32, #tpu.memory_space<hbm>>) dst(%dma_wait3A_647 : memref<2x64xi32, #tpu.memory_space<vmem>>)
        %dma_start3A_652 = arith.constant 2 : i32
        %dma_start3A_653 = arith.constant 0 : i32
        %dma_start3A_654 = arith.constant 2 : i32
        %dma_start3A_655 = arith.constant 0 : i32
        %dma_start3A_656 = arith.constant 0 : i32
        %dma_start3A_657 = tpu.memref_slice %arg6[%dma_start3A_654, %dma_start3A_655, %dma_start3A_656] : memref<4x64x128xf32, #tpu.memory_space<vmem>> -> memref<1x64x128xf32, #tpu.memory_space<vmem>>
        %dma_start3A_658 = tpu.memref_squeeze %dma_start3A_657 : memref<1x64x128xf32, #tpu.memory_space<vmem>> -> memref<64x128xf32, #tpu.memory_space<vmem>>
        %dma_start3A_659 = arith.constant 0 : i32
        %dma_start3A_660 = tpu.memref_slice %arg5[%dma_start3A_652, %dma_start3A_653, %dma_start3A_659] : memref<8x2x64xi32, #tpu.memory_space<vmem>> -> memref<1x1x64xi32, #tpu.memory_space<vmem>>
        %dma_start3A_661 = tpu.memref_squeeze %dma_start3A_660 : memref<1x1x64xi32, #tpu.memory_space<vmem>> -> memref<64xi32, #tpu.memory_space<vmem>>
        %dma_start3A_662 = arith.constant 0 : i32
        %dma_start3A_663 = arith.constant 0 : i32
        %dma_start3A_664 = tpu.memref_slice %arg2[%dma_start3A_662, %dma_start3A_663] : memref<10000x128xf32, #tpu.memory_space<hbm>> -> memref<10000x128xf32, #tpu.memory_space<hbm>>
        tpu.enqueue_indirect_dma source(%dma_start3A_664 : memref<10000x128xf32, #tpu.memory_space<hbm>>) target(%dma_start3A_658 : memref<64x128xf32, #tpu.memory_space<vmem>>) offsets(%dma_start3A_661 : memref<64xi32, #tpu.memory_space<vmem>>) semaphore(%arg11 : memref<!tpu.dma_semaphore, #tpu.memory_space<semaphore_mem>>)
      } else {
      }
      %dma_wait3A_607 = arith.constant 7 : i32
      %dma_wait3A_608 = arith.constant 0 : i32
      %dma_wait3A_609 = arith.constant 3 : i32
      %dma_wait3A_610 = arith.constant 0 : i32
      %dma_wait3A_611 = arith.constant 0 : i32
      %dma_wait3A_612 = tpu.memref_slice %arg6[%dma_wait3A_609, %dma_wait3A_610, %dma_wait3A_611] : memref<4x64x128xf32, #tpu.memory_space<vmem>> -> memref<1x64x128xf32, #tpu.memory_space<vmem>>
      %dma_wait3A_613 = tpu.memref_squeeze %dma_wait3A_612 : memref<1x64x128xf32, #tpu.memory_space<vmem>> -> memref<64x128xf32, #tpu.memory_space<vmem>>
      %dma_wait3A_614 = arith.constant 0 : i32
      %dma_wait3A_615 = tpu.memref_slice %arg5[%dma_wait3A_607, %dma_wait3A_608, %dma_wait3A_614] : memref<8x2x64xi32, #tpu.memory_space<vmem>> -> memref<1x1x64xi32, #tpu.memory_space<vmem>>
      %dma_wait3A_616 = tpu.memref_squeeze %dma_wait3A_615 : memref<1x1x64xi32, #tpu.memory_space<vmem>> -> memref<64xi32, #tpu.memory_space<vmem>>
      %dma_wait3A_617 = arith.constant 0 : i32
      %dma_wait3A_618 = arith.constant 0 : i32
      %dma_wait3A_619 = tpu.memref_slice %arg2[%dma_wait3A_617, %dma_wait3A_618] : memref<10000x128xf32, #tpu.memory_space<hbm>> -> memref<10000x128xf32, #tpu.memory_space<hbm>>
      tpu.wait_indirect_dma semaphore(%arg12 : memref<!tpu.dma_semaphore, #tpu.memory_space<semaphore_mem>>) src(%dma_wait3A_619 : memref<10000x128xf32, #tpu.memory_space<hbm>>) dst(%dma_wait3A_613 : memref<64x128xf32, #tpu.memory_space<vmem>>)
      %dma_start3A_620 = arith.constant 3 : i32
      %dma_start3A_621 = arith.constant 7 : i32
      %dma_start3A_622 = arith.constant 1 : i32
      %dma_start3A_623 = arith.constant 0 : i32
      %dma_start3A_624 = arith.constant 0 : i32
      %dma_start3A_625 = tpu.memref_slice %arg6[%dma_start3A_620, %dma_start3A_623, %dma_start3A_624] : memref<4x64x128xf32, #tpu.memory_space<vmem>> -> memref<1x64x128xf32, #tpu.memory_space<vmem>>
      %dma_start3A_626 = tpu.memref_squeeze %dma_start3A_625 : memref<1x64x128xf32, #tpu.memory_space<vmem>> -> memref<64x128xf32, #tpu.memory_space<vmem>>
      %dma_start3A_627 = arith.constant 0 : i32
      %dma_start3A_628 = tpu.memref_slice %arg5[%dma_start3A_621, %dma_start3A_622, %dma_start3A_627] : memref<8x2x64xi32, #tpu.memory_space<vmem>> -> memref<1x1x64xi32, #tpu.memory_space<vmem>>
      %dma_start3A_629 = tpu.memref_squeeze %dma_start3A_628 : memref<1x1x64xi32, #tpu.memory_space<vmem>> -> memref<64xi32, #tpu.memory_space<vmem>>
      %dma_start3A_630 = arith.constant 0 : i32
      %dma_start3A_631 = arith.constant 0 : i32
      %dma_start3A_632 = tpu.memref_slice %arg8[%dma_start3A_630, %dma_start3A_631] : memref<10112x128xf32, #tpu.memory_space<vmem_shared>> -> memref<10112x128xf32, #tpu.memory_space<vmem_shared>>
      tpu.enqueue_indirect_dma source(%dma_start3A_626 : memref<64x128xf32, #tpu.memory_space<vmem>>) target(%dma_start3A_632 : memref<10112x128xf32, #tpu.memory_space<vmem_shared>>) offsets(%dma_start3A_629 : memref<64xi32, #tpu.memory_space<vmem>>) semaphore(%arg16 : memref<!tpu.dma_semaphore, #tpu.memory_space<semaphore_mem>>) {add = true}
    }
    %scan3A_237 = arith.constant 20 : i32
    %dma_wait3A_238 = arith.constant 3 : i32
    %dma_wait3A_239 = arith.constant 7 : i32
    %dma_wait3A_240 = arith.constant 1 : i32
    %dma_wait3A_241 = arith.constant 0 : i32
    %dma_wait3A_242 = arith.constant 0 : i32
    %dma_wait3A_243 = tpu.memref_slice %arg6[%dma_wait3A_238, %dma_wait3A_241, %dma_wait3A_242] : memref<4x64x128xf32, #tpu.memory_space<vmem>> -> memref<1x64x128xf32, #tpu.memory_space<vmem>>
    %dma_wait3A_244 = tpu.memref_squeeze %dma_wait3A_243 : memref<1x64x128xf32, #tpu.memory_space<vmem>> -> memref<64x128xf32, #tpu.memory_space<vmem>>
    %dma_wait3A_245 = arith.constant 0 : i32
    %dma_wait3A_246 = tpu.memref_slice %arg5[%dma_wait3A_239, %dma_wait3A_240, %dma_wait3A_245] : memref<8x2x64xi32, #tpu.memory_space<vmem>> -> memref<1x1x64xi32, #tpu.memory_space<vmem>>
    %dma_wait3A_247 = tpu.memref_squeeze %dma_wait3A_246 : memref<1x1x64xi32, #tpu.memory_space<vmem>> -> memref<64xi32, #tpu.memory_space<vmem>>
    %dma_wait3A_248 = arith.constant 0 : i32
    %dma_wait3A_249 = arith.constant 0 : i32
    %dma_wait3A_250 = tpu.memref_slice %arg8[%dma_wait3A_248, %dma_wait3A_249] : memref<10112x128xf32, #tpu.memory_space<vmem_shared>> -> memref<10112x128xf32, #tpu.memory_space<vmem_shared>>
    tpu.wait_indirect_dma semaphore(%arg16 : memref<!tpu.dma_semaphore, #tpu.memory_space<semaphore_mem>>) src(%dma_wait3A_244 : memref<64x128xf32, #tpu.memory_space<vmem>>) dst(%dma_wait3A_250 : memref<10112x128xf32, #tpu.memory_space<vmem_shared>>)
    %barrier3A_251 = arith.constant 0 : index
    tpu.barrier barrier_id(%barrier3A_251)
    %mul3A_252 = arith.constant 632 : i32
    %mul3A_253 = arith.muli %arg1, %mul3A_252 : i32
    %mul3A_254 = arith.constant 632 : i32
    %mul3A_255 = arith.muli %arg1, %mul3A_254 : i32
    "tpu.region"() ({
      %run_scoped3A = tpu.sem_alloc : memref<!tpu.dma_semaphore, #tpu.memory_space<semaphore_mem>>
      %dma_start3A_256 = arith.constant 0 : i32
      %dma_start3A_257 = tpu.memref_slice %arg4[%arg0, %mul3A_255, %dma_start3A_256] : memref<2x10112x128xf32, #tpu.memory_space<hbm>> -> memref<1x632x128xf32, #tpu.memory_space<hbm>>
      %dma_start3A_258 = tpu.memref_squeeze %dma_start3A_257 : memref<1x632x128xf32, #tpu.memory_space<hbm>> -> memref<632x128xf32, #tpu.memory_space<hbm>>
      %dma_start3A_259 = arith.constant 0 : i32
      %dma_start3A_260 = tpu.memref_slice %arg8[%mul3A_253, %dma_start3A_259] : memref<10112x128xf32, #tpu.memory_space<vmem_shared>> -> memref<632x128xf32, #tpu.memory_space<vmem_shared>>
      tpu.enqueue_dma source(%dma_start3A_260 : memref<632x128xf32, #tpu.memory_space<vmem_shared>>) target(%dma_start3A_258 : memref<632x128xf32, #tpu.memory_space<hbm>>) target_semaphore(%run_scoped3A : memref<!tpu.dma_semaphore, #tpu.memory_space<semaphore_mem>>)
      %dma_wait3A_261 = arith.constant 0 : i32
      %dma_wait3A_262 = tpu.memref_slice %arg4[%arg0, %mul3A_255, %dma_wait3A_261] : memref<2x10112x128xf32, #tpu.memory_space<hbm>> -> memref<1x632x128xf32, #tpu.memory_space<hbm>>
      %dma_wait3A_263 = tpu.memref_squeeze %dma_wait3A_262 : memref<1x632x128xf32, #tpu.memory_space<hbm>> -> memref<632x128xf32, #tpu.memory_space<hbm>>
      %dma_wait3A_264 = arith.constant 0 : i32
      %dma_wait3A_265 = tpu.memref_slice %arg8[%mul3A_253, %dma_wait3A_264] : memref<10112x128xf32, #tpu.memory_space<vmem_shared>> -> memref<632x128xf32, #tpu.memory_space<vmem_shared>>
      tpu.wait_dma2 semaphore(%run_scoped3A : memref<!tpu.dma_semaphore, #tpu.memory_space<semaphore_mem>>) src(%dma_wait3A_265 : memref<632x128xf32, #tpu.memory_space<vmem_shared>>) dst(%dma_wait3A_263 : memref<632x128xf32, #tpu.memory_space<hbm>>)
      tpu.yield
    }) : () -> ()
    return
  }
}

module attributes {stable_mosaic.version = 14 : i64} {
  func.func @body(%arg0: memref<10000x128xf32, #tpu.memory_space<vmem>>, %arg1: memref<128x128xf32, #tpu.memory_space<vmem>>, %arg2: memref<10000x128xf32, #tpu.memory_space<vmem>>) attributes {dimension_semantics = [], scalar_prefetch = 0 : i64, scratch_operands = 0 : i64, tpu.core_type = #tpu.core_type<tc>} {
    %get3A = arith.constant 0 : index
    %get3A_0 = arith.constant 0 : index
    %get3A_1 = vector.load %arg0[%get3A, %get3A_0] : memref<10000x128xf32, #tpu.memory_space<vmem>>, vector<10000x128xf32>
    %get3A_2 = arith.constant 0 : index
    %get3A_3 = arith.constant 0 : index
    %get3A_4 = vector.load %arg1[%get3A_2, %get3A_3] : memref<128x128xf32, #tpu.memory_space<vmem>>, vector<128x128xf32>
    %dot_general3A = arith.constant dense<0.000000e+00> : vector<10000x128xf32>
    %dot_general3A_5 = tpu.matmul %get3A_1, %get3A_4, %dot_general3A {dimension_numbers = #tpu.dot_dimension_numbers<[1], [0], [0], [1], [0, 0, 1, 1], [], []>, transpose_lhs_hint = false} : vector<10000x128xf32>, vector<128x128xf32>, vector<10000x128xf32> -> vector<10000x128xf32>
    %swap3A = arith.constant 0 : index
    %swap3A_6 = arith.constant 0 : index
    %swap3A_7 = vector.load %arg2[%swap3A, %swap3A_6] : memref<10000x128xf32, #tpu.memory_space<vmem>>, vector<10000x128xf32>
    tpu.vector_store %arg2[%swap3A, %swap3A_6], %dot_general3A_5 {strides = array<i32>} : memref<10000x128xf32, #tpu.memory_space<vmem>>, vector<10000x128xf32>,
    return
  }
}

module attributes {stable_mosaic.version = 14 : i64} {
  func.func @body(%arg0: memref<10000x128xf32, #tpu.memory_space<vmem>>, %arg1: memref<2x10112x128xf32, #tpu.memory_space<vmem>>, %arg2: memref<10000x128xf32, #tpu.memory_space<vmem>>) attributes {dimension_semantics = [], scalar_prefetch = 0 : i64, scratch_operands = 0 : i64, tpu.core_type = #tpu.core_type<tc>} {
    %get3A = arith.constant 0 : index
    %get3A_0 = arith.constant 0 : index
    %get3A_1 = arith.constant 0 : index
    %get3A_2 = vector.load %arg1[%get3A, %get3A_0, %get3A_1] : memref<2x10112x128xf32, #tpu.memory_space<vmem>>, vector<1x10000x128xf32>
    %get3A_3 = vector.shape_cast %get3A_2 : vector<1x10000x128xf32> to vector<10000x128xf32>
    %get3A_4 = arith.constant 1 : index
    %get3A_5 = arith.constant 0 : index
    %get3A_6 = arith.constant 0 : index
    %get3A_7 = vector.load %arg1[%get3A_4, %get3A_5, %get3A_6] : memref<2x10112x128xf32, #tpu.memory_space<vmem>>, vector<1x10000x128xf32>
    %get3A_8 = vector.shape_cast %get3A_7 : vector<1x10000x128xf32> to vector<10000x128xf32>
    %add3A = arith.addf %get3A_3, %get3A_8 : vector<10000x128xf32>
    %add3A_9 = arith.constant 1.000000e+00 : f32
    %add3A_10 = vector.broadcast %add3A_9 : f32 to vector<10000x128xf32>
    %add3A_11 = arith.addf %add3A, %add3A_10 : vector<10000x128xf32>
    %rsqrt3A = math.rsqrt %add3A_11 : vector<10000x128xf32>
    %slice3A = vector.extract_strided_slice %rsqrt3A {offsets = [0, 0], sizes = [10000, 1], strides = [1, 1]} : vector<10000x128xf32> to vector<10000x1xf32>
    %get3A_12 = arith.constant 0 : index
    %get3A_13 = arith.constant 0 : index
    %get3A_14 = vector.load %arg0[%get3A_12, %get3A_13] : memref<10000x128xf32, #tpu.memory_space<vmem>>, vector<10000x128xf32>
    %mul3A = vector.broadcast %slice3A : vector<10000x1xf32> to vector<10000x128xf32>
    %mul3A_15 = arith.mulf %get3A_14, %mul3A : vector<10000x128xf32>
    %swap3A = arith.constant 0 : index
    %swap3A_16 = arith.constant 0 : index
    %swap3A_17 = vector.load %arg2[%swap3A, %swap3A_16] : memref<10000x128xf32, #tpu.memory_space<vmem>>, vector<10000x128xf32>
    tpu.vector_store %arg2[%swap3A, %swap3A_16], %mul3A_15 {strides = array<i32>} : memref<10000x128xf32, #tpu.memory_space<vmem>>, vector<10000x128xf32>,
    return
  }
}

module attributes {stable_mosaic.version = 14 : i64} {
  func.func @body(%arg0: memref<2x10112x128xf32, #tpu.memory_space<vmem>>, %arg1: memref<10000x128xf32, #tpu.memory_space<vmem>>, %arg2: memref<2x10112x128xf32, #tpu.memory_space<vmem>>, %arg3: memref<1x128xf32, #tpu.memory_space<vmem>>, %arg4: memref<128x128xf32, #tpu.memory_space<vmem>>, %arg5: memref<10000x128xf32, #tpu.memory_space<vmem>>) attributes {dimension_semantics = [], scalar_prefetch = 0 : i64, scratch_operands = 0 : i64, tpu.core_type = #tpu.core_type<tc>} {
    %get3A = arith.constant 0 : index
    %get3A_0 = arith.constant 0 : index
    %get3A_1 = arith.constant 0 : index
    %get3A_2 = vector.load %arg2[%get3A, %get3A_0, %get3A_1] : memref<2x10112x128xf32, #tpu.memory_space<vmem>>, vector<1x10000x128xf32>
    %get3A_3 = vector.shape_cast %get3A_2 : vector<1x10000x128xf32> to vector<10000x128xf32>
    %get3A_4 = arith.constant 1 : index
    %get3A_5 = arith.constant 0 : index
    %get3A_6 = arith.constant 0 : index
    %get3A_7 = vector.load %arg2[%get3A_4, %get3A_5, %get3A_6] : memref<2x10112x128xf32, #tpu.memory_space<vmem>>, vector<1x10000x128xf32>
    %get3A_8 = vector.shape_cast %get3A_7 : vector<1x10000x128xf32> to vector<10000x128xf32>
    %add3A = arith.addf %get3A_3, %get3A_8 : vector<10000x128xf32>
    %add3A_9 = arith.constant 1.000000e+00 : f32
    %add3A_10 = vector.broadcast %add3A_9 : f32 to vector<10000x128xf32>
    %add3A_11 = arith.addf %add3A, %add3A_10 : vector<10000x128xf32>
    %rsqrt3A = math.rsqrt %add3A_11 : vector<10000x128xf32>
    %slice3A = vector.extract_strided_slice %rsqrt3A {offsets = [0, 0], sizes = [10000, 1], strides = [1, 1]} : vector<10000x128xf32> to vector<10000x1xf32>
    %get3A_12 = arith.constant 0 : index
    %get3A_13 = arith.constant 0 : index
    %get3A_14 = arith.constant 0 : index
    %get3A_15 = vector.load %arg0[%get3A_12, %get3A_13, %get3A_14] : memref<2x10112x128xf32, #tpu.memory_space<vmem>>, vector<1x10000x128xf32>
    %get3A_16 = vector.shape_cast %get3A_15 : vector<1x10000x128xf32> to vector<10000x128xf32>
    %get3A_17 = arith.constant 1 : index
    %get3A_18 = arith.constant 0 : index
    %get3A_19 = arith.constant 0 : index
    %get3A_20 = vector.load %arg0[%get3A_17, %get3A_18, %get3A_19] : memref<2x10112x128xf32, #tpu.memory_space<vmem>>, vector<1x10000x128xf32>
    %get3A_21 = vector.shape_cast %get3A_20 : vector<1x10000x128xf32> to vector<10000x128xf32>
    %add3A_22 = arith.addf %get3A_16, %get3A_21 : vector<10000x128xf32>
    %get3A_23 = arith.constant 0 : index
    %get3A_24 = arith.constant 0 : index
    %get3A_25 = vector.load %arg1[%get3A_23, %get3A_24] : memref<10000x128xf32, #tpu.memory_space<vmem>>, vector<10000x128xf32>
    %add3A_26 = arith.addf %add3A_22, %get3A_25 : vector<10000x128xf32>
    %mul3A = vector.broadcast %slice3A : vector<10000x1xf32> to vector<10000x128xf32>
    %mul3A_27 = arith.mulf %mul3A, %add3A_26 : vector<10000x128xf32>
    %get3A_28 = arith.constant 0 : index
    %get3A_29 = arith.constant 0 : index
    %get3A_30 = vector.load %arg3[%get3A_28, %get3A_29] : memref<1x128xf32, #tpu.memory_space<vmem>>, vector<1x128xf32>
    %add3A_31 = vector.broadcast %get3A_30 : vector<1x128xf32> to vector<10000x128xf32>
    %add3A_32 = arith.addf %mul3A_27, %add3A_31 : vector<10000x128xf32>
    %max3A = arith.constant 0.000000e+00 : f32
    %max3A_33 = vector.broadcast %max3A : f32 to vector<10000x128xf32>
    %max3A_34 = arith.maximumf %add3A_32, %max3A_33 : vector<10000x128xf32>
    %get3A_35 = arith.constant 0 : index
    %get3A_36 = arith.constant 0 : index
    %get3A_37 = vector.load %arg4[%get3A_35, %get3A_36] : memref<128x128xf32, #tpu.memory_space<vmem>>, vector<128x128xf32>
    %dot_general3A = arith.constant dense<0.000000e+00> : vector<10000x128xf32>
    %dot_general3A_38 = tpu.matmul %max3A_34, %get3A_37, %dot_general3A {dimension_numbers = #tpu.dot_dimension_numbers<[1], [0], [0], [1], [0, 0, 1, 1], [], []>, transpose_lhs_hint = false} : vector<10000x128xf32>, vector<128x128xf32>, vector<10000x128xf32> -> vector<10000x128xf32>
    %mul3A_39 = vector.broadcast %slice3A : vector<10000x1xf32> to vector<10000x128xf32>
    %mul3A_40 = arith.mulf %dot_general3A_38, %mul3A_39 : vector<10000x128xf32>
    %swap3A = arith.constant 0 : index
    %swap3A_41 = arith.constant 0 : index
    %swap3A_42 = vector.load %arg5[%swap3A, %swap3A_41] : memref<10000x128xf32, #tpu.memory_space<vmem>>, vector<10000x128xf32>
    tpu.vector_store %arg5[%swap3A, %swap3A_41], %mul3A_40 {strides = array<i32>} : memref<10000x128xf32, #tpu.memory_space<vmem>>, vector<10000x128xf32>,
    return
  }
}

module attributes {stable_mosaic.version = 14 : i64} {
  func.func @body(%arg0: memref<2x10112x128xf32, #tpu.memory_space<vmem>>, %arg1: memref<10000x128xf32, #tpu.memory_space<vmem>>, %arg2: memref<2x10112x128xf32, #tpu.memory_space<vmem>>, %arg3: memref<1x128xf32, #tpu.memory_space<vmem>>, %arg4: memref<10000x128xf32, #tpu.memory_space<vmem>>) attributes {dimension_semantics = [], scalar_prefetch = 0 : i64, scratch_operands = 0 : i64, tpu.core_type = #tpu.core_type<tc>} {
    %get3A = arith.constant 0 : index
    %get3A_0 = arith.constant 0 : index
    %get3A_1 = arith.constant 0 : index
    %get3A_2 = vector.load %arg2[%get3A, %get3A_0, %get3A_1] : memref<2x10112x128xf32, #tpu.memory_space<vmem>>, vector<1x10000x128xf32>
    %get3A_3 = vector.shape_cast %get3A_2 : vector<1x10000x128xf32> to vector<10000x128xf32>
    %get3A_4 = arith.constant 1 : index
    %get3A_5 = arith.constant 0 : index
    %get3A_6 = arith.constant 0 : index
    %get3A_7 = vector.load %arg2[%get3A_4, %get3A_5, %get3A_6] : memref<2x10112x128xf32, #tpu.memory_space<vmem>>, vector<1x10000x128xf32>
    %get3A_8 = vector.shape_cast %get3A_7 : vector<1x10000x128xf32> to vector<10000x128xf32>
    %add3A = arith.addf %get3A_3, %get3A_8 : vector<10000x128xf32>
    %add3A_9 = arith.constant 1.000000e+00 : f32
    %add3A_10 = vector.broadcast %add3A_9 : f32 to vector<10000x128xf32>
    %add3A_11 = arith.addf %add3A, %add3A_10 : vector<10000x128xf32>
    %rsqrt3A = math.rsqrt %add3A_11 : vector<10000x128xf32>
    %slice3A = vector.extract_strided_slice %rsqrt3A {offsets = [0, 0], sizes = [10000, 1], strides = [1, 1]} : vector<10000x128xf32> to vector<10000x1xf32>
    %get3A_12 = arith.constant 0 : index
    %get3A_13 = arith.constant 0 : index
    %get3A_14 = arith.constant 0 : index
    %get3A_15 = vector.load %arg0[%get3A_12, %get3A_13, %get3A_14] : memref<2x10112x128xf32, #tpu.memory_space<vmem>>, vector<1x10000x128xf32>
    %get3A_16 = vector.shape_cast %get3A_15 : vector<1x10000x128xf32> to vector<10000x128xf32>
    %get3A_17 = arith.constant 1 : index
    %get3A_18 = arith.constant 0 : index
    %get3A_19 = arith.constant 0 : index
    %get3A_20 = vector.load %arg0[%get3A_17, %get3A_18, %get3A_19] : memref<2x10112x128xf32, #tpu.memory_space<vmem>>, vector<1x10000x128xf32>
    %get3A_21 = vector.shape_cast %get3A_20 : vector<1x10000x128xf32> to vector<10000x128xf32>
    %add3A_22 = arith.addf %get3A_16, %get3A_21 : vector<10000x128xf32>
    %get3A_23 = arith.constant 0 : index
    %get3A_24 = arith.constant 0 : index
    %get3A_25 = vector.load %arg1[%get3A_23, %get3A_24] : memref<10000x128xf32, #tpu.memory_space<vmem>>, vector<10000x128xf32>
    %add3A_26 = arith.addf %add3A_22, %get3A_25 : vector<10000x128xf32>
    %mul3A = vector.broadcast %slice3A : vector<10000x1xf32> to vector<10000x128xf32>
    %mul3A_27 = arith.mulf %mul3A, %add3A_26 : vector<10000x128xf32>
    %get3A_28 = arith.constant 0 : index
    %get3A_29 = arith.constant 0 : index
    %get3A_30 = vector.load %arg3[%get3A_28, %get3A_29] : memref<1x128xf32, #tpu.memory_space<vmem>>, vector<1x128xf32>
    %add3A_31 = vector.broadcast %get3A_30 : vector<1x128xf32> to vector<10000x128xf32>
    %add3A_32 = arith.addf %mul3A_27, %add3A_31 : vector<10000x128xf32>
    %max3A = arith.constant 0.000000e+00 : f32
    %max3A_33 = vector.broadcast %max3A : f32 to vector<10000x128xf32>
    %max3A_34 = arith.maximumf %add3A_32, %max3A_33 : vector<10000x128xf32>
    %swap3A = arith.constant 0 : index
    %swap3A_35 = arith.constant 0 : index
    %swap3A_36 = vector.load %arg4[%swap3A, %swap3A_35] : memref<10000x128xf32, #tpu.memory_space<vmem>>, vector<10000x128xf32>
    tpu.vector_store %arg4[%swap3A, %swap3A_35], %max3A_34 {strides = array<i32>} : memref<10000x128xf32, #tpu.memory_space<vmem>>, vector<10000x128xf32>,
    return
  }
}

</mosaic_0001>

<sc_bundles>
// kernel: kernel.12.cloned.1.call-start
scs
__scs_entry_jumppad:
0x0: {  	(pc) =	sbr.rel $0x88, $3  }
0x1: {  	(tag) =	ssettag $0x0;
	lr =	simm.s32 $0x1  }
0x2: {  	[smem:$0x3F9B] =	sst lr;
	_ =	strace $0xD0000000  }
0x3: {  	_ = 	snop  }
0x4: {  	_ = 	snop  }
0x5: {  	_ = 	snop  }
0x6: {  	_ = 	snop  }
0x7: {  	_ = 	snop  }
__scs_overlays_trampoline_lowered:
0x8: {  	[smem:$0x3FAA] =	sst s0  }
0x9: {  	[smem:$0x3FAB] =	sst s1  }
0xa: {  	[smem:$0x3FAC] =	sst s2  }
0xb: {  	[smem:$0x3FAD] =	sst s3  }
0xc: {  	[smem:$0x3FAE] =	sst s4  }
0xd: {  	[smem:$0x3FAF] =	sst s5  }
0xe: {  	[smem:$0x3FB0] =	sst s6  }
0xf: {  	[smem:$0x3FB1] =	sst s7  }
0x10: {  	[smem:$0x3FB2] =	sst s8  }
0x11: {  	[smem:$0x3FB3] =	sst s9;
	s0 =	simm.s32 @!p0 $0x0  }
0x12: {  	s1 =	sld [smem:$0x3F99];
	s0 =	simm.s32 @p0 $0x1  }
0x13: {  	[smem:$0x3FB4] =	sst s0;
	s0 =	simm.s32 @!p1 $0x0  }
0x14: {  	s2 =	sld [smem:$0x3F98];
	s0 =	simm.s32 @p1 $0x1  }
0x15: {  	[smem:$0x3FB5] =	sst s0;
	s0 =	simm.s32 @!p2 $0x0  }
0x16: {  	s3 =	sld [smem:$0x3FDB];
	s0 =	simm.s32 @p2 $0x1  }
0x17: {  	s4 =	simm.s32 $0x1BF5;
	[smem:$0x3FB7] =	sst s0  }
0x18: {  	s0 =	sld [smem:$0x3F9A];
	_ =	swait.ge [sflag:s4], $0x0  }
0x19: {  	s7 =	sld [smem:$0x3F9B]  }
0x1a: {  	s8 =	sadd.s32 $0xFFFFE003, lr  }
0x1b: {  	s9 =	sadd.s32 $0xFFFFFEF7, lr;
	s5 =	simm.s32 $0xFFFFFFFF;
	p2 =	slt.u32 s8, $0xFFFFF086  }
0x1c: {  	p1 =	slt.u32 s9, $0xF7A;
	s5 =	simm.s32 @!p2 $0x0  }
0x1d: {  	s5 =	simm.s32 @p1 $0x1;
	p0 =	seq.s32 s7, s2  }
0x1e: {  	s7 =	smul.u32 @!p0 $0xF7A, s2;
	p2 =	seq.s32 @!p0 s5, $0x0  }
0x1f: {  	s9 =	smul.u32 $0xF7A, s1;
	s8 =	simm.s32 @!p0 $0x1BF5;
	p2 =	por !p2, p0  }
0x20: {  	[sflag:s8] =	ssyncset.s32 @!p0 $0xFFFFF086;
	s6 =	sadd.s32 @!p0 s3, s7;
	s7 =	simm.s32 @!p0 $0x108  }
0x21: {  	s3 =	sadd.s32 s3, s9;
	s6 =	sadd.s32 @!p0 $0x88, s6;
	s7 =	simm.s32 @p2 $0x1082  }
0x22: {  	[simem:s7], [sflag:s8] =	dma.local @!p0 [hbm:s6], $0xF7A  }
0x23: {  	s9 =	sor.u32 $0xD0000000, s2;
	s6 =	simm.s32 $0x108;
	_ =	swait.ge @!p0 [sflag:s8], $0x0  }
0x24: {  	s3 =	sadd.s32 $0x88, s3;
	s6 =	simm.s32 @!p1 $0x1082;
	[sflag:s4] =	ssyncset.s32 $0xFFFFF086  }
0x25: {  	[simem:s6], [sflag:s4] =	dma.local [hbm:s3], $0xF7A  }
0x26: {  	[smem:$0x3F9B] =	sst s1;
	(tag) =	ssettag s2;
	_ =	strace s9  }
0x27: {  	s1 =	sld [smem:$0x3FAB]  }
0x28: {  	s2 =	sld [smem:$0x3FAC]  }
0x29: {  	s4 =	sld [smem:$0x3FAE]  }
0x2a: {  	p0 =	seq.s32 s5, $0x0;
	s5 =	sld [smem:$0x3FAF]  }
0x2b: {  	s6 =	sld [smem:$0x3FB0]  }
0x2c: {  	s7 =	sld [smem:$0x3FB1]  }
0x2d: {  	s3 =	simm.s32 $0x108;
	s8 =	sld [smem:$0x3FB2]  }
0x2e: {  	s3 =	simm.s32 @!p0 $0x1082;
	s9 =	sld [smem:$0x3FB3]  }
0x2f: {  	lr =	sadd.s32 s0, s3;
	s0 =	sld [smem:$0x3FAA]  }
0x30: {  	s3 =	sld [smem:$0x3FAD]  }
0x31: {  	[smem:$0x3FB6] =	sst s10  }
0x32: {  	s10 =	sld [smem:$0x3FB4];
	_ =	sdelay $0x3  }
0x33: {  	p0 =	seq.s32 s10, $0x1;
	s10 =	sld [smem:$0x3FB6];
	_ =	sdelay $0x3  }
0x34: {  	[smem:$0x3FB6] =	sst s10  }
0x35: {  	s10 =	sld [smem:$0x3FB5];
	_ =	sdelay $0x3  }
0x36: {  	p1 =	seq.s32 s10, $0x1;
	s10 =	sld [smem:$0x3FB6];
	_ =	sdelay $0x3  }
0x37: {  	[smem:$0x3FB6] =	sst s10  }
0x38: {  	s10 =	sld [smem:$0x3FB7]  }
0x39: {  	_ = 	snop;
	(pc) =	sbr.ind lr, $3  }
0x3a: {  	_ = 	snop  }
0x3b: {  	_ = 	snop  }
0x3c: {  	p2 =	seq.s32 s10, $0x1;
	s10 =	sld [smem:$0x3FB6]  }
0x3d: {  	_ =	shalt  }
0x3e: {  	_ =	shalt  }
0x3f: {  	_ =	shalt  }
0x40: {  	_ =	shalt  }
0x41: {  	_ =	shalt  }
0x42: {  	_ =	shalt  }
0x43: {  	_ =	shalt  }
0x44: {  	_ =	shalt  }
0x45: {  	_ =	shalt  }
0x46: {  	_ =	shalt  }
0x47: {  	_ =	shalt  }
0x48: {  	_ =	shalt  }
0x49: {  	_ =	shalt  }
0x4a: {  	_ =	shalt  }
0x4b: {  	_ =	shalt  }
0x4c: {  	_ =	shalt  }
0x4d: {  	_ =	shalt  }
0x4e: {  	_ =	shalt  }
0x4f: {  	_ =	shalt  }
0x50: {  	_ =	shalt  }
0x51: {  	_ =	shalt  }
0x52: {  	_ =	shalt  }
0x53: {  	_ =	shalt  }
0x54: {  	_ =	shalt  }
0x55: {  	_ =	shalt  }
0x56: {  	_ =	shalt  }
0x57: {  	_ =	shalt  }
0x58: {  	_ =	shalt  }
0x59: {  	_ =	shalt  }
0x5a: {  	_ =	shalt  }
0x5b: {  	_ =	shalt  }
0x5c: {  	_ =	shalt  }
0x5d: {  	_ =	shalt  }
0x5e: {  	_ =	shalt  }
0x5f: {  	_ =	shalt  }
0x60: {  	_ =	shalt  }
0x61: {  	_ =	shalt  }
0x62: {  	_ =	shalt  }
0x63: {  	_ =	shalt  }
0x64: {  	_ =	shalt  }
0x65: {  	_ =	shalt  }
0x66: {  	_ =	shalt  }
0x67: {  	_ =	shalt  }
0x68: {  	_ =	shalt  }
0x69: {  	_ =	shalt  }
0x6a: {  	_ =	shalt  }
0x6b: {  	_ =	shalt  }
0x6c: {  	_ =	shalt  }
0x6d: {  	_ =	shalt  }
0x6e: {  	_ =	shalt  }
0x6f: {  	_ =	shalt  }
0x70: {  	_ =	shalt  }
0x71: {  	_ =	shalt  }
0x72: {  	_ =	shalt  }
0x73: {  	_ =	shalt  }
0x74: {  	_ =	shalt  }
0x75: {  	_ =	shalt  }
0x76: {  	_ =	shalt  }
0x77: {  	_ =	shalt  }
0x78: {  	_ =	shalt  }
0x79: {  	_ =	shalt  }
0x7a: {  	_ =	shalt  }
0x7b: {  	_ =	shalt  }
0x7c: {  	_ =	shalt  }
0x7d: {  	_ =	shalt  }
0x7e: {  	_ =	shalt  }
0x7f: {  	_ =	shalt  }
0x80: {  	_ =	shalt  }
0x81: {  	_ =	shalt  }
0x82: {  	_ =	shalt  }
0x83: {  	_ =	shalt  }
0x84: {  	_ =	shalt  }
0x85: {  	_ =	shalt  }
0x86: {  	_ =	shalt  }
0x87: {  	_ =	shalt  }
.Lfunc_end0:
.L_simem_size_0:
called_computation.1_lowered:
.L_overlay_start_0:
0x88: {  	s2 =	sld [smem:$0x3FD9]  }
0x89: {  	s3 =	sld [smem:$0x3FFE];
	_ =	sdelay $0x1  }
0x8a: {  	s1 =	srdreg.scid  }
0x8b: {  	s0 =	sand.u32 $0x1, s1  }
0x8c: {  	s17 =	sshll.u32 s0, $0xA;
	s2 =	sadd.s32 s3, s2  }
0x8d: {  	s2 =	sadd.s32 s2, s17  }
0x8e: {  	[smem:$0x3FC2] =	sst s2  }
0x8f: {  	_ = 	snop  }
0x90: {  	s2 =	sld [smem:$0x3FD0];
	(tm) =	ssettm $0x1  }
0x91: {  	s18 =	sld [smem:$0x3FFB];
	_ =	sdelay $0x3  }
0x92: {  	_ =	strace s18  }
0x93: {  	s3 =	sld [smem:$0x3FFC];
	_ =	sdelay $0x3  }
0x94: {  	_ =	strace s3  }
0x95: {  	s3 =	sld [smem:$0x3FFD];
	_ =	sdelay $0x3  }
0x96: {  	_ =	strace s3  }
0x97: {  	_ =	strace $0x8FFFFFFF  }
0x98: {  	s19 =	sld [smem:$0x3FDB];
	_ =	sdelay $0x1  }
0x99: {  	s4 =	simm.s32 $_scs_section_size  }
0x9a: {  	s5 =	simm.s32 $_size__tile_overlayer_lowered;
	s6 =	simm.s32 $_tile_overlayer_lowered  }
0x9b: {  	s22 =	simm.s32 $0x1BFF;
	s21 =	sshll.u32 s6, $0x1;
	s3 =	sadd.s32 s4, s19  }
0x9c: {  	s7 =	simm.s32 $0x0;
	s20 =	sshll.u32 s5, $0x1;
	s5 =	sadd.s32 s21, s3  }
0x9d: {  	[timem:s7], [sflag:s22] =	dma.local [hbm:s5], s20  }
0x9e: {  	_ =	swait.ge [sflag:s22], s20  }
0x9f: {  	s4 =	ssub.s32 $0x0, s20;
	[sflag:s22] =	ssyncset.done $0x0  }
0xa0: {  	[sflag:s22] =	ssyncadd.s32 s4;
	_ =	sdelay $0x1  }
0xa1: {  	s23 =	simm.s32 $0x1B8B  }
0xa2: {  	_ =	swait.ge [sflag:s23], $0x1  }
0xa3: {  	[sflag:s23] =	ssyncset.done $0x0  }
0xa4: {  	s25 =	simm.s32 $0x1B8E;
	s24 =	sld [smem:$0x3FFE];
	[sflag:s23] =	ssyncadd.s32 $0xFFFFFFFF  }
0xa5: {  	s26 =	simm.s32 $execute0_lowered;
	[smem:$0x3FD2] =	sst s25  }
0xa6: {  	s5 =	sshll.u32 s26, $0x1;
	_ =	strace $0x80000049;
	[dreg:$0x1] =	wrdreg $0xFFFFFFFF  }
0xa7: {  	s28 =	simm.s32 $_size_execute0_lowered;
	s3 =	sadd.s32 s3, s5;
	[dreg:$0x0] =	wrdreg $0x0  }
0xa8: {  	s5 =	sshll.u32 s28, $0x1;
	[dreg:$0x2] =	wrdreg s3  }
0xa9: {  	[dreg:$0x3] =	wrdreg s5  }
0xaa: {  	[dreg:$0x4] =	wrdreg $0xC0  }
0xab: {  	_ =	task [dreg:s7], $0x5FFFF  }
0xac: {  	[dreg:$0x1] =	wrdreg $0xFFFFFFFF  }
0xad: {  	[dreg:$0x0] =	wrdreg $0x60  }
0xae: {  	[dreg:$0x2] =	wrdreg s2  }
0xaf: {  	[dreg:$0x3] =	wrdreg s24  }
0xb0: {  	[dreg:$0x4] =	wrdreg $0x8C000  }
0xb1: {  	[dreg:$0x5] =	wrdreg $0x9  }
0xb2: {  	_ =	task.clear_ibuf [dreg:s7], $0x6FFFF;
	_ =	strace $0x90000049  }
0xb3: {  	s29 =	simm.s32 $0x9;
	_ =	strace $0x8000004B  }
0xb4: {  	_ =	swait.ge [sflag:s29], $0x1  }
0xb5: {  	[sflag:s29] =	ssyncadd.s32 $0xFFFFFFFF  }
0xb6: {  	_ =	strace $0x9000004B  }
0xb7: {  	_ =	sfence  }
0xb8: {  	s30 =	sld [smem:$0x0];
	_ =	sdelay $0x2  }
0xb9: {  	s31 =	sshll.u32 s1, $0xD;
	s1 =	sshrl.u32 s1, $0x2  }
0xba: {  	s3 =	sand.u32 $0x4000, s31;
	s1 =	sadd.s32 s1, s30  }
0xbb: {  	s0 =	sor.u32 s3, s0;
	s1 =	sshll.u32 s1, $0x11  }
0xbc: {  	s0 =	sor.u32 s1, s0  }
0xbd: {  	s0 =	sadd.s32 $0x8F2B, s0  }
0xbe: {  	[sflag:s0] =	ssyncadd.remote.s32 $0x1  }
0xbf: {  	_ =	sfence.sel $0xFFFF  }
0xc0: {  	[dreg:$0x0] =	wrdreg $0xFFFFFFFF;
	(pc) =	sbr.abs _section_cstart, $3  }
0xc1: {  	[dreg:$0x1] =	wrdreg $0xFFFFFFFF  }
0xc2: {  	_ =	task.clear_ibuf [dreg:s7], $0x2FFFF;
	_ =	strace $0x9FFFFFFF  }
0xc3: {  	(tm) =	ssettm $0x7FFFFFFF  }
tec
execute0_lowered:
.L_overlay_start_1:
0x0: {  	(tag) =	ssettag $0x1  }
0x1: {  	s1 =	rddreg [dreg:$0x0]  }
0x2: {  	s0 =	rddreg [dreg:$0x1]  }
0x3: {  	s2 =	rddreg [dreg:$0x2]  }
0x4: {  	s3 =	srdreg.scid;
	s26 =	simm.s32 $0x0;
	s10 =	stileid.u32  }
0x5: {  	s31 =	simm.s32 $0x300;
	s28 =	simm.s32 $0x11;
	s29 =	simm.s32 $0x10  }
0x6: {  	s30 =	simm.s32 $0x800;
	s3 =	sand.u32 $0x1, s3;
	s5 =	smul.u32 $0x13C00, s10  }
0x7: {  	[smem:$0x7FF] =	sst s26;
	s6 =	sadd.s32 $0x2400, s0;
	s24 =	smul.u32 $0x4F000, s10  }
0x8: {  	s4 =	smul.u32 $0x13C000, s3;
	_ =	strace $0x8000004A;
	s7 =	sshll.u32 s3, $0x4  }
0x9: {  	s8 =	ssub.s32 $0x2, s3;
	s3 =	smul.u32 $0xA0000, s3;
	s23 =	sor.u32 s10, s7  }
0xa: {  	s25 =	sshrl.u32 s8, $0x1;
	s7 =	sshrl.u32 s24, $0x2;
	s10 =	smul.u32 $0xA000, s10  }
0xb: {  	s4 =	sadd.s32 s5, s4;
	s5 =	smul.u32 $0xA000, s23;
	s18 =	sadd.s32 s7, s2  }
0xc: {  	s4 =	sshrl.u32 s4, $0x3;
	s3 =	sadd.s32 s10, s3;
	[dreg:$0x13] =	wrdreg s18  }
0xd: {  	s0 =	sadd.s32 s4, s0;
	s9 =	sshrl.u32 s5, $0x3;
	s4 =	ssub.s32 s8, s25  }
0xe: {  	s14 =	sor.u32 $0xE00, s3;
	s16 =	sor.u32 $0xD00, s3;
	s19 =	sor.u32 $0xC00, s3  }
0xf: {  	s21 =	sor.u32 $0xB00, s3;
	s22 =	sor.u32 $0xA00, s3;
	s5 =	sadd.s32 s6, s9  }
0x10: {  	s7 =	sshrl.u32 s14, $0x3;
	s0 =	sadd.s32 $0x79400, s0;
	[dreg:$0x14] =	wrdreg s5  }
0x11: {  	s8 =	sshrl.u32 s16, $0x3;
	s14 =	simm.s32 $0x180;
	[dreg:$0x1b] =	wrdreg s0  }
0x12: {  	s20 =	sshrl.u32 s19, $0x3;
	s16 =	simm.s32 $0x380;
	[dreg:$0xd] =	wrdreg s14  }
0x13: {  	s24 =	sshrl.u32 s22, $0x3;
	s22 =	simm.s32 $0x680;
	[dreg:$0xf] =	wrdreg s16  }
0x14: {  	s19 =	simm.s32 $0x400;
	s9 =	sadd.s32 $0x20, s5;
	[dreg:$0x11] =	wrdreg s22  }
0x15: {  	s11 =	sadd.s32 $0x40, s5;
	s12 =	sadd.s32 $0x60, s5;
	[dreg:$0x15] =	wrdreg s9  }
0x16: {  	s13 =	sadd.s32 $0x80, s5;
	s15 =	sadd.s32 $0xA0, s5;
	[dreg:$0x16] =	wrdreg s11  }
0x17: {  	s5 =	sadd.s32 $0xC0, s5;
	s7 =	sadd.s32 s7, s6;
	[dreg:$0x17] =	wrdreg s12  }
0x18: {  	s17 =	sadd.s32 s8, s6;
	s8 =	sshrl.u32 s21, $0x3;
	[dreg:$0x18] =	wrdreg s13  }
0x19: {  	s25 =	sadd.s32 s24, s6;
	s21 =	simm.s32 $0x600;
	[dreg:$0x19] =	wrdreg s15  }
0x1a: {  	s24 =	simm.s32 $0x780;
	s0 =	simm.s32 $0x4800;
	[dreg:$0x1a] =	wrdreg s5  }
0x1b: {  	s16 =	simm.s32 $0x3;
	s14 =	simm.s32 $0x4;
	[dreg:$0x4] =	wrdreg s7  }
0x1c: {  	s22 =	simm.s32 $0x8;
	[dreg:$0x5] =	wrdreg s17;
	s7 =	sadd.s32 s20, s6  }
0x1d: {  	s23 =	sadd.s32 s8, s6;
	s5 =	sor.u32 $0x900, s3;
	[dreg:$0x8] =	wrdreg s25  }
0x1e: {  	s9 =	sor.u32 $0x800, s3;
	s3 =	sor.u32 $0x700, s3;
	[dreg:$0x12] =	wrdreg s24  }
0x1f: {  	s12 =	smax.u32 s4, $0x1;
	s13 =	simm.s32 $0x80;
	[dreg:$0x6] =	wrdreg s7  }
0x20: {  	s15 =	simm.s32 $0x280;
	s20 =	simm.s32 $0x500;
	[dreg:$0x7] =	wrdreg s23  }
0x21: {  	s17 =	simm.s32 $0x480;
	s25 =	simm.s32 $0x800;
	[dreg:$0x1c] =	wrdreg s12  }
0x22: {  	s24 =	simm.s32 $0x2800;
	s8 =	sshrl.u32 s5, $0x3;
	[dreg:$0xc] =	wrdreg s13  }
0x23: {  	s3 =	sshrl.u32 s3, $0x3;
	s5 =	simm.s32 $0x8800;
	[dreg:$0xe] =	wrdreg s15  }
0x24: {  	[dreg:$0x10] =	wrdreg s17;
	s23 =	simm.s32 $0x40;
	s17 =	simm.s32 $0x7  }
0x25: {  	s12 =	simm.s32 $0x6;
	s13 =	simm.s32 $0xE;
	s7 =	sadd.s32 s8, s6  }
0x26: {  	s8 =	sshrl.u32 s9, $0x3;
	s11 =	sadd.s32 s3, s6;
	[dreg:$0x9] =	wrdreg s7  }
0x27: {  	s3 =	simm.s32 $0x6800;
	s10 =	sadd.s32 s8, s6;
	[dreg:$0xb] =	wrdreg s11  }
0x28: {  	s7 =	simm.s32 $0x1;
	s8 =	simm.s32 $0x5;
	s6 =	simm.s32 $0x0  }
0x29: {  	v0 =	vimm.f32 $0.0e+00;
	s11 =	simm.s32 $0x2;
	[dreg:$0xa] =	wrdreg s10;
	s10 =	simm.s32 $0xD  }
.LBB2_1:
0x2a: {  	[tilespmem:$0x8800] =	vst v0  }
0x2b: {  	[tilespmem:$0x8810] =	vst v0  }
0x2c: {  	[tilespmem:$0x8820] =	vst v0  }
0x2d: {  	[tilespmem:$0x8830] =	vst v0  }
0x2e: {  	[tilespmem:$0x8840] =	vst v0  }
0x2f: {  	[tilespmem:$0x8850] =	vst v0  }
0x30: {  	[tilespmem:$0x8860] =	vst v0  }
0x31: {  	[tilespmem:$0x8870] =	vst v0  }
0x32: {  	[tilespmem:$0x8880] =	vst v0  }
0x33: {  	[tilespmem:$0x8890] =	vst v0  }
0x34: {  	[tilespmem:$0x88A0] =	vst v0  }
0x35: {  	[tilespmem:$0x88B0] =	vst v0  }
0x36: {  	[tilespmem:$0x88C0] =	vst v0  }
0x37: {  	[tilespmem:$0x88D0] =	vst v0  }
0x38: {  	[tilespmem:$0x88E0] =	vst v0  }
0x39: {  	[tilespmem:$0x88F0] =	vst v0  }
0x3a: {  	[tilespmem:$0x8900] =	vst v0  }
0x3b: {  	[tilespmem:$0x8910] =	vst v0  }
0x3c: {  	[tilespmem:$0x8920] =	vst v0  }
0x3d: {  	[tilespmem:$0x8930] =	vst v0  }
0x3e: {  	[tilespmem:$0x8940] =	vst v0  }
0x3f: {  	[tilespmem:$0x8950] =	vst v0  }
0x40: {  	[tilespmem:$0x8960] =	vst v0  }
0x41: {  	[tilespmem:$0x8970] =	vst v0  }
0x42: {  	[tilespmem:$0x8980] =	vst v0  }
0x43: {  	[tilespmem:$0x8990] =	vst v0  }
0x44: {  	[tilespmem:$0x89A0] =	vst v0  }
0x45: {  	[tilespmem:$0x89B0] =	vst v0  }
0x46: {  	[tilespmem:$0x89C0] =	vst v0  }
0x47: {  	[tilespmem:$0x89D0] =	vst v0  }
0x48: {  	[tilespmem:$0x89E0] =	vst v0  }
0x49: {  	[tilespmem:$0x89F0] =	vst v0  }
0x4a: {  	[tilespmem:$0x8A00] =	vst v0  }
0x4b: {  	[tilespmem:$0x8A10] =	vst v0  }
0x4c: {  	[tilespmem:$0x8A20] =	vst v0  }
0x4d: {  	[tilespmem:$0x8A30] =	vst v0  }
0x4e: {  	[tilespmem:$0x8A40] =	vst v0  }
0x4f: {  	[tilespmem:$0x8A50] =	vst v0  }
0x50: {  	[tilespmem:$0x8A60] =	vst v0  }
0x51: {  	[tilespmem:$0x8A70] =	vst v0  }
0x52: {  	[tilespmem:$0x8A80] =	vst v0  }
0x53: {  	[tilespmem:$0x8A90] =	vst v0  }
0x54: {  	[tilespmem:$0x8AA0] =	vst v0  }
0x55: {  	[tilespmem:$0x8AB0] =	vst v0  }
0x56: {  	[tilespmem:$0x8AC0] =	vst v0  }
0x57: {  	[tilespmem:$0x8AD0] =	vst v0  }
0x58: {  	[tilespmem:$0x8AE0] =	vst v0  }
0x59: {  	[tilespmem:$0x8AF0] =	vst v0  }
0x5a: {  	[tilespmem:$0x8B00] =	vst v0  }
0x5b: {  	[tilespmem:$0x8B10] =	vst v0  }
0x5c: {  	[tilespmem:$0x8B20] =	vst v0  }
0x5d: {  	[tilespmem:$0x8B30] =	vst v0  }
0x5e: {  	[tilespmem:$0x8B40] =	vst v0  }
0x5f: {  	[tilespmem:$0x8B50] =	vst v0  }
0x60: {  	[tilespmem:$0x8B60] =	vst v0  }
0x61: {  	[tilespmem:$0x8B70] =	vst v0  }
0x62: {  	[tilespmem:$0x8B80] =	vst v0  }
0x63: {  	[tilespmem:$0x8B90] =	vst v0  }
0x64: {  	[tilespmem:$0x8BA0] =	vst v0  }
0x65: {  	[tilespmem:$0x8BB0] =	vst v0  }
0x66: {  	[tilespmem:$0x8BC0] =	vst v0  }
0x67: {  	[tilespmem:$0x8BD0] =	vst v0  }
0x68: {  	[tilespmem:$0x8BE0] =	vst v0  }
0x69: {  	[tilespmem:$0x8BF0] =	vst v0;
	s4 =	simm.s32 $0x1000;
	s15 =	sadd.s32 $0x0, s18  }
.LBB2_2:
0x6a: {  	[spmem:s15] =	stream.linear.scatter [tilespmem:s5], [sflag:$0x11], $0x400, $0x38;
	[tilespmem:$0x1C800] =	vst v63  }
0x6b: {  	s15 =	smov.u32 s4;
	p0 =	sne.s32 s4, $0x4E000  }
.Ltmp0:
0x6c: {  	s4 =	sadd.s32 $0x1000, s4;
	(pc) =	sbr.rel @p0 .LBB2_2-.Ltmp0, $3  }
0x6d: {  	_ =	sdelay $0x1  }
0x6e: {  	s15 =	sshra.s32 s15, $0x2  }
0x6f: {  	s15 =	sadd.s32 s15, s18  }
0x70: {  	[dreg:$0x1d] =	wrdreg s6  }
0x71: {  	[spmem:s15] =	stream.linear.scatter [tilespmem:s5], [sflag:$0x11], $0x400, $0x38;
	[tilespmem:$0x1C800] =	vst v63  }
0x72: {  	s4 =	rddreg [dreg:$0x14]  }
0x73: {  	[tilespmem:s26], [sflag:$0x9] =	stream.linear.gather [hbm4b:s4+s26], $0x100, $0x38;
	[tilespmem:$0x1C800] =	vst v63  }
0x74: {  	s6 =	rddreg [dreg:$0x15];
	s5 =	simm.s32 $0x100  }
0x75: {  	[tilespmem:s5], [sflag:$0xA] =	stream.linear.gather [hbm4b:s6+s26], $0x100, $0x38;
	[tilespmem:$0x1C800] =	vst v63  }
0x76: {  	s9 =	rddreg [dreg:$0x16];
	s15 =	simm.s32 $0x200  }
0x77: {  	[tilespmem:s15], [sflag:$0xB] =	stream.linear.gather [hbm4b:s9+s26], $0x100, $0x38;
	[tilespmem:$0x1C800] =	vst v63  }
0x78: {  	s18 =	rddreg [dreg:$0x17]  }
0x79: {  	[tilespmem:s31], [sflag:$0xC] =	stream.linear.gather [hbm4b:s18+s26], $0x100, $0x38;
	[tilespmem:$0x1C800] =	vst v63  }
0x7a: {  	s6 =	rddreg [dreg:$0x18]  }
0x7b: {  	[tilespmem:s19], [sflag:$0xD] =	stream.linear.gather [hbm4b:s6+s26], $0x100, $0x38;
	[tilespmem:$0x1C800] =	vst v63  }
0x7c: {  	s9 =	rddreg [dreg:$0x19]  }
0x7d: {  	[tilespmem:s20], [sflag:$0xE] =	stream.linear.gather [hbm4b:s9+s26], $0x100, $0x38;
	[tilespmem:$0x1C800] =	vst v63  }
0x7e: {  	s18 =	rddreg [dreg:$0x1a];
	s6 =	simm.s32 $0x9  }
0x7f: {  	[tilespmem:s21], [sflag:$0xF] =	stream.linear.gather [hbm4b:s18+s26], $0x100, $0x38;
	[tilespmem:$0x1C800] =	vst v63  }
0x80: {  	_ =	swait.ge [sflag:s6], $0x100  }
0x81: {  	[sflag:s6] =	ssyncset.done $0x0  }
0x82: {  	s9 =	simm.s32 $0xA;
	[sflag:s6] =	ssyncadd.s32 $0xFFFFFF00  }
0x83: {  	[tilespmem:s25], [sflag:$0x1] =	stream.indirect.gather [hbm4b:s1+s23], $0x80, s26, s23, $0xb8;
	[tilespmem:$0x1C800] =	vst v63  }
0x84: {  	_ =	swait.ge [sflag:s9], $0x100  }
0x85: {  	[sflag:s9] =	ssyncset.done $0x0  }
0x86: {  	s18 =	simm.s32 $0xB;
	[sflag:s9] =	ssyncadd.s32 $0xFFFFFF00  }
0x87: {  	[tilespmem:s24], [sflag:$0x2] =	stream.indirect.gather [hbm4b:s1+s23], $0x80, s5, s23, $0xb8;
	[tilespmem:$0x1C800] =	vst v63  }
0x88: {  	_ =	swait.ge [sflag:s18], $0x100  }
0x89: {  	[sflag:s18] =	ssyncset.done $0x0  }
0x8a: {  	[sflag:s18] =	ssyncadd.s32 $0xFFFFFF00  }
0x8b: {  	[tilespmem:s0], [sflag:$0x3] =	stream.indirect.gather [hbm4b:s1+s23], $0x80, s15, s23, $0xb8;
	[tilespmem:$0x1C800] =	vst v63  }
0x8c: {  	s4 =	simm.s32 $0x4E;
	_ =	swait.ge [sflag:s28], $0x400  }
0x8d: {  	s9 =	simm.s32 $0xC;
	s5 =	simm.s32 $0x700;
	[sflag:s28] =	ssyncset.done $0x0  }
.LBB2_4:
0x8e: {  	p0 =	sne.s32 s4, $0x1;
	s4 =	sadd.s32 $0xFFFFFFFF, s4;
	[sflag:s28] =	ssyncadd.s32 $0xFFFFFC00  }
.Ltmp1:
0x8f: {  	(pc) =	sbr.rel @p0 .LBB2_4-.Ltmp1, $3  }
0x90: {  	_ =	sdelay $0x1  }
0x91: {  	_ =	swait.ge [sflag:s28], $0x400  }
0x92: {  	[sflag:s28] =	ssyncset.done $0x0  }
0x93: {  	p0 =	por $0x1, $0x1  }
0x94: {  	[sflag:s28] =	ssyncadd.s32 $0xFFFFFC00;
	p0 =	por p0, p0  }
0x95: {  	[bflag:$0x0] =	sbarrier.arrive $0xFFFF;
	s4 =	simm.s32 @!p0 $0x8  }
0x96: {  	_ =	swait.ge @!p0 [sflag:s4], $0x2000  }
0x97: {  	s15 =	rddreg [dreg:$0xb];
	[sflag:s4] =	ssyncset.done @!p0 $0x0  }
0x98: {  	[sflag:s4] =	ssyncadd.s32 @!p0 $0xFFFFE000;
	s15 =	sadd.s32 $0x0, s15  }
0x99: {  	[tilespmem:s5], [sflag:$0x10] =	stream.linear.gather [hbm4b:s15+s26], $0x100, $0x38;
	[tilespmem:$0x1C800] =	vst v63  }
0x9a: {  	_ =	swait.ge [sflag:s9], $0x100  }
0x9b: {  	[sflag:s9] =	ssyncset.done $0x0  }
0x9c: {  	[sflag:s9] =	ssyncadd.s32 $0xFFFFFF00  }
0x9d: {  	[tilespmem:s3], [sflag:$0x4] =	stream.indirect.gather [hbm4b:s1+s23], $0x80, s31, s23, $0xb8;
	[tilespmem:$0x1C800] =	vst v63  }
0x9e: {  	_ =	swait.ge [sflag:s7], $0x2000  }
0x9f: {  	[sflag:s7] =	ssyncset.done $0x0  }
0xa0: {  	s18 =	rddreg [dreg:$0xc];
	[sflag:s7] =	ssyncadd.s32 $0xFFFFE000  }
0xa1: {  	[spmem:s2] =	stream.indirect.scatter.add.f32 [tilespmem:s25], [sflag:$0x5], $0x80, s18, s23, $0xb8;
	[tilespmem:$0x1C800] =	vst v63  }
0xa2: {  	_ =	swait.ge [sflag:s8], $0x2000  }
0xa3: {  	p0 =	por $0x0, $0x0;
	s4 =	rddreg [dreg:$0xa];
	[sflag:s8] =	ssyncset.done $0x0  }
0xa4: {  	[sflag:s8] =	ssyncadd.s32 $0xFFFFE000;
	s15 =	sadd.s32 @!p0 $0x0, s4;
	s4 =	simm.s32 @!p0 $0x0  }
0xa5: {  	[tilespmem:s4], [sflag:$0x9] =	stream.linear.gather @!p0 [hbm4b:s15+s4], $0x100, $0x38;
	[tilespmem:$0x1C800] =	vst v63  }
0xa6: {  	_ =	swait.ge [sflag:s10], $0x100  }
0xa7: {  	[sflag:s10] =	ssyncset.done $0x0  }
0xa8: {  	[sflag:s10] =	ssyncadd.s32 $0xFFFFFF00  }
0xa9: {  	[tilespmem:s25], [sflag:$0x1] =	stream.indirect.gather [hbm4b:s1+s23], $0x80, s19, s23, $0xb8;
	[tilespmem:$0x1C800] =	vst v63  }
0xaa: {  	_ =	swait.ge [sflag:s11], $0x2000  }
0xab: {  	[sflag:s11] =	ssyncset.done $0x0  }
0xac: {  	s19 =	rddreg [dreg:$0xd];
	[sflag:s11] =	ssyncadd.s32 $0xFFFFE000  }
0xad: {  	[spmem:s2] =	stream.indirect.scatter.add.f32 [tilespmem:s24], [sflag:$0x6], $0x80, s19, s23, $0xb8;
	[tilespmem:$0x1C800] =	vst v63  }
0xae: {  	_ =	swait.ge [sflag:s12], $0x2000  }
0xaf: {  	s15 =	rddreg [dreg:$0x9];
	[sflag:s12] =	ssyncset.done $0x0  }
0xb0: {  	s18 =	simm.s32 @!p0 $0x100;
	[sflag:s12] =	ssyncadd.s32 $0xFFFFE000;
	s15 =	sadd.s32 @!p0 $0x0, s15  }
0xb1: {  	[tilespmem:s18], [sflag:$0xA] =	stream.linear.gather @!p0 [hbm4b:s15+s4], $0x100, $0x38;
	[tilespmem:$0x1C800] =	vst v63  }
0xb2: {  	_ =	swait.ge [sflag:s13], $0x100  }
0xb3: {  	[sflag:s13] =	ssyncset.done $0x0  }
0xb4: {  	[sflag:s13] =	ssyncadd.s32 $0xFFFFFF00  }
0xb5: {  	[tilespmem:s24], [sflag:$0x2] =	stream.indirect.gather [hbm4b:s1+s23], $0x80, s20, s23, $0xb8;
	[tilespmem:$0x1C800] =	vst v63  }
0xb6: {  	_ =	swait.ge [sflag:s16], $0x2000  }
0xb7: {  	[sflag:s16] =	ssyncset.done $0x0  }
0xb8: {  	s20 =	rddreg [dreg:$0xe];
	[sflag:s16] =	ssyncadd.s32 $0xFFFFE000  }
0xb9: {  	[spmem:s2] =	stream.indirect.scatter.add.f32 [tilespmem:s0], [sflag:$0x7], $0x80, s20, s23, $0xb8;
	[tilespmem:$0x1C800] =	vst v63  }
0xba: {  	_ =	swait.ge [sflag:s17], $0x2000  }
0xbb: {  	s6 =	simm.s32 $0xF;
	s15 =	rddreg [dreg:$0x8];
	[sflag:s17] =	ssyncset.done $0x0  }
0xbc: {  	[sflag:s17] =	ssyncadd.s32 $0xFFFFE000;
	s19 =	sadd.s32 @!p0 $0x0, s15;
	s15 =	simm.s32 @!p0 $0x200  }
0xbd: {  	[tilespmem:s15], [sflag:$0xB] =	stream.linear.gather @!p0 [hbm4b:s19+s4], $0x100, $0x38;
	[tilespmem:$0x1C800] =	vst v63  }
0xbe: {  	_ =	swait.ge [sflag:s6], $0x100  }
0xbf: {  	[sflag:s6] =	ssyncset.done $0x0  }
0xc0: {  	[sflag:s6] =	ssyncadd.s32 $0xFFFFFF00  }
0xc1: {  	[tilespmem:s0], [sflag:$0x3] =	stream.indirect.gather [hbm4b:s1+s23], $0x80, s21, s23, $0xb8;
	[tilespmem:$0x1C800] =	vst v63  }
0xc2: {  	_ =	swait.ge [sflag:s14], $0x2000  }
0xc3: {  	[sflag:s14] =	ssyncset.done $0x0  }
0xc4: {  	s21 =	rddreg [dreg:$0xf];
	[sflag:s14] =	ssyncadd.s32 $0xFFFFE000  }
0xc5: {  	[spmem:s2] =	stream.indirect.scatter.add.f32 [tilespmem:s3], [sflag:$0x8], $0x80, s21, s23, $0xb8;
	[tilespmem:$0x1C800] =	vst v63  }
0xc6: {  	_ =	swait.ge [sflag:s22], $0x2000  }
0xc7: {  	s19 =	rddreg [dreg:$0x7];
	[sflag:s22] =	ssyncset.done $0x0  }
0xc8: {  	s20 =	simm.s32 @!p0 $0x300;
	[sflag:s22] =	ssyncadd.s32 $0xFFFFE000;
	s19 =	sadd.s32 @!p0 $0x0, s19  }
0xc9: {  	[tilespmem:s20], [sflag:$0xC] =	stream.linear.gather @!p0 [hbm4b:s19+s4], $0x100, $0x38;
	[tilespmem:$0x1C800] =	vst v63  }
0xca: {  	_ =	swait.ge [sflag:s29], $0x100  }
0xcb: {  	[sflag:s29] =	ssyncset.done $0x0  }
0xcc: {  	[sflag:s29] =	ssyncadd.s32 $0xFFFFFF00  }
0xcd: {  	[tilespmem:s3], [sflag:$0x4] =	stream.indirect.gather [hbm4b:s1+s23], $0x80, s5, s23, $0xb8;
	[tilespmem:$0x1C800] =	vst v63  }
0xce: {  	_ =	swait.ge [sflag:s7], $0x2000  }
0xcf: {  	[sflag:s7] =	ssyncset.done $0x0  }
0xd0: {  	s24 =	rddreg [dreg:$0x10];
	[sflag:s7] =	ssyncadd.s32 $0xFFFFE000  }
0xd1: {  	[spmem:s2] =	stream.indirect.scatter.add.f32 [tilespmem:s25], [sflag:$0x5], $0x80, s24, s23, $0xb8;
	[tilespmem:$0x1C800] =	vst v63  }
0xd2: {  	_ =	swait.ge [sflag:s8], $0x2000  }
0xd3: {  	[sflag:s8] =	ssyncset.done $0x0  }
0xd4: {  	s19 =	simm.s32 @p0 $0x2;
	[sflag:s8] =	ssyncadd.s32 $0xFFFFE000  }
0xd5: {  	_ =	swait.ge @p0 [sflag:s19], $0x2000  }
0xd6: {  	s28 =	simm.s32 @p0 $0x580;
	s20 =	simm.s32 @p0 $0x2800;
	[sflag:s19] =	ssyncset.done @p0 $0x0  }
0xd7: {  	s25 =	simm.s32 @p0 $0x6;
	[sflag:s19] =	ssyncadd.s32 @p0 $0xFFFFE000;
	s19 =	simm.s32 @p0 $0x40  }
0xd8: {  	[spmem:s2] =	stream.indirect.scatter.add.f32 @p0 [tilespmem:s20], [sflag:$0x6], $0x80, s28, s19, $0xb8;
	[tilespmem:$0x1C800] =	vst v63  }
0xd9: {  	_ =	swait.ge @p0 [sflag:s25], $0x2000  }
0xda: {  	s20 =	simm.s32 @!p0 $0x9;
	s19 =	rddreg [dreg:$0x6];
	[sflag:s25] =	ssyncset.done @p0 $0x0  }
0xdb: {  	[sflag:s25] =	ssyncadd.s32 @p0 $0xFFFFE000;
	s19 =	sadd.s32 @!p0 $0x0, s19;
	s25 =	simm.s32 @!p0 $0x400  }
0xdc: {  	[tilespmem:s25], [sflag:$0xD] =	stream.linear.gather @!p0 [hbm4b:s19+s4], $0x100, $0x38;
	[tilespmem:$0x1C800] =	vst v63  }
0xdd: {  	_ =	swait.ge @!p0 [sflag:s20], $0x100  }
0xde: {  	s19 =	simm.s32 @!p0 $0x2;
	[sflag:s20] =	ssyncset.done @!p0 $0x0  }
0xdf: {  	s25 =	simm.s32 @!p0 $0x800;
	[sflag:s20] =	ssyncadd.s32 @!p0 $0xFFFFFF00;
	s20 =	simm.s32 @!p0 $0x40  }
0xe0: {  	[tilespmem:s25], [sflag:$0x1] =	stream.indirect.gather @!p0 [hbm4b:s1+s20], $0x80, s4, s20, $0xb8;
	[tilespmem:$0x1C800] =	vst v63  }
0xe1: {  	_ =	swait.ge @!p0 [sflag:s19], $0x2000  }
0xe2: {  	s28 =	simm.s32 @!p0 $0x2800;
	[sflag:s19] =	ssyncset.done @!p0 $0x0  }
0xe3: {  	s25 =	simm.s32 @!p0 $0x6;
	[sflag:s19] =	ssyncadd.s32 @!p0 $0xFFFFE000;
	s19 =	simm.s32 @!p0 $0x580  }
0xe4: {  	[spmem:s2] =	stream.indirect.scatter.add.f32 @!p0 [tilespmem:s28], [sflag:$0x6], $0x80, s19, s20, $0xb8;
	[tilespmem:$0x1C800] =	vst v63  }
0xe5: {  	_ =	swait.ge @!p0 [sflag:s25], $0x2000  }
0xe6: {  	s19 =	rddreg [dreg:$0x5];
	[sflag:s25] =	ssyncset.done @!p0 $0x0  }
0xe7: {  	[sflag:s25] =	ssyncadd.s32 @!p0 $0xFFFFE000;
	s19 =	sadd.s32 @!p0 $0x0, s19;
	s25 =	simm.s32 @!p0 $0x500  }
0xe8: {  	[tilespmem:s25], [sflag:$0xE] =	stream.linear.gather @!p0 [hbm4b:s19+s4], $0x100, $0x38;
	[tilespmem:$0x1C800] =	vst v63  }
0xe9: {  	s19 =	simm.s32 @!p0 $0xA  }
0xea: {  	_ =	swait.ge @!p0 [sflag:s19], $0x100  }
0xeb: {  	[sflag:s19] =	ssyncset.done @!p0 $0x0  }
0xec: {  	[sflag:s19] =	ssyncadd.s32 @!p0 $0xFFFFFF00  }
0xed: {  	[tilespmem:s28], [sflag:$0x2] =	stream.indirect.gather @!p0 [hbm4b:s1+s20], $0x80, s18, s20, $0xb8;
	[tilespmem:$0x1C800] =	vst v63  }
0xee: {  	_ =	swait.ge [sflag:s16], $0x2000  }
0xef: {  	[sflag:s16] =	ssyncset.done $0x0  }
0xf0: {  	s0 =	simm.s32 $0x4800;
	s25 =	rddreg [dreg:$0x11];
	[sflag:s16] =	ssyncadd.s32 $0xFFFFE000  }
0xf1: {  	[spmem:s2] =	stream.indirect.scatter.add.f32 [tilespmem:s0], [sflag:$0x7], $0x80, s25, s23, $0xb8;
	[tilespmem:$0x1C800] =	vst v63  }
0xf2: {  	_ =	swait.ge [sflag:s17], $0x2000  }
0xf3: {  	s18 =	rddreg [dreg:$0x4];
	[sflag:s17] =	ssyncset.done $0x0  }
0xf4: {  	s19 =	simm.s32 @!p0 $0x600;
	[sflag:s17] =	ssyncadd.s32 $0xFFFFE000;
	s18 =	sadd.s32 @!p0 $0x0, s18  }
0xf5: {  	[tilespmem:s19], [sflag:$0xF] =	stream.linear.gather @!p0 [hbm4b:s18+s4], $0x100, $0x38;
	[tilespmem:$0x1C800] =	vst v63  }
0xf6: {  	s4 =	simm.s32 @!p0 $0xB  }
0xf7: {  	_ =	swait.ge @!p0 [sflag:s4], $0x100  }
0xf8: {  	p6 =	por $0x0, $0x0;
	[sflag:s4] =	ssyncset.done @!p0 $0x0  }
0xf9: {  	s9 =	simm.s32 $0xC;
	[sflag:s4] =	ssyncadd.s32 @!p0 $0xFFFFFF00;
	s4 =	simm.s32 @!p0 $0x4800  }
0xfa: {  	[tilespmem:s4], [sflag:$0x3] =	stream.indirect.gather @!p0 [hbm4b:s1+s20], $0x80, s15, s20, $0xb8;
	[tilespmem:$0x1C800] =	vst v63  }
0xfb: {  	s22 =	simm.s32 $0x8;
	s24 =	simm.s32 $0x2800;
	_ =	swait.ge [sflag:s14], $0x2000  }
0xfc: {  	s28 =	simm.s32 $0x200;
	s25 =	simm.s32 $0x100;
	[sflag:s14] =	ssyncset.done $0x0  }
0xfd: {  	p0 =	por p6, p6;
	s4 =	rddreg [dreg:$0x12];
	[sflag:s14] =	ssyncadd.s32 $0xFFFFE000  }
.LBB2_6:
0xfe: {  	[spmem:s2] =	stream.indirect.scatter.add.f32 [tilespmem:s3], [sflag:$0x8], $0x80, s4, s23, $0xb8;
	[tilespmem:$0x1C800] =	vst v63  }
0xff: {  	s15 =	simm.s32 @!p0 $0x8  }
0x100: {  	_ =	swait.ge @!p0 [sflag:s15], $0x2000  }
0x101: {  	[sflag:s15] =	ssyncset.done @!p0 $0x0;
	s18 =	rddreg [dreg:$0xb]  }
0x102: {  	s5 =	simm.s32 $0x700;
	[sflag:s15] =	ssyncadd.s32 @!p0 $0xFFFFE000;
	s18 =	sadd.s32 s25, s18  }
0x103: {  	[tilespmem:s5], [sflag:$0x10] =	stream.linear.gather [hbm4b:s18+s26], $0x100, $0x38;
	[tilespmem:$0x1C800] =	vst v63  }
0x104: {  	_ =	swait.ge [sflag:s9], $0x100  }
0x105: {  	[sflag:s9] =	ssyncset.done $0x0  }
0x106: {  	[sflag:s9] =	ssyncadd.s32 $0xFFFFFF00  }
0x107: {  	[tilespmem:s3], [sflag:$0x4] =	stream.indirect.gather [hbm4b:s1+s23], $0x80, s31, s23, $0xb8;
	[tilespmem:$0x1C800] =	vst v63  }
0x108: {  	_ =	swait.ge [sflag:s7], $0x2000  }
0x109: {  	s4 =	smov.u32 s28;
	[sflag:s7] =	ssyncset.done $0x0  }
0x10a: {  	p2 =	seq.s32 s4, $0x0;
	s19 =	rddreg [dreg:$0xc];
	[sflag:s7] =	ssyncadd.s32 $0xFFFFE000  }
0x10b: {  	[spmem:s2] =	stream.indirect.scatter.add.f32 [tilespmem:s30], [sflag:$0x5], $0x80, s19, s23, $0xb8;
	[tilespmem:$0x1C800] =	vst v63  }
0x10c: {  	p0 =	por p2, p2;
	_ =	swait.ge [sflag:s8], $0x2000  }
0x10d: {  	p2 =	seq.s32 s25, $0x1300;
	s15 =	rddreg [dreg:$0xa];
	[sflag:s8] =	ssyncset.done $0x0  }
0x10e: {  	[sflag:s8] =	ssyncadd.s32 $0xFFFFE000;
	s18 =	sadd.s32 @!p2 s25, s15;
	s15 =	simm.s32 @!p2 $0x0  }
0x10f: {  	[tilespmem:s15], [sflag:$0x9] =	stream.linear.gather @!p2 [hbm4b:s18+s15], $0x100, $0x38;
	[tilespmem:$0x1C800] =	vst v63  }
0x110: {  	_ =	swait.ge [sflag:s10], $0x100  }
0x111: {  	[sflag:s10] =	ssyncset.done $0x0  }
0x112: {  	s20 =	simm.s32 $0x400;
	[sflag:s10] =	ssyncadd.s32 $0xFFFFFF00  }
0x113: {  	[tilespmem:s30], [sflag:$0x1] =	stream.indirect.gather [hbm4b:s1+s23], $0x80, s20, s23, $0xb8;
	[tilespmem:$0x1C800] =	vst v63  }
0x114: {  	_ =	swait.ge [sflag:s11], $0x2000  }
0x115: {  	[sflag:s11] =	ssyncset.done $0x0  }
0x116: {  	s21 =	rddreg [dreg:$0xd];
	[sflag:s11] =	ssyncadd.s32 $0xFFFFE000  }
0x117: {  	[spmem:s2] =	stream.indirect.scatter.add.f32 [tilespmem:s24], [sflag:$0x6], $0x80, s21, s23, $0xb8;
	[tilespmem:$0x1C800] =	vst v63  }
0x118: {  	_ =	swait.ge [sflag:s12], $0x2000  }
0x119: {  	s18 =	rddreg [dreg:$0x9];
	[sflag:s12] =	ssyncset.done $0x0  }
0x11a: {  	s19 =	simm.s32 @!p2 $0x100;
	[sflag:s12] =	ssyncadd.s32 $0xFFFFE000;
	s18 =	sadd.s32 @!p2 s25, s18  }
0x11b: {  	[tilespmem:s19], [sflag:$0xA] =	stream.linear.gather @!p2 [hbm4b:s18+s15], $0x100, $0x38;
	[tilespmem:$0x1C800] =	vst v63  }
0x11c: {  	_ =	swait.ge [sflag:s13], $0x100  }
0x11d: {  	[sflag:s13] =	ssyncset.done $0x0  }
0x11e: {  	s26 =	simm.s32 $0x500;
	[sflag:s13] =	ssyncadd.s32 $0xFFFFFF00  }
0x11f: {  	[tilespmem:s24], [sflag:$0x2] =	stream.indirect.gather [hbm4b:s1+s23], $0x80, s26, s23, $0xb8;
	[tilespmem:$0x1C800] =	vst v63  }
0x120: {  	_ =	swait.ge [sflag:s16], $0x2000  }
0x121: {  	[sflag:s16] =	ssyncset.done $0x0  }
0x122: {  	s20 =	rddreg [dreg:$0xe];
	[sflag:s16] =	ssyncadd.s32 $0xFFFFE000  }
0x123: {  	[spmem:s2] =	stream.indirect.scatter.add.f32 [tilespmem:s0], [sflag:$0x7], $0x80, s20, s23, $0xb8;
	[tilespmem:$0x1C800] =	vst v63  }
0x124: {  	_ =	swait.ge [sflag:s17], $0x2000  }
0x125: {  	s18 =	rddreg [dreg:$0x8];
	[sflag:s17] =	ssyncset.done $0x0  }
0x126: {  	[sflag:s17] =	ssyncadd.s32 $0xFFFFE000;
	s20 =	sadd.s32 @!p2 s25, s18;
	s18 =	simm.s32 @!p2 $0x200  }
0x127: {  	[tilespmem:s18], [sflag:$0xB] =	stream.linear.gather @!p2 [hbm4b:s20+s15], $0x100, $0x38;
	[tilespmem:$0x1C800] =	vst v63  }
0x128: {  	_ =	swait.ge [sflag:s6], $0x100  }
0x129: {  	[sflag:s6] =	ssyncset.done $0x0  }
0x12a: {  	s21 =	simm.s32 $0x600;
	[sflag:s6] =	ssyncadd.s32 $0xFFFFFF00  }
0x12b: {  	[tilespmem:s0], [sflag:$0x3] =	stream.indirect.gather [hbm4b:s1+s23], $0x80, s21, s23, $0xb8;
	[tilespmem:$0x1C800] =	vst v63  }
0x12c: {  	_ =	swait.ge [sflag:s14], $0x2000  }
0x12d: {  	[sflag:s14] =	ssyncset.done $0x0  }
0x12e: {  	s26 =	rddreg [dreg:$0xf];
	[sflag:s14] =	ssyncadd.s32 $0xFFFFE000  }
0x12f: {  	[spmem:s2] =	stream.indirect.scatter.add.f32 [tilespmem:s3], [sflag:$0x8], $0x80, s26, s23, $0xb8;
	[tilespmem:$0x1C800] =	vst v63  }
0x130: {  	_ =	swait.ge [sflag:s22], $0x2000  }
0x131: {  	s20 =	rddreg [dreg:$0x7];
	[sflag:s22] =	ssyncset.done $0x0  }
0x132: {  	s21 =	simm.s32 @!p2 $0x300;
	[sflag:s22] =	ssyncadd.s32 $0xFFFFE000;
	s20 =	sadd.s32 @!p2 s25, s20  }
0x133: {  	[tilespmem:s21], [sflag:$0xC] =	stream.linear.gather @!p2 [hbm4b:s20+s15], $0x100, $0x38;
	[tilespmem:$0x1C800] =	vst v63  }
0x134: {  	_ =	swait.ge [sflag:s29], $0x100  }
0x135: {  	[sflag:s29] =	ssyncset.done $0x0  }
0x136: {  	[sflag:s29] =	ssyncadd.s32 $0xFFFFFF00  }
0x137: {  	[tilespmem:s3], [sflag:$0x4] =	stream.indirect.gather [hbm4b:s1+s23], $0x80, s5, s23, $0xb8;
	[tilespmem:$0x1C800] =	vst v63  }
0x138: {  	_ =	swait.ge [sflag:s7], $0x2000  }
0x139: {  	[sflag:s7] =	ssyncset.done $0x0  }
0x13a: {  	s5 =	rddreg [dreg:$0x10];
	[sflag:s7] =	ssyncadd.s32 $0xFFFFE000  }
0x13b: {  	[spmem:s2] =	stream.indirect.scatter.add.f32 [tilespmem:s30], [sflag:$0x5], $0x80, s5, s23, $0xb8;
	[tilespmem:$0x1C800] =	vst v63  }
0x13c: {  	_ =	swait.ge [sflag:s8], $0x2000  }
0x13d: {  	[sflag:s8] =	ssyncset.done $0x0  }
0x13e: {  	s20 =	simm.s32 @p2 $0x2;
	[sflag:s8] =	ssyncadd.s32 $0xFFFFE000  }
0x13f: {  	_ =	swait.ge @p2 [sflag:s20], $0x2000  }
0x140: {  	s26 =	simm.s32 @p2 $0x580;
	s21 =	simm.s32 @p2 $0x2800;
	[sflag:s20] =	ssyncset.done @p2 $0x0  }
0x141: {  	s5 =	simm.s32 @p2 $0x6;
	[sflag:s20] =	ssyncadd.s32 @p2 $0xFFFFE000;
	s20 =	simm.s32 @p2 $0x40  }
0x142: {  	[spmem:s2] =	stream.indirect.scatter.add.f32 @p2 [tilespmem:s21], [sflag:$0x6], $0x80, s26, s20, $0xb8;
	[tilespmem:$0x1C800] =	vst v63  }
0x143: {  	_ =	swait.ge @p2 [sflag:s5], $0x2000  }
0x144: {  	s21 =	simm.s32 @!p2 $0x9;
	s20 =	rddreg [dreg:$0x6];
	[sflag:s5] =	ssyncset.done @p2 $0x0  }
0x145: {  	[sflag:s5] =	ssyncadd.s32 @p2 $0xFFFFE000;
	s5 =	sadd.s32 @!p2 s25, s20;
	s20 =	simm.s32 @!p2 $0x400  }
0x146: {  	[tilespmem:s20], [sflag:$0xD] =	stream.linear.gather @!p2 [hbm4b:s5+s15], $0x100, $0x38;
	[tilespmem:$0x1C800] =	vst v63  }
0x147: {  	_ =	swait.ge @!p2 [sflag:s21], $0x100  }
0x148: {  	s5 =	simm.s32 @!p2 $0x2;
	[sflag:s21] =	ssyncset.done @!p2 $0x0  }
0x149: {  	s20 =	simm.s32 @!p2 $0x40;
	[sflag:s21] =	ssyncadd.s32 @!p2 $0xFFFFFF00;
	s21 =	simm.s32 @!p2 $0x800  }
0x14a: {  	[tilespmem:s21], [sflag:$0x1] =	stream.indirect.gather @!p2 [hbm4b:s1+s20], $0x80, s15, s20, $0xb8;
	[tilespmem:$0x1C800] =	vst v63  }
0x14b: {  	_ =	swait.ge @!p2 [sflag:s5], $0x2000  }
0x14c: {  	s26 =	simm.s32 @!p2 $0x2800;
	[sflag:s5] =	ssyncset.done @!p2 $0x0  }
0x14d: {  	s21 =	simm.s32 @!p2 $0x6;
	[sflag:s5] =	ssyncadd.s32 @!p2 $0xFFFFE000;
	s5 =	simm.s32 @!p2 $0x580  }
0x14e: {  	[spmem:s2] =	stream.indirect.scatter.add.f32 @!p2 [tilespmem:s26], [sflag:$0x6], $0x80, s5, s20, $0xb8;
	[tilespmem:$0x1C800] =	vst v63  }
0x14f: {  	_ =	swait.ge @!p2 [sflag:s21], $0x2000  }
0x150: {  	s31 =	simm.s32 @!p2 $0xA;
	s5 =	rddreg [dreg:$0x5];
	[sflag:s21] =	ssyncset.done @!p2 $0x0  }
0x151: {  	[sflag:s21] =	ssyncadd.s32 @!p2 $0xFFFFE000;
	s5 =	sadd.s32 @!p2 s25, s5;
	s21 =	simm.s32 @!p2 $0x500  }
0x152: {  	[tilespmem:s21], [sflag:$0xE] =	stream.linear.gather @!p2 [hbm4b:s5+s15], $0x100, $0x38;
	[tilespmem:$0x1C800] =	vst v63  }
0x153: {  	_ =	swait.ge @!p2 [sflag:s31], $0x100  }
0x154: {  	[sflag:s31] =	ssyncset.done @!p2 $0x0  }
0x155: {  	[sflag:s31] =	ssyncadd.s32 @!p2 $0xFFFFFF00  }
0x156: {  	[tilespmem:s26], [sflag:$0x2] =	stream.indirect.gather @!p2 [hbm4b:s1+s20], $0x80, s19, s20, $0xb8;
	[tilespmem:$0x1C800] =	vst v63  }
0x157: {  	_ =	swait.ge [sflag:s16], $0x2000  }
0x158: {  	[sflag:s16] =	ssyncset.done $0x0  }
0x159: {  	s21 =	rddreg [dreg:$0x11];
	[sflag:s16] =	ssyncadd.s32 $0xFFFFE000  }
0x15a: {  	[spmem:s2] =	stream.indirect.scatter.add.f32 [tilespmem:s0], [sflag:$0x7], $0x80, s21, s23, $0xb8;
	[tilespmem:$0x1C800] =	vst v63  }
0x15b: {  	_ =	swait.ge [sflag:s17], $0x2000  }
0x15c: {  	s19 =	simm.s32 @!p2 $0xB;
	s5 =	rddreg [dreg:$0x4];
	[sflag:s17] =	ssyncset.done $0x0  }
0x15d: {  	s21 =	simm.s32 @!p2 $0x600;
	[sflag:s17] =	ssyncadd.s32 $0xFFFFE000;
	s5 =	sadd.s32 @!p2 s25, s5  }
0x15e: {  	[tilespmem:s21], [sflag:$0xF] =	stream.linear.gather @!p2 [hbm4b:s5+s15], $0x100, $0x38;
	[tilespmem:$0x1C800] =	vst v63  }
0x15f: {  	s28 =	sadd.s32 $0x100, s28;
	_ =	swait.ge @!p2 [sflag:s19], $0x100  }
0x160: {  	p1 =	sne.s32 s28, $0x1400;
	s25 =	smov.u32 s4;
	[sflag:s19] =	ssyncset.done @!p2 $0x0  }
.Ltmp2:
0x161: {  	s4 =	simm.s32 @!p2 $0x4800;
	[sflag:s19] =	ssyncadd.s32 @!p2 $0xFFFFFF00;
	(pc) =	sbr.rel @p1 .LBB2_6-.Ltmp2, $4  }
0x162: {  	[tilespmem:s4], [sflag:$0x3] =	stream.indirect.gather @!p2 [hbm4b:s1+s20], $0x80, s18, s20, $0xb8;
	[tilespmem:$0x1C800] =	vst v63  }
0x163: {  	_ =	swait.ge [sflag:s14], $0x2000  }
0x164: {  	s31 =	simm.s32 $0x300;
	[sflag:s14] =	ssyncset.done $0x0  }
0x165: {  	s26 =	simm.s32 $0x0;
	s4 =	rddreg [dreg:$0x12];
	[sflag:s14] =	ssyncadd.s32 $0xFFFFE000  }
0x166: {  	[spmem:s2] =	stream.indirect.scatter.add.f32 [tilespmem:s3], [sflag:$0x8], $0x80, s4, s23, $0xb8;
	[tilespmem:$0x1C800] =	vst v63  }
0x167: {  	s4 =	simm.s32 @!p0 $0x8  }
0x168: {  	_ =	swait.ge @!p0 [sflag:s4], $0x2000  }
0x169: {  	s5 =	rddreg [dreg:$0xb];
	[sflag:s4] =	ssyncset.done @!p0 $0x0  }
0x16a: {  	s20 =	simm.s32 $0x700;
	[sflag:s4] =	ssyncadd.s32 @!p0 $0xFFFFE000;
	s18 =	sadd.s32 s25, s5  }
0x16b: {  	[tilespmem:s20], [sflag:$0x10] =	stream.linear.gather [hbm4b:s18+s26], $0x100, $0x38;
	[tilespmem:$0x1C800] =	vst v63  }
0x16c: {  	_ =	swait.ge [sflag:s9], $0x100  }
0x16d: {  	[sflag:s9] =	ssyncset.done $0x0  }
0x16e: {  	[sflag:s9] =	ssyncadd.s32 $0xFFFFFF00  }
0x16f: {  	[tilespmem:s3], [sflag:$0x4] =	stream.indirect.gather [hbm4b:s1+s23], $0x80, s31, s23, $0xb8;
	[tilespmem:$0x1C800] =	vst v63  }
0x170: {  	_ =	swait.ge [sflag:s7], $0x2000  }
0x171: {  	[sflag:s7] =	ssyncset.done $0x0  }
0x172: {  	s19 =	rddreg [dreg:$0xc];
	[sflag:s7] =	ssyncadd.s32 $0xFFFFE000  }
0x173: {  	[spmem:s2] =	stream.indirect.scatter.add.f32 [tilespmem:s30], [sflag:$0x5], $0x80, s19, s23, $0xb8;
	[tilespmem:$0x1C800] =	vst v63  }
0x174: {  	_ =	swait.ge [sflag:s8], $0x2000  }
0x175: {  	p0 =	seq.s32 s25, $0x1300;
	s4 =	rddreg [dreg:$0xa];
	[sflag:s8] =	ssyncset.done $0x0  }
0x176: {  	[sflag:s8] =	ssyncadd.s32 $0xFFFFE000;
	s5 =	sadd.s32 @!p0 s25, s4;
	s4 =	simm.s32 @!p0 $0x0  }
0x177: {  	[tilespmem:s4], [sflag:$0x9] =	stream.linear.gather @!p0 [hbm4b:s5+s4], $0x100, $0x38;
	[tilespmem:$0x1C800] =	vst v63  }
0x178: {  	_ =	swait.ge [sflag:s10], $0x100  }
0x179: {  	[sflag:s10] =	ssyncset.done $0x0  }
0x17a: {  	s21 =	simm.s32 $0x400;
	[sflag:s10] =	ssyncadd.s32 $0xFFFFFF00  }
0x17b: {  	[tilespmem:s30], [sflag:$0x1] =	stream.indirect.gather [hbm4b:s1+s23], $0x80, s21, s23, $0xb8;
	[tilespmem:$0x1C800] =	vst v63  }
0x17c: {  	_ =	swait.ge [sflag:s11], $0x2000  }
0x17d: {  	[sflag:s11] =	ssyncset.done $0x0  }
0x17e: {  	s9 =	rddreg [dreg:$0xd];
	[sflag:s11] =	ssyncadd.s32 $0xFFFFE000  }
0x17f: {  	[spmem:s2] =	stream.indirect.scatter.add.f32 [tilespmem:s24], [sflag:$0x6], $0x80, s9, s23, $0xb8;
	[tilespmem:$0x1C800] =	vst v63  }
0x180: {  	_ =	swait.ge [sflag:s12], $0x2000  }
0x181: {  	s5 =	rddreg [dreg:$0x9];
	[sflag:s12] =	ssyncset.done $0x0  }
0x182: {  	s18 =	simm.s32 @!p0 $0x100;
	[sflag:s12] =	ssyncadd.s32 $0xFFFFE000;
	s5 =	sadd.s32 @!p0 s25, s5  }
0x183: {  	[tilespmem:s18], [sflag:$0xA] =	stream.linear.gather @!p0 [hbm4b:s5+s4], $0x100, $0x38;
	[tilespmem:$0x1C800] =	vst v63  }
0x184: {  	_ =	swait.ge [sflag:s13], $0x100  }
0x185: {  	[sflag:s13] =	ssyncset.done $0x0  }
0x186: {  	s15 =	simm.s32 $0x500;
	[sflag:s13] =	ssyncadd.s32 $0xFFFFFF00  }
0x187: {  	[tilespmem:s24], [sflag:$0x2] =	stream.indirect.gather [hbm4b:s1+s23], $0x80, s15, s23, $0xb8;
	[tilespmem:$0x1C800] =	vst v63  }
0x188: {  	_ =	swait.ge [sflag:s16], $0x2000  }
0x189: {  	[sflag:s16] =	ssyncset.done $0x0  }
0x18a: {  	s19 =	rddreg [dreg:$0xe];
	[sflag:s16] =	ssyncadd.s32 $0xFFFFE000  }
0x18b: {  	[spmem:s2] =	stream.indirect.scatter.add.f32 [tilespmem:s0], [sflag:$0x7], $0x80, s19, s23, $0xb8;
	[tilespmem:$0x1C800] =	vst v63  }
0x18c: {  	_ =	swait.ge [sflag:s17], $0x2000  }
0x18d: {  	s5 =	rddreg [dreg:$0x8];
	[sflag:s17] =	ssyncset.done $0x0  }
0x18e: {  	s15 =	simm.s32 @!p0 $0x200;
	[sflag:s17] =	ssyncadd.s32 $0xFFFFE000;
	s5 =	sadd.s32 @!p0 s25, s5  }
0x18f: {  	[tilespmem:s15], [sflag:$0xB] =	stream.linear.gather @!p0 [hbm4b:s5+s4], $0x100, $0x38;
	[tilespmem:$0x1C800] =	vst v63  }
0x190: {  	_ =	swait.ge [sflag:s6], $0x100  }
0x191: {  	[sflag:s6] =	ssyncset.done $0x0  }
0x192: {  	s21 =	simm.s32 $0x600;
	[sflag:s6] =	ssyncadd.s32 $0xFFFFFF00  }
0x193: {  	[tilespmem:s0], [sflag:$0x3] =	stream.indirect.gather [hbm4b:s1+s23], $0x80, s21, s23, $0xb8;
	[tilespmem:$0x1C800] =	vst v63  }
0x194: {  	_ =	swait.ge [sflag:s14], $0x2000  }
0x195: {  	[sflag:s14] =	ssyncset.done $0x0  }
0x196: {  	s24 =	rddreg [dreg:$0xf];
	[sflag:s14] =	ssyncadd.s32 $0xFFFFE000  }
0x197: {  	[spmem:s2] =	stream.indirect.scatter.add.f32 [tilespmem:s3], [sflag:$0x8], $0x80, s24, s23, $0xb8;
	[tilespmem:$0x1C800] =	vst v63  }
0x198: {  	_ =	swait.ge [sflag:s22], $0x2000  }
0x199: {  	s5 =	rddreg [dreg:$0x7];
	[sflag:s22] =	ssyncset.done $0x0  }
0x19a: {  	s19 =	simm.s32 @!p0 $0x300;
	[sflag:s22] =	ssyncadd.s32 $0xFFFFE000;
	s5 =	sadd.s32 @!p0 s25, s5  }
0x19b: {  	[tilespmem:s19], [sflag:$0xC] =	stream.linear.gather @!p0 [hbm4b:s5+s4], $0x100, $0x38;
	[tilespmem:$0x1C800] =	vst v63  }
0x19c: {  	_ =	swait.ge [sflag:s29], $0x100  }
0x19d: {  	[sflag:s29] =	ssyncset.done $0x0  }
0x19e: {  	[sflag:s29] =	ssyncadd.s32 $0xFFFFFF00  }
0x19f: {  	[tilespmem:s3], [sflag:$0x4] =	stream.indirect.gather [hbm4b:s1+s23], $0x80, s20, s23, $0xb8;
	[tilespmem:$0x1C800] =	vst v63  }
0x1a0: {  	_ =	swait.ge [sflag:s7], $0x2000  }
0x1a1: {  	[sflag:s7] =	ssyncset.done $0x0  }
0x1a2: {  	s6 =	rddreg [dreg:$0x10];
	[sflag:s7] =	ssyncadd.s32 $0xFFFFE000  }
0x1a3: {  	[spmem:s2] =	stream.indirect.scatter.add.f32 [tilespmem:s30], [sflag:$0x5], $0x80, s6, s23, $0xb8;
	[tilespmem:$0x1C800] =	vst v63  }
0x1a4: {  	_ =	swait.ge [sflag:s8], $0x2000  }
0x1a5: {  	[sflag:s8] =	ssyncset.done $0x0  }
0x1a6: {  	s5 =	simm.s32 @p0 $0x2;
	[sflag:s8] =	ssyncadd.s32 $0xFFFFE000  }
0x1a7: {  	_ =	swait.ge @p0 [sflag:s5], $0x2000  }
0x1a8: {  	s21 =	simm.s32 @p0 $0x580;
	s19 =	simm.s32 @p0 $0x2800;
	[sflag:s5] =	ssyncset.done @p0 $0x0  }
0x1a9: {  	s20 =	simm.s32 @p0 $0x6;
	[sflag:s5] =	ssyncadd.s32 @p0 $0xFFFFE000;
	s5 =	simm.s32 @p0 $0x40  }
0x1aa: {  	[spmem:s2] =	stream.indirect.scatter.add.f32 @p0 [tilespmem:s19], [sflag:$0x6], $0x80, s21, s5, $0xb8;
	[tilespmem:$0x1C800] =	vst v63  }
0x1ab: {  	_ =	swait.ge @p0 [sflag:s20], $0x2000  }
0x1ac: {  	s19 =	simm.s32 @!p0 $0x9;
	s5 =	rddreg [dreg:$0x6];
	[sflag:s20] =	ssyncset.done @p0 $0x0  }
0x1ad: {  	[sflag:s20] =	ssyncadd.s32 @p0 $0xFFFFE000;
	s5 =	sadd.s32 @!p0 s25, s5;
	s20 =	simm.s32 @!p0 $0x400  }
0x1ae: {  	[tilespmem:s20], [sflag:$0xD] =	stream.linear.gather @!p0 [hbm4b:s5+s4], $0x100, $0x38;
	[tilespmem:$0x1C800] =	vst v63  }
0x1af: {  	_ =	swait.ge @!p0 [sflag:s19], $0x100  }
0x1b0: {  	s5 =	simm.s32 @!p0 $0x2;
	[sflag:s19] =	ssyncset.done @!p0 $0x0  }
0x1b1: {  	s20 =	simm.s32 @!p0 $0x800;
	[sflag:s19] =	ssyncadd.s32 @!p0 $0xFFFFFF00;
	s19 =	simm.s32 @!p0 $0x40  }
0x1b2: {  	[tilespmem:s20], [sflag:$0x1] =	stream.indirect.gather @!p0 [hbm4b:s1+s19], $0x80, s4, s19, $0xb8;
	[tilespmem:$0x1C800] =	vst v63  }
0x1b3: {  	_ =	swait.ge @!p0 [sflag:s5], $0x2000  }
0x1b4: {  	s21 =	simm.s32 @!p0 $0x2800;
	[sflag:s5] =	ssyncset.done @!p0 $0x0  }
0x1b5: {  	s20 =	simm.s32 @!p0 $0x6;
	[sflag:s5] =	ssyncadd.s32 @!p0 $0xFFFFE000;
	s5 =	simm.s32 @!p0 $0x580  }
0x1b6: {  	[spmem:s2] =	stream.indirect.scatter.add.f32 @!p0 [tilespmem:s21], [sflag:$0x6], $0x80, s5, s19, $0xb8;
	[tilespmem:$0x1C800] =	vst v63  }
0x1b7: {  	_ =	swait.ge @!p0 [sflag:s20], $0x2000  }
0x1b8: {  	s5 =	rddreg [dreg:$0x5];
	[sflag:s20] =	ssyncset.done @!p0 $0x0  }
0x1b9: {  	[sflag:s20] =	ssyncadd.s32 @!p0 $0xFFFFE000;
	s5 =	sadd.s32 @!p0 s25, s5;
	s20 =	simm.s32 @!p0 $0x500  }
0x1ba: {  	[tilespmem:s20], [sflag:$0xE] =	stream.linear.gather @!p0 [hbm4b:s5+s4], $0x100, $0x38;
	[tilespmem:$0x1C800] =	vst v63  }
0x1bb: {  	s5 =	simm.s32 @!p0 $0xA  }
0x1bc: {  	_ =	swait.ge @!p0 [sflag:s5], $0x100  }
0x1bd: {  	[sflag:s5] =	ssyncset.done @!p0 $0x0  }
0x1be: {  	[sflag:s5] =	ssyncadd.s32 @!p0 $0xFFFFFF00  }
0x1bf: {  	[tilespmem:s21], [sflag:$0x2] =	stream.indirect.gather @!p0 [hbm4b:s1+s19], $0x80, s18, s19, $0xb8;
	[tilespmem:$0x1C800] =	vst v63  }
0x1c0: {  	_ =	swait.ge [sflag:s16], $0x2000  }
0x1c1: {  	[sflag:s16] =	ssyncset.done $0x0  }
0x1c2: {  	s9 =	rddreg [dreg:$0x11];
	[sflag:s16] =	ssyncadd.s32 $0xFFFFE000  }
0x1c3: {  	[spmem:s2] =	stream.indirect.scatter.add.f32 [tilespmem:s0], [sflag:$0x7], $0x80, s9, s23, $0xb8;
	[tilespmem:$0x1C800] =	vst v63  }
0x1c4: {  	_ =	swait.ge [sflag:s17], $0x2000  }
0x1c5: {  	s5 =	rddreg [dreg:$0x4];
	[sflag:s17] =	ssyncset.done $0x0  }
0x1c6: {  	s18 =	simm.s32 @!p0 $0x600;
	[sflag:s17] =	ssyncadd.s32 $0xFFFFE000;
	s5 =	sadd.s32 @!p0 s25, s5  }
0x1c7: {  	[tilespmem:s18], [sflag:$0xF] =	stream.linear.gather @!p0 [hbm4b:s5+s4], $0x100, $0x38;
	[tilespmem:$0x1C800] =	vst v63  }
0x1c8: {  	s4 =	simm.s32 @!p0 $0xB  }
0x1c9: {  	_ =	swait.ge @!p0 [sflag:s4], $0x100  }
0x1ca: {  	[sflag:s4] =	ssyncset.done @!p0 $0x0  }
0x1cb: {  	[sflag:s4] =	ssyncadd.s32 @!p0 $0xFFFFFF00;
	s4 =	simm.s32 @!p0 $0x4800  }
0x1cc: {  	[tilespmem:s4], [sflag:$0x3] =	stream.indirect.gather @!p0 [hbm4b:s1+s19], $0x80, s15, s19, $0xb8;
	[tilespmem:$0x1C800] =	vst v63  }
0x1cd: {  	_ =	swait.ge [sflag:s14], $0x2000  }
0x1ce: {  	[sflag:s14] =	ssyncset.done $0x0  }
0x1cf: {  	s18 =	rddreg [dreg:$0x12];
	[sflag:s14] =	ssyncadd.s32 $0xFFFFE000  }
0x1d0: {  	[spmem:s2] =	stream.indirect.scatter.add.f32 [tilespmem:s3], [sflag:$0x8], $0x80, s18, s23, $0xb8;
	[tilespmem:$0x1C800] =	vst v63  }
0x1d1: {  	_ =	swait.ge [sflag:s22], $0x2000  }
0x1d2: {  	[sflag:s22] =	ssyncset.done $0x0  }
0x1d3: {  	s19 =	stileid.u32;
	[sflag:s22] =	ssyncadd.s32 $0xFFFFE000  }
0x1d4: {  	s4 =	sshll.u32 s19, $0x6;
	[bflag:$0x0] =	sbarrier.arrive $0xFFFF  }
0x1d5: {  	s4 =	sor.u32 $0x1C12, s4;
	s18 =	rddreg [dreg:$0x13]  }
0x1d6: {  	s22 =	simm.s32 $0x12;
	s21 =	rddreg [dreg:$0x1b];
	s20 =	sshrl.u32 s18, $0x3  }
0x1d7: {  	[hbm:s21], [sflag:s4] =	dma.local [spmem:s20], $0x2780  }
0x1d8: {  	_ =	swait.ge [sflag:s22], $0x2780  }
0x1d9: {  	s24 =	rddreg [dreg:$0x1d]  }
0x1da: {  	s25 =	rddreg [dreg:$0x1c];
	s6 =	sadd.s32 $0x1, s24  }
0x1db: {  	p0 =	sne.s32 s6, s25  }
.Ltmp3:
0x1dc: {  	_ = 	snop;
	(pc) =	sbr.rel @p0 .LBB2_1-.Ltmp3, $4  }
0x1dd: {  	s28 =	simm.s32 $0x11;
	s0 =	simm.s32 $0x4800  }
0x1de: {  	s5 =	simm.s32 $0x8800;
	s19 =	simm.s32 $0x400;
	[sflag:s22] =	ssyncset.done $0x0  }
0x1df: {  	s20 =	simm.s32 $0x500;
	s21 =	simm.s32 $0x600;
	[sflag:s22] =	ssyncadd.s32 $0xFFFFD880  }
0x1e0: {  	s24 =	simm.s32 $0x2800;
	s22 =	simm.s32 $0x8;
	s25 =	simm.s32 $0x800  }
0x1e1: {  	_ =	sfence.sel $0x180000  }
0x1e2: {  	[bflag:$0x0] =	sbarrier.arrive $0xFFFF  }
0x1e3: {  	_ =	strace $0x9000004A  }
0x1e4: {  	s0 =	stileid.u32;
	[bflag:$0x2] =	sbarrier.arrive $0xFFFF  }
0x1e5: {  	p0 =	sne.s32 s0, $0x0;
	s0 =	rddreg [dreg:$0x3]  }
0x1e6: {  	s0 =	sadd.s32 @!p0 $0x100000, s0  }
0x1e7: {  	[sflag:s0] =	ssyncadd.tile.s32 @!p0 $0x1;
	_ =	shalt  }
.Lfunc_end2:
_tile_overlayer_lowered:
.L_overlay_start_2:
0x1e8: {  	(tag) =	ssettag $0x2  }
0x1e9: {  	s0 =	rddreg [dreg:$0x0];
	s2 =	stileid.u32  }
0x1ea: {  	s1 =	rddreg [dreg:$0x1];
	p0 =	sne.s32 s2, $0x0  }
0x1eb: {  	s3 =	rddreg [dreg:$0x2];
	[bflag:$0x3] =	sbarrier.arrive $0xFFFF;
	s2 =	simm.s32 @!p0 $0x1C12  }
0x1ec: {  	[timem:s3], [sflag:s2] =	dma.local @!p0 [hbm:s0], s1  }
0x1ed: {  	s0 =	simm.s32 @!p0 $0x12  }
0x1ee: {  	_ =	swait.ge @!p0 [sflag:s0], s1  }
0x1ef: {  	s1 =	ssub.s32 @!p0 $0x0, s1;
	[sflag:s0] =	ssyncset.done @!p0 $0x0  }
0x1f0: {  	[sflag:s0] =	ssyncadd.s32 @!p0 s1  }
0x1f1: {  	[bflag:$0x3] =	sbarrier.arrive $0xFFFF  }
0x1f2: {  	_ =	shalt  }

// kernel: kernel.15.cloned.1.call-start
scs
__scs_entry_jumppad:
0x0: {  	(pc) =	sbr.rel $0x88, $3  }
0x1: {  	(tag) =	ssettag $0x0;
	lr =	simm.s32 $0x1  }
0x2: {  	[smem:$0x3F9B] =	sst lr;
	_ =	strace $0xD0000000  }
0x3: {  	_ = 	snop  }
0x4: {  	_ = 	snop  }
0x5: {  	_ = 	snop  }
0x6: {  	_ = 	snop  }
0x7: {  	_ = 	snop  }
__scs_overlays_trampoline_lowered:
0x8: {  	[smem:$0x3FAA] =	sst s0  }
0x9: {  	[smem:$0x3FAB] =	sst s1  }
0xa: {  	[smem:$0x3FAC] =	sst s2  }
0xb: {  	[smem:$0x3FAD] =	sst s3  }
0xc: {  	[smem:$0x3FAE] =	sst s4  }
0xd: {  	[smem:$0x3FAF] =	sst s5  }
0xe: {  	[smem:$0x3FB0] =	sst s6  }
0xf: {  	[smem:$0x3FB1] =	sst s7  }
0x10: {  	[smem:$0x3FB2] =	sst s8  }
0x11: {  	[smem:$0x3FB3] =	sst s9;
	s0 =	simm.s32 @!p0 $0x0  }
0x12: {  	s1 =	sld [smem:$0x3F99];
	s0 =	simm.s32 @p0 $0x1  }
0x13: {  	[smem:$0x3FB4] =	sst s0;
	s0 =	simm.s32 @!p1 $0x0  }
0x14: {  	s2 =	sld [smem:$0x3F98];
	s0 =	simm.s32 @p1 $0x1  }
0x15: {  	[smem:$0x3FB5] =	sst s0;
	s0 =	simm.s32 @!p2 $0x0  }
0x16: {  	s3 =	sld [smem:$0x3FDB];
	s0 =	simm.s32 @p2 $0x1  }
0x17: {  	s4 =	simm.s32 $0x1BF5;
	[smem:$0x3FB7] =	sst s0  }
0x18: {  	s0 =	sld [smem:$0x3F9A];
	_ =	swait.ge [sflag:s4], $0x0  }
0x19: {  	s7 =	sld [smem:$0x3F9B]  }
0x1a: {  	s8 =	sadd.s32 $0xFFFFE003, lr  }
0x1b: {  	s9 =	sadd.s32 $0xFFFFFEF7, lr;
	s5 =	simm.s32 $0xFFFFFFFF;
	p2 =	slt.u32 s8, $0xFFFFF086  }
0x1c: {  	p1 =	slt.u32 s9, $0xF7A;
	s5 =	simm.s32 @!p2 $0x0  }
0x1d: {  	s5 =	simm.s32 @p1 $0x1;
	p0 =	seq.s32 s7, s2  }
0x1e: {  	s7 =	smul.u32 @!p0 $0xF7A, s2;
	p2 =	seq.s32 @!p0 s5, $0x0  }
0x1f: {  	s9 =	smul.u32 $0xF7A, s1;
	s8 =	simm.s32 @!p0 $0x1BF5;
	p2 =	por !p2, p0  }
0x20: {  	[sflag:s8] =	ssyncset.s32 @!p0 $0xFFFFF086;
	s6 =	sadd.s32 @!p0 s3, s7;
	s7 =	simm.s32 @!p0 $0x108  }
0x21: {  	s3 =	sadd.s32 s3, s9;
	s6 =	sadd.s32 @!p0 $0x88, s6;
	s7 =	simm.s32 @p2 $0x1082  }
0x22: {  	[simem:s7], [sflag:s8] =	dma.local @!p0 [hbm:s6], $0xF7A  }
0x23: {  	s9 =	sor.u32 $0xD0000000, s2;
	s6 =	simm.s32 $0x108;
	_ =	swait.ge @!p0 [sflag:s8], $0x0  }
0x24: {  	s3 =	sadd.s32 $0x88, s3;
	s6 =	simm.s32 @!p1 $0x1082;
	[sflag:s4] =	ssyncset.s32 $0xFFFFF086  }
0x25: {  	[simem:s6], [sflag:s4] =	dma.local [hbm:s3], $0xF7A  }
0x26: {  	[smem:$0x3F9B] =	sst s1;
	(tag) =	ssettag s2;
	_ =	strace s9  }
0x27: {  	s1 =	sld [smem:$0x3FAB]  }
0x28: {  	s2 =	sld [smem:$0x3FAC]  }
0x29: {  	s4 =	sld [smem:$0x3FAE]  }
0x2a: {  	p0 =	seq.s32 s5, $0x0;
	s5 =	sld [smem:$0x3FAF]  }
0x2b: {  	s6 =	sld [smem:$0x3FB0]  }
0x2c: {  	s7 =	sld [smem:$0x3FB1]  }
0x2d: {  	s3 =	simm.s32 $0x108;
	s8 =	sld [smem:$0x3FB2]  }
0x2e: {  	s3 =	simm.s32 @!p0 $0x1082;
	s9 =	sld [smem:$0x3FB3]  }
0x2f: {  	lr =	sadd.s32 s0, s3;
	s0 =	sld [smem:$0x3FAA]  }
0x30: {  	s3 =	sld [smem:$0x3FAD]  }
0x31: {  	[smem:$0x3FB6] =	sst s10  }
0x32: {  	s10 =	sld [smem:$0x3FB4];
	_ =	sdelay $0x3  }
0x33: {  	p0 =	seq.s32 s10, $0x1;
	s10 =	sld [smem:$0x3FB6];
	_ =	sdelay $0x3  }
0x34: {  	[smem:$0x3FB6] =	sst s10  }
0x35: {  	s10 =	sld [smem:$0x3FB5];
	_ =	sdelay $0x3  }
0x36: {  	p1 =	seq.s32 s10, $0x1;
	s10 =	sld [smem:$0x3FB6];
	_ =	sdelay $0x3  }
0x37: {  	[smem:$0x3FB6] =	sst s10  }
0x38: {  	s10 =	sld [smem:$0x3FB7]  }
0x39: {  	_ = 	snop;
	(pc) =	sbr.ind lr, $3  }
0x3a: {  	_ = 	snop  }
0x3b: {  	_ = 	snop  }
0x3c: {  	p2 =	seq.s32 s10, $0x1;
	s10 =	sld [smem:$0x3FB6]  }
0x3d: {  	_ =	shalt  }
0x3e: {  	_ =	shalt  }
0x3f: {  	_ =	shalt  }
0x40: {  	_ =	shalt  }
0x41: {  	_ =	shalt  }
0x42: {  	_ =	shalt  }
0x43: {  	_ =	shalt  }
0x44: {  	_ =	shalt  }
0x45: {  	_ =	shalt  }
0x46: {  	_ =	shalt  }
0x47: {  	_ =	shalt  }
0x48: {  	_ =	shalt  }
0x49: {  	_ =	shalt  }
0x4a: {  	_ =	shalt  }
0x4b: {  	_ =	shalt  }
0x4c: {  	_ =	shalt  }
0x4d: {  	_ =	shalt  }
0x4e: {  	_ =	shalt  }
0x4f: {  	_ =	shalt  }
0x50: {  	_ =	shalt  }
0x51: {  	_ =	shalt  }
0x52: {  	_ =	shalt  }
0x53: {  	_ =	shalt  }
0x54: {  	_ =	shalt  }
0x55: {  	_ =	shalt  }
0x56: {  	_ =	shalt  }
0x57: {  	_ =	shalt  }
0x58: {  	_ =	shalt  }
0x59: {  	_ =	shalt  }
0x5a: {  	_ =	shalt  }
0x5b: {  	_ =	shalt  }
0x5c: {  	_ =	shalt  }
0x5d: {  	_ =	shalt  }
0x5e: {  	_ =	shalt  }
0x5f: {  	_ =	shalt  }
0x60: {  	_ =	shalt  }
0x61: {  	_ =	shalt  }
0x62: {  	_ =	shalt  }
0x63: {  	_ =	shalt  }
0x64: {  	_ =	shalt  }
0x65: {  	_ =	shalt  }
0x66: {  	_ =	shalt  }
0x67: {  	_ =	shalt  }
0x68: {  	_ =	shalt  }
0x69: {  	_ =	shalt  }
0x6a: {  	_ =	shalt  }
0x6b: {  	_ =	shalt  }
0x6c: {  	_ =	shalt  }
0x6d: {  	_ =	shalt  }
0x6e: {  	_ =	shalt  }
0x6f: {  	_ =	shalt  }
0x70: {  	_ =	shalt  }
0x71: {  	_ =	shalt  }
0x72: {  	_ =	shalt  }
0x73: {  	_ =	shalt  }
0x74: {  	_ =	shalt  }
0x75: {  	_ =	shalt  }
0x76: {  	_ =	shalt  }
0x77: {  	_ =	shalt  }
0x78: {  	_ =	shalt  }
0x79: {  	_ =	shalt  }
0x7a: {  	_ =	shalt  }
0x7b: {  	_ =	shalt  }
0x7c: {  	_ =	shalt  }
0x7d: {  	_ =	shalt  }
0x7e: {  	_ =	shalt  }
0x7f: {  	_ =	shalt  }
0x80: {  	_ =	shalt  }
0x81: {  	_ =	shalt  }
0x82: {  	_ =	shalt  }
0x83: {  	_ =	shalt  }
0x84: {  	_ =	shalt  }
0x85: {  	_ =	shalt  }
0x86: {  	_ =	shalt  }
0x87: {  	_ =	shalt  }
.Lfunc_end0:
.L_simem_size_0:
called_computation.2_lowered:
.L_overlay_start_0:
0x88: {  	s2 =	sld [smem:$0x3FD9]  }
0x89: {  	s3 =	sld [smem:$0x3FFE];
	_ =	sdelay $0x1  }
0x8a: {  	s1 =	srdreg.scid  }
0x8b: {  	s0 =	sand.u32 $0x1, s1  }
0x8c: {  	s17 =	sshll.u32 s0, $0xA;
	s2 =	sadd.s32 s3, s2  }
0x8d: {  	s2 =	sadd.s32 s2, s17  }
0x8e: {  	[smem:$0x3FC2] =	sst s2  }
0x8f: {  	_ = 	snop  }
0x90: {  	s2 =	sld [smem:$0x3FD0];
	(tm) =	ssettm $0x1  }
0x91: {  	s18 =	sld [smem:$0x3FFB];
	_ =	sdelay $0x3  }
0x92: {  	_ =	strace s18  }
0x93: {  	s3 =	sld [smem:$0x3FFC];
	_ =	sdelay $0x3  }
0x94: {  	_ =	strace s3  }
0x95: {  	s3 =	sld [smem:$0x3FFD];
	_ =	sdelay $0x3  }
0x96: {  	_ =	strace s3  }
0x97: {  	_ =	strace $0x8FFFFFFF  }
0x98: {  	s19 =	sld [smem:$0x3FDB];
	_ =	sdelay $0x1  }
0x99: {  	s4 =	simm.s32 $_scs_section_size  }
0x9a: {  	s5 =	simm.s32 $_size__tile_overlayer_lowered;
	s6 =	simm.s32 $_tile_overlayer_lowered  }
0x9b: {  	s22 =	simm.s32 $0x1BFF;
	s21 =	sshll.u32 s6, $0x1;
	s3 =	sadd.s32 s4, s19  }
0x9c: {  	s7 =	simm.s32 $0x0;
	s20 =	sshll.u32 s5, $0x1;
	s5 =	sadd.s32 s21, s3  }
0x9d: {  	[timem:s7], [sflag:s22] =	dma.local [hbm:s5], s20  }
0x9e: {  	_ =	swait.ge [sflag:s22], s20  }
0x9f: {  	s4 =	ssub.s32 $0x0, s20;
	[sflag:s22] =	ssyncset.done $0x0  }
0xa0: {  	[sflag:s22] =	ssyncadd.s32 s4;
	_ =	sdelay $0x1  }
0xa1: {  	s23 =	simm.s32 $0x1B8B  }
0xa2: {  	_ =	swait.ge [sflag:s23], $0x1  }
0xa3: {  	[sflag:s23] =	ssyncset.done $0x0  }
0xa4: {  	s25 =	simm.s32 $0x1B8E;
	s24 =	sld [smem:$0x3FFE];
	[sflag:s23] =	ssyncadd.s32 $0xFFFFFFFF  }
0xa5: {  	s26 =	simm.s32 $execute0_lowered;
	[smem:$0x3FD2] =	sst s25  }
0xa6: {  	s5 =	sshll.u32 s26, $0x1;
	_ =	strace $0x8000004C;
	[dreg:$0x1] =	wrdreg $0xFFFFFFFF  }
0xa7: {  	s28 =	simm.s32 $_size_execute0_lowered;
	s3 =	sadd.s32 s3, s5;
	[dreg:$0x0] =	wrdreg $0x0  }
0xa8: {  	s5 =	sshll.u32 s28, $0x1;
	[dreg:$0x2] =	wrdreg s3  }
0xa9: {  	[dreg:$0x3] =	wrdreg s5  }
0xaa: {  	[dreg:$0x4] =	wrdreg $0xC0  }
0xab: {  	_ =	task [dreg:s7], $0x5FFFF  }
0xac: {  	[dreg:$0x1] =	wrdreg $0xFFFFFFFF  }
0xad: {  	[dreg:$0x0] =	wrdreg $0x60  }
0xae: {  	[dreg:$0x2] =	wrdreg s2  }
0xaf: {  	[dreg:$0x3] =	wrdreg s24  }
0xb0: {  	[dreg:$0x4] =	wrdreg $0x8C000  }
0xb1: {  	[dreg:$0x5] =	wrdreg $0x9  }
0xb2: {  	_ =	task.clear_ibuf [dreg:s7], $0x6FFFF;
	_ =	strace $0x9000004C  }
0xb3: {  	s29 =	simm.s32 $0x9;
	_ =	strace $0x8000004E  }
0xb4: {  	_ =	swait.ge [sflag:s29], $0x1  }
0xb5: {  	[sflag:s29] =	ssyncadd.s32 $0xFFFFFFFF  }
0xb6: {  	_ =	strace $0x9000004E  }
0xb7: {  	_ =	sfence  }
0xb8: {  	s30 =	sld [smem:$0x0];
	_ =	sdelay $0x2  }
0xb9: {  	s31 =	sshll.u32 s1, $0xD;
	s1 =	sshrl.u32 s1, $0x2  }
0xba: {  	s3 =	sand.u32 $0x4000, s31;
	s1 =	sadd.s32 s1, s30  }
0xbb: {  	s0 =	sor.u32 s3, s0;
	s1 =	sshll.u32 s1, $0x11  }
0xbc: {  	s0 =	sor.u32 s1, s0  }
0xbd: {  	s0 =	sadd.s32 $0x8F2B, s0  }
0xbe: {  	[sflag:s0] =	ssyncadd.remote.s32 $0x1  }
0xbf: {  	_ =	sfence.sel $0xFFFF  }
0xc0: {  	[dreg:$0x0] =	wrdreg $0xFFFFFFFF;
	(pc) =	sbr.abs _section_cstart, $3  }
0xc1: {  	[dreg:$0x1] =	wrdreg $0xFFFFFFFF  }
0xc2: {  	_ =	task.clear_ibuf [dreg:s7], $0x2FFFF;
	_ =	strace $0x9FFFFFFF  }
0xc3: {  	(tm) =	ssettm $0x7FFFFFFF  }
tec
execute0_lowered:
.L_overlay_start_1:
0x0: {  	(tag) =	ssettag $0x1  }
0x1: {  	s1 =	rddreg [dreg:$0x0]  }
0x2: {  	s0 =	rddreg [dreg:$0x1]  }
0x3: {  	s2 =	rddreg [dreg:$0x2]  }
0x4: {  	s3 =	srdreg.scid;
	s26 =	simm.s32 $0x0;
	s10 =	stileid.u32  }
0x5: {  	s31 =	simm.s32 $0x300;
	s28 =	simm.s32 $0x11;
	s29 =	simm.s32 $0x10  }
0x6: {  	s30 =	simm.s32 $0x800;
	s3 =	sand.u32 $0x1, s3;
	s5 =	smul.u32 $0x13C00, s10  }
0x7: {  	[smem:$0x7FF] =	sst s26;
	s6 =	sadd.s32 $0x2400, s0;
	s24 =	smul.u32 $0x4F000, s10  }
0x8: {  	s4 =	smul.u32 $0x13C000, s3;
	_ =	strace $0x8000004D;
	s7 =	sshll.u32 s3, $0x4  }
0x9: {  	s8 =	ssub.s32 $0x2, s3;
	s3 =	smul.u32 $0xA0000, s3;
	s23 =	sor.u32 s10, s7  }
0xa: {  	s25 =	sshrl.u32 s8, $0x1;
	s7 =	sshrl.u32 s24, $0x2;
	s10 =	smul.u32 $0xA000, s10  }
0xb: {  	s4 =	sadd.s32 s5, s4;
	s5 =	smul.u32 $0xA000, s23;
	s18 =	sadd.s32 s7, s2  }
0xc: {  	s4 =	sshrl.u32 s4, $0x3;
	s3 =	sadd.s32 s10, s3;
	[dreg:$0x13] =	wrdreg s18  }
0xd: {  	s0 =	sadd.s32 s4, s0;
	s9 =	sshrl.u32 s5, $0x3;
	s4 =	ssub.s32 s8, s25  }
0xe: {  	s14 =	sor.u32 $0xE00, s3;
	s16 =	sor.u32 $0xD00, s3;
	s19 =	sor.u32 $0xC00, s3  }
0xf: {  	s21 =	sor.u32 $0xB00, s3;
	s22 =	sor.u32 $0xA00, s3;
	s5 =	sadd.s32 s6, s9  }
0x10: {  	s7 =	sshrl.u32 s14, $0x3;
	s0 =	sadd.s32 $0x79400, s0;
	[dreg:$0x14] =	wrdreg s5  }
0x11: {  	s8 =	sshrl.u32 s16, $0x3;
	s14 =	simm.s32 $0x180;
	[dreg:$0x1b] =	wrdreg s0  }
0x12: {  	s20 =	sshrl.u32 s19, $0x3;
	s16 =	simm.s32 $0x380;
	[dreg:$0xd] =	wrdreg s14  }
0x13: {  	s24 =	sshrl.u32 s22, $0x3;
	s22 =	simm.s32 $0x680;
	[dreg:$0xf] =	wrdreg s16  }
0x14: {  	s19 =	simm.s32 $0x400;
	s9 =	sadd.s32 $0x20, s5;
	[dreg:$0x11] =	wrdreg s22  }
0x15: {  	s11 =	sadd.s32 $0x40, s5;
	s12 =	sadd.s32 $0x60, s5;
	[dreg:$0x15] =	wrdreg s9  }
0x16: {  	s13 =	sadd.s32 $0x80, s5;
	s15 =	sadd.s32 $0xA0, s5;
	[dreg:$0x16] =	wrdreg s11  }
0x17: {  	s5 =	sadd.s32 $0xC0, s5;
	s7 =	sadd.s32 s7, s6;
	[dreg:$0x17] =	wrdreg s12  }
0x18: {  	s17 =	sadd.s32 s8, s6;
	s8 =	sshrl.u32 s21, $0x3;
	[dreg:$0x18] =	wrdreg s13  }
0x19: {  	s25 =	sadd.s32 s24, s6;
	s21 =	simm.s32 $0x600;
	[dreg:$0x19] =	wrdreg s15  }
0x1a: {  	s24 =	simm.s32 $0x780;
	s0 =	simm.s32 $0x4800;
	[dreg:$0x1a] =	wrdreg s5  }
0x1b: {  	s16 =	simm.s32 $0x3;
	s14 =	simm.s32 $0x4;
	[dreg:$0x4] =	wrdreg s7  }
0x1c: {  	s22 =	simm.s32 $0x8;
	[dreg:$0x5] =	wrdreg s17;
	s7 =	sadd.s32 s20, s6  }
0x1d: {  	s23 =	sadd.s32 s8, s6;
	s5 =	sor.u32 $0x900, s3;
	[dreg:$0x8] =	wrdreg s25  }
0x1e: {  	s9 =	sor.u32 $0x800, s3;
	s3 =	sor.u32 $0x700, s3;
	[dreg:$0x12] =	wrdreg s24  }
0x1f: {  	s12 =	smax.u32 s4, $0x1;
	s13 =	simm.s32 $0x80;
	[dreg:$0x6] =	wrdreg s7  }
0x20: {  	s15 =	simm.s32 $0x280;
	s20 =	simm.s32 $0x500;
	[dreg:$0x7] =	wrdreg s23  }
0x21: {  	s17 =	simm.s32 $0x480;
	s25 =	simm.s32 $0x800;
	[dreg:$0x1c] =	wrdreg s12  }
0x22: {  	s24 =	simm.s32 $0x2800;
	s8 =	sshrl.u32 s5, $0x3;
	[dreg:$0xc] =	wrdreg s13  }
0x23: {  	s3 =	sshrl.u32 s3, $0x3;
	s5 =	simm.s32 $0x8800;
	[dreg:$0xe] =	wrdreg s15  }
0x24: {  	[dreg:$0x10] =	wrdreg s17;
	s23 =	simm.s32 $0x40;
	s17 =	simm.s32 $0x7  }
0x25: {  	s12 =	simm.s32 $0x6;
	s13 =	simm.s32 $0xE;
	s7 =	sadd.s32 s8, s6  }
0x26: {  	s8 =	sshrl.u32 s9, $0x3;
	s11 =	sadd.s32 s3, s6;
	[dreg:$0x9] =	wrdreg s7  }
0x27: {  	s3 =	simm.s32 $0x6800;
	s10 =	sadd.s32 s8, s6;
	[dreg:$0xb] =	wrdreg s11  }
0x28: {  	s7 =	simm.s32 $0x1;
	s8 =	simm.s32 $0x5;
	s6 =	simm.s32 $0x0  }
0x29: {  	v0 =	vimm.f32 $0.0e+00;
	s11 =	simm.s32 $0x2;
	[dreg:$0xa] =	wrdreg s10;
	s10 =	simm.s32 $0xD  }
.LBB2_1:
0x2a: {  	[tilespmem:$0x8800] =	vst v0  }
0x2b: {  	[tilespmem:$0x8810] =	vst v0  }
0x2c: {  	[tilespmem:$0x8820] =	vst v0  }
0x2d: {  	[tilespmem:$0x8830] =	vst v0  }
0x2e: {  	[tilespmem:$0x8840] =	vst v0  }
0x2f: {  	[tilespmem:$0x8850] =	vst v0  }
0x30: {  	[tilespmem:$0x8860] =	vst v0  }
0x31: {  	[tilespmem:$0x8870] =	vst v0  }
0x32: {  	[tilespmem:$0x8880] =	vst v0  }
0x33: {  	[tilespmem:$0x8890] =	vst v0  }
0x34: {  	[tilespmem:$0x88A0] =	vst v0  }
0x35: {  	[tilespmem:$0x88B0] =	vst v0  }
0x36: {  	[tilespmem:$0x88C0] =	vst v0  }
0x37: {  	[tilespmem:$0x88D0] =	vst v0  }
0x38: {  	[tilespmem:$0x88E0] =	vst v0  }
0x39: {  	[tilespmem:$0x88F0] =	vst v0  }
0x3a: {  	[tilespmem:$0x8900] =	vst v0  }
0x3b: {  	[tilespmem:$0x8910] =	vst v0  }
0x3c: {  	[tilespmem:$0x8920] =	vst v0  }
0x3d: {  	[tilespmem:$0x8930] =	vst v0  }
0x3e: {  	[tilespmem:$0x8940] =	vst v0  }
0x3f: {  	[tilespmem:$0x8950] =	vst v0  }
0x40: {  	[tilespmem:$0x8960] =	vst v0  }
0x41: {  	[tilespmem:$0x8970] =	vst v0  }
0x42: {  	[tilespmem:$0x8980] =	vst v0  }
0x43: {  	[tilespmem:$0x8990] =	vst v0  }
0x44: {  	[tilespmem:$0x89A0] =	vst v0  }
0x45: {  	[tilespmem:$0x89B0] =	vst v0  }
0x46: {  	[tilespmem:$0x89C0] =	vst v0  }
0x47: {  	[tilespmem:$0x89D0] =	vst v0  }
0x48: {  	[tilespmem:$0x89E0] =	vst v0  }
0x49: {  	[tilespmem:$0x89F0] =	vst v0  }
0x4a: {  	[tilespmem:$0x8A00] =	vst v0  }
0x4b: {  	[tilespmem:$0x8A10] =	vst v0  }
0x4c: {  	[tilespmem:$0x8A20] =	vst v0  }
0x4d: {  	[tilespmem:$0x8A30] =	vst v0  }
0x4e: {  	[tilespmem:$0x8A40] =	vst v0  }
0x4f: {  	[tilespmem:$0x8A50] =	vst v0  }
0x50: {  	[tilespmem:$0x8A60] =	vst v0  }
0x51: {  	[tilespmem:$0x8A70] =	vst v0  }
0x52: {  	[tilespmem:$0x8A80] =	vst v0  }
0x53: {  	[tilespmem:$0x8A90] =	vst v0  }
0x54: {  	[tilespmem:$0x8AA0] =	vst v0  }
0x55: {  	[tilespmem:$0x8AB0] =	vst v0  }
0x56: {  	[tilespmem:$0x8AC0] =	vst v0  }
0x57: {  	[tilespmem:$0x8AD0] =	vst v0  }
0x58: {  	[tilespmem:$0x8AE0] =	vst v0  }
0x59: {  	[tilespmem:$0x8AF0] =	vst v0  }
0x5a: {  	[tilespmem:$0x8B00] =	vst v0  }
0x5b: {  	[tilespmem:$0x8B10] =	vst v0  }
0x5c: {  	[tilespmem:$0x8B20] =	vst v0  }
0x5d: {  	[tilespmem:$0x8B30] =	vst v0  }
0x5e: {  	[tilespmem:$0x8B40] =	vst v0  }
0x5f: {  	[tilespmem:$0x8B50] =	vst v0  }
0x60: {  	[tilespmem:$0x8B60] =	vst v0  }
0x61: {  	[tilespmem:$0x8B70] =	vst v0  }
0x62: {  	[tilespmem:$0x8B80] =	vst v0  }
0x63: {  	[tilespmem:$0x8B90] =	vst v0  }
0x64: {  	[tilespmem:$0x8BA0] =	vst v0  }
0x65: {  	[tilespmem:$0x8BB0] =	vst v0  }
0x66: {  	[tilespmem:$0x8BC0] =	vst v0  }
0x67: {  	[tilespmem:$0x8BD0] =	vst v0  }
0x68: {  	[tilespmem:$0x8BE0] =	vst v0  }
0x69: {  	[tilespmem:$0x8BF0] =	vst v0;
	s4 =	simm.s32 $0x1000;
	s15 =	sadd.s32 $0x0, s18  }
.LBB2_2:
0x6a: {  	[spmem:s15] =	stream.linear.scatter [tilespmem:s5], [sflag:$0x11], $0x400, $0x38;
	[tilespmem:$0x1C800] =	vst v63  }
0x6b: {  	s15 =	smov.u32 s4;
	p0 =	sne.s32 s4, $0x4E000  }
.Ltmp0:
0x6c: {  	s4 =	sadd.s32 $0x1000, s4;
	(pc) =	sbr.rel @p0 .LBB2_2-.Ltmp0, $3  }
0x6d: {  	_ =	sdelay $0x1  }
0x6e: {  	s15 =	sshra.s32 s15, $0x2  }
0x6f: {  	s15 =	sadd.s32 s15, s18  }
0x70: {  	[dreg:$0x1d] =	wrdreg s6  }
0x71: {  	[spmem:s15] =	stream.linear.scatter [tilespmem:s5], [sflag:$0x11], $0x400, $0x38;
	[tilespmem:$0x1C800] =	vst v63  }
0x72: {  	s4 =	rddreg [dreg:$0x14]  }
0x73: {  	[tilespmem:s26], [sflag:$0x9] =	stream.linear.gather [hbm4b:s4+s26], $0x100, $0x38;
	[tilespmem:$0x1C800] =	vst v63  }
0x74: {  	s6 =	rddreg [dreg:$0x15];
	s5 =	simm.s32 $0x100  }
0x75: {  	[tilespmem:s5], [sflag:$0xA] =	stream.linear.gather [hbm4b:s6+s26], $0x100, $0x38;
	[tilespmem:$0x1C800] =	vst v63  }
0x76: {  	s9 =	rddreg [dreg:$0x16];
	s15 =	simm.s32 $0x200  }
0x77: {  	[tilespmem:s15], [sflag:$0xB] =	stream.linear.gather [hbm4b:s9+s26], $0x100, $0x38;
	[tilespmem:$0x1C800] =	vst v63  }
0x78: {  	s18 =	rddreg [dreg:$0x17]  }
0x79: {  	[tilespmem:s31], [sflag:$0xC] =	stream.linear.gather [hbm4b:s18+s26], $0x100, $0x38;
	[tilespmem:$0x1C800] =	vst v63  }
0x7a: {  	s6 =	rddreg [dreg:$0x18]  }
0x7b: {  	[tilespmem:s19], [sflag:$0xD] =	stream.linear.gather [hbm4b:s6+s26], $0x100, $0x38;
	[tilespmem:$0x1C800] =	vst v63  }
0x7c: {  	s9 =	rddreg [dreg:$0x19]  }
0x7d: {  	[tilespmem:s20], [sflag:$0xE] =	stream.linear.gather [hbm4b:s9+s26], $0x100, $0x38;
	[tilespmem:$0x1C800] =	vst v63  }
0x7e: {  	s18 =	rddreg [dreg:$0x1a];
	s6 =	simm.s32 $0x9  }
0x7f: {  	[tilespmem:s21], [sflag:$0xF] =	stream.linear.gather [hbm4b:s18+s26], $0x100, $0x38;
	[tilespmem:$0x1C800] =	vst v63  }
0x80: {  	_ =	swait.ge [sflag:s6], $0x100  }
0x81: {  	[sflag:s6] =	ssyncset.done $0x0  }
0x82: {  	s9 =	simm.s32 $0xA;
	[sflag:s6] =	ssyncadd.s32 $0xFFFFFF00  }
0x83: {  	[tilespmem:s25], [sflag:$0x1] =	stream.indirect.gather [hbm4b:s1+s23], $0x80, s26, s23, $0xb8;
	[tilespmem:$0x1C800] =	vst v63  }
0x84: {  	_ =	swait.ge [sflag:s9], $0x100  }
0x85: {  	[sflag:s9] =	ssyncset.done $0x0  }
0x86: {  	s18 =	simm.s32 $0xB;
	[sflag:s9] =	ssyncadd.s32 $0xFFFFFF00  }
0x87: {  	[tilespmem:s24], [sflag:$0x2] =	stream.indirect.gather [hbm4b:s1+s23], $0x80, s5, s23, $0xb8;
	[tilespmem:$0x1C800] =	vst v63  }
0x88: {  	_ =	swait.ge [sflag:s18], $0x100  }
0x89: {  	[sflag:s18] =	ssyncset.done $0x0  }
0x8a: {  	[sflag:s18] =	ssyncadd.s32 $0xFFFFFF00  }
0x8b: {  	[tilespmem:s0], [sflag:$0x3] =	stream.indirect.gather [hbm4b:s1+s23], $0x80, s15, s23, $0xb8;
	[tilespmem:$0x1C800] =	vst v63  }
0x8c: {  	s4 =	simm.s32 $0x4E;
	_ =	swait.ge [sflag:s28], $0x400  }
0x8d: {  	s9 =	simm.s32 $0xC;
	s5 =	simm.s32 $0x700;
	[sflag:s28] =	ssyncset.done $0x0  }
.LBB2_4:
0x8e: {  	p0 =	sne.s32 s4, $0x1;
	s4 =	sadd.s32 $0xFFFFFFFF, s4;
	[sflag:s28] =	ssyncadd.s32 $0xFFFFFC00  }
.Ltmp1:
0x8f: {  	(pc) =	sbr.rel @p0 .LBB2_4-.Ltmp1, $3  }
0x90: {  	_ =	sdelay $0x1  }
0x91: {  	_ =	swait.ge [sflag:s28], $0x400  }
0x92: {  	[sflag:s28] =	ssyncset.done $0x0  }
0x93: {  	p0 =	por $0x1, $0x1  }
0x94: {  	[sflag:s28] =	ssyncadd.s32 $0xFFFFFC00;
	p0 =	por p0, p0  }
0x95: {  	[bflag:$0x0] =	sbarrier.arrive $0xFFFF;
	s4 =	simm.s32 @!p0 $0x8  }
0x96: {  	_ =	swait.ge @!p0 [sflag:s4], $0x2000  }
0x97: {  	s15 =	rddreg [dreg:$0xb];
	[sflag:s4] =	ssyncset.done @!p0 $0x0  }
0x98: {  	[sflag:s4] =	ssyncadd.s32 @!p0 $0xFFFFE000;
	s15 =	sadd.s32 $0x0, s15  }
0x99: {  	[tilespmem:s5], [sflag:$0x10] =	stream.linear.gather [hbm4b:s15+s26], $0x100, $0x38;
	[tilespmem:$0x1C800] =	vst v63  }
0x9a: {  	_ =	swait.ge [sflag:s9], $0x100  }
0x9b: {  	[sflag:s9] =	ssyncset.done $0x0  }
0x9c: {  	[sflag:s9] =	ssyncadd.s32 $0xFFFFFF00  }
0x9d: {  	[tilespmem:s3], [sflag:$0x4] =	stream.indirect.gather [hbm4b:s1+s23], $0x80, s31, s23, $0xb8;
	[tilespmem:$0x1C800] =	vst v63  }
0x9e: {  	_ =	swait.ge [sflag:s7], $0x2000  }
0x9f: {  	[sflag:s7] =	ssyncset.done $0x0  }
0xa0: {  	s18 =	rddreg [dreg:$0xc];
	[sflag:s7] =	ssyncadd.s32 $0xFFFFE000  }
0xa1: {  	[spmem:s2] =	stream.indirect.scatter.add.f32 [tilespmem:s25], [sflag:$0x5], $0x80, s18, s23, $0xb8;
	[tilespmem:$0x1C800] =	vst v63  }
0xa2: {  	_ =	swait.ge [sflag:s8], $0x2000  }
0xa3: {  	p0 =	por $0x0, $0x0;
	s4 =	rddreg [dreg:$0xa];
	[sflag:s8] =	ssyncset.done $0x0  }
0xa4: {  	[sflag:s8] =	ssyncadd.s32 $0xFFFFE000;
	s15 =	sadd.s32 @!p0 $0x0, s4;
	s4 =	simm.s32 @!p0 $0x0  }
0xa5: {  	[tilespmem:s4], [sflag:$0x9] =	stream.linear.gather @!p0 [hbm4b:s15+s4], $0x100, $0x38;
	[tilespmem:$0x1C800] =	vst v63  }
0xa6: {  	_ =	swait.ge [sflag:s10], $0x100  }
0xa7: {  	[sflag:s10] =	ssyncset.done $0x0  }
0xa8: {  	[sflag:s10] =	ssyncadd.s32 $0xFFFFFF00  }
0xa9: {  	[tilespmem:s25], [sflag:$0x1] =	stream.indirect.gather [hbm4b:s1+s23], $0x80, s19, s23, $0xb8;
	[tilespmem:$0x1C800] =	vst v63  }
0xaa: {  	_ =	swait.ge [sflag:s11], $0x2000  }
0xab: {  	[sflag:s11] =	ssyncset.done $0x0  }
0xac: {  	s19 =	rddreg [dreg:$0xd];
	[sflag:s11] =	ssyncadd.s32 $0xFFFFE000  }
0xad: {  	[spmem:s2] =	stream.indirect.scatter.add.f32 [tilespmem:s24], [sflag:$0x6], $0x80, s19, s23, $0xb8;
	[tilespmem:$0x1C800] =	vst v63  }
0xae: {  	_ =	swait.ge [sflag:s12], $0x2000  }
0xaf: {  	s15 =	rddreg [dreg:$0x9];
	[sflag:s12] =	ssyncset.done $0x0  }
0xb0: {  	s18 =	simm.s32 @!p0 $0x100;
	[sflag:s12] =	ssyncadd.s32 $0xFFFFE000;
	s15 =	sadd.s32 @!p0 $0x0, s15  }
0xb1: {  	[tilespmem:s18], [sflag:$0xA] =	stream.linear.gather @!p0 [hbm4b:s15+s4], $0x100, $0x38;
	[tilespmem:$0x1C800] =	vst v63  }
0xb2: {  	_ =	swait.ge [sflag:s13], $0x100  }
0xb3: {  	[sflag:s13] =	ssyncset.done $0x0  }
0xb4: {  	[sflag:s13] =	ssyncadd.s32 $0xFFFFFF00  }
0xb5: {  	[tilespmem:s24], [sflag:$0x2] =	stream.indirect.gather [hbm4b:s1+s23], $0x80, s20, s23, $0xb8;
	[tilespmem:$0x1C800] =	vst v63  }
0xb6: {  	_ =	swait.ge [sflag:s16], $0x2000  }
0xb7: {  	[sflag:s16] =	ssyncset.done $0x0  }
0xb8: {  	s20 =	rddreg [dreg:$0xe];
	[sflag:s16] =	ssyncadd.s32 $0xFFFFE000  }
0xb9: {  	[spmem:s2] =	stream.indirect.scatter.add.f32 [tilespmem:s0], [sflag:$0x7], $0x80, s20, s23, $0xb8;
	[tilespmem:$0x1C800] =	vst v63  }
0xba: {  	_ =	swait.ge [sflag:s17], $0x2000  }
0xbb: {  	s6 =	simm.s32 $0xF;
	s15 =	rddreg [dreg:$0x8];
	[sflag:s17] =	ssyncset.done $0x0  }
0xbc: {  	[sflag:s17] =	ssyncadd.s32 $0xFFFFE000;
	s19 =	sadd.s32 @!p0 $0x0, s15;
	s15 =	simm.s32 @!p0 $0x200  }
0xbd: {  	[tilespmem:s15], [sflag:$0xB] =	stream.linear.gather @!p0 [hbm4b:s19+s4], $0x100, $0x38;
	[tilespmem:$0x1C800] =	vst v63  }
0xbe: {  	_ =	swait.ge [sflag:s6], $0x100  }
0xbf: {  	[sflag:s6] =	ssyncset.done $0x0  }
0xc0: {  	[sflag:s6] =	ssyncadd.s32 $0xFFFFFF00  }
0xc1: {  	[tilespmem:s0], [sflag:$0x3] =	stream.indirect.gather [hbm4b:s1+s23], $0x80, s21, s23, $0xb8;
	[tilespmem:$0x1C800] =	vst v63  }
0xc2: {  	_ =	swait.ge [sflag:s14], $0x2000  }
0xc3: {  	[sflag:s14] =	ssyncset.done $0x0  }
0xc4: {  	s21 =	rddreg [dreg:$0xf];
	[sflag:s14] =	ssyncadd.s32 $0xFFFFE000  }
0xc5: {  	[spmem:s2] =	stream.indirect.scatter.add.f32 [tilespmem:s3], [sflag:$0x8], $0x80, s21, s23, $0xb8;
	[tilespmem:$0x1C800] =	vst v63  }
0xc6: {  	_ =	swait.ge [sflag:s22], $0x2000  }
0xc7: {  	s19 =	rddreg [dreg:$0x7];
	[sflag:s22] =	ssyncset.done $0x0  }
0xc8: {  	s20 =	simm.s32 @!p0 $0x300;
	[sflag:s22] =	ssyncadd.s32 $0xFFFFE000;
	s19 =	sadd.s32 @!p0 $0x0, s19  }
0xc9: {  	[tilespmem:s20], [sflag:$0xC] =	stream.linear.gather @!p0 [hbm4b:s19+s4], $0x100, $0x38;
	[tilespmem:$0x1C800] =	vst v63  }
0xca: {  	_ =	swait.ge [sflag:s29], $0x100  }
0xcb: {  	[sflag:s29] =	ssyncset.done $0x0  }
0xcc: {  	[sflag:s29] =	ssyncadd.s32 $0xFFFFFF00  }
0xcd: {  	[tilespmem:s3], [sflag:$0x4] =	stream.indirect.gather [hbm4b:s1+s23], $0x80, s5, s23, $0xb8;
	[tilespmem:$0x1C800] =	vst v63  }
0xce: {  	_ =	swait.ge [sflag:s7], $0x2000  }
0xcf: {  	[sflag:s7] =	ssyncset.done $0x0  }
0xd0: {  	s24 =	rddreg [dreg:$0x10];
	[sflag:s7] =	ssyncadd.s32 $0xFFFFE000  }
0xd1: {  	[spmem:s2] =	stream.indirect.scatter.add.f32 [tilespmem:s25], [sflag:$0x5], $0x80, s24, s23, $0xb8;
	[tilespmem:$0x1C800] =	vst v63  }
0xd2: {  	_ =	swait.ge [sflag:s8], $0x2000  }
0xd3: {  	[sflag:s8] =	ssyncset.done $0x0  }
0xd4: {  	s19 =	simm.s32 @p0 $0x2;
	[sflag:s8] =	ssyncadd.s32 $0xFFFFE000  }
0xd5: {  	_ =	swait.ge @p0 [sflag:s19], $0x2000  }
0xd6: {  	s28 =	simm.s32 @p0 $0x580;
	s20 =	simm.s32 @p0 $0x2800;
	[sflag:s19] =	ssyncset.done @p0 $0x0  }
0xd7: {  	s25 =	simm.s32 @p0 $0x6;
	[sflag:s19] =	ssyncadd.s32 @p0 $0xFFFFE000;
	s19 =	simm.s32 @p0 $0x40  }
0xd8: {  	[spmem:s2] =	stream.indirect.scatter.add.f32 @p0 [tilespmem:s20], [sflag:$0x6], $0x80, s28, s19, $0xb8;
	[tilespmem:$0x1C800] =	vst v63  }
0xd9: {  	_ =	swait.ge @p0 [sflag:s25], $0x2000  }
0xda: {  	s20 =	simm.s32 @!p0 $0x9;
	s19 =	rddreg [dreg:$0x6];
	[sflag:s25] =	ssyncset.done @p0 $0x0  }
0xdb: {  	[sflag:s25] =	ssyncadd.s32 @p0 $0xFFFFE000;
	s19 =	sadd.s32 @!p0 $0x0, s19;
	s25 =	simm.s32 @!p0 $0x400  }
0xdc: {  	[tilespmem:s25], [sflag:$0xD] =	stream.linear.gather @!p0 [hbm4b:s19+s4], $0x100, $0x38;
	[tilespmem:$0x1C800] =	vst v63  }
0xdd: {  	_ =	swait.ge @!p0 [sflag:s20], $0x100  }
0xde: {  	s19 =	simm.s32 @!p0 $0x2;
	[sflag:s20] =	ssyncset.done @!p0 $0x0  }
0xdf: {  	s25 =	simm.s32 @!p0 $0x800;
	[sflag:s20] =	ssyncadd.s32 @!p0 $0xFFFFFF00;
	s20 =	simm.s32 @!p0 $0x40  }
0xe0: {  	[tilespmem:s25], [sflag:$0x1] =	stream.indirect.gather @!p0 [hbm4b:s1+s20], $0x80, s4, s20, $0xb8;
	[tilespmem:$0x1C800] =	vst v63  }
0xe1: {  	_ =	swait.ge @!p0 [sflag:s19], $0x2000  }
0xe2: {  	s28 =	simm.s32 @!p0 $0x2800;
	[sflag:s19] =	ssyncset.done @!p0 $0x0  }
0xe3: {  	s25 =	simm.s32 @!p0 $0x6;
	[sflag:s19] =	ssyncadd.s32 @!p0 $0xFFFFE000;
	s19 =	simm.s32 @!p0 $0x580  }
0xe4: {  	[spmem:s2] =	stream.indirect.scatter.add.f32 @!p0 [tilespmem:s28], [sflag:$0x6], $0x80, s19, s20, $0xb8;
	[tilespmem:$0x1C800] =	vst v63  }
0xe5: {  	_ =	swait.ge @!p0 [sflag:s25], $0x2000  }
0xe6: {  	s19 =	rddreg [dreg:$0x5];
	[sflag:s25] =	ssyncset.done @!p0 $0x0  }
0xe7: {  	[sflag:s25] =	ssyncadd.s32 @!p0 $0xFFFFE000;
	s19 =	sadd.s32 @!p0 $0x0, s19;
	s25 =	simm.s32 @!p0 $0x500  }
0xe8: {  	[tilespmem:s25], [sflag:$0xE] =	stream.linear.gather @!p0 [hbm4b:s19+s4], $0x100, $0x38;
	[tilespmem:$0x1C800] =	vst v63  }
0xe9: {  	s19 =	simm.s32 @!p0 $0xA  }
0xea: {  	_ =	swait.ge @!p0 [sflag:s19], $0x100  }
0xeb: {  	[sflag:s19] =	ssyncset.done @!p0 $0x0  }
0xec: {  	[sflag:s19] =	ssyncadd.s32 @!p0 $0xFFFFFF00  }
0xed: {  	[tilespmem:s28], [sflag:$0x2] =	stream.indirect.gather @!p0 [hbm4b:s1+s20], $0x80, s18, s20, $0xb8;
	[tilespmem:$0x1C800] =	vst v63  }
0xee: {  	_ =	swait.ge [sflag:s16], $0x2000  }
0xef: {  	[sflag:s16] =	ssyncset.done $0x0  }
0xf0: {  	s0 =	simm.s32 $0x4800;
	s25 =	rddreg [dreg:$0x11];
	[sflag:s16] =	ssyncadd.s32 $0xFFFFE000  }
0xf1: {  	[spmem:s2] =	stream.indirect.scatter.add.f32 [tilespmem:s0], [sflag:$0x7], $0x80, s25, s23, $0xb8;
	[tilespmem:$0x1C800] =	vst v63  }
0xf2: {  	_ =	swait.ge [sflag:s17], $0x2000  }
0xf3: {  	s18 =	rddreg [dreg:$0x4];
	[sflag:s17] =	ssyncset.done $0x0  }
0xf4: {  	s19 =	simm.s32 @!p0 $0x600;
	[sflag:s17] =	ssyncadd.s32 $0xFFFFE000;
	s18 =	sadd.s32 @!p0 $0x0, s18  }
0xf5: {  	[tilespmem:s19], [sflag:$0xF] =	stream.linear.gather @!p0 [hbm4b:s18+s4], $0x100, $0x38;
	[tilespmem:$0x1C800] =	vst v63  }
0xf6: {  	s4 =	simm.s32 @!p0 $0xB  }
0xf7: {  	_ =	swait.ge @!p0 [sflag:s4], $0x100  }
0xf8: {  	p6 =	por $0x0, $0x0;
	[sflag:s4] =	ssyncset.done @!p0 $0x0  }
0xf9: {  	s9 =	simm.s32 $0xC;
	[sflag:s4] =	ssyncadd.s32 @!p0 $0xFFFFFF00;
	s4 =	simm.s32 @!p0 $0x4800  }
0xfa: {  	[tilespmem:s4], [sflag:$0x3] =	stream.indirect.gather @!p0 [hbm4b:s1+s20], $0x80, s15, s20, $0xb8;
	[tilespmem:$0x1C800] =	vst v63  }
0xfb: {  	s22 =	simm.s32 $0x8;
	s24 =	simm.s32 $0x2800;
	_ =	swait.ge [sflag:s14], $0x2000  }
0xfc: {  	s28 =	simm.s32 $0x200;
	s25 =	simm.s32 $0x100;
	[sflag:s14] =	ssyncset.done $0x0  }
0xfd: {  	p0 =	por p6, p6;
	s4 =	rddreg [dreg:$0x12];
	[sflag:s14] =	ssyncadd.s32 $0xFFFFE000  }
.LBB2_6:
0xfe: {  	[spmem:s2] =	stream.indirect.scatter.add.f32 [tilespmem:s3], [sflag:$0x8], $0x80, s4, s23, $0xb8;
	[tilespmem:$0x1C800] =	vst v63  }
0xff: {  	s15 =	simm.s32 @!p0 $0x8  }
0x100: {  	_ =	swait.ge @!p0 [sflag:s15], $0x2000  }
0x101: {  	[sflag:s15] =	ssyncset.done @!p0 $0x0;
	s18 =	rddreg [dreg:$0xb]  }
0x102: {  	s5 =	simm.s32 $0x700;
	[sflag:s15] =	ssyncadd.s32 @!p0 $0xFFFFE000;
	s18 =	sadd.s32 s25, s18  }
0x103: {  	[tilespmem:s5], [sflag:$0x10] =	stream.linear.gather [hbm4b:s18+s26], $0x100, $0x38;
	[tilespmem:$0x1C800] =	vst v63  }
0x104: {  	_ =	swait.ge [sflag:s9], $0x100  }
0x105: {  	[sflag:s9] =	ssyncset.done $0x0  }
0x106: {  	[sflag:s9] =	ssyncadd.s32 $0xFFFFFF00  }
0x107: {  	[tilespmem:s3], [sflag:$0x4] =	stream.indirect.gather [hbm4b:s1+s23], $0x80, s31, s23, $0xb8;
	[tilespmem:$0x1C800] =	vst v63  }
0x108: {  	_ =	swait.ge [sflag:s7], $0x2000  }
0x109: {  	s4 =	smov.u32 s28;
	[sflag:s7] =	ssyncset.done $0x0  }
0x10a: {  	p2 =	seq.s32 s4, $0x0;
	s19 =	rddreg [dreg:$0xc];
	[sflag:s7] =	ssyncadd.s32 $0xFFFFE000  }
0x10b: {  	[spmem:s2] =	stream.indirect.scatter.add.f32 [tilespmem:s30], [sflag:$0x5], $0x80, s19, s23, $0xb8;
	[tilespmem:$0x1C800] =	vst v63  }
0x10c: {  	p0 =	por p2, p2;
	_ =	swait.ge [sflag:s8], $0x2000  }
0x10d: {  	p2 =	seq.s32 s25, $0x1300;
	s15 =	rddreg [dreg:$0xa];
	[sflag:s8] =	ssyncset.done $0x0  }
0x10e: {  	[sflag:s8] =	ssyncadd.s32 $0xFFFFE000;
	s18 =	sadd.s32 @!p2 s25, s15;
	s15 =	simm.s32 @!p2 $0x0  }
0x10f: {  	[tilespmem:s15], [sflag:$0x9] =	stream.linear.gather @!p2 [hbm4b:s18+s15], $0x100, $0x38;
	[tilespmem:$0x1C800] =	vst v63  }
0x110: {  	_ =	swait.ge [sflag:s10], $0x100  }
0x111: {  	[sflag:s10] =	ssyncset.done $0x0  }
0x112: {  	s20 =	simm.s32 $0x400;
	[sflag:s10] =	ssyncadd.s32 $0xFFFFFF00  }
0x113: {  	[tilespmem:s30], [sflag:$0x1] =	stream.indirect.gather [hbm4b:s1+s23], $0x80, s20, s23, $0xb8;
	[tilespmem:$0x1C800] =	vst v63  }
0x114: {  	_ =	swait.ge [sflag:s11], $0x2000  }
0x115: {  	[sflag:s11] =	ssyncset.done $0x0  }
0x116: {  	s21 =	rddreg [dreg:$0xd];
	[sflag:s11] =	ssyncadd.s32 $0xFFFFE000  }
0x117: {  	[spmem:s2] =	stream.indirect.scatter.add.f32 [tilespmem:s24], [sflag:$0x6], $0x80, s21, s23, $0xb8;
	[tilespmem:$0x1C800] =	vst v63  }
0x118: {  	_ =	swait.ge [sflag:s12], $0x2000  }
0x119: {  	s18 =	rddreg [dreg:$0x9];
	[sflag:s12] =	ssyncset.done $0x0  }
0x11a: {  	s19 =	simm.s32 @!p2 $0x100;
	[sflag:s12] =	ssyncadd.s32 $0xFFFFE000;
	s18 =	sadd.s32 @!p2 s25, s18  }
0x11b: {  	[tilespmem:s19], [sflag:$0xA] =	stream.linear.gather @!p2 [hbm4b:s18+s15], $0x100, $0x38;
	[tilespmem:$0x1C800] =	vst v63  }
0x11c: {  	_ =	swait.ge [sflag:s13], $0x100  }
0x11d: {  	[sflag:s13] =	ssyncset.done $0x0  }
0x11e: {  	s26 =	simm.s32 $0x500;
	[sflag:s13] =	ssyncadd.s32 $0xFFFFFF00  }
0x11f: {  	[tilespmem:s24], [sflag:$0x2] =	stream.indirect.gather [hbm4b:s1+s23], $0x80, s26, s23, $0xb8;
	[tilespmem:$0x1C800] =	vst v63  }
0x120: {  	_ =	swait.ge [sflag:s16], $0x2000  }
0x121: {  	[sflag:s16] =	ssyncset.done $0x0  }
0x122: {  	s20 =	rddreg [dreg:$0xe];
	[sflag:s16] =	ssyncadd.s32 $0xFFFFE000  }
0x123: {  	[spmem:s2] =	stream.indirect.scatter.add.f32 [tilespmem:s0], [sflag:$0x7], $0x80, s20, s23, $0xb8;
	[tilespmem:$0x1C800] =	vst v63  }
0x124: {  	_ =	swait.ge [sflag:s17], $0x2000  }
0x125: {  	s18 =	rddreg [dreg:$0x8];
	[sflag:s17] =	ssyncset.done $0x0  }
0x126: {  	[sflag:s17] =	ssyncadd.s32 $0xFFFFE000;
	s20 =	sadd.s32 @!p2 s25, s18;
	s18 =	simm.s32 @!p2 $0x200  }
0x127: {  	[tilespmem:s18], [sflag:$0xB] =	stream.linear.gather @!p2 [hbm4b:s20+s15], $0x100, $0x38;
	[tilespmem:$0x1C800] =	vst v63  }
0x128: {  	_ =	swait.ge [sflag:s6], $0x100  }
0x129: {  	[sflag:s6] =	ssyncset.done $0x0  }
0x12a: {  	s21 =	simm.s32 $0x600;
	[sflag:s6] =	ssyncadd.s32 $0xFFFFFF00  }
0x12b: {  	[tilespmem:s0], [sflag:$0x3] =	stream.indirect.gather [hbm4b:s1+s23], $0x80, s21, s23, $0xb8;
	[tilespmem:$0x1C800] =	vst v63  }
0x12c: {  	_ =	swait.ge [sflag:s14], $0x2000  }
0x12d: {  	[sflag:s14] =	ssyncset.done $0x0  }
0x12e: {  	s26 =	rddreg [dreg:$0xf];
	[sflag:s14] =	ssyncadd.s32 $0xFFFFE000  }
0x12f: {  	[spmem:s2] =	stream.indirect.scatter.add.f32 [tilespmem:s3], [sflag:$0x8], $0x80, s26, s23, $0xb8;
	[tilespmem:$0x1C800] =	vst v63  }
0x130: {  	_ =	swait.ge [sflag:s22], $0x2000  }
0x131: {  	s20 =	rddreg [dreg:$0x7];
	[sflag:s22] =	ssyncset.done $0x0  }
0x132: {  	s21 =	simm.s32 @!p2 $0x300;
	[sflag:s22] =	ssyncadd.s32 $0xFFFFE000;
	s20 =	sadd.s32 @!p2 s25, s20  }
0x133: {  	[tilespmem:s21], [sflag:$0xC] =	stream.linear.gather @!p2 [hbm4b:s20+s15], $0x100, $0x38;
	[tilespmem:$0x1C800] =	vst v63  }
0x134: {  	_ =	swait.ge [sflag:s29], $0x100  }
0x135: {  	[sflag:s29] =	ssyncset.done $0x0  }
0x136: {  	[sflag:s29] =	ssyncadd.s32 $0xFFFFFF00  }
0x137: {  	[tilespmem:s3], [sflag:$0x4] =	stream.indirect.gather [hbm4b:s1+s23], $0x80, s5, s23, $0xb8;
	[tilespmem:$0x1C800] =	vst v63  }
0x138: {  	_ =	swait.ge [sflag:s7], $0x2000  }
0x139: {  	[sflag:s7] =	ssyncset.done $0x0  }
0x13a: {  	s5 =	rddreg [dreg:$0x10];
	[sflag:s7] =	ssyncadd.s32 $0xFFFFE000  }
0x13b: {  	[spmem:s2] =	stream.indirect.scatter.add.f32 [tilespmem:s30], [sflag:$0x5], $0x80, s5, s23, $0xb8;
	[tilespmem:$0x1C800] =	vst v63  }
0x13c: {  	_ =	swait.ge [sflag:s8], $0x2000  }
0x13d: {  	[sflag:s8] =	ssyncset.done $0x0  }
0x13e: {  	s20 =	simm.s32 @p2 $0x2;
	[sflag:s8] =	ssyncadd.s32 $0xFFFFE000  }
0x13f: {  	_ =	swait.ge @p2 [sflag:s20], $0x2000  }
0x140: {  	s26 =	simm.s32 @p2 $0x580;
	s21 =	simm.s32 @p2 $0x2800;
	[sflag:s20] =	ssyncset.done @p2 $0x0  }
0x141: {  	s5 =	simm.s32 @p2 $0x6;
	[sflag:s20] =	ssyncadd.s32 @p2 $0xFFFFE000;
	s20 =	simm.s32 @p2 $0x40  }
0x142: {  	[spmem:s2] =	stream.indirect.scatter.add.f32 @p2 [tilespmem:s21], [sflag:$0x6], $0x80, s26, s20, $0xb8;
	[tilespmem:$0x1C800] =	vst v63  }
0x143: {  	_ =	swait.ge @p2 [sflag:s5], $0x2000  }
0x144: {  	s21 =	simm.s32 @!p2 $0x9;
	s20 =	rddreg [dreg:$0x6];
	[sflag:s5] =	ssyncset.done @p2 $0x0  }
0x145: {  	[sflag:s5] =	ssyncadd.s32 @p2 $0xFFFFE000;
	s5 =	sadd.s32 @!p2 s25, s20;
	s20 =	simm.s32 @!p2 $0x400  }
0x146: {  	[tilespmem:s20], [sflag:$0xD] =	stream.linear.gather @!p2 [hbm4b:s5+s15], $0x100, $0x38;
	[tilespmem:$0x1C800] =	vst v63  }
0x147: {  	_ =	swait.ge @!p2 [sflag:s21], $0x100  }
0x148: {  	s5 =	simm.s32 @!p2 $0x2;
	[sflag:s21] =	ssyncset.done @!p2 $0x0  }
0x149: {  	s20 =	simm.s32 @!p2 $0x40;
	[sflag:s21] =	ssyncadd.s32 @!p2 $0xFFFFFF00;
	s21 =	simm.s32 @!p2 $0x800  }
0x14a: {  	[tilespmem:s21], [sflag:$0x1] =	stream.indirect.gather @!p2 [hbm4b:s1+s20], $0x80, s15, s20, $0xb8;
	[tilespmem:$0x1C800] =	vst v63  }
0x14b: {  	_ =	swait.ge @!p2 [sflag:s5], $0x2000  }
0x14c: {  	s26 =	simm.s32 @!p2 $0x2800;
	[sflag:s5] =	ssyncset.done @!p2 $0x0  }
0x14d: {  	s21 =	simm.s32 @!p2 $0x6;
	[sflag:s5] =	ssyncadd.s32 @!p2 $0xFFFFE000;
	s5 =	simm.s32 @!p2 $0x580  }
0x14e: {  	[spmem:s2] =	stream.indirect.scatter.add.f32 @!p2 [tilespmem:s26], [sflag:$0x6], $0x80, s5, s20, $0xb8;
	[tilespmem:$0x1C800] =	vst v63  }
0x14f: {  	_ =	swait.ge @!p2 [sflag:s21], $0x2000  }
0x150: {  	s31 =	simm.s32 @!p2 $0xA;
	s5 =	rddreg [dreg:$0x5];
	[sflag:s21] =	ssyncset.done @!p2 $0x0  }
0x151: {  	[sflag:s21] =	ssyncadd.s32 @!p2 $0xFFFFE000;
	s5 =	sadd.s32 @!p2 s25, s5;
	s21 =	simm.s32 @!p2 $0x500  }
0x152: {  	[tilespmem:s21], [sflag:$0xE] =	stream.linear.gather @!p2 [hbm4b:s5+s15], $0x100, $0x38;
	[tilespmem:$0x1C800] =	vst v63  }
0x153: {  	_ =	swait.ge @!p2 [sflag:s31], $0x100  }
0x154: {  	[sflag:s31] =	ssyncset.done @!p2 $0x0  }
0x155: {  	[sflag:s31] =	ssyncadd.s32 @!p2 $0xFFFFFF00  }
0x156: {  	[tilespmem:s26], [sflag:$0x2] =	stream.indirect.gather @!p2 [hbm4b:s1+s20], $0x80, s19, s20, $0xb8;
	[tilespmem:$0x1C800] =	vst v63  }
0x157: {  	_ =	swait.ge [sflag:s16], $0x2000  }
0x158: {  	[sflag:s16] =	ssyncset.done $0x0  }
0x159: {  	s21 =	rddreg [dreg:$0x11];
	[sflag:s16] =	ssyncadd.s32 $0xFFFFE000  }
0x15a: {  	[spmem:s2] =	stream.indirect.scatter.add.f32 [tilespmem:s0], [sflag:$0x7], $0x80, s21, s23, $0xb8;
	[tilespmem:$0x1C800] =	vst v63  }
0x15b: {  	_ =	swait.ge [sflag:s17], $0x2000  }
0x15c: {  	s19 =	simm.s32 @!p2 $0xB;
	s5 =	rddreg [dreg:$0x4];
	[sflag:s17] =	ssyncset.done $0x0  }
0x15d: {  	s21 =	simm.s32 @!p2 $0x600;
	[sflag:s17] =	ssyncadd.s32 $0xFFFFE000;
	s5 =	sadd.s32 @!p2 s25, s5  }
0x15e: {  	[tilespmem:s21], [sflag:$0xF] =	stream.linear.gather @!p2 [hbm4b:s5+s15], $0x100, $0x38;
	[tilespmem:$0x1C800] =	vst v63  }
0x15f: {  	s28 =	sadd.s32 $0x100, s28;
	_ =	swait.ge @!p2 [sflag:s19], $0x100  }
0x160: {  	p1 =	sne.s32 s28, $0x1400;
	s25 =	smov.u32 s4;
	[sflag:s19] =	ssyncset.done @!p2 $0x0  }
.Ltmp2:
0x161: {  	s4 =	simm.s32 @!p2 $0x4800;
	[sflag:s19] =	ssyncadd.s32 @!p2 $0xFFFFFF00;
	(pc) =	sbr.rel @p1 .LBB2_6-.Ltmp2, $4  }
0x162: {  	[tilespmem:s4], [sflag:$0x3] =	stream.indirect.gather @!p2 [hbm4b:s1+s20], $0x80, s18, s20, $0xb8;
	[tilespmem:$0x1C800] =	vst v63  }
0x163: {  	_ =	swait.ge [sflag:s14], $0x2000  }
0x164: {  	s31 =	simm.s32 $0x300;
	[sflag:s14] =	ssyncset.done $0x0  }
0x165: {  	s26 =	simm.s32 $0x0;
	s4 =	rddreg [dreg:$0x12];
	[sflag:s14] =	ssyncadd.s32 $0xFFFFE000  }
0x166: {  	[spmem:s2] =	stream.indirect.scatter.add.f32 [tilespmem:s3], [sflag:$0x8], $0x80, s4, s23, $0xb8;
	[tilespmem:$0x1C800] =	vst v63  }
0x167: {  	s4 =	simm.s32 @!p0 $0x8  }
0x168: {  	_ =	swait.ge @!p0 [sflag:s4], $0x2000  }
0x169: {  	s5 =	rddreg [dreg:$0xb];
	[sflag:s4] =	ssyncset.done @!p0 $0x0  }
0x16a: {  	s20 =	simm.s32 $0x700;
	[sflag:s4] =	ssyncadd.s32 @!p0 $0xFFFFE000;
	s18 =	sadd.s32 s25, s5  }
0x16b: {  	[tilespmem:s20], [sflag:$0x10] =	stream.linear.gather [hbm4b:s18+s26], $0x100, $0x38;
	[tilespmem:$0x1C800] =	vst v63  }
0x16c: {  	_ =	swait.ge [sflag:s9], $0x100  }
0x16d: {  	[sflag:s9] =	ssyncset.done $0x0  }
0x16e: {  	[sflag:s9] =	ssyncadd.s32 $0xFFFFFF00  }
0x16f: {  	[tilespmem:s3], [sflag:$0x4] =	stream.indirect.gather [hbm4b:s1+s23], $0x80, s31, s23, $0xb8;
	[tilespmem:$0x1C800] =	vst v63  }
0x170: {  	_ =	swait.ge [sflag:s7], $0x2000  }
0x171: {  	[sflag:s7] =	ssyncset.done $0x0  }
0x172: {  	s19 =	rddreg [dreg:$0xc];
	[sflag:s7] =	ssyncadd.s32 $0xFFFFE000  }
0x173: {  	[spmem:s2] =	stream.indirect.scatter.add.f32 [tilespmem:s30], [sflag:$0x5], $0x80, s19, s23, $0xb8;
	[tilespmem:$0x1C800] =	vst v63  }
0x174: {  	_ =	swait.ge [sflag:s8], $0x2000  }
0x175: {  	p0 =	seq.s32 s25, $0x1300;
	s4 =	rddreg [dreg:$0xa];
	[sflag:s8] =	ssyncset.done $0x0  }
0x176: {  	[sflag:s8] =	ssyncadd.s32 $0xFFFFE000;
	s5 =	sadd.s32 @!p0 s25, s4;
	s4 =	simm.s32 @!p0 $0x0  }
0x177: {  	[tilespmem:s4], [sflag:$0x9] =	stream.linear.gather @!p0 [hbm4b:s5+s4], $0x100, $0x38;
	[tilespmem:$0x1C800] =	vst v63  }
0x178: {  	_ =	swait.ge [sflag:s10], $0x100  }
0x179: {  	[sflag:s10] =	ssyncset.done $0x0  }
0x17a: {  	s21 =	simm.s32 $0x400;
	[sflag:s10] =	ssyncadd.s32 $0xFFFFFF00  }
0x17b: {  	[tilespmem:s30], [sflag:$0x1] =	stream.indirect.gather [hbm4b:s1+s23], $0x80, s21, s23, $0xb8;
	[tilespmem:$0x1C800] =	vst v63  }
0x17c: {  	_ =	swait.ge [sflag:s11], $0x2000  }
0x17d: {  	[sflag:s11] =	ssyncset.done $0x0  }
0x17e: {  	s9 =	rddreg [dreg:$0xd];
	[sflag:s11] =	ssyncadd.s32 $0xFFFFE000  }
0x17f: {  	[spmem:s2] =	stream.indirect.scatter.add.f32 [tilespmem:s24], [sflag:$0x6], $0x80, s9, s23, $0xb8;
	[tilespmem:$0x1C800] =	vst v63  }
0x180: {  	_ =	swait.ge [sflag:s12], $0x2000  }
0x181: {  	s5 =	rddreg [dreg:$0x9];
	[sflag:s12] =	ssyncset.done $0x0  }
0x182: {  	s18 =	simm.s32 @!p0 $0x100;
	[sflag:s12] =	ssyncadd.s32 $0xFFFFE000;
	s5 =	sadd.s32 @!p0 s25, s5  }
0x183: {  	[tilespmem:s18], [sflag:$0xA] =	stream.linear.gather @!p0 [hbm4b:s5+s4], $0x100, $0x38;
	[tilespmem:$0x1C800] =	vst v63  }
0x184: {  	_ =	swait.ge [sflag:s13], $0x100  }
0x185: {  	[sflag:s13] =	ssyncset.done $0x0  }
0x186: {  	s15 =	simm.s32 $0x500;
	[sflag:s13] =	ssyncadd.s32 $0xFFFFFF00  }
0x187: {  	[tilespmem:s24], [sflag:$0x2] =	stream.indirect.gather [hbm4b:s1+s23], $0x80, s15, s23, $0xb8;
	[tilespmem:$0x1C800] =	vst v63  }
0x188: {  	_ =	swait.ge [sflag:s16], $0x2000  }
0x189: {  	[sflag:s16] =	ssyncset.done $0x0  }
0x18a: {  	s19 =	rddreg [dreg:$0xe];
	[sflag:s16] =	ssyncadd.s32 $0xFFFFE000  }
0x18b: {  	[spmem:s2] =	stream.indirect.scatter.add.f32 [tilespmem:s0], [sflag:$0x7], $0x80, s19, s23, $0xb8;
	[tilespmem:$0x1C800] =	vst v63  }
0x18c: {  	_ =	swait.ge [sflag:s17], $0x2000  }
0x18d: {  	s5 =	rddreg [dreg:$0x8];
	[sflag:s17] =	ssyncset.done $0x0  }
0x18e: {  	s15 =	simm.s32 @!p0 $0x200;
	[sflag:s17] =	ssyncadd.s32 $0xFFFFE000;
	s5 =	sadd.s32 @!p0 s25, s5  }
0x18f: {  	[tilespmem:s15], [sflag:$0xB] =	stream.linear.gather @!p0 [hbm4b:s5+s4], $0x100, $0x38;
	[tilespmem:$0x1C800] =	vst v63  }
0x190: {  	_ =	swait.ge [sflag:s6], $0x100  }
0x191: {  	[sflag:s6] =	ssyncset.done $0x0  }
0x192: {  	s21 =	simm.s32 $0x600;
	[sflag:s6] =	ssyncadd.s32 $0xFFFFFF00  }
0x193: {  	[tilespmem:s0], [sflag:$0x3] =	stream.indirect.gather [hbm4b:s1+s23], $0x80, s21, s23, $0xb8;
	[tilespmem:$0x1C800] =	vst v63  }
0x194: {  	_ =	swait.ge [sflag:s14], $0x2000  }
0x195: {  	[sflag:s14] =	ssyncset.done $0x0  }
0x196: {  	s24 =	rddreg [dreg:$0xf];
	[sflag:s14] =	ssyncadd.s32 $0xFFFFE000  }
0x197: {  	[spmem:s2] =	stream.indirect.scatter.add.f32 [tilespmem:s3], [sflag:$0x8], $0x80, s24, s23, $0xb8;
	[tilespmem:$0x1C800] =	vst v63  }
0x198: {  	_ =	swait.ge [sflag:s22], $0x2000  }
0x199: {  	s5 =	rddreg [dreg:$0x7];
	[sflag:s22] =	ssyncset.done $0x0  }
0x19a: {  	s19 =	simm.s32 @!p0 $0x300;
	[sflag:s22] =	ssyncadd.s32 $0xFFFFE000;
	s5 =	sadd.s32 @!p0 s25, s5  }
0x19b: {  	[tilespmem:s19], [sflag:$0xC] =	stream.linear.gather @!p0 [hbm4b:s5+s4], $0x100, $0x38;
	[tilespmem:$0x1C800] =	vst v63  }
0x19c: {  	_ =	swait.ge [sflag:s29], $0x100  }
0x19d: {  	[sflag:s29] =	ssyncset.done $0x0  }
0x19e: {  	[sflag:s29] =	ssyncadd.s32 $0xFFFFFF00  }
0x19f: {  	[tilespmem:s3], [sflag:$0x4] =	stream.indirect.gather [hbm4b:s1+s23], $0x80, s20, s23, $0xb8;
	[tilespmem:$0x1C800] =	vst v63  }
0x1a0: {  	_ =	swait.ge [sflag:s7], $0x2000  }
0x1a1: {  	[sflag:s7] =	ssyncset.done $0x0  }
0x1a2: {  	s6 =	rddreg [dreg:$0x10];
	[sflag:s7] =	ssyncadd.s32 $0xFFFFE000  }
0x1a3: {  	[spmem:s2] =	stream.indirect.scatter.add.f32 [tilespmem:s30], [sflag:$0x5], $0x80, s6, s23, $0xb8;
	[tilespmem:$0x1C800] =	vst v63  }
0x1a4: {  	_ =	swait.ge [sflag:s8], $0x2000  }
0x1a5: {  	[sflag:s8] =	ssyncset.done $0x0  }
0x1a6: {  	s5 =	simm.s32 @p0 $0x2;
	[sflag:s8] =	ssyncadd.s32 $0xFFFFE000  }
0x1a7: {  	_ =	swait.ge @p0 [sflag:s5], $0x2000  }
0x1a8: {  	s21 =	simm.s32 @p0 $0x580;
	s19 =	simm.s32 @p0 $0x2800;
	[sflag:s5] =	ssyncset.done @p0 $0x0  }
0x1a9: {  	s20 =	simm.s32 @p0 $0x6;
	[sflag:s5] =	ssyncadd.s32 @p0 $0xFFFFE000;
	s5 =	simm.s32 @p0 $0x40  }
0x1aa: {  	[spmem:s2] =	stream.indirect.scatter.add.f32 @p0 [tilespmem:s19], [sflag:$0x6], $0x80, s21, s5, $0xb8;
	[tilespmem:$0x1C800] =	vst v63  }
0x1ab: {  	_ =	swait.ge @p0 [sflag:s20], $0x2000  }
0x1ac: {  	s19 =	simm.s32 @!p0 $0x9;
	s5 =	rddreg [dreg:$0x6];
	[sflag:s20] =	ssyncset.done @p0 $0x0  }
0x1ad: {  	[sflag:s20] =	ssyncadd.s32 @p0 $0xFFFFE000;
	s5 =	sadd.s32 @!p0 s25, s5;
	s20 =	simm.s32 @!p0 $0x400  }
0x1ae: {  	[tilespmem:s20], [sflag:$0xD] =	stream.linear.gather @!p0 [hbm4b:s5+s4], $0x100, $0x38;
	[tilespmem:$0x1C800] =	vst v63  }
0x1af: {  	_ =	swait.ge @!p0 [sflag:s19], $0x100  }
0x1b0: {  	s5 =	simm.s32 @!p0 $0x2;
	[sflag:s19] =	ssyncset.done @!p0 $0x0  }
0x1b1: {  	s20 =	simm.s32 @!p0 $0x800;
	[sflag:s19] =	ssyncadd.s32 @!p0 $0xFFFFFF00;
	s19 =	simm.s32 @!p0 $0x40  }
0x1b2: {  	[tilespmem:s20], [sflag:$0x1] =	stream.indirect.gather @!p0 [hbm4b:s1+s19], $0x80, s4, s19, $0xb8;
	[tilespmem:$0x1C800] =	vst v63  }
0x1b3: {  	_ =	swait.ge @!p0 [sflag:s5], $0x2000  }
0x1b4: {  	s21 =	simm.s32 @!p0 $0x2800;
	[sflag:s5] =	ssyncset.done @!p0 $0x0  }
0x1b5: {  	s20 =	simm.s32 @!p0 $0x6;
	[sflag:s5] =	ssyncadd.s32 @!p0 $0xFFFFE000;
	s5 =	simm.s32 @!p0 $0x580  }
0x1b6: {  	[spmem:s2] =	stream.indirect.scatter.add.f32 @!p0 [tilespmem:s21], [sflag:$0x6], $0x80, s5, s19, $0xb8;
	[tilespmem:$0x1C800] =	vst v63  }
0x1b7: {  	_ =	swait.ge @!p0 [sflag:s20], $0x2000  }
0x1b8: {  	s5 =	rddreg [dreg:$0x5];
	[sflag:s20] =	ssyncset.done @!p0 $0x0  }
0x1b9: {  	[sflag:s20] =	ssyncadd.s32 @!p0 $0xFFFFE000;
	s5 =	sadd.s32 @!p0 s25, s5;
	s20 =	simm.s32 @!p0 $0x500  }
0x1ba: {  	[tilespmem:s20], [sflag:$0xE] =	stream.linear.gather @!p0 [hbm4b:s5+s4], $0x100, $0x38;
	[tilespmem:$0x1C800] =	vst v63  }
0x1bb: {  	s5 =	simm.s32 @!p0 $0xA  }
0x1bc: {  	_ =	swait.ge @!p0 [sflag:s5], $0x100  }
0x1bd: {  	[sflag:s5] =	ssyncset.done @!p0 $0x0  }
0x1be: {  	[sflag:s5] =	ssyncadd.s32 @!p0 $0xFFFFFF00  }
0x1bf: {  	[tilespmem:s21], [sflag:$0x2] =	stream.indirect.gather @!p0 [hbm4b:s1+s19], $0x80, s18, s19, $0xb8;
	[tilespmem:$0x1C800] =	vst v63  }
0x1c0: {  	_ =	swait.ge [sflag:s16], $0x2000  }
0x1c1: {  	[sflag:s16] =	ssyncset.done $0x0  }
0x1c2: {  	s9 =	rddreg [dreg:$0x11];
	[sflag:s16] =	ssyncadd.s32 $0xFFFFE000  }
0x1c3: {  	[spmem:s2] =	stream.indirect.scatter.add.f32 [tilespmem:s0], [sflag:$0x7], $0x80, s9, s23, $0xb8;
	[tilespmem:$0x1C800] =	vst v63  }
0x1c4: {  	_ =	swait.ge [sflag:s17], $0x2000  }
0x1c5: {  	s5 =	rddreg [dreg:$0x4];
	[sflag:s17] =	ssyncset.done $0x0  }
0x1c6: {  	s18 =	simm.s32 @!p0 $0x600;
	[sflag:s17] =	ssyncadd.s32 $0xFFFFE000;
	s5 =	sadd.s32 @!p0 s25, s5  }
0x1c7: {  	[tilespmem:s18], [sflag:$0xF] =	stream.linear.gather @!p0 [hbm4b:s5+s4], $0x100, $0x38;
	[tilespmem:$0x1C800] =	vst v63  }
0x1c8: {  	s4 =	simm.s32 @!p0 $0xB  }
0x1c9: {  	_ =	swait.ge @!p0 [sflag:s4], $0x100  }
0x1ca: {  	[sflag:s4] =	ssyncset.done @!p0 $0x0  }
0x1cb: {  	[sflag:s4] =	ssyncadd.s32 @!p0 $0xFFFFFF00;
	s4 =	simm.s32 @!p0 $0x4800  }
0x1cc: {  	[tilespmem:s4], [sflag:$0x3] =	stream.indirect.gather @!p0 [hbm4b:s1+s19], $0x80, s15, s19, $0xb8;
	[tilespmem:$0x1C800] =	vst v63  }
0x1cd: {  	_ =	swait.ge [sflag:s14], $0x2000  }
0x1ce: {  	[sflag:s14] =	ssyncset.done $0x0  }
0x1cf: {  	s18 =	rddreg [dreg:$0x12];
	[sflag:s14] =	ssyncadd.s32 $0xFFFFE000  }
0x1d0: {  	[spmem:s2] =	stream.indirect.scatter.add.f32 [tilespmem:s3], [sflag:$0x8], $0x80, s18, s23, $0xb8;
	[tilespmem:$0x1C800] =	vst v63  }
0x1d1: {  	_ =	swait.ge [sflag:s22], $0x2000  }
0x1d2: {  	[sflag:s22] =	ssyncset.done $0x0  }
0x1d3: {  	s19 =	stileid.u32;
	[sflag:s22] =	ssyncadd.s32 $0xFFFFE000  }
0x1d4: {  	s4 =	sshll.u32 s19, $0x6;
	[bflag:$0x0] =	sbarrier.arrive $0xFFFF  }
0x1d5: {  	s4 =	sor.u32 $0x1C12, s4;
	s18 =	rddreg [dreg:$0x13]  }
0x1d6: {  	s22 =	simm.s32 $0x12;
	s21 =	rddreg [dreg:$0x1b];
	s20 =	sshrl.u32 s18, $0x3  }
0x1d7: {  	[hbm:s21], [sflag:s4] =	dma.local [spmem:s20], $0x2780  }
0x1d8: {  	_ =	swait.ge [sflag:s22], $0x2780  }
0x1d9: {  	s24 =	rddreg [dreg:$0x1d]  }
0x1da: {  	s25 =	rddreg [dreg:$0x1c];
	s6 =	sadd.s32 $0x1, s24  }
0x1db: {  	p0 =	sne.s32 s6, s25  }
.Ltmp3:
0x1dc: {  	_ = 	snop;
	(pc) =	sbr.rel @p0 .LBB2_1-.Ltmp3, $4  }
0x1dd: {  	s28 =	simm.s32 $0x11;
	s0 =	simm.s32 $0x4800  }
0x1de: {  	s5 =	simm.s32 $0x8800;
	s19 =	simm.s32 $0x400;
	[sflag:s22] =	ssyncset.done $0x0  }
0x1df: {  	s20 =	simm.s32 $0x500;
	s21 =	simm.s32 $0x600;
	[sflag:s22] =	ssyncadd.s32 $0xFFFFD880  }
0x1e0: {  	s24 =	simm.s32 $0x2800;
	s22 =	simm.s32 $0x8;
	s25 =	simm.s32 $0x800  }
0x1e1: {  	_ =	sfence.sel $0x180000  }
0x1e2: {  	[bflag:$0x0] =	sbarrier.arrive $0xFFFF  }
0x1e3: {  	_ =	strace $0x9000004D  }
0x1e4: {  	s0 =	stileid.u32;
	[bflag:$0x2] =	sbarrier.arrive $0xFFFF  }
0x1e5: {  	p0 =	sne.s32 s0, $0x0;
	s0 =	rddreg [dreg:$0x3]  }
0x1e6: {  	s0 =	sadd.s32 @!p0 $0x100000, s0  }
0x1e7: {  	[sflag:s0] =	ssyncadd.tile.s32 @!p0 $0x1;
	_ =	shalt  }
.Lfunc_end2:
_tile_overlayer_lowered:
.L_overlay_start_2:
0x1e8: {  	(tag) =	ssettag $0x2  }
0x1e9: {  	s0 =	rddreg [dreg:$0x0];
	s2 =	stileid.u32  }
0x1ea: {  	s1 =	rddreg [dreg:$0x1];
	p0 =	sne.s32 s2, $0x0  }
0x1eb: {  	s3 =	rddreg [dreg:$0x2];
	[bflag:$0x3] =	sbarrier.arrive $0xFFFF;
	s2 =	simm.s32 @!p0 $0x1C12  }
0x1ec: {  	[timem:s3], [sflag:s2] =	dma.local @!p0 [hbm:s0], s1  }
0x1ed: {  	s0 =	simm.s32 @!p0 $0x12  }
0x1ee: {  	_ =	swait.ge @!p0 [sflag:s0], s1  }
0x1ef: {  	s1 =	ssub.s32 @!p0 $0x0, s1;
	[sflag:s0] =	ssyncset.done @!p0 $0x0  }
0x1f0: {  	[sflag:s0] =	ssyncadd.s32 @!p0 s1  }
0x1f1: {  	[bflag:$0x3] =	sbarrier.arrive $0xFFFF  }
0x1f2: {  	_ =	shalt  }

// kernel: kernel.9.cloned.1.call-start
scs
__scs_entry_jumppad:
0x0: {  	(pc) =	sbr.rel $0x88, $3  }
0x1: {  	(tag) =	ssettag $0x0;
	lr =	simm.s32 $0x1  }
0x2: {  	[smem:$0x3F9B] =	sst lr;
	_ =	strace $0xD0000000  }
0x3: {  	_ = 	snop  }
0x4: {  	_ = 	snop  }
0x5: {  	_ = 	snop  }
0x6: {  	_ = 	snop  }
0x7: {  	_ = 	snop  }
__scs_overlays_trampoline_lowered:
0x8: {  	[smem:$0x3FAA] =	sst s0  }
0x9: {  	[smem:$0x3FAB] =	sst s1  }
0xa: {  	[smem:$0x3FAC] =	sst s2  }
0xb: {  	[smem:$0x3FAD] =	sst s3  }
0xc: {  	[smem:$0x3FAE] =	sst s4  }
0xd: {  	[smem:$0x3FAF] =	sst s5  }
0xe: {  	[smem:$0x3FB0] =	sst s6  }
0xf: {  	[smem:$0x3FB1] =	sst s7  }
0x10: {  	[smem:$0x3FB2] =	sst s8  }
0x11: {  	[smem:$0x3FB3] =	sst s9;
	s0 =	simm.s32 @!p0 $0x0  }
0x12: {  	s1 =	sld [smem:$0x3F99];
	s0 =	simm.s32 @p0 $0x1  }
0x13: {  	[smem:$0x3FB4] =	sst s0;
	s0 =	simm.s32 @!p1 $0x0  }
0x14: {  	s2 =	sld [smem:$0x3F98];
	s0 =	simm.s32 @p1 $0x1  }
0x15: {  	[smem:$0x3FB5] =	sst s0;
	s0 =	simm.s32 @!p2 $0x0  }
0x16: {  	s3 =	sld [smem:$0x3FDB];
	s0 =	simm.s32 @p2 $0x1  }
0x17: {  	s4 =	simm.s32 $0x1BF5;
	[smem:$0x3FB7] =	sst s0  }
0x18: {  	s0 =	sld [smem:$0x3F9A];
	_ =	swait.ge [sflag:s4], $0x0  }
0x19: {  	s7 =	sld [smem:$0x3F9B]  }
0x1a: {  	s8 =	sadd.s32 $0xFFFFE003, lr  }
0x1b: {  	s9 =	sadd.s32 $0xFFFFFEF7, lr;
	s5 =	simm.s32 $0xFFFFFFFF;
	p2 =	slt.u32 s8, $0xFFFFF086  }
0x1c: {  	p1 =	slt.u32 s9, $0xF7A;
	s5 =	simm.s32 @!p2 $0x0  }
0x1d: {  	s5 =	simm.s32 @p1 $0x1;
	p0 =	seq.s32 s7, s2  }
0x1e: {  	s7 =	smul.u32 @!p0 $0xF7A, s2;
	p2 =	seq.s32 @!p0 s5, $0x0  }
0x1f: {  	s9 =	smul.u32 $0xF7A, s1;
	s8 =	simm.s32 @!p0 $0x1BF5;
	p2 =	por !p2, p0  }
0x20: {  	[sflag:s8] =	ssyncset.s32 @!p0 $0xFFFFF086;
	s6 =	sadd.s32 @!p0 s3, s7;
	s7 =	simm.s32 @!p0 $0x108  }
0x21: {  	s3 =	sadd.s32 s3, s9;
	s6 =	sadd.s32 @!p0 $0x88, s6;
	s7 =	simm.s32 @p2 $0x1082  }
0x22: {  	[simem:s7], [sflag:s8] =	dma.local @!p0 [hbm:s6], $0xF7A  }
0x23: {  	s9 =	sor.u32 $0xD0000000, s2;
	s6 =	simm.s32 $0x108;
	_ =	swait.ge @!p0 [sflag:s8], $0x0  }
0x24: {  	s3 =	sadd.s32 $0x88, s3;
	s6 =	simm.s32 @!p1 $0x1082;
	[sflag:s4] =	ssyncset.s32 $0xFFFFF086  }
0x25: {  	[simem:s6], [sflag:s4] =	dma.local [hbm:s3], $0xF7A  }
0x26: {  	[smem:$0x3F9B] =	sst s1;
	(tag) =	ssettag s2;
	_ =	strace s9  }
0x27: {  	s1 =	sld [smem:$0x3FAB]  }
0x28: {  	s2 =	sld [smem:$0x3FAC]  }
0x29: {  	s4 =	sld [smem:$0x3FAE]  }
0x2a: {  	p0 =	seq.s32 s5, $0x0;
	s5 =	sld [smem:$0x3FAF]  }
0x2b: {  	s6 =	sld [smem:$0x3FB0]  }
0x2c: {  	s7 =	sld [smem:$0x3FB1]  }
0x2d: {  	s3 =	simm.s32 $0x108;
	s8 =	sld [smem:$0x3FB2]  }
0x2e: {  	s3 =	simm.s32 @!p0 $0x1082;
	s9 =	sld [smem:$0x3FB3]  }
0x2f: {  	lr =	sadd.s32 s0, s3;
	s0 =	sld [smem:$0x3FAA]  }
0x30: {  	s3 =	sld [smem:$0x3FAD]  }
0x31: {  	[smem:$0x3FB6] =	sst s10  }
0x32: {  	s10 =	sld [smem:$0x3FB4];
	_ =	sdelay $0x3  }
0x33: {  	p0 =	seq.s32 s10, $0x1;
	s10 =	sld [smem:$0x3FB6];
	_ =	sdelay $0x3  }
0x34: {  	[smem:$0x3FB6] =	sst s10  }
0x35: {  	s10 =	sld [smem:$0x3FB5];
	_ =	sdelay $0x3  }
0x36: {  	p1 =	seq.s32 s10, $0x1;
	s10 =	sld [smem:$0x3FB6];
	_ =	sdelay $0x3  }
0x37: {  	[smem:$0x3FB6] =	sst s10  }
0x38: {  	s10 =	sld [smem:$0x3FB7]  }
0x39: {  	_ = 	snop;
	(pc) =	sbr.ind lr, $3  }
0x3a: {  	_ = 	snop  }
0x3b: {  	_ = 	snop  }
0x3c: {  	p2 =	seq.s32 s10, $0x1;
	s10 =	sld [smem:$0x3FB6]  }
0x3d: {  	_ =	shalt  }
0x3e: {  	_ =	shalt  }
0x3f: {  	_ =	shalt  }
0x40: {  	_ =	shalt  }
0x41: {  	_ =	shalt  }
0x42: {  	_ =	shalt  }
0x43: {  	_ =	shalt  }
0x44: {  	_ =	shalt  }
0x45: {  	_ =	shalt  }
0x46: {  	_ =	shalt  }
0x47: {  	_ =	shalt  }
0x48: {  	_ =	shalt  }
0x49: {  	_ =	shalt  }
0x4a: {  	_ =	shalt  }
0x4b: {  	_ =	shalt  }
0x4c: {  	_ =	shalt  }
0x4d: {  	_ =	shalt  }
0x4e: {  	_ =	shalt  }
0x4f: {  	_ =	shalt  }
0x50: {  	_ =	shalt  }
0x51: {  	_ =	shalt  }
0x52: {  	_ =	shalt  }
0x53: {  	_ =	shalt  }
0x54: {  	_ =	shalt  }
0x55: {  	_ =	shalt  }
0x56: {  	_ =	shalt  }
0x57: {  	_ =	shalt  }
0x58: {  	_ =	shalt  }
0x59: {  	_ =	shalt  }
0x5a: {  	_ =	shalt  }
0x5b: {  	_ =	shalt  }
0x5c: {  	_ =	shalt  }
0x5d: {  	_ =	shalt  }
0x5e: {  	_ =	shalt  }
0x5f: {  	_ =	shalt  }
0x60: {  	_ =	shalt  }
0x61: {  	_ =	shalt  }
0x62: {  	_ =	shalt  }
0x63: {  	_ =	shalt  }
0x64: {  	_ =	shalt  }
0x65: {  	_ =	shalt  }
0x66: {  	_ =	shalt  }
0x67: {  	_ =	shalt  }
0x68: {  	_ =	shalt  }
0x69: {  	_ =	shalt  }
0x6a: {  	_ =	shalt  }
0x6b: {  	_ =	shalt  }
0x6c: {  	_ =	shalt  }
0x6d: {  	_ =	shalt  }
0x6e: {  	_ =	shalt  }
0x6f: {  	_ =	shalt  }
0x70: {  	_ =	shalt  }
0x71: {  	_ =	shalt  }
0x72: {  	_ =	shalt  }
0x73: {  	_ =	shalt  }
0x74: {  	_ =	shalt  }
0x75: {  	_ =	shalt  }
0x76: {  	_ =	shalt  }
0x77: {  	_ =	shalt  }
0x78: {  	_ =	shalt  }
0x79: {  	_ =	shalt  }
0x7a: {  	_ =	shalt  }
0x7b: {  	_ =	shalt  }
0x7c: {  	_ =	shalt  }
0x7d: {  	_ =	shalt  }
0x7e: {  	_ =	shalt  }
0x7f: {  	_ =	shalt  }
0x80: {  	_ =	shalt  }
0x81: {  	_ =	shalt  }
0x82: {  	_ =	shalt  }
0x83: {  	_ =	shalt  }
0x84: {  	_ =	shalt  }
0x85: {  	_ =	shalt  }
0x86: {  	_ =	shalt  }
0x87: {  	_ =	shalt  }
.Lfunc_end0:
.L_simem_size_0:
called_computation_lowered:
.L_overlay_start_0:
0x88: {  	s2 =	sld [smem:$0x3FD9]  }
0x89: {  	s3 =	sld [smem:$0x3FFE];
	_ =	sdelay $0x1  }
0x8a: {  	s1 =	srdreg.scid  }
0x8b: {  	s0 =	sand.u32 $0x1, s1  }
0x8c: {  	s16 =	sshll.u32 s0, $0xA;
	s2 =	sadd.s32 s3, s2  }
0x8d: {  	s2 =	sadd.s32 s2, s16  }
0x8e: {  	[smem:$0x3FC2] =	sst s2  }
0x8f: {  	_ = 	snop  }
0x90: {  	(tm) =	ssettm $0x1  }
0x91: {  	s17 =	sld [smem:$0x3FFB];
	_ =	sdelay $0x3  }
0x92: {  	_ =	strace s17  }
0x93: {  	s2 =	sld [smem:$0x3FFC];
	_ =	sdelay $0x3  }
0x94: {  	_ =	strace s2  }
0x95: {  	s2 =	sld [smem:$0x3FFD];
	_ =	sdelay $0x3  }
0x96: {  	_ =	strace s2  }
0x97: {  	_ =	strace $0x8FFFFFFF  }
0x98: {  	s18 =	sld [smem:$0x3FDB];
	_ =	sdelay $0x1  }
0x99: {  	s19 =	simm.s32 $_scs_section_size  }
0x9a: {  	s4 =	simm.s32 $_size__tile_overlayer_lowered;
	s5 =	simm.s32 $_tile_overlayer_lowered  }
0x9b: {  	s22 =	simm.s32 $0x1BFF;
	s21 =	sshll.u32 s5, $0x1;
	s2 =	sadd.s32 s19, s18  }
0x9c: {  	s6 =	simm.s32 $0x0;
	s20 =	sshll.u32 s4, $0x1;
	s4 =	sadd.s32 s21, s2  }
0x9d: {  	[timem:s6], [sflag:s22] =	dma.local [hbm:s4], s20  }
0x9e: {  	_ =	swait.ge [sflag:s22], s20  }
0x9f: {  	s3 =	ssub.s32 $0x0, s20;
	[sflag:s22] =	ssyncset.done $0x0  }
0xa0: {  	[sflag:s22] =	ssyncadd.s32 s3;
	_ =	sdelay $0x1  }
0xa1: {  	s23 =	simm.s32 $0x1B8B  }
0xa2: {  	_ =	swait.ge [sflag:s23], $0x1  }
0xa3: {  	[sflag:s23] =	ssyncset.done $0x0  }
0xa4: {  	s25 =	simm.s32 $0x1B8E;
	s24 =	sld [smem:$0x3FFE];
	[sflag:s23] =	ssyncadd.s32 $0xFFFFFFFF  }
0xa5: {  	s26 =	simm.s32 $execute0_lowered;
	[smem:$0x3FD2] =	sst s25  }
0xa6: {  	s4 =	sshll.u32 s26, $0x1;
	_ =	strace $0x80000046;
	[dreg:$0x1] =	wrdreg $0xFFFFFFFF  }
0xa7: {  	s28 =	simm.s32 $_size_execute0_lowered;
	s2 =	sadd.s32 s2, s4;
	[dreg:$0x0] =	wrdreg $0x0  }
0xa8: {  	s4 =	sshll.u32 s28, $0x1;
	[dreg:$0x2] =	wrdreg s2  }
0xa9: {  	[dreg:$0x3] =	wrdreg s4  }
0xaa: {  	[dreg:$0x4] =	wrdreg $0xC0  }
0xab: {  	_ =	task [dreg:s6], $0x5FFFF  }
0xac: {  	[dreg:$0x1] =	wrdreg $0xFFFFFFFF  }
0xad: {  	[dreg:$0x0] =	wrdreg $0x60  }
0xae: {  	[dreg:$0x2] =	wrdreg s24  }
0xaf: {  	[dreg:$0x3] =	wrdreg $0xC4000  }
0xb0: {  	[dreg:$0x4] =	wrdreg $0x9  }
0xb1: {  	_ =	task.clear_ibuf [dreg:s6], $0x5FFFF;
	_ =	strace $0x90000046  }
0xb2: {  	s29 =	simm.s32 $0x9;
	_ =	strace $0x80000048  }
0xb3: {  	_ =	swait.ge [sflag:s29], $0x1  }
0xb4: {  	[sflag:s29] =	ssyncadd.s32 $0xFFFFFFFF  }
0xb5: {  	_ =	strace $0x90000048  }
0xb6: {  	_ =	sfence  }
0xb7: {  	s30 =	sld [smem:$0x0];
	_ =	sdelay $0x2  }
0xb8: {  	s31 =	sshll.u32 s1, $0xD;
	s1 =	sshrl.u32 s1, $0x2  }
0xb9: {  	s3 =	sand.u32 $0x4000, s31;
	s1 =	sadd.s32 s1, s30  }
0xba: {  	s0 =	sor.u32 s3, s0;
	s1 =	sshll.u32 s1, $0x11  }
0xbb: {  	s0 =	sor.u32 s1, s0  }
0xbc: {  	s0 =	sadd.s32 $0x8F2B, s0  }
0xbd: {  	[sflag:s0] =	ssyncadd.remote.s32 $0x1  }
0xbe: {  	_ =	sfence.sel $0xFFFF  }
0xbf: {  	[dreg:$0x0] =	wrdreg $0xFFFFFFFF;
	(pc) =	sbr.abs _section_cstart, $3  }
0xc0: {  	[dreg:$0x1] =	wrdreg $0xFFFFFFFF  }
0xc1: {  	_ =	task.clear_ibuf [dreg:s6], $0x2FFFF;
	_ =	strace $0x9FFFFFFF  }
0xc2: {  	(tm) =	ssettm $0x7FFFFFFF  }
0xc3: {  	_ =	shalt  }
tec
execute0_lowered:
.L_overlay_start_1:
0x0: {  	(tag) =	ssettag $0x1  }
0x1: {  	s4 =	rddreg [dreg:$0x0]  }
0x2: {  	s1 =	rddreg [dreg:$0x1]  }
0x3: {  	s2 =	srdreg.scid;
	s0 =	rddreg [dreg:$0x2];
	s3 =	simm.s32 $0x0  }
0x4: {  	s10 =	simm.s32 $0x3;
	s11 =	simm.s32 $0x40;
	s12 =	simm.s32 $0xA000  }
0x5: {  	s13 =	simm.s32 $0x1;
	s14 =	simm.s32 $0x4;
	s5 =	sand.u32 $0x1, s2  }
0x6: {  	s15 =	simm.s32 $0x0;
	s2 =	stileid.u32;
	s7 =	smul.u32 $0x13C000, s5  }
0x7: {  	[smem:$0x7FF] =	sst s3;
	s6 =	sshll.u32 s5, $0x4;
	s8 =	smul.u32 $0x13C00, s2  }
0x8: {  	s5 =	ssub.s32 $0x2, s5;
	s30 =	smul.u32 $0x4F000, s2;
	s6 =	sor.u32 s2, s6  }
0x9: {  	_ =	strace $0x80000047;
	s9 =	sshrl.u32 s5, $0x1;
	s6 =	smul.u32 $0x1400, s6  }
0xa: {  	s7 =	sadd.s32 s8, s7;
	s9 =	ssub.s32 s5, s9;
	s31 =	sshrl.u32 s30, $0x2  }
0xb: {  	s8 =	simm.s32 $0xC000;
	s7 =	sshrl.u32 s7, $0x3;
	s6 =	sadd.s32 s6, s4  }
0xc: {  	s5 =	sadd.s32 s31, s1;
	s7 =	sadd.s32 s7, s4;
	s4 =	sadd.s32 $0x2400, s6  }
0xd: {  	v0 =	vimm.f32 $0.0e+00;
	v1 =	vimm.f32 $1.000000000e+00;
	s6 =	sadd.s32 $0x2A400, s7;
	s7 =	smax.u32 s9, $0x1;
	s9 =	simm.s32 $0x2  }
.LBB2_1:
0xe: {  	[tilespmem:s3], [sflag:$0x3] =	stream.linear.gather [hbm4b:s4+s3], $0xA000, $0x38;
	v63 =	vld [tilespmem:$0x0]  }
0xf: {  	[tilespmem:$0xC000] =	vst v0  }
0x10: {  	[tilespmem:$0xC010] =	vst v0  }
0x11: {  	[tilespmem:$0xC020] =	vst v0  }
0x12: {  	[tilespmem:$0xC030] =	vst v0  }
0x13: {  	[tilespmem:$0xC040] =	vst v0  }
0x14: {  	[tilespmem:$0xC050] =	vst v0  }
0x15: {  	[tilespmem:$0xC060] =	vst v0  }
0x16: {  	[tilespmem:$0xC070] =	vst v0  }
0x17: {  	[tilespmem:$0xC080] =	vst v0  }
0x18: {  	[tilespmem:$0xC090] =	vst v0  }
0x19: {  	[tilespmem:$0xC0A0] =	vst v0  }
0x1a: {  	[tilespmem:$0xC0B0] =	vst v0  }
0x1b: {  	[tilespmem:$0xC0C0] =	vst v0  }
0x1c: {  	[tilespmem:$0xC0D0] =	vst v0  }
0x1d: {  	[tilespmem:$0xC0E0] =	vst v0  }
0x1e: {  	[tilespmem:$0xC0F0] =	vst v0  }
0x1f: {  	[tilespmem:$0xC100] =	vst v0  }
0x20: {  	[tilespmem:$0xC110] =	vst v0  }
0x21: {  	[tilespmem:$0xC120] =	vst v0  }
0x22: {  	[tilespmem:$0xC130] =	vst v0  }
0x23: {  	[tilespmem:$0xC140] =	vst v0  }
0x24: {  	[tilespmem:$0xC150] =	vst v0  }
0x25: {  	[tilespmem:$0xC160] =	vst v0  }
0x26: {  	[tilespmem:$0xC170] =	vst v0  }
0x27: {  	[tilespmem:$0xC180] =	vst v0  }
0x28: {  	[tilespmem:$0xC190] =	vst v0  }
0x29: {  	[tilespmem:$0xC1A0] =	vst v0  }
0x2a: {  	[tilespmem:$0xC1B0] =	vst v0  }
0x2b: {  	[tilespmem:$0xC1C0] =	vst v0  }
0x2c: {  	[tilespmem:$0xC1D0] =	vst v0  }
0x2d: {  	[tilespmem:$0xC1E0] =	vst v0  }
0x2e: {  	[tilespmem:$0xC1F0] =	vst v0  }
0x2f: {  	[tilespmem:$0xC200] =	vst v0  }
0x30: {  	[tilespmem:$0xC210] =	vst v0  }
0x31: {  	[tilespmem:$0xC220] =	vst v0  }
0x32: {  	[tilespmem:$0xC230] =	vst v0  }
0x33: {  	[tilespmem:$0xC240] =	vst v0  }
0x34: {  	[tilespmem:$0xC250] =	vst v0  }
0x35: {  	[tilespmem:$0xC260] =	vst v0  }
0x36: {  	[tilespmem:$0xC270] =	vst v0  }
0x37: {  	[tilespmem:$0xC280] =	vst v0  }
0x38: {  	[tilespmem:$0xC290] =	vst v0  }
0x39: {  	[tilespmem:$0xC2A0] =	vst v0  }
0x3a: {  	[tilespmem:$0xC2B0] =	vst v0  }
0x3b: {  	[tilespmem:$0xC2C0] =	vst v0  }
0x3c: {  	[tilespmem:$0xC2D0] =	vst v0  }
0x3d: {  	[tilespmem:$0xC2E0] =	vst v0  }
0x3e: {  	[tilespmem:$0xC2F0] =	vst v0  }
0x3f: {  	[tilespmem:$0xC300] =	vst v0  }
0x40: {  	[tilespmem:$0xC310] =	vst v0  }
0x41: {  	[tilespmem:$0xC320] =	vst v0  }
0x42: {  	[tilespmem:$0xC330] =	vst v0  }
0x43: {  	[tilespmem:$0xC340] =	vst v0  }
0x44: {  	[tilespmem:$0xC350] =	vst v0  }
0x45: {  	[tilespmem:$0xC360] =	vst v0  }
0x46: {  	[tilespmem:$0xC370] =	vst v0  }
0x47: {  	[tilespmem:$0xC380] =	vst v0  }
0x48: {  	[tilespmem:$0xC390] =	vst v0  }
0x49: {  	[tilespmem:$0xC3A0] =	vst v0  }
0x4a: {  	[tilespmem:$0xC3B0] =	vst v0  }
0x4b: {  	[tilespmem:$0xC3C0] =	vst v0  }
0x4c: {  	[tilespmem:$0xC3D0] =	vst v0  }
0x4d: {  	[tilespmem:$0xC3E0] =	vst v0  }
0x4e: {  	s16 =	simm.s32 $0x0;
	[tilespmem:$0xC3F0] =	vst v0  }
.LBB2_2:
0x4f: {  	p0 =	sne.s32 s16, $0x4E000  }
.Ltmp0:
0x50: {  	_ = 	snop;
	(pc) =	sbr.rel @p0 .LBB2_2-.Ltmp0, $4  }
0x51: {  	_ = 	snop  }
0x52: {  	s17 =	sshra.s32 s16, $0x2  }
0x53: {  	s16 =	sadd.s32 $0x1000, s16;
	s17 =	sadd.s32 s17, s5  }
0x54: {  	[spmem:s17] =	stream.linear.scatter [tilespmem:s8], [sflag:$0x2], $0x400, $0x38;
	v63 =	vld [tilespmem:$0x0]  }
0x55: {  	s16 =	simm.s32 $0x0;
	s17 =	simm.s32 $0x200  }
.LBB2_4:
0x56: {  	p0 =	sne.s32 s17, $0x7E00;
	[tilespmem:s16+$0xA070] =	vst v1  }
0x57: {  	[tilespmem:s16+$0xA000] =	vst v1  }
0x58: {  	[tilespmem:s16+$0xA010] =	vst v1  }
.Ltmp1:
0x59: {  	[tilespmem:s16+$0xA020] =	vst v1;
	(pc) =	sbr.rel @p0 .LBB2_4-.Ltmp1, $4  }
0x5a: {  	[tilespmem:s16+$0xA030] =	vst v1  }
0x5b: {  	[tilespmem:s16+$0xA040] =	vst v1  }
0x5c: {  	[tilespmem:s16+$0xA050] =	vst v1  }
0x5d: {  	[tilespmem:s16+$0xA060] =	vst v1;
	s16 =	sshra.s32 s17, $0x2;
	s17 =	sadd.s32 $0x200, s17  }
0x5e: {  	[tilespmem:s16+$0xA070] =	vst v1  }
0x5f: {  	[tilespmem:s16+$0xA000] =	vst v1  }
0x60: {  	[tilespmem:s16+$0xA010] =	vst v1  }
0x61: {  	[tilespmem:s16+$0xA020] =	vst v1  }
0x62: {  	[tilespmem:s16+$0xA030] =	vst v1  }
0x63: {  	[tilespmem:s16+$0xA040] =	vst v1  }
0x64: {  	[tilespmem:s16+$0xA050] =	vst v1  }
0x65: {  	[tilespmem:s16+$0xA060] =	vst v1  }
0x66: {  	_ =	swait.ge [sflag:s9], $0x400  }
0x67: {  	s16 =	simm.s32 $0x4E;
	[sflag:s9] =	ssyncset.done $0x0  }
.LBB2_6:
0x68: {  	p0 =	sne.s32 s16, $0x1;
	s16 =	sadd.s32 $0xFFFFFFFF, s16;
	[sflag:s9] =	ssyncadd.s32 $0xFFFFFC00  }
.Ltmp2:
0x69: {  	(pc) =	sbr.rel @p0 .LBB2_6-.Ltmp2, $3  }
0x6a: {  	_ =	sdelay $0x1  }
0x6b: {  	_ =	swait.ge [sflag:s9], $0x400  }
0x6c: {  	[sflag:s9] =	ssyncset.done $0x0  }
0x6d: {  	[sflag:s9] =	ssyncadd.s32 $0xFFFFFC00  }
0x6e: {  	_ =	swait.ge [sflag:s10], $0xA000  }
0x6f: {  	[sflag:s10] =	ssyncset.done $0x0  }
0x70: {  	p0 =	por $0x1, $0x1;
	[sflag:s10] =	ssyncadd.s32 $0xFFFF6000  }
0x71: {  	s16 =	simm.s32 $0x80;
	s18 =	simm.s32 @!p0 $0x1;
	[bflag:$0x0] =	sbarrier.arrive $0xFFFF  }
0x72: {  	[spmem:s1] =	stream.indirect.scatter.add.f32 [tilespmem:s12], [sflag:$0x1], $0x80, s16, s11, $0xb8;
	v63 =	vld [tilespmem:$0x0]  }
0x73: {  	_ =	swait.ge @!p0 [sflag:s18], $0x2000  }
0x74: {  	s17 =	simm.s32 $0x1;
	[sflag:s18] =	ssyncset.done @!p0 $0x0  }
.LBB2_8:
0x75: {  	[sflag:s18] =	ssyncadd.s32 @!p0 $0xFFFFE000  }
0x76: {  	s16 =	sadd.s32 $0x100, s16;
	s18 =	smov.u32 s17;
	s17 =	sadd.s32 $0x1, s17  }
0x77: {  	p1 =	sne.s32 s17, $0xA0  }
0x78: {  	[spmem:s1] =	stream.indirect.scatter.add.f32 [tilespmem:s12], [sflag:$0x1], $0x80, s16, s11, $0xb8;
	v63 =	vld [tilespmem:$0x0]  }
.Ltmp3:
0x79: {  	_ = 	snop;
	(pc) =	sbr.rel @p1 .LBB2_8-.Ltmp3, $4  }
0x7a: {  	p0 =	slt.u32 s18, $0x8  }
0x7b: {  	s18 =	simm.s32 @!p0 $0x1  }
0x7c: {  	_ =	swait.ge @!p0 [sflag:s18], $0x2000  }
0x7d: {  	[sflag:s18] =	ssyncset.done @!p0 $0x0  }
0x7e: {  	[sflag:s18] =	ssyncadd.s32 @!p0 $0xFFFFE000  }
0x7f: {  	_ =	swait.ge [sflag:s13], $0x2000  }
0x80: {  	[sflag:s13] =	ssyncset.done $0x0  }
0x81: {  	[sflag:s13] =	ssyncadd.s32 $0xFFFFE000  }
0x82: {  	_ =	swait.ge [sflag:s13], $0x2000  }
0x83: {  	[sflag:s13] =	ssyncset.done $0x0  }
0x84: {  	[sflag:s13] =	ssyncadd.s32 $0xFFFFE000  }
0x85: {  	_ =	swait.ge [sflag:s13], $0x2000  }
0x86: {  	[sflag:s13] =	ssyncset.done $0x0  }
0x87: {  	[sflag:s13] =	ssyncadd.s32 $0xFFFFE000  }
0x88: {  	_ =	swait.ge [sflag:s13], $0x2000  }
0x89: {  	[sflag:s13] =	ssyncset.done $0x0  }
0x8a: {  	[sflag:s13] =	ssyncadd.s32 $0xFFFFE000  }
0x8b: {  	_ =	swait.ge [sflag:s13], $0x2000  }
0x8c: {  	[sflag:s13] =	ssyncset.done $0x0  }
0x8d: {  	[sflag:s13] =	ssyncadd.s32 $0xFFFFE000  }
0x8e: {  	_ =	swait.ge [sflag:s13], $0x2000  }
0x8f: {  	[sflag:s13] =	ssyncset.done $0x0  }
0x90: {  	[sflag:s13] =	ssyncadd.s32 $0xFFFFE000  }
0x91: {  	_ =	swait.ge [sflag:s13], $0x2000  }
0x92: {  	[sflag:s13] =	ssyncset.done $0x0  }
0x93: {  	[sflag:s13] =	ssyncadd.s32 $0xFFFFE000  }
0x94: {  	_ =	swait.ge [sflag:s13], $0x2000  }
0x95: {  	s16 =	sshll.u32 s2, $0x6;
	s15 =	sadd.s32 $0x1, s15;
	[sflag:s13] =	ssyncset.done $0x0  }
0x96: {  	s17 =	sshrl.u32 s5, $0x3;
	p0 =	sne.s32 s15, s7;
	[sflag:s13] =	ssyncadd.s32 $0xFFFFE000  }
.Ltmp4:
0x97: {  	s16 =	sor.u32 $0x1C04, s16;
	[bflag:$0x0] =	sbarrier.arrive $0xFFFF;
	(pc) =	sbr.rel @p0 .LBB2_1-.Ltmp4, $4  }
0x98: {  	[hbm:s6], [sflag:s16] =	dma.local [spmem:s17], $0x2780  }
0x99: {  	_ =	swait.ge [sflag:s14], $0x2780  }
0x9a: {  	[sflag:s14] =	ssyncset.done $0x0  }
0x9b: {  	[sflag:s14] =	ssyncadd.s32 $0xFFFFD880  }
0x9c: {  	_ =	sfence.sel $0x180000  }
0x9d: {  	[bflag:$0x0] =	sbarrier.arrive $0xFFFF  }
0x9e: {  	p0 =	sne.s32 s2, $0x0;
	_ =	strace $0x90000047  }
0x9f: {  	s0 =	sadd.s32 @!p0 $0x100000, s0;
	[bflag:$0x2] =	sbarrier.arrive $0xFFFF  }
0xa0: {  	[sflag:s0] =	ssyncadd.tile.s32 @!p0 $0x1;
	_ =	shalt  }
.Lfunc_end2:
_tile_overlayer_lowered:
.L_overlay_start_2:
0xa1: {  	(tag) =	ssettag $0x2  }
0xa2: {  	s0 =	rddreg [dreg:$0x0];
	s2 =	stileid.u32  }
0xa3: {  	s1 =	rddreg [dreg:$0x1];
	p0 =	sne.s32 s2, $0x0  }
0xa4: {  	s3 =	rddreg [dreg:$0x2];
	[bflag:$0x3] =	sbarrier.arrive $0xFFFF;
	s2 =	simm.s32 @!p0 $0x1C04  }
0xa5: {  	[timem:s3], [sflag:s2] =	dma.local @!p0 [hbm:s0], s1  }
0xa6: {  	s0 =	simm.s32 @!p0 $0x4  }
0xa7: {  	_ =	swait.ge @!p0 [sflag:s0], s1  }
0xa8: {  	s1 =	ssub.s32 @!p0 $0x0, s1;
	[sflag:s0] =	ssyncset.done @!p0 $0x0  }
0xa9: {  	[sflag:s0] =	ssyncadd.s32 @!p0 s1  }
0xaa: {  	[bflag:$0x3] =	sbarrier.arrive $0xFFFF  }
0xab: {  	_ =	shalt  }

</sc_bundles>
